<compile_context>
chip_gen: v7x
topology: tpu7x:2x2x1
jax: 0.10.2.dev20260603
libtpu: 0.0.44.dev20260713+nightly
codegen_flags: <defaults>
</compile_context>

<pallas_src>
import functools

import jax
import jax.numpy as jnp
from jax import lax
from jax.experimental import pallas as pl
from jax.experimental.pallas import tpu as pltpu
from jax.experimental.pallas import tpu_sc as plsc

N = 10000
E = 320000
F_IN = 128
H1, C1 = 8, 8
H2, C2 = 1, 16

NW = 32
NSUB = 16
EPT = E // NW
CW = 125
NCH = EPT // CW
NPAD = 10240
RPT = NPAD // NSUB
DW = 128

WS1 = 80
WD1 = 16
WS2 = 32
WD2 = 16

_PREC = jax.lax.Precision.DEFAULT


def _compute1(srows, drows, e):
    lane = lax.iota(jnp.int32, 16)
    a = srows[e, pl.ds(64, 16)] + drows[e]
    al = jnp.where(a > 0, a, 0.2 * a)
    w = jnp.where(lane < 8, jnp.exp(al), 0.0)
    srows[e, pl.ds(64, 16)] = w
    half = lane >> 3
    for q in range(4):
        wq = w.at[half + 2 * q].get(mode='promise_in_bounds')
        srows[e, pl.ds(16 * q, 16)] = srows[e, pl.ds(16 * q, 16)] * wq


def _compute2(xpb, alsb, aldb, srows, e):
    lane = lax.iota(jnp.int32, 16)
    svec = alsb[e]
    dvec = aldb[e]
    a = svec + dvec.at[jnp.ones((16,), jnp.int32)].get(mode='promise_in_bounds')
    al = jnp.where(a > 0, a, 0.2 * a)
    w = jnp.where(lane < 1, jnp.exp(al), 0.0)
    srows[e, pl.ds(16, 16)] = w
    wq = w.at[jnp.zeros((16,), jnp.int32)].get(mode='promise_in_bounds')
    srows[e, pl.ds(0, 16)] = xpb[e] * wq


NBUF = 4


def _make_edge_pass(ws, wd, compute_fn, unroll):
    mesh = plsc.VectorSubcoreMesh(core_axis_name="c", subcore_axis_name="s")

    @functools.partial(
        pl.kernel,
        out_type=jax.ShapeDtypeStruct((2, NPAD, ws), jnp.float32),
        mesh=mesh,
        scratch_types=[
            pltpu.VMEM((NCH, CW), jnp.int32),
            pltpu.VMEM((NCH, CW), jnp.int32),
            [pltpu.VMEM((CW, ws), jnp.float32) for _ in range(NBUF)],
            [pltpu.VMEM((CW, wd), jnp.float32) for _ in range(NBUF)],
            pltpu.VMEM((DW, ws), jnp.float32),
            pltpu.VMEM_SHARED((NPAD, ws), jnp.float32),
            [pltpu.SemaphoreType.DMA for _ in range(NBUF)],
            [pltpu.SemaphoreType.DMA for _ in range(NBUF)],
            [pltpu.SemaphoreType.DMA for _ in range(NBUF)],
        ],
        compiler_params=pltpu.CompilerParams(use_tc_tiling_on_sc=False),
    )
    def edge_pass(src_hbm, dst_hbm, tsrc_hbm, tdst_hbm, out_hbm,
                  sidx, didx, srows, drows, zbuf, acc, gs, gd, sc):
        c = lax.axis_index("c")
        s = lax.axis_index("s")
        wid = c * NSUB + s

        def issue_gather(j, b):
            pltpu.async_copy(tsrc_hbm.at[sidx.at[j]], srows[b], gs[b])
            pltpu.async_copy(tdst_hbm.at[didx.at[j]], drows[b], gd[b])

        def wait_gather(b):
            pltpu.make_async_copy(tsrc_hbm.at[pl.ds(0, CW)], srows[b],
                                  gs[b]).wait()
            pltpu.make_async_copy(tdst_hbm.at[pl.ds(0, CW)], drows[b],
                                  gd[b]).wait()

        def wait_scatter(b):
            pltpu.make_async_copy(tsrc_hbm.at[pl.ds(0, CW)], srows[b],
                                  sc[b]).wait()

        @pl.loop(0, DW)
        def _(r):
            for k in range(ws // 16):
                zbuf[r, pl.ds(16 * k, 16)] = jnp.zeros((16,), jnp.float32)

        for r in range(RPT // DW):
            pltpu.sync_copy(zbuf, acc.at[pl.ds(s * RPT + r * DW, DW)])
        plsc.subcore_barrier()

        pltpu.sync_copy(src_hbm.at[pl.ds(wid * NCH, NCH)], sidx)
        pltpu.sync_copy(dst_hbm.at[pl.ds(wid * NCH, NCH)], didx)

        issue_gather(0, 0)

        @pl.loop(0, NCH // NBUF)
        def _(jj):
            j0 = jj * NBUF
            for t in range(NBUF):
                j = j0 + t
                nxt = (t + 1) % NBUF
                if t == NBUF - 1:
                    wait_scatter(nxt)

                    @pl.when(jj < NCH // NBUF - 1)
                    def _():
                        issue_gather(j + 1, nxt)
                else:
                    @pl.when(jj >= 1)
                    def _():
                        wait_scatter(nxt)

                    issue_gather(j + 1, nxt)
                wait_gather(t)

                @plsc.parallel_loop(0, CW, step=1, unroll=unroll)
                def _(e):
                    compute_fn(srows[t], drows[t], e)

                pltpu.async_copy(srows[t], acc.at[didx.at[j]], sc[t],
                                 add=True)

        for b in range(1, NBUF):
            wait_scatter(b)

        plsc.subcore_barrier()
        for r in range(RPT // DW):
            base = s * RPT + r * DW
            pltpu.sync_copy(acc.at[pl.ds(base, DW)], zbuf)
            pltpu.sync_copy(zbuf, out_hbm.at[c, pl.ds(base, DW)])

    return edge_pass


def _make_edge_pass2(unroll):
    mesh = plsc.VectorSubcoreMesh(core_axis_name="c", subcore_axis_name="s")
    ws, wd = WS2, WD2
    APT = N // NSUB

    @functools.partial(
        pl.kernel,
        out_type=jax.ShapeDtypeStruct((2, NPAD, ws), jnp.float32),
        mesh=mesh,
        scratch_types=[
            pltpu.VMEM((NCH, CW), jnp.int32),
            pltpu.VMEM((NCH, CW), jnp.int32),
            [pltpu.VMEM((CW, 16), jnp.float32) for _ in range(NBUF)],
            [pltpu.VMEM((CW, wd), jnp.float32) for _ in range(NBUF)],
            [pltpu.VMEM((CW, wd), jnp.float32) for _ in range(NBUF)],
            [pltpu.VMEM((CW, ws), jnp.float32) for _ in range(NBUF)],
            pltpu.VMEM((DW, ws), jnp.float32),
            pltpu.VMEM_SHARED((NPAD, ws), jnp.float32),
            pltpu.VMEM_SHARED((N, wd), jnp.float32),
            [pltpu.SemaphoreType.DMA for _ in range(NBUF)],
            [pltpu.SemaphoreType.DMA for _ in range(NBUF)],
            [pltpu.SemaphoreType.DMA for _ in range(NBUF)],
            [pltpu.SemaphoreType.DMA for _ in range(NBUF)],
        ],
        compiler_params=pltpu.CompilerParams(use_tc_tiling_on_sc=False),
    )
    def edge_pass(src_hbm, dst_hbm, xp_hbm, al_hbm, out_hbm,
                  sidx, didx, xpb, alsb, aldb, srows, zbuf, acc, alsp,
                  gx, ga, gb, sc):
        c = lax.axis_index("c")
        s = lax.axis_index("s")
        wid = c * NSUB + s

        def issue_gather(j, b):
            pltpu.async_copy(xp_hbm.at[sidx.at[j]], xpb[b], gx[b])
            pltpu.async_copy(alsp.at[sidx.at[j]], alsb[b], ga[b])
            pltpu.async_copy(alsp.at[didx.at[j]], aldb[b], gb[b])

        def wait_gather(b):
            pltpu.make_async_copy(xp_hbm.at[pl.ds(0, CW)], xpb[b],
                                  gx[b]).wait()
            pltpu.make_async_copy(al_hbm.at[pl.ds(0, CW)], alsb[b],
                                  ga[b]).wait()
            pltpu.make_async_copy(al_hbm.at[pl.ds(0, CW)], aldb[b],
                                  gb[b]).wait()

        def wait_scatter(b):
            pltpu.make_async_copy(out_hbm.at[0, pl.ds(0, CW)], srows[b],
                                  sc[b]).wait()

        @pl.loop(0, DW)
        def _(r):
            for k in range(ws // 16):
                zbuf[r, pl.ds(16 * k, 16)] = jnp.zeros((16,), jnp.float32)

        for r in range(RPT // DW):
            pltpu.sync_copy(zbuf, acc.at[pl.ds(s * RPT + r * DW, DW)])

        for r in range(APT // CW):
            base = s * APT + r * CW
            pltpu.sync_copy(al_hbm.at[pl.ds(base, CW)], alsb[0])
            pltpu.sync_copy(alsb[0], alsp.at[pl.ds(base, CW)])
        plsc.subcore_barrier()

        pltpu.sync_copy(src_hbm.at[pl.ds(wid * NCH, NCH)], sidx)
        pltpu.sync_copy(dst_hbm.at[pl.ds(wid * NCH, NCH)], didx)

        issue_gather(0, 0)

        @pl.loop(0, NCH // NBUF)
        def _(jj):
            j0 = jj * NBUF
            for t in range(NBUF):
                j = j0 + t
                nxt = (t + 1) % NBUF
                if t == NBUF - 1:
                    wait_scatter(nxt)

                    @pl.when(jj < NCH // NBUF - 1)
                    def _():
                        issue_gather(j + 1, nxt)
                else:
                    @pl.when(jj >= 1)
                    def _():
                        wait_scatter(nxt)

                    issue_gather(j + 1, nxt)
                wait_gather(t)

                @plsc.parallel_loop(0, CW, step=1, unroll=unroll)
                def _(e):
                    _compute2(xpb[t], alsb[t], aldb[t], srows[t], e)

                pltpu.async_copy(srows[t], acc.at[didx.at[j]], sc[t],
                                 add=True)

        for b in range(1, NBUF):
            wait_scatter(b)

        plsc.subcore_barrier()
        for r in range(RPT // DW):
            base = s * RPT + r * DW
            pltpu.sync_copy(acc.at[pl.ds(base, DW)], zbuf)
            pltpu.sync_copy(zbuf, out_hbm.at[c, pl.ds(base, DW)])

    return edge_pass


_edge1 = _make_edge_pass(WS1, WD1, _compute1, unroll=5)
_edge2 = _make_edge_pass2(unroll=5)


def _prep1_body(x_ref, w1_ref, a1s_ref, a1d_ref, r8_ref,
                tsrc_ref, tdst_ref, self_ref):
    xp = jnp.dot(x_ref[...], w1_ref[...], preferred_element_type=jnp.float32,
                 precision=_PREC)
    als = jnp.dot(xp, a1s_ref[...], preferred_element_type=jnp.float32,
                  precision=_PREC)
    ald = jnp.dot(xp, a1d_ref[...], preferred_element_type=jnp.float32,
                  precision=_PREC)
    a = als + ald
    wself = jnp.exp(jnp.where(a > 0, a, 0.2 * a))
    w64 = jnp.dot(wself, r8_ref[...], preferred_element_type=jnp.float32,
                  precision=_PREC)
    z8 = jnp.zeros_like(als)
    tsrc_ref[...] = jnp.concatenate([xp, als, z8], axis=1)
    tdst_ref[...] = jnp.concatenate([ald, z8], axis=1)
    self_ref[...] = jnp.concatenate([xp * w64, wself, z8], axis=1)


def _mid_body(pa_ref, pb_ref, self_ref, b1_ref, w2_ref, a2s_ref, a2d_ref,
              r8_ref, xp2_ref, al2_ref, self2_ref):
    acc = pa_ref[0] + pb_ref[0] + self_ref[...]
    recip = 1.0 / (acc[:, 64:72] + 1e-16)
    r64 = jnp.dot(recip, r8_ref[...], preferred_element_type=jnp.float32,
                  precision=_PREC)
    o1 = acc[:, 0:64] * r64 + b1_ref[...]
    h = jnp.where(o1 > 0, o1, jnp.exp(jnp.minimum(o1, 0.0)) - 1.0)
    xp2 = jnp.dot(h, w2_ref[...], preferred_element_type=jnp.float32,
                  precision=_PREC)
    als2 = jnp.dot(xp2, a2s_ref[...], preferred_element_type=jnp.float32,
                   precision=_PREC)
    ald2 = jnp.dot(xp2, a2d_ref[...], preferred_element_type=jnp.float32,
                   precision=_PREC)
    a2 = als2 + ald2
    ws2 = jnp.exp(jnp.where(a2 > 0, a2, 0.2 * a2))
    z14 = jnp.zeros((xp2.shape[0], 14), jnp.float32)
    z15 = jnp.zeros((xp2.shape[0], 15), jnp.float32)
    xp2_ref[...] = xp2
    al2_ref[...] = jnp.concatenate([als2, ald2, z14], axis=1)
    self2_ref[...] = jnp.concatenate([xp2 * ws2, ws2, z15], axis=1)


def _final_body(pa_ref, pb_ref, self_ref, b2_ref, o_ref):
    acc = pa_ref[0] + pb_ref[0] + self_ref[...]
    logits = acc[:, 0:16] / (acc[:, 16:17] + 1e-16) + b2_ref[...]
    t = logits - jnp.max(logits, axis=1, keepdims=True)
    o_ref[...] = t - jnp.log(jnp.sum(jnp.exp(t), axis=1, keepdims=True))


BR = 5000
GRID = N // BR


def _rows(w):
    return pl.BlockSpec((BR, w), lambda i: (i, 0))


def _full(shape):
    return pl.BlockSpec(shape, lambda i: tuple(0 for _ in shape))


def _core(k, w):
    return pl.BlockSpec((1, BR, w), lambda i, _k=k: (_k, i, 0))


_prep1 = pl.pallas_call(
    _prep1_body,
    grid=(GRID,),
    in_specs=[_rows(F_IN), _full((F_IN, H1 * C1)), _full((H1 * C1, H1)),
              _full((H1 * C1, H1)), _full((H1, H1 * C1))],
    out_specs=[_rows(WS1), _rows(WD1), _rows(WS1)],
    out_shape=[
        jax.ShapeDtypeStruct((N, WS1), jnp.float32),
        jax.ShapeDtypeStruct((N, WD1), jnp.float32),
        jax.ShapeDtypeStruct((N, WS1), jnp.float32),
    ],
)

_mid = pl.pallas_call(
    _mid_body,
    grid=(GRID,),
    in_specs=[_core(0, WS1), _core(1, WS1), _rows(WS1), _full((1, H1 * C1)),
              _full((H1 * C1, H2 * C2)), _full((H2 * C2, H2)),
              _full((H2 * C2, H2)), _full((H1, H1 * C1))],
    out_specs=[_rows(H2 * C2), _rows(WD2), _rows(WS2)],
    out_shape=[
        jax.ShapeDtypeStruct((N, H2 * C2), jnp.float32),
        jax.ShapeDtypeStruct((N, WD2), jnp.float32),
        jax.ShapeDtypeStruct((N, WS2), jnp.float32),
    ],
)

_final = pl.pallas_call(
    _final_body,
    grid=(GRID,),
    in_specs=[_core(0, WS2), _core(1, WS2), _rows(WS2), _full((1, C2))],
    out_specs=_rows(C2),
    out_shape=jax.ShapeDtypeStruct((N, C2), jnp.float32),
)


def kernel(x, edge_index, W1, a_src1, a_dst1, b1, W2, a_src2, a_dst2, b2):
    src2d = edge_index[0].reshape(E // CW, CW)
    dst2d = edge_index[1].reshape(E // CW, CW)

    r8 = jnp.kron(jnp.eye(H1, dtype=jnp.float32),
                  jnp.ones((1, C1), jnp.float32))
    a1s = (r8 * a_src1.reshape(1, H1 * C1)).T
    a1d = (r8 * a_dst1.reshape(1, H1 * C1)).T
    a2s = a_src2.reshape(H2 * C2, H2)
    a2d = a_dst2.reshape(H2 * C2, H2)

    tsrc1, tdst1, self1 = _prep1(x, W1, a1s, a1d, r8)
    p1 = _edge1(src2d, dst2d, tsrc1, tdst1)
    xp2, al2, self2 = _mid(p1, p1, self1, b1.reshape(1, H1 * C1),
                           W2, a2s, a2d, r8)
    p2 = _edge2(src2d, dst2d, xp2, al2)
    return _final(p2, p2, self2, b2.reshape(1, C2))

# --- scband reference (transcript-rebuilt; emitter-appended) ---
"""Pipeline reference for scband-gatnet-73839077753374 (READ-ONLY COPY).

The authoritative reference and input builder live on the scoring server;
editing this copy changes nothing except your own understanding.
"""

import jax, jax.numpy as jnp
import numpy as np

N = 10000
E = 320000
F_IN = 128
H1, C1 = 8, 8
H2, C2 = 1, 16


def setup_inputs(seed: int = 0):
    key = jax.random.key(seed)
    ks = jax.random.split(key, 10)
    x = jax.random.normal(ks[0], (N, F_IN), dtype=jnp.float32)
    edge_index = jax.random.randint(ks[1], (2, E), 0, N, dtype=jnp.int32)
    W1 = jax.random.normal(ks[2], (F_IN, H1 * C1), dtype=jnp.float32) * (1.0 / np.sqrt(F_IN))
    a_src1 = jax.random.normal(ks[3], (H1, C1), dtype=jnp.float32) * 0.1
    a_dst1 = jax.random.normal(ks[4], (H1, C1), dtype=jnp.float32) * 0.1
    b1 = jnp.zeros((H1 * C1,), dtype=jnp.float32)
    W2 = jax.random.normal(ks[5], (H1 * C1, H2 * C2), dtype=jnp.float32) * (1.0 / np.sqrt(H1 * C1))
    a_src2 = jax.random.normal(ks[6], (H2, C2), dtype=jnp.float32) * 0.1
    a_dst2 = jax.random.normal(ks[7], (H2, C2), dtype=jnp.float32) * 0.1
    b2 = jnp.zeros((C2,), dtype=jnp.float32)
    return {"x": x, "edge_index": edge_index, "W1": W1, "a_src1": a_src1, "a_dst1": a_dst1, "b1": b1, "W2": W2, "a_src2": a_src2, "a_dst2": a_dst2, "b2": b2}


def _gat_conv(x, src, dst, W, a_src, a_dst, bias, H, C, concat):
    # PyG GATConv (v1) with default add_self_loops=True; dropout inactive in eval mode.
    n = x.shape[0]
    loop = jnp.arange(n, dtype=src.dtype)
    s = jnp.concatenate([src, loop])
    d = jnp.concatenate([dst, loop])
    xp = (x @ W).reshape(n, H, C)
    al_s = jnp.sum(xp * a_src[None, :, :], axis=-1)  # [n, H]
    al_d = jnp.sum(xp * a_dst[None, :, :], axis=-1)  # [n, H]
    alpha = jax.nn.leaky_relu(al_s[s] + al_d[d], negative_slope=0.2)  # [Etot, H]
    amax = jax.ops.segment_max(alpha, d, num_segments=n)
    alpha = jnp.exp(alpha - amax[d])
    denom = jax.ops.segment_sum(alpha, d, num_segments=n)
    alpha = alpha / (denom[d] + 1e-16)
    msg = xp[s] * alpha[:, :, None]  # [Etot, H, C]
    out = jax.ops.segment_sum(msg, d, num_segments=n)  # [n, H, C]
    if concat:
        out = out.reshape(n, H * C)
    else:
        out = jnp.mean(out, axis=1)
    return out + bias


def reference(x, edge_index, W1, a_src1, a_dst1, b1, W2, a_src2, a_dst2, b2):
    src, dst = edge_index[0], edge_index[1]
    h = jax.nn.elu(_gat_conv(x, src, dst, W1, a_src1, a_dst1, b1, H1, C1, True))
    out = _gat_conv(h, src, dst, W2, a_src2, a_dst2, b2, H2, C2, False)
    return jax.nn.log_softmax(out, axis=1)

if __name__ == "__main__":
    import jax
    _d = setup_inputs()
    print(jax.jit(kernel)(*tuple(_d.values())))

</pallas_src>

<mosaic_0001>
#map = affine_map<(d0, d1) -> (0, 0)>
#map1 = affine_map<(d0, d1) -> (0, 0, 0)>
module attributes {stable_mosaic.version = 14 : i64} {
  func.func @edge_pass(%arg0: i32, %arg1: i32, %arg2: memref<2560x125xi32, #tpu.memory_space<hbm>>, %arg3: memref<2560x125xi32, #tpu.memory_space<hbm>>, %arg4: memref<10000x80xf32, #tpu.memory_space<hbm>>, %arg5: memref<10000x16xf32, #tpu.memory_space<hbm>>, %arg6: memref<2x10240x80xf32, #tpu.memory_space<hbm>>, %arg7: memref<80x125xi32, #tpu.memory_space<vmem>>, %arg8: memref<80x125xi32, #tpu.memory_space<vmem>>, %arg9: memref<125x80xf32, #tpu.memory_space<vmem>>, %arg10: memref<125x80xf32, #tpu.memory_space<vmem>>, %arg11: memref<125x80xf32, #tpu.memory_space<vmem>>, %arg12: memref<125x80xf32, #tpu.memory_space<vmem>>, %arg13: memref<125x16xf32, #tpu.memory_space<vmem>>, %arg14: memref<125x16xf32, #tpu.memory_space<vmem>>, %arg15: memref<125x16xf32, #tpu.memory_space<vmem>>, %arg16: memref<125x16xf32, #tpu.memory_space<vmem>>, %arg17: memref<128x80xf32, #tpu.memory_space<vmem>>, %arg18: memref<10240x80xf32, #tpu.memory_space<vmem_shared>>, %arg19: memref<!tpu.dma_semaphore, #tpu.memory_space<semaphore_mem>>, %arg20: memref<!tpu.dma_semaphore, #tpu.memory_space<semaphore_mem>>, %arg21: memref<!tpu.dma_semaphore, #tpu.memory_space<semaphore_mem>>, %arg22: memref<!tpu.dma_semaphore, #tpu.memory_space<semaphore_mem>>, %arg23: memref<!tpu.dma_semaphore, #tpu.memory_space<semaphore_mem>>, %arg24: memref<!tpu.dma_semaphore, #tpu.memory_space<semaphore_mem>>, %arg25: memref<!tpu.dma_semaphore, #tpu.memory_space<semaphore_mem>>, %arg26: memref<!tpu.dma_semaphore, #tpu.memory_space<semaphore_mem>>, %arg27: memref<!tpu.dma_semaphore, #tpu.memory_space<semaphore_mem>>, %arg28: memref<!tpu.dma_semaphore, #tpu.memory_space<semaphore_mem>>, %arg29: memref<!tpu.dma_semaphore, #tpu.memory_space<semaphore_mem>>, %arg30: memref<!tpu.dma_semaphore, #tpu.memory_space<semaphore_mem>>) attributes {dimension_semantics = [#tpu.dimension_semantics<core_parallel>, #tpu.dimension_semantics<subcore_parallel>], iteration_bounds = array<i64: 2, 16>, scalar_prefetch = 0 : i64, scratch_operands = 24 : i64, tpu.core_type = #tpu.core_type<sc_vector_subcore>, window_params = [{transform_indices = #map}, {transform_indices = #map}, {transform_indices = #map}, {transform_indices = #map}, {transform_indices = #map1}]} {
    %mul3A = arith.constant 16 : i32
    %mul3A_0 = arith.muli %arg0, %mul3A : i32
    %add3A = arith.addi %mul3A_0, %arg1 : i32
    %scan3A = arith.constant 0 : i32
    %scan3A_1 = arith.constant 128 : i32
    %scan3A_2 = arith.addi %scan3A, %scan3A_1 : i32
    %scan3A_3 = arith.constant 1 : i32
    scf.for %scan3A_85 = %scan3A to %scan3A_2 step %scan3A_3  : i32 {
      %mul3A_86 = arith.constant 1 : i32
      %mul3A_87 = arith.muli %scan3A_85, %mul3A_86 : i32
      %add3A_88 = arith.constant 0 : i32
      %add3A_89 = arith.addi %add3A_88, %mul3A_87 : i32
      %broadcast_in_dim3A = arith.constant 0.000000e+00 : f32
      %broadcast_in_dim3A_90 = vector.broadcast %broadcast_in_dim3A : f32 to vector<16xf32>
      %swap3A = arith.index_cast %add3A_89 : i32 to index
      %swap3A_91 = arith.constant 0 : index
      %swap3A_92 = tpu.vector_load %arg17[%swap3A, %swap3A_91] {strides = array<i32>} : memref<128x80xf32, #tpu.memory_space<vmem>>, vector<1x16xf32>,
      %swap3A_93 = vector.shape_cast %swap3A_92 : vector<1x16xf32> to vector<16xf32>
      %swap3A_94 = vector.shape_cast %broadcast_in_dim3A_90 : vector<16xf32> to vector<1x16xf32>
      tpu.vector_store %arg17[%swap3A, %swap3A_91], %swap3A_94 {strides = array<i32>} : memref<128x80xf32, #tpu.memory_space<vmem>>, vector<1x16xf32>,
      %broadcast_in_dim3A_95 = arith.constant 0.000000e+00 : f32
      %broadcast_in_dim3A_96 = vector.broadcast %broadcast_in_dim3A_95 : f32 to vector<16xf32>
      %swap3A_97 = arith.index_cast %add3A_89 : i32 to index
      %swap3A_98 = arith.constant 16 : index
      %swap3A_99 = tpu.vector_load %arg17[%swap3A_97, %swap3A_98] {strides = array<i32>} : memref<128x80xf32, #tpu.memory_space<vmem>>, vector<1x16xf32>,
      %swap3A_100 = vector.shape_cast %swap3A_99 : vector<1x16xf32> to vector<16xf32>
      %swap3A_101 = vector.shape_cast %broadcast_in_dim3A_96 : vector<16xf32> to vector<1x16xf32>
      tpu.vector_store %arg17[%swap3A_97, %swap3A_98], %swap3A_101 {strides = array<i32>} : memref<128x80xf32, #tpu.memory_space<vmem>>, vector<1x16xf32>,
      %broadcast_in_dim3A_102 = arith.constant 0.000000e+00 : f32
      %broadcast_in_dim3A_103 = vector.broadcast %broadcast_in_dim3A_102 : f32 to vector<16xf32>
      %swap3A_104 = arith.index_cast %add3A_89 : i32 to index
      %swap3A_105 = arith.constant 32 : index
      %swap3A_106 = tpu.vector_load %arg17[%swap3A_104, %swap3A_105] {strides = array<i32>} : memref<128x80xf32, #tpu.memory_space<vmem>>, vector<1x16xf32>,
      %swap3A_107 = vector.shape_cast %swap3A_106 : vector<1x16xf32> to vector<16xf32>
      %swap3A_108 = vector.shape_cast %broadcast_in_dim3A_103 : vector<16xf32> to vector<1x16xf32>
      tpu.vector_store %arg17[%swap3A_104, %swap3A_105], %swap3A_108 {strides = array<i32>} : memref<128x80xf32, #tpu.memory_space<vmem>>, vector<1x16xf32>,
      %broadcast_in_dim3A_109 = arith.constant 0.000000e+00 : f32
      %broadcast_in_dim3A_110 = vector.broadcast %broadcast_in_dim3A_109 : f32 to vector<16xf32>
      %swap3A_111 = arith.index_cast %add3A_89 : i32 to index
      %swap3A_112 = arith.constant 48 : index
      %swap3A_113 = tpu.vector_load %arg17[%swap3A_111, %swap3A_112] {strides = array<i32>} : memref<128x80xf32, #tpu.memory_space<vmem>>, vector<1x16xf32>,
      %swap3A_114 = vector.shape_cast %swap3A_113 : vector<1x16xf32> to vector<16xf32>
      %swap3A_115 = vector.shape_cast %broadcast_in_dim3A_110 : vector<16xf32> to vector<1x16xf32>
      tpu.vector_store %arg17[%swap3A_111, %swap3A_112], %swap3A_115 {strides = array<i32>} : memref<128x80xf32, #tpu.memory_space<vmem>>, vector<1x16xf32>,
      %broadcast_in_dim3A_116 = arith.constant 0.000000e+00 : f32
      %broadcast_in_dim3A_117 = vector.broadcast %broadcast_in_dim3A_116 : f32 to vector<16xf32>
      %swap3A_118 = arith.index_cast %add3A_89 : i32 to index
      %swap3A_119 = arith.constant 64 : index
      %swap3A_120 = tpu.vector_load %arg17[%swap3A_118, %swap3A_119] {strides = array<i32>} : memref<128x80xf32, #tpu.memory_space<vmem>>, vector<1x16xf32>,
      %swap3A_121 = vector.shape_cast %swap3A_120 : vector<1x16xf32> to vector<16xf32>
      %swap3A_122 = vector.shape_cast %broadcast_in_dim3A_117 : vector<16xf32> to vector<1x16xf32>
      tpu.vector_store %arg17[%swap3A_118, %swap3A_119], %swap3A_122 {strides = array<i32>} : memref<128x80xf32, #tpu.memory_space<vmem>>, vector<1x16xf32>,
    }
    %scan3A_4 = arith.constant 128 : i32
    %mul3A_5 = arith.constant 640 : i32
    %mul3A_6 = arith.muli %arg1, %mul3A_5 : i32
    %add3A_7 = arith.constant 0 : i32
    %add3A_8 = arith.addi %mul3A_6, %add3A_7 : i32
    "tpu.region"() ({
      %run_scoped3A = tpu.sem_alloc : memref<!tpu.dma_semaphore, #tpu.memory_space<semaphore_mem>>
      %dma_start3A_85 = arith.constant 0 : i32
      %dma_start3A_86 = tpu.memref_slice %arg18[%add3A_8, %dma_start3A_85] : memref<10240x80xf32, #tpu.memory_space<vmem_shared>> -> memref<128x80xf32, #tpu.memory_space<vmem_shared>>
      %dma_start3A_87 = arith.constant 0 : i32
      %dma_start3A_88 = tpu.memref_slice %arg18[%add3A_8, %dma_start3A_87] : memref<10240x80xf32, #tpu.memory_space<vmem_shared>> -> memref<128x80xf32, #tpu.memory_space<vmem_shared>>
      tpu.enqueue_dma source(%arg17 : memref<128x80xf32, #tpu.memory_space<vmem>>) target(%dma_start3A_88 : memref<128x80xf32, #tpu.memory_space<vmem_shared>>) target_semaphore(%run_scoped3A : memref<!tpu.dma_semaphore, #tpu.memory_space<semaphore_mem>>)
      %dma_wait3A_89 = arith.constant 0 : i32
      %dma_wait3A_90 = tpu.memref_slice %arg18[%add3A_8, %dma_wait3A_89] : memref<10240x80xf32, #tpu.memory_space<vmem_shared>> -> memref<128x80xf32, #tpu.memory_space<vmem_shared>>
      %dma_wait3A_91 = arith.constant 0 : i32
      %dma_wait3A_92 = tpu.memref_slice %arg18[%add3A_8, %dma_wait3A_91] : memref<10240x80xf32, #tpu.memory_space<vmem_shared>> -> memref<128x80xf32, #tpu.memory_space<vmem_shared>>
      tpu.wait_dma2 semaphore(%run_scoped3A : memref<!tpu.dma_semaphore, #tpu.memory_space<semaphore_mem>>) src(%arg17 : memref<128x80xf32, #tpu.memory_space<vmem>>) dst(%dma_wait3A_92 : memref<128x80xf32, #tpu.memory_space<vmem_shared>>)
      tpu.yield
    }) : () -> ()
    %mul3A_9 = arith.constant 640 : i32
    %mul3A_10 = arith.muli %arg1, %mul3A_9 : i32
    %add3A_11 = arith.constant 128 : i32
    %add3A_12 = arith.addi %mul3A_10, %add3A_11 : i32
    "tpu.region"() ({
      %run_scoped3A = tpu.sem_alloc : memref<!tpu.dma_semaphore, #tpu.memory_space<semaphore_mem>>
      %dma_start3A_85 = arith.constant 0 : i32
      %dma_start3A_86 = tpu.memref_slice %arg18[%add3A_12, %dma_start3A_85] : memref<10240x80xf32, #tpu.memory_space<vmem_shared>> -> memref<128x80xf32, #tpu.memory_space<vmem_shared>>
      %dma_start3A_87 = arith.constant 0 : i32
      %dma_start3A_88 = tpu.memref_slice %arg18[%add3A_12, %dma_start3A_87] : memref<10240x80xf32, #tpu.memory_space<vmem_shared>> -> memref<128x80xf32, #tpu.memory_space<vmem_shared>>
      tpu.enqueue_dma source(%arg17 : memref<128x80xf32, #tpu.memory_space<vmem>>) target(%dma_start3A_88 : memref<128x80xf32, #tpu.memory_space<vmem_shared>>) target_semaphore(%run_scoped3A : memref<!tpu.dma_semaphore, #tpu.memory_space<semaphore_mem>>)
      %dma_wait3A_89 = arith.constant 0 : i32
      %dma_wait3A_90 = tpu.memref_slice %arg18[%add3A_12, %dma_wait3A_89] : memref<10240x80xf32, #tpu.memory_space<vmem_shared>> -> memref<128x80xf32, #tpu.memory_space<vmem_shared>>
      %dma_wait3A_91 = arith.constant 0 : i32
      %dma_wait3A_92 = tpu.memref_slice %arg18[%add3A_12, %dma_wait3A_91] : memref<10240x80xf32, #tpu.memory_space<vmem_shared>> -> memref<128x80xf32, #tpu.memory_space<vmem_shared>>
      tpu.wait_dma2 semaphore(%run_scoped3A : memref<!tpu.dma_semaphore, #tpu.memory_space<semaphore_mem>>) src(%arg17 : memref<128x80xf32, #tpu.memory_space<vmem>>) dst(%dma_wait3A_92 : memref<128x80xf32, #tpu.memory_space<vmem_shared>>)
      tpu.yield
    }) : () -> ()
    %mul3A_13 = arith.constant 640 : i32
    %mul3A_14 = arith.muli %arg1, %mul3A_13 : i32
    %add3A_15 = arith.constant 256 : i32
    %add3A_16 = arith.addi %mul3A_14, %add3A_15 : i32
    "tpu.region"() ({
      %run_scoped3A = tpu.sem_alloc : memref<!tpu.dma_semaphore, #tpu.memory_space<semaphore_mem>>
      %dma_start3A_85 = arith.constant 0 : i32
      %dma_start3A_86 = tpu.memref_slice %arg18[%add3A_16, %dma_start3A_85] : memref<10240x80xf32, #tpu.memory_space<vmem_shared>> -> memref<128x80xf32, #tpu.memory_space<vmem_shared>>
      %dma_start3A_87 = arith.constant 0 : i32
      %dma_start3A_88 = tpu.memref_slice %arg18[%add3A_16, %dma_start3A_87] : memref<10240x80xf32, #tpu.memory_space<vmem_shared>> -> memref<128x80xf32, #tpu.memory_space<vmem_shared>>
      tpu.enqueue_dma source(%arg17 : memref<128x80xf32, #tpu.memory_space<vmem>>) target(%dma_start3A_88 : memref<128x80xf32, #tpu.memory_space<vmem_shared>>) target_semaphore(%run_scoped3A : memref<!tpu.dma_semaphore, #tpu.memory_space<semaphore_mem>>)
      %dma_wait3A_89 = arith.constant 0 : i32
      %dma_wait3A_90 = tpu.memref_slice %arg18[%add3A_16, %dma_wait3A_89] : memref<10240x80xf32, #tpu.memory_space<vmem_shared>> -> memref<128x80xf32, #tpu.memory_space<vmem_shared>>
      %dma_wait3A_91 = arith.constant 0 : i32
      %dma_wait3A_92 = tpu.memref_slice %arg18[%add3A_16, %dma_wait3A_91] : memref<10240x80xf32, #tpu.memory_space<vmem_shared>> -> memref<128x80xf32, #tpu.memory_space<vmem_shared>>
      tpu.wait_dma2 semaphore(%run_scoped3A : memref<!tpu.dma_semaphore, #tpu.memory_space<semaphore_mem>>) src(%arg17 : memref<128x80xf32, #tpu.memory_space<vmem>>) dst(%dma_wait3A_92 : memref<128x80xf32, #tpu.memory_space<vmem_shared>>)
      tpu.yield
    }) : () -> ()
    %mul3A_17 = arith.constant 640 : i32
    %mul3A_18 = arith.muli %arg1, %mul3A_17 : i32
    %add3A_19 = arith.constant 384 : i32
    %add3A_20 = arith.addi %mul3A_18, %add3A_19 : i32
    "tpu.region"() ({
      %run_scoped3A = tpu.sem_alloc : memref<!tpu.dma_semaphore, #tpu.memory_space<semaphore_mem>>
      %dma_start3A_85 = arith.constant 0 : i32
      %dma_start3A_86 = tpu.memref_slice %arg18[%add3A_20, %dma_start3A_85] : memref<10240x80xf32, #tpu.memory_space<vmem_shared>> -> memref<128x80xf32, #tpu.memory_space<vmem_shared>>
      %dma_start3A_87 = arith.constant 0 : i32
      %dma_start3A_88 = tpu.memref_slice %arg18[%add3A_20, %dma_start3A_87] : memref<10240x80xf32, #tpu.memory_space<vmem_shared>> -> memref<128x80xf32, #tpu.memory_space<vmem_shared>>
      tpu.enqueue_dma source(%arg17 : memref<128x80xf32, #tpu.memory_space<vmem>>) target(%dma_start3A_88 : memref<128x80xf32, #tpu.memory_space<vmem_shared>>) target_semaphore(%run_scoped3A : memref<!tpu.dma_semaphore, #tpu.memory_space<semaphore_mem>>)
      %dma_wait3A_89 = arith.constant 0 : i32
      %dma_wait3A_90 = tpu.memref_slice %arg18[%add3A_20, %dma_wait3A_89] : memref<10240x80xf32, #tpu.memory_space<vmem_shared>> -> memref<128x80xf32, #tpu.memory_space<vmem_shared>>
      %dma_wait3A_91 = arith.constant 0 : i32
      %dma_wait3A_92 = tpu.memref_slice %arg18[%add3A_20, %dma_wait3A_91] : memref<10240x80xf32, #tpu.memory_space<vmem_shared>> -> memref<128x80xf32, #tpu.memory_space<vmem_shared>>
      tpu.wait_dma2 semaphore(%run_scoped3A : memref<!tpu.dma_semaphore, #tpu.memory_space<semaphore_mem>>) src(%arg17 : memref<128x80xf32, #tpu.memory_space<vmem>>) dst(%dma_wait3A_92 : memref<128x80xf32, #tpu.memory_space<vmem_shared>>)
      tpu.yield
    }) : () -> ()
    %mul3A_21 = arith.constant 640 : i32
    %mul3A_22 = arith.muli %arg1, %mul3A_21 : i32
    %add3A_23 = arith.constant 512 : i32
    %add3A_24 = arith.addi %mul3A_22, %add3A_23 : i32
    "tpu.region"() ({
      %run_scoped3A = tpu.sem_alloc : memref<!tpu.dma_semaphore, #tpu.memory_space<semaphore_mem>>
      %dma_start3A_85 = arith.constant 0 : i32
      %dma_start3A_86 = tpu.memref_slice %arg18[%add3A_24, %dma_start3A_85] : memref<10240x80xf32, #tpu.memory_space<vmem_shared>> -> memref<128x80xf32, #tpu.memory_space<vmem_shared>>
      %dma_start3A_87 = arith.constant 0 : i32
      %dma_start3A_88 = tpu.memref_slice %arg18[%add3A_24, %dma_start3A_87] : memref<10240x80xf32, #tpu.memory_space<vmem_shared>> -> memref<128x80xf32, #tpu.memory_space<vmem_shared>>
      tpu.enqueue_dma source(%arg17 : memref<128x80xf32, #tpu.memory_space<vmem>>) target(%dma_start3A_88 : memref<128x80xf32, #tpu.memory_space<vmem_shared>>) target_semaphore(%run_scoped3A : memref<!tpu.dma_semaphore, #tpu.memory_space<semaphore_mem>>)
      %dma_wait3A_89 = arith.constant 0 : i32
      %dma_wait3A_90 = tpu.memref_slice %arg18[%add3A_24, %dma_wait3A_89] : memref<10240x80xf32, #tpu.memory_space<vmem_shared>> -> memref<128x80xf32, #tpu.memory_space<vmem_shared>>
      %dma_wait3A_91 = arith.constant 0 : i32
      %dma_wait3A_92 = tpu.memref_slice %arg18[%add3A_24, %dma_wait3A_91] : memref<10240x80xf32, #tpu.memory_space<vmem_shared>> -> memref<128x80xf32, #tpu.memory_space<vmem_shared>>
      tpu.wait_dma2 semaphore(%run_scoped3A : memref<!tpu.dma_semaphore, #tpu.memory_space<semaphore_mem>>) src(%arg17 : memref<128x80xf32, #tpu.memory_space<vmem>>) dst(%dma_wait3A_92 : memref<128x80xf32, #tpu.memory_space<vmem_shared>>)
      tpu.yield
    }) : () -> ()
    %barrier3A = arith.constant 0 : index
    tpu.barrier barrier_id(%barrier3A)
    %mul3A_25 = arith.constant 80 : i32
    %mul3A_26 = arith.muli %add3A, %mul3A_25 : i32
    "tpu.region"() ({
      %run_scoped3A = tpu.sem_alloc : memref<!tpu.dma_semaphore, #tpu.memory_space<semaphore_mem>>
      %dma_start3A_85 = arith.constant 0 : i32
      %dma_start3A_86 = tpu.memref_slice %arg2[%mul3A_26, %dma_start3A_85] : memref<2560x125xi32, #tpu.memory_space<hbm>> -> memref<80x125xi32, #tpu.memory_space<hbm>>
      %dma_start3A_87 = arith.constant 0 : i32
      %dma_start3A_88 = tpu.memref_slice %arg2[%mul3A_26, %dma_start3A_87] : memref<2560x125xi32, #tpu.memory_space<hbm>> -> memref<80x125xi32, #tpu.memory_space<hbm>>
      tpu.enqueue_dma source(%dma_start3A_88 : memref<80x125xi32, #tpu.memory_space<hbm>>) target(%arg7 : memref<80x125xi32, #tpu.memory_space<vmem>>) target_semaphore(%run_scoped3A : memref<!tpu.dma_semaphore, #tpu.memory_space<semaphore_mem>>)
      %dma_wait3A_89 = arith.constant 0 : i32
      %dma_wait3A_90 = tpu.memref_slice %arg2[%mul3A_26, %dma_wait3A_89] : memref<2560x125xi32, #tpu.memory_space<hbm>> -> memref<80x125xi32, #tpu.memory_space<hbm>>
      %dma_wait3A_91 = arith.constant 0 : i32
      %dma_wait3A_92 = tpu.memref_slice %arg2[%mul3A_26, %dma_wait3A_91] : memref<2560x125xi32, #tpu.memory_space<hbm>> -> memref<80x125xi32, #tpu.memory_space<hbm>>
      tpu.wait_dma2 semaphore(%run_scoped3A : memref<!tpu.dma_semaphore, #tpu.memory_space<semaphore_mem>>) src(%dma_wait3A_92 : memref<80x125xi32, #tpu.memory_space<hbm>>) dst(%arg7 : memref<80x125xi32, #tpu.memory_space<vmem>>)
      tpu.yield
    }) : () -> ()
    %mul3A_27 = arith.constant 80 : i32
    %mul3A_28 = arith.muli %add3A, %mul3A_27 : i32
    "tpu.region"() ({
      %run_scoped3A = tpu.sem_alloc : memref<!tpu.dma_semaphore, #tpu.memory_space<semaphore_mem>>
      %dma_start3A_85 = arith.constant 0 : i32
      %dma_start3A_86 = tpu.memref_slice %arg3[%mul3A_28, %dma_start3A_85] : memref<2560x125xi32, #tpu.memory_space<hbm>> -> memref<80x125xi32, #tpu.memory_space<hbm>>
      %dma_start3A_87 = arith.constant 0 : i32
      %dma_start3A_88 = tpu.memref_slice %arg3[%mul3A_28, %dma_start3A_87] : memref<2560x125xi32, #tpu.memory_space<hbm>> -> memref<80x125xi32, #tpu.memory_space<hbm>>
      tpu.enqueue_dma source(%dma_start3A_88 : memref<80x125xi32, #tpu.memory_space<hbm>>) target(%arg8 : memref<80x125xi32, #tpu.memory_space<vmem>>) target_semaphore(%run_scoped3A : memref<!tpu.dma_semaphore, #tpu.memory_space<semaphore_mem>>)
      %dma_wait3A_89 = arith.constant 0 : i32
      %dma_wait3A_90 = tpu.memref_slice %arg3[%mul3A_28, %dma_wait3A_89] : memref<2560x125xi32, #tpu.memory_space<hbm>> -> memref<80x125xi32, #tpu.memory_space<hbm>>
      %dma_wait3A_91 = arith.constant 0 : i32
      %dma_wait3A_92 = tpu.memref_slice %arg3[%mul3A_28, %dma_wait3A_91] : memref<2560x125xi32, #tpu.memory_space<hbm>> -> memref<80x125xi32, #tpu.memory_space<hbm>>
      tpu.wait_dma2 semaphore(%run_scoped3A : memref<!tpu.dma_semaphore, #tpu.memory_space<semaphore_mem>>) src(%dma_wait3A_92 : memref<80x125xi32, #tpu.memory_space<hbm>>) dst(%arg8 : memref<80x125xi32, #tpu.memory_space<vmem>>)
      tpu.yield
    }) : () -> ()
    %dma_start3A = arith.constant 0 : i32
    %dma_start3A_29 = arith.constant 0 : i32
    %dma_start3A_30 = tpu.memref_slice %arg7[%dma_start3A, %dma_start3A_29] : memref<80x125xi32, #tpu.memory_space<vmem>> -> memref<1x125xi32, #tpu.memory_space<vmem>>
    %dma_start3A_31 = tpu.memref_squeeze %dma_start3A_30 : memref<1x125xi32, #tpu.memory_space<vmem>> -> memref<125xi32, #tpu.memory_space<vmem>>
    %dma_start3A_32 = arith.constant 0 : i32
    %dma_start3A_33 = arith.constant 0 : i32
    %dma_start3A_34 = tpu.memref_slice %arg4[%dma_start3A_32, %dma_start3A_33] : memref<10000x80xf32, #tpu.memory_space<hbm>> -> memref<10000x80xf32, #tpu.memory_space<hbm>>
    tpu.enqueue_indirect_dma source(%dma_start3A_34 : memref<10000x80xf32, #tpu.memory_space<hbm>>) target(%arg9 : memref<125x80xf32, #tpu.memory_space<vmem>>) offsets(%dma_start3A_31 : memref<125xi32, #tpu.memory_space<vmem>>) semaphore(%arg19 : memref<!tpu.dma_semaphore, #tpu.memory_space<semaphore_mem>>)
    %dma_start3A_35 = arith.constant 0 : i32
    %dma_start3A_36 = arith.constant 0 : i32
    %dma_start3A_37 = tpu.memref_slice %arg8[%dma_start3A_35, %dma_start3A_36] : memref<80x125xi32, #tpu.memory_space<vmem>> -> memref<1x125xi32, #tpu.memory_space<vmem>>
    %dma_start3A_38 = tpu.memref_squeeze %dma_start3A_37 : memref<1x125xi32, #tpu.memory_space<vmem>> -> memref<125xi32, #tpu.memory_space<vmem>>
    %dma_start3A_39 = arith.constant 0 : i32
    %dma_start3A_40 = arith.constant 0 : i32
    %dma_start3A_41 = tpu.memref_slice %arg5[%dma_start3A_39, %dma_start3A_40] : memref<10000x16xf32, #tpu.memory_space<hbm>> -> memref<10000x16xf32, #tpu.memory_space<hbm>>
    tpu.enqueue_indirect_dma source(%dma_start3A_41 : memref<10000x16xf32, #tpu.memory_space<hbm>>) target(%arg13 : memref<125x16xf32, #tpu.memory_space<vmem>>) offsets(%dma_start3A_38 : memref<125xi32, #tpu.memory_space<vmem>>) semaphore(%arg23 : memref<!tpu.dma_semaphore, #tpu.memory_space<semaphore_mem>>)
    %scan3A_42 = arith.constant 0 : i32
    %scan3A_43 = arith.constant 20 : i32
    %scan3A_44 = arith.addi %scan3A_42, %scan3A_43 : i32
    %scan3A_45 = arith.constant 1 : i32
    scf.for %scan3A_85 = %scan3A_42 to %scan3A_44 step %scan3A_45  : i32 {
      %mul3A_86 = arith.constant 1 : i32
      %mul3A_87 = arith.muli %scan3A_85, %mul3A_86 : i32
      %add3A_88 = arith.constant 0 : i32
      %add3A_89 = arith.addi %add3A_88, %mul3A_87 : i32
      %mul3A_90 = arith.constant 4 : i32
      %mul3A_91 = arith.muli %add3A_89, %mul3A_90 : i32
      %add3A_92 = arith.constant 0 : i32
      %add3A_93 = arith.addi %mul3A_91, %add3A_92 : i32
      %ge3A = arith.constant 1 : i32
      %ge3A_94 = arith.cmpi sge, %add3A_89, %ge3A : i32
      %convert_element_type3A = arith.extui %ge3A_94 : i1 to i32
      %cond3A = arith.constant 0 : i32
      %cond3A_95 = arith.cmpi ne, %convert_element_type3A, %cond3A : i32
      scf.if %cond3A_95 {
        %dma_wait3A_247 = arith.constant 0 : i32
        %dma_wait3A_248 = arith.constant 0 : i32
        %dma_wait3A_249 = tpu.memref_slice %arg4[%dma_wait3A_247, %dma_wait3A_248] : memref<10000x80xf32, #tpu.memory_space<hbm>> -> memref<125x80xf32, #tpu.memory_space<hbm>>
        %dma_wait3A_250 = arith.constant 0 : i32
        %dma_wait3A_251 = arith.constant 0 : i32
        %dma_wait3A_252 = tpu.memref_slice %arg4[%dma_wait3A_250, %dma_wait3A_251] : memref<10000x80xf32, #tpu.memory_space<hbm>> -> memref<125x80xf32, #tpu.memory_space<hbm>>
        tpu.wait_dma2 semaphore(%arg28 : memref<!tpu.dma_semaphore, #tpu.memory_space<semaphore_mem>>) src(%dma_wait3A_252 : memref<125x80xf32, #tpu.memory_space<hbm>>) dst(%arg10 : memref<125x80xf32, #tpu.memory_space<vmem>>)
      } else {
      }
      %add3A_96 = arith.constant 1 : i32
      %add3A_97 = arith.addi %add3A_93, %add3A_96 : i32
      %dma_start3A_98 = arith.constant 0 : i32
      %dma_start3A_99 = tpu.memref_slice %arg7[%add3A_97, %dma_start3A_98] : memref<80x125xi32, #tpu.memory_space<vmem>> -> memref<1x125xi32, #tpu.memory_space<vmem>>
      %dma_start3A_100 = tpu.memref_squeeze %dma_start3A_99 : memref<1x125xi32, #tpu.memory_space<vmem>> -> memref<125xi32, #tpu.memory_space<vmem>>
      %dma_start3A_101 = arith.constant 0 : i32
      %dma_start3A_102 = arith.constant 0 : i32
      %dma_start3A_103 = tpu.memref_slice %arg4[%dma_start3A_101, %dma_start3A_102] : memref<10000x80xf32, #tpu.memory_space<hbm>> -> memref<10000x80xf32, #tpu.memory_space<hbm>>
      tpu.enqueue_indirect_dma source(%dma_start3A_103 : memref<10000x80xf32, #tpu.memory_space<hbm>>) target(%arg10 : memref<125x80xf32, #tpu.memory_space<vmem>>) offsets(%dma_start3A_100 : memref<125xi32, #tpu.memory_space<vmem>>) semaphore(%arg20 : memref<!tpu.dma_semaphore, #tpu.memory_space<semaphore_mem>>)
      %dma_start3A_104 = arith.constant 0 : i32
      %dma_start3A_105 = tpu.memref_slice %arg8[%add3A_97, %dma_start3A_104] : memref<80x125xi32, #tpu.memory_space<vmem>> -> memref<1x125xi32, #tpu.memory_space<vmem>>
      %dma_start3A_106 = tpu.memref_squeeze %dma_start3A_105 : memref<1x125xi32, #tpu.memory_space<vmem>> -> memref<125xi32, #tpu.memory_space<vmem>>
      %dma_start3A_107 = arith.constant 0 : i32
      %dma_start3A_108 = arith.constant 0 : i32
      %dma_start3A_109 = tpu.memref_slice %arg5[%dma_start3A_107, %dma_start3A_108] : memref<10000x16xf32, #tpu.memory_space<hbm>> -> memref<10000x16xf32, #tpu.memory_space<hbm>>
      tpu.enqueue_indirect_dma source(%dma_start3A_109 : memref<10000x16xf32, #tpu.memory_space<hbm>>) target(%arg14 : memref<125x16xf32, #tpu.memory_space<vmem>>) offsets(%dma_start3A_106 : memref<125xi32, #tpu.memory_space<vmem>>) semaphore(%arg24 : memref<!tpu.dma_semaphore, #tpu.memory_space<semaphore_mem>>)
      %dma_wait3A_110 = arith.constant 0 : i32
      %dma_wait3A_111 = arith.constant 0 : i32
      %dma_wait3A_112 = tpu.memref_slice %arg4[%dma_wait3A_110, %dma_wait3A_111] : memref<10000x80xf32, #tpu.memory_space<hbm>> -> memref<125x80xf32, #tpu.memory_space<hbm>>
      %dma_wait3A_113 = arith.constant 0 : i32
      %dma_wait3A_114 = arith.constant 0 : i32
      %dma_wait3A_115 = tpu.memref_slice %arg4[%dma_wait3A_113, %dma_wait3A_114] : memref<10000x80xf32, #tpu.memory_space<hbm>> -> memref<125x80xf32, #tpu.memory_space<hbm>>
      tpu.wait_dma2 semaphore(%arg19 : memref<!tpu.dma_semaphore, #tpu.memory_space<semaphore_mem>>) src(%dma_wait3A_115 : memref<125x80xf32, #tpu.memory_space<hbm>>) dst(%arg9 : memref<125x80xf32, #tpu.memory_space<vmem>>)
      %dma_wait3A_116 = arith.constant 0 : i32
      %dma_wait3A_117 = arith.constant 0 : i32
      %dma_wait3A_118 = tpu.memref_slice %arg5[%dma_wait3A_116, %dma_wait3A_117] : memref<10000x16xf32, #tpu.memory_space<hbm>> -> memref<125x16xf32, #tpu.memory_space<hbm>>
      %dma_wait3A_119 = arith.constant 0 : i32
      %dma_wait3A_120 = arith.constant 0 : i32
      %dma_wait3A_121 = tpu.memref_slice %arg5[%dma_wait3A_119, %dma_wait3A_120] : memref<10000x16xf32, #tpu.memory_space<hbm>> -> memref<125x16xf32, #tpu.memory_space<hbm>>
      tpu.wait_dma2 semaphore(%arg23 : memref<!tpu.dma_semaphore, #tpu.memory_space<semaphore_mem>>) src(%dma_wait3A_121 : memref<125x16xf32, #tpu.memory_space<hbm>>) dst(%arg13 : memref<125x16xf32, #tpu.memory_space<vmem>>)
      %parallel_loop3A = arith.constant 0 : i32
      %parallel_loop3A_122 = arith.constant 125 : i32
      %parallel_loop3A_123 = arith.constant 1 : i32
      scf.for %parallel_loop3A_247 = %parallel_loop3A to %parallel_loop3A_122 step %parallel_loop3A_123  : i32 {
        %parallel_loop3A_248 = tpu.iota {dimensions = array<i32: 0>} : vector<16xi32>
        %parallel_loop3A_249 = arith.index_cast %parallel_loop3A_247 : i32 to index
        %parallel_loop3A_250 = arith.constant 64 : index
        %parallel_loop3A_251 = tpu.vector_load %arg9[%parallel_loop3A_249, %parallel_loop3A_250] {strides = array<i32>} : memref<125x80xf32, #tpu.memory_space<vmem>>, vector<1x16xf32>,
        %parallel_loop3A_252 = vector.shape_cast %parallel_loop3A_251 : vector<1x16xf32> to vector<16xf32>
        %parallel_loop3A_253 = arith.index_cast %parallel_loop3A_247 : i32 to index
        %parallel_loop3A_254 = arith.constant 0 : index
        %parallel_loop3A_255 = tpu.vector_load %arg13[%parallel_loop3A_253, %parallel_loop3A_254] {strides = array<i32>} : memref<125x16xf32, #tpu.memory_space<vmem>>, vector<1x16xf32>,
        %parallel_loop3A_256 = vector.shape_cast %parallel_loop3A_255 : vector<1x16xf32> to vector<16xf32>
        %parallel_loop3A_257 = arith.addf %parallel_loop3A_252, %parallel_loop3A_256 : vector<16xf32>
        %parallel_loop3A_258 = arith.constant 0.000000e+00 : f32
        %parallel_loop3A_259 = vector.broadcast %parallel_loop3A_258 : f32 to vector<16xf32>
        %parallel_loop3A_260 = arith.cmpf ogt, %parallel_loop3A_257, %parallel_loop3A_259 : vector<16xf32>
        %parallel_loop3A_261 = arith.constant 2.000000e-01 : f32
        %parallel_loop3A_262 = vector.broadcast %parallel_loop3A_261 : f32 to vector<16xf32>
        %parallel_loop3A_263 = arith.mulf %parallel_loop3A_262, %parallel_loop3A_257 : vector<16xf32>
        %parallel_loop3A_264 = arith.select %parallel_loop3A_260, %parallel_loop3A_257, %parallel_loop3A_263 : vector<16xi1>, vector<16xf32>
        %parallel_loop3A_265 = arith.constant 8 : i32
        %parallel_loop3A_266 = vector.broadcast %parallel_loop3A_265 : i32 to vector<16xi32>
        %parallel_loop3A_267 = arith.cmpi slt, %parallel_loop3A_248, %parallel_loop3A_266 : vector<16xi32>
        %parallel_loop3A_268 = math.exp %parallel_loop3A_264 : vector<16xf32>
        %parallel_loop3A_269 = arith.constant 0.000000e+00 : f32
        %parallel_loop3A_270 = vector.broadcast %parallel_loop3A_269 : f32 to vector<16xf32>
        %parallel_loop3A_271 = arith.select %parallel_loop3A_267, %parallel_loop3A_268, %parallel_loop3A_270 : vector<16xi1>, vector<16xf32>
        %parallel_loop3A_272 = arith.index_cast %parallel_loop3A_247 : i32 to index
        %parallel_loop3A_273 = arith.constant 64 : index
        %parallel_loop3A_274 = tpu.vector_load %arg9[%parallel_loop3A_272, %parallel_loop3A_273] {strides = array<i32>} : memref<125x80xf32, #tpu.memory_space<vmem>>, vector<1x16xf32>,
        %parallel_loop3A_275 = vector.shape_cast %parallel_loop3A_274 : vector<1x16xf32> to vector<16xf32>
        %parallel_loop3A_276 = vector.shape_cast %parallel_loop3A_271 : vector<16xf32> to vector<1x16xf32>
        tpu.vector_store %arg9[%parallel_loop3A_272, %parallel_loop3A_273], %parallel_loop3A_276 {strides = array<i32>} : memref<125x80xf32, #tpu.memory_space<vmem>>, vector<1x16xf32>,
        %parallel_loop3A_277 = arith.constant 3 : i32
        %parallel_loop3A_278 = vector.broadcast %parallel_loop3A_277 : i32 to vector<16xi32>
        %parallel_loop3A_279 = arith.shrsi %parallel_loop3A_248, %parallel_loop3A_278 : vector<16xi32>
        %parallel_loop3A_280 = arith.constant 0 : i32
        %parallel_loop3A_281 = vector.broadcast %parallel_loop3A_280 : i32 to vector<16xi32>
        %parallel_loop3A_282 = arith.addi %parallel_loop3A_279, %parallel_loop3A_281 : vector<16xi32>
        %parallel_loop3A_283 = arith.constant 0 : i32
        %parallel_loop3A_284 = vector.broadcast %parallel_loop3A_283 : i32 to vector<16xi32>
        %parallel_loop3A_285 = arith.cmpi slt, %parallel_loop3A_282, %parallel_loop3A_284 : vector<16xi32>
        %parallel_loop3A_286 = arith.constant 16 : i32
        %parallel_loop3A_287 = vector.broadcast %parallel_loop3A_286 : i32 to vector<16xi32>
        %parallel_loop3A_288 = arith.addi %parallel_loop3A_282, %parallel_loop3A_287 : vector<16xi32>
        %parallel_loop3A_289 = arith.select %parallel_loop3A_285, %parallel_loop3A_288, %parallel_loop3A_282 : vector<16xi1>, vector<16xi32>
        %parallel_loop3A_290 = vector.shape_cast %parallel_loop3A_289 : vector<16xi32> to vector<16x1xi32>
        %parallel_loop3A_291 = vector.shape_cast %parallel_loop3A_290 : vector<16x1xi32> to vector<16xi32>
        %parallel_loop3A_292 = tpu.dynamic_gather %parallel_loop3A_271[%parallel_loop3A_291] in [0] : vector<16xf32>, vector<16xi32> -> vector<16xf32>
        %parallel_loop3A_293 = arith.index_cast %parallel_loop3A_247 : i32 to index
        %parallel_loop3A_294 = arith.constant 0 : index
        %parallel_loop3A_295 = tpu.vector_load %arg9[%parallel_loop3A_293, %parallel_loop3A_294] {strides = array<i32>} : memref<125x80xf32, #tpu.memory_space<vmem>>, vector<1x16xf32>,
        %parallel_loop3A_296 = vector.shape_cast %parallel_loop3A_295 : vector<1x16xf32> to vector<16xf32>
        %parallel_loop3A_297 = arith.mulf %parallel_loop3A_296, %parallel_loop3A_292 : vector<16xf32>
        %parallel_loop3A_298 = arith.index_cast %parallel_loop3A_247 : i32 to index
        %parallel_loop3A_299 = arith.constant 0 : index
        %parallel_loop3A_300 = tpu.vector_load %arg9[%parallel_loop3A_298, %parallel_loop3A_299] {strides = array<i32>} : memref<125x80xf32, #tpu.memory_space<vmem>>, vector<1x16xf32>,
        %parallel_loop3A_301 = vector.shape_cast %parallel_loop3A_300 : vector<1x16xf32> to vector<16xf32>
        %parallel_loop3A_302 = vector.shape_cast %parallel_loop3A_297 : vector<16xf32> to vector<1x16xf32>
        tpu.vector_store %arg9[%parallel_loop3A_298, %parallel_loop3A_299], %parallel_loop3A_302 {strides = array<i32>} : memref<125x80xf32, #tpu.memory_space<vmem>>, vector<1x16xf32>,
        %parallel_loop3A_303 = arith.constant 2 : i32
        %parallel_loop3A_304 = vector.broadcast %parallel_loop3A_303 : i32 to vector<16xi32>
        %parallel_loop3A_305 = arith.addi %parallel_loop3A_279, %parallel_loop3A_304 : vector<16xi32>
        %parallel_loop3A_306 = arith.constant 0 : i32
        %parallel_loop3A_307 = vector.broadcast %parallel_loop3A_306 : i32 to vector<16xi32>
        %parallel_loop3A_308 = arith.cmpi slt, %parallel_loop3A_305, %parallel_loop3A_307 : vector<16xi32>
        %parallel_loop3A_309 = arith.constant 16 : i32
        %parallel_loop3A_310 = vector.broadcast %parallel_loop3A_309 : i32 to vector<16xi32>
        %parallel_loop3A_311 = arith.addi %parallel_loop3A_305, %parallel_loop3A_310 : vector<16xi32>
        %parallel_loop3A_312 = arith.select %parallel_loop3A_308, %parallel_loop3A_311, %parallel_loop3A_305 : vector<16xi1>, vector<16xi32>
        %parallel_loop3A_313 = vector.shape_cast %parallel_loop3A_312 : vector<16xi32> to vector<16x1xi32>
        %parallel_loop3A_314 = vector.shape_cast %parallel_loop3A_313 : vector<16x1xi32> to vector<16xi32>
        %parallel_loop3A_315 = tpu.dynamic_gather %parallel_loop3A_271[%parallel_loop3A_314] in [0] : vector<16xf32>, vector<16xi32> -> vector<16xf32>
        %parallel_loop3A_316 = arith.index_cast %parallel_loop3A_247 : i32 to index
        %parallel_loop3A_317 = arith.constant 16 : index
        %parallel_loop3A_318 = tpu.vector_load %arg9[%parallel_loop3A_316, %parallel_loop3A_317] {strides = array<i32>} : memref<125x80xf32, #tpu.memory_space<vmem>>, vector<1x16xf32>,
        %parallel_loop3A_319 = vector.shape_cast %parallel_loop3A_318 : vector<1x16xf32> to vector<16xf32>
        %parallel_loop3A_320 = arith.mulf %parallel_loop3A_319, %parallel_loop3A_315 : vector<16xf32>
        %parallel_loop3A_321 = arith.index_cast %parallel_loop3A_247 : i32 to index
        %parallel_loop3A_322 = arith.constant 16 : index
        %parallel_loop3A_323 = tpu.vector_load %arg9[%parallel_loop3A_321, %parallel_loop3A_322] {strides = array<i32>} : memref<125x80xf32, #tpu.memory_space<vmem>>, vector<1x16xf32>,
        %parallel_loop3A_324 = vector.shape_cast %parallel_loop3A_323 : vector<1x16xf32> to vector<16xf32>
        %parallel_loop3A_325 = vector.shape_cast %parallel_loop3A_320 : vector<16xf32> to vector<1x16xf32>
        tpu.vector_store %arg9[%parallel_loop3A_321, %parallel_loop3A_322], %parallel_loop3A_325 {strides = array<i32>} : memref<125x80xf32, #tpu.memory_space<vmem>>, vector<1x16xf32>,
        %parallel_loop3A_326 = arith.constant 4 : i32
        %parallel_loop3A_327 = vector.broadcast %parallel_loop3A_326 : i32 to vector<16xi32>
        %parallel_loop3A_328 = arith.addi %parallel_loop3A_279, %parallel_loop3A_327 : vector<16xi32>
        %parallel_loop3A_329 = arith.constant 0 : i32
        %parallel_loop3A_330 = vector.broadcast %parallel_loop3A_329 : i32 to vector<16xi32>
        %parallel_loop3A_331 = arith.cmpi slt, %parallel_loop3A_328, %parallel_loop3A_330 : vector<16xi32>
        %parallel_loop3A_332 = arith.constant 16 : i32
        %parallel_loop3A_333 = vector.broadcast %parallel_loop3A_332 : i32 to vector<16xi32>
        %parallel_loop3A_334 = arith.addi %parallel_loop3A_328, %parallel_loop3A_333 : vector<16xi32>
        %parallel_loop3A_335 = arith.select %parallel_loop3A_331, %parallel_loop3A_334, %parallel_loop3A_328 : vector<16xi1>, vector<16xi32>
        %parallel_loop3A_336 = vector.shape_cast %parallel_loop3A_335 : vector<16xi32> to vector<16x1xi32>
        %parallel_loop3A_337 = vector.shape_cast %parallel_loop3A_336 : vector<16x1xi32> to vector<16xi32>
        %parallel_loop3A_338 = tpu.dynamic_gather %parallel_loop3A_271[%parallel_loop3A_337] in [0] : vector<16xf32>, vector<16xi32> -> vector<16xf32>
        %parallel_loop3A_339 = arith.index_cast %parallel_loop3A_247 : i32 to index
        %parallel_loop3A_340 = arith.constant 32 : index
        %parallel_loop3A_341 = tpu.vector_load %arg9[%parallel_loop3A_339, %parallel_loop3A_340] {strides = array<i32>} : memref<125x80xf32, #tpu.memory_space<vmem>>, vector<1x16xf32>,
        %parallel_loop3A_342 = vector.shape_cast %parallel_loop3A_341 : vector<1x16xf32> to vector<16xf32>
        %parallel_loop3A_343 = arith.mulf %parallel_loop3A_342, %parallel_loop3A_338 : vector<16xf32>
        %parallel_loop3A_344 = arith.index_cast %parallel_loop3A_247 : i32 to index
        %parallel_loop3A_345 = arith.constant 32 : index
        %parallel_loop3A_346 = tpu.vector_load %arg9[%parallel_loop3A_344, %parallel_loop3A_345] {strides = array<i32>} : memref<125x80xf32, #tpu.memory_space<vmem>>, vector<1x16xf32>,
        %parallel_loop3A_347 = vector.shape_cast %parallel_loop3A_346 : vector<1x16xf32> to vector<16xf32>
        %parallel_loop3A_348 = vector.shape_cast %parallel_loop3A_343 : vector<16xf32> to vector<1x16xf32>
        tpu.vector_store %arg9[%parallel_loop3A_344, %parallel_loop3A_345], %parallel_loop3A_348 {strides = array<i32>} : memref<125x80xf32, #tpu.memory_space<vmem>>, vector<1x16xf32>,
        %parallel_loop3A_349 = arith.constant 6 : i32
        %parallel_loop3A_350 = vector.broadcast %parallel_loop3A_349 : i32 to vector<16xi32>
        %parallel_loop3A_351 = arith.addi %parallel_loop3A_279, %parallel_loop3A_350 : vector<16xi32>
        %parallel_loop3A_352 = arith.constant 0 : i32
        %parallel_loop3A_353 = vector.broadcast %parallel_loop3A_352 : i32 to vector<16xi32>
        %parallel_loop3A_354 = arith.cmpi slt, %parallel_loop3A_351, %parallel_loop3A_353 : vector<16xi32>
        %parallel_loop3A_355 = arith.constant 16 : i32
        %parallel_loop3A_356 = vector.broadcast %parallel_loop3A_355 : i32 to vector<16xi32>
        %parallel_loop3A_357 = arith.addi %parallel_loop3A_351, %parallel_loop3A_356 : vector<16xi32>
        %parallel_loop3A_358 = arith.select %parallel_loop3A_354, %parallel_loop3A_357, %parallel_loop3A_351 : vector<16xi1>, vector<16xi32>
        %parallel_loop3A_359 = vector.shape_cast %parallel_loop3A_358 : vector<16xi32> to vector<16x1xi32>
        %parallel_loop3A_360 = vector.shape_cast %parallel_loop3A_359 : vector<16x1xi32> to vector<16xi32>
        %parallel_loop3A_361 = tpu.dynamic_gather %parallel_loop3A_271[%parallel_loop3A_360] in [0] : vector<16xf32>, vector<16xi32> -> vector<16xf32>
        %parallel_loop3A_362 = arith.index_cast %parallel_loop3A_247 : i32 to index
        %parallel_loop3A_363 = arith.constant 48 : index
        %parallel_loop3A_364 = tpu.vector_load %arg9[%parallel_loop3A_362, %parallel_loop3A_363] {strides = array<i32>} : memref<125x80xf32, #tpu.memory_space<vmem>>, vector<1x16xf32>,
        %parallel_loop3A_365 = vector.shape_cast %parallel_loop3A_364 : vector<1x16xf32> to vector<16xf32>
        %parallel_loop3A_366 = arith.mulf %parallel_loop3A_365, %parallel_loop3A_361 : vector<16xf32>
        %parallel_loop3A_367 = arith.index_cast %parallel_loop3A_247 : i32 to index
        %parallel_loop3A_368 = arith.constant 48 : index
        %parallel_loop3A_369 = tpu.vector_load %arg9[%parallel_loop3A_367, %parallel_loop3A_368] {strides = array<i32>} : memref<125x80xf32, #tpu.memory_space<vmem>>, vector<1x16xf32>,
        %parallel_loop3A_370 = vector.shape_cast %parallel_loop3A_369 : vector<1x16xf32> to vector<16xf32>
        %parallel_loop3A_371 = vector.shape_cast %parallel_loop3A_366 : vector<16xf32> to vector<1x16xf32>
        tpu.vector_store %arg9[%parallel_loop3A_367, %parallel_loop3A_368], %parallel_loop3A_371 {strides = array<i32>} : memref<125x80xf32, #tpu.memory_space<vmem>>, vector<1x16xf32>,
      } {sc.loop_unroll_factor = 5 : i64, sc.parallel_access}
      %dma_start3A_124 = arith.constant 0 : i32
      %dma_start3A_125 = tpu.memref_slice %arg8[%add3A_93, %dma_start3A_124] : memref<80x125xi32, #tpu.memory_space<vmem>> -> memref<1x125xi32, #tpu.memory_space<vmem>>
      %dma_start3A_126 = tpu.memref_squeeze %dma_start3A_125 : memref<1x125xi32, #tpu.memory_space<vmem>> -> memref<125xi32, #tpu.memory_space<vmem>>
      %dma_start3A_127 = arith.constant 0 : i32
      %dma_start3A_128 = arith.constant 0 : i32
      %dma_start3A_129 = tpu.memref_slice %arg18[%dma_start3A_127, %dma_start3A_128] : memref<10240x80xf32, #tpu.memory_space<vmem_shared>> -> memref<10240x80xf32, #tpu.memory_space<vmem_shared>>
      tpu.enqueue_indirect_dma source(%arg9 : memref<125x80xf32, #tpu.memory_space<vmem>>) target(%dma_start3A_129 : memref<10240x80xf32, #tpu.memory_space<vmem_shared>>) offsets(%dma_start3A_126 : memref<125xi32, #tpu.memory_space<vmem>>) semaphore(%arg27 : memref<!tpu.dma_semaphore, #tpu.memory_space<semaphore_mem>>) {add = true}
      %add3A_130 = arith.constant 1 : i32
      %add3A_131 = arith.addi %mul3A_91, %add3A_130 : i32
      %ge3A_132 = arith.constant 1 : i32
      %ge3A_133 = arith.cmpi sge, %add3A_89, %ge3A_132 : i32
      %convert_element_type3A_134 = arith.extui %ge3A_133 : i1 to i32
      %cond3A_135 = arith.constant 0 : i32
      %cond3A_136 = arith.cmpi ne, %convert_element_type3A_134, %cond3A_135 : i32
      scf.if %cond3A_136 {
        %dma_wait3A_247 = arith.constant 0 : i32
        %dma_wait3A_248 = arith.constant 0 : i32
        %dma_wait3A_249 = tpu.memref_slice %arg4[%dma_wait3A_247, %dma_wait3A_248] : memref<10000x80xf32, #tpu.memory_space<hbm>> -> memref<125x80xf32, #tpu.memory_space<hbm>>
        %dma_wait3A_250 = arith.constant 0 : i32
        %dma_wait3A_251 = arith.constant 0 : i32
        %dma_wait3A_252 = tpu.memref_slice %arg4[%dma_wait3A_250, %dma_wait3A_251] : memref<10000x80xf32, #tpu.memory_space<hbm>> -> memref<125x80xf32, #tpu.memory_space<hbm>>
        tpu.wait_dma2 semaphore(%arg29 : memref<!tpu.dma_semaphore, #tpu.memory_space<semaphore_mem>>) src(%dma_wait3A_252 : memref<125x80xf32, #tpu.memory_space<hbm>>) dst(%arg11 : memref<125x80xf32, #tpu.memory_space<vmem>>)
      } else {
      }
      %add3A_137 = arith.constant 1 : i32
      %add3A_138 = arith.addi %add3A_131, %add3A_137 : i32
      %dma_start3A_139 = arith.constant 0 : i32
      %dma_start3A_140 = tpu.memref_slice %arg7[%add3A_138, %dma_start3A_139] : memref<80x125xi32, #tpu.memory_space<vmem>> -> memref<1x125xi32, #tpu.memory_space<vmem>>
      %dma_start3A_141 = tpu.memref_squeeze %dma_start3A_140 : memref<1x125xi32, #tpu.memory_space<vmem>> -> memref<125xi32, #tpu.memory_space<vmem>>
      %dma_start3A_142 = arith.constant 0 : i32
      %dma_start3A_143 = arith.constant 0 : i32
      %dma_start3A_144 = tpu.memref_slice %arg4[%dma_start3A_142, %dma_start3A_143] : memref<10000x80xf32, #tpu.memory_space<hbm>> -> memref<10000x80xf32, #tpu.memory_space<hbm>>
      tpu.enqueue_indirect_dma source(%dma_start3A_144 : memref<10000x80xf32, #tpu.memory_space<hbm>>) target(%arg11 : memref<125x80xf32, #tpu.memory_space<vmem>>) offsets(%dma_start3A_141 : memref<125xi32, #tpu.memory_space<vmem>>) semaphore(%arg21 : memref<!tpu.dma_semaphore, #tpu.memory_space<semaphore_mem>>)
      %dma_start3A_145 = arith.constant 0 : i32
      %dma_start3A_146 = tpu.memref_slice %arg8[%add3A_138, %dma_start3A_145] : memref<80x125xi32, #tpu.memory_space<vmem>> -> memref<1x125xi32, #tpu.memory_space<vmem>>
      %dma_start3A_147 = tpu.memref_squeeze %dma_start3A_146 : memref<1x125xi32, #tpu.memory_space<vmem>> -> memref<125xi32, #tpu.memory_space<vmem>>
      %dma_start3A_148 = arith.constant 0 : i32
      %dma_start3A_149 = arith.constant 0 : i32
      %dma_start3A_150 = tpu.memref_slice %arg5[%dma_start3A_148, %dma_start3A_149] : memref<10000x16xf32, #tpu.memory_space<hbm>> -> memref<10000x16xf32, #tpu.memory_space<hbm>>
      tpu.enqueue_indirect_dma source(%dma_start3A_150 : memref<10000x16xf32, #tpu.memory_space<hbm>>) target(%arg15 : memref<125x16xf32, #tpu.memory_space<vmem>>) offsets(%dma_start3A_147 : memref<125xi32, #tpu.memory_space<vmem>>) semaphore(%arg25 : memref<!tpu.dma_semaphore, #tpu.memory_space<semaphore_mem>>)
      %dma_wait3A_151 = arith.constant 0 : i32
      %dma_wait3A_152 = arith.constant 0 : i32
      %dma_wait3A_153 = tpu.memref_slice %arg4[%dma_wait3A_151, %dma_wait3A_152] : memref<10000x80xf32, #tpu.memory_space<hbm>> -> memref<125x80xf32, #tpu.memory_space<hbm>>
      %dma_wait3A_154 = arith.constant 0 : i32
      %dma_wait3A_155 = arith.constant 0 : i32
      %dma_wait3A_156 = tpu.memref_slice %arg4[%dma_wait3A_154, %dma_wait3A_155] : memref<10000x80xf32, #tpu.memory_space<hbm>> -> memref<125x80xf32, #tpu.memory_space<hbm>>
      tpu.wait_dma2 semaphore(%arg20 : memref<!tpu.dma_semaphore, #tpu.memory_space<semaphore_mem>>) src(%dma_wait3A_156 : memref<125x80xf32, #tpu.memory_space<hbm>>) dst(%arg10 : memref<125x80xf32, #tpu.memory_space<vmem>>)
      %dma_wait3A_157 = arith.constant 0 : i32
      %dma_wait3A_158 = arith.constant 0 : i32
      %dma_wait3A_159 = tpu.memref_slice %arg5[%dma_wait3A_157, %dma_wait3A_158] : memref<10000x16xf32, #tpu.memory_space<hbm>> -> memref<125x16xf32, #tpu.memory_space<hbm>>
      %dma_wait3A_160 = arith.constant 0 : i32
      %dma_wait3A_161 = arith.constant 0 : i32
      %dma_wait3A_162 = tpu.memref_slice %arg5[%dma_wait3A_160, %dma_wait3A_161] : memref<10000x16xf32, #tpu.memory_space<hbm>> -> memref<125x16xf32, #tpu.memory_space<hbm>>
      tpu.wait_dma2 semaphore(%arg24 : memref<!tpu.dma_semaphore, #tpu.memory_space<semaphore_mem>>) src(%dma_wait3A_162 : memref<125x16xf32, #tpu.memory_space<hbm>>) dst(%arg14 : memref<125x16xf32, #tpu.memory_space<vmem>>)
      %parallel_loop3A_163 = arith.constant 0 : i32
      %parallel_loop3A_164 = arith.constant 125 : i32
      %parallel_loop3A_165 = arith.constant 1 : i32
      scf.for %parallel_loop3A_247 = %parallel_loop3A_163 to %parallel_loop3A_164 step %parallel_loop3A_165  : i32 {
        %parallel_loop3A_248 = tpu.iota {dimensions = array<i32: 0>} : vector<16xi32>
        %parallel_loop3A_249 = arith.index_cast %parallel_loop3A_247 : i32 to index
        %parallel_loop3A_250 = arith.constant 64 : index
        %parallel_loop3A_251 = tpu.vector_load %arg10[%parallel_loop3A_249, %parallel_loop3A_250] {strides = array<i32>} : memref<125x80xf32, #tpu.memory_space<vmem>>, vector<1x16xf32>,
        %parallel_loop3A_252 = vector.shape_cast %parallel_loop3A_251 : vector<1x16xf32> to vector<16xf32>
        %parallel_loop3A_253 = arith.index_cast %parallel_loop3A_247 : i32 to index
        %parallel_loop3A_254 = arith.constant 0 : index
        %parallel_loop3A_255 = tpu.vector_load %arg14[%parallel_loop3A_253, %parallel_loop3A_254] {strides = array<i32>} : memref<125x16xf32, #tpu.memory_space<vmem>>, vector<1x16xf32>,
        %parallel_loop3A_256 = vector.shape_cast %parallel_loop3A_255 : vector<1x16xf32> to vector<16xf32>
        %parallel_loop3A_257 = arith.addf %parallel_loop3A_252, %parallel_loop3A_256 : vector<16xf32>
        %parallel_loop3A_258 = arith.constant 0.000000e+00 : f32
        %parallel_loop3A_259 = vector.broadcast %parallel_loop3A_258 : f32 to vector<16xf32>
        %parallel_loop3A_260 = arith.cmpf ogt, %parallel_loop3A_257, %parallel_loop3A_259 : vector<16xf32>
        %parallel_loop3A_261 = arith.constant 2.000000e-01 : f32
        %parallel_loop3A_262 = vector.broadcast %parallel_loop3A_261 : f32 to vector<16xf32>
        %parallel_loop3A_263 = arith.mulf %parallel_loop3A_262, %parallel_loop3A_257 : vector<16xf32>
        %parallel_loop3A_264 = arith.select %parallel_loop3A_260, %parallel_loop3A_257, %parallel_loop3A_263 : vector<16xi1>, vector<16xf32>
        %parallel_loop3A_265 = arith.constant 8 : i32
        %parallel_loop3A_266 = vector.broadcast %parallel_loop3A_265 : i32 to vector<16xi32>
        %parallel_loop3A_267 = arith.cmpi slt, %parallel_loop3A_248, %parallel_loop3A_266 : vector<16xi32>
        %parallel_loop3A_268 = math.exp %parallel_loop3A_264 : vector<16xf32>
        %parallel_loop3A_269 = arith.constant 0.000000e+00 : f32
        %parallel_loop3A_270 = vector.broadcast %parallel_loop3A_269 : f32 to vector<16xf32>
        %parallel_loop3A_271 = arith.select %parallel_loop3A_267, %parallel_loop3A_268, %parallel_loop3A_270 : vector<16xi1>, vector<16xf32>
        %parallel_loop3A_272 = arith.index_cast %parallel_loop3A_247 : i32 to index
        %parallel_loop3A_273 = arith.constant 64 : index
        %parallel_loop3A_274 = tpu.vector_load %arg10[%parallel_loop3A_272, %parallel_loop3A_273] {strides = array<i32>} : memref<125x80xf32, #tpu.memory_space<vmem>>, vector<1x16xf32>,
        %parallel_loop3A_275 = vector.shape_cast %parallel_loop3A_274 : vector<1x16xf32> to vector<16xf32>
        %parallel_loop3A_276 = vector.shape_cast %parallel_loop3A_271 : vector<16xf32> to vector<1x16xf32>
        tpu.vector_store %arg10[%parallel_loop3A_272, %parallel_loop3A_273], %parallel_loop3A_276 {strides = array<i32>} : memref<125x80xf32, #tpu.memory_space<vmem>>, vector<1x16xf32>,
        %parallel_loop3A_277 = arith.constant 3 : i32
        %parallel_loop3A_278 = vector.broadcast %parallel_loop3A_277 : i32 to vector<16xi32>
        %parallel_loop3A_279 = arith.shrsi %parallel_loop3A_248, %parallel_loop3A_278 : vector<16xi32>
        %parallel_loop3A_280 = arith.constant 0 : i32
        %parallel_loop3A_281 = vector.broadcast %parallel_loop3A_280 : i32 to vector<16xi32>
        %parallel_loop3A_282 = arith.addi %parallel_loop3A_279, %parallel_loop3A_281 : vector<16xi32>
        %parallel_loop3A_283 = arith.constant 0 : i32
        %parallel_loop3A_284 = vector.broadcast %parallel_loop3A_283 : i32 to vector<16xi32>
        %parallel_loop3A_285 = arith.cmpi slt, %parallel_loop3A_282, %parallel_loop3A_284 : vector<16xi32>
        %parallel_loop3A_286 = arith.constant 16 : i32
        %parallel_loop3A_287 = vector.broadcast %parallel_loop3A_286 : i32 to vector<16xi32>
        %parallel_loop3A_288 = arith.addi %parallel_loop3A_282, %parallel_loop3A_287 : vector<16xi32>
        %parallel_loop3A_289 = arith.select %parallel_loop3A_285, %parallel_loop3A_288, %parallel_loop3A_282 : vector<16xi1>, vector<16xi32>
        %parallel_loop3A_290 = vector.shape_cast %parallel_loop3A_289 : vector<16xi32> to vector<16x1xi32>
        %parallel_loop3A_291 = vector.shape_cast %parallel_loop3A_290 : vector<16x1xi32> to vector<16xi32>
        %parallel_loop3A_292 = tpu.dynamic_gather %parallel_loop3A_271[%parallel_loop3A_291] in [0] : vector<16xf32>, vector<16xi32> -> vector<16xf32>
        %parallel_loop3A_293 = arith.index_cast %parallel_loop3A_247 : i32 to index
        %parallel_loop3A_294 = arith.constant 0 : index
        %parallel_loop3A_295 = tpu.vector_load %arg10[%parallel_loop3A_293, %parallel_loop3A_294] {strides = array<i32>} : memref<125x80xf32, #tpu.memory_space<vmem>>, vector<1x16xf32>,
        %parallel_loop3A_296 = vector.shape_cast %parallel_loop3A_295 : vector<1x16xf32> to vector<16xf32>
        %parallel_loop3A_297 = arith.mulf %parallel_loop3A_296, %parallel_loop3A_292 : vector<16xf32>
        %parallel_loop3A_298 = arith.index_cast %parallel_loop3A_247 : i32 to index
        %parallel_loop3A_299 = arith.constant 0 : index
        %parallel_loop3A_300 = tpu.vector_load %arg10[%parallel_loop3A_298, %parallel_loop3A_299] {strides = array<i32>} : memref<125x80xf32, #tpu.memory_space<vmem>>, vector<1x16xf32>,
        %parallel_loop3A_301 = vector.shape_cast %parallel_loop3A_300 : vector<1x16xf32> to vector<16xf32>
        %parallel_loop3A_302 = vector.shape_cast %parallel_loop3A_297 : vector<16xf32> to vector<1x16xf32>
        tpu.vector_store %arg10[%parallel_loop3A_298, %parallel_loop3A_299], %parallel_loop3A_302 {strides = array<i32>} : memref<125x80xf32, #tpu.memory_space<vmem>>, vector<1x16xf32>,
        %parallel_loop3A_303 = arith.constant 2 : i32
        %parallel_loop3A_304 = vector.broadcast %parallel_loop3A_303 : i32 to vector<16xi32>
        %parallel_loop3A_305 = arith.addi %parallel_loop3A_279, %parallel_loop3A_304 : vector<16xi32>
        %parallel_loop3A_306 = arith.constant 0 : i32
        %parallel_loop3A_307 = vector.broadcast %parallel_loop3A_306 : i32 to vector<16xi32>
        %parallel_loop3A_308 = arith.cmpi slt, %parallel_loop3A_305, %parallel_loop3A_307 : vector<16xi32>
        %parallel_loop3A_309 = arith.constant 16 : i32
        %parallel_loop3A_310 = vector.broadcast %parallel_loop3A_309 : i32 to vector<16xi32>
        %parallel_loop3A_311 = arith.addi %parallel_loop3A_305, %parallel_loop3A_310 : vector<16xi32>
        %parallel_loop3A_312 = arith.select %parallel_loop3A_308, %parallel_loop3A_311, %parallel_loop3A_305 : vector<16xi1>, vector<16xi32>
        %parallel_loop3A_313 = vector.shape_cast %parallel_loop3A_312 : vector<16xi32> to vector<16x1xi32>
        %parallel_loop3A_314 = vector.shape_cast %parallel_loop3A_313 : vector<16x1xi32> to vector<16xi32>
        %parallel_loop3A_315 = tpu.dynamic_gather %parallel_loop3A_271[%parallel_loop3A_314] in [0] : vector<16xf32>, vector<16xi32> -> vector<16xf32>
        %parallel_loop3A_316 = arith.index_cast %parallel_loop3A_247 : i32 to index
        %parallel_loop3A_317 = arith.constant 16 : index
        %parallel_loop3A_318 = tpu.vector_load %arg10[%parallel_loop3A_316, %parallel_loop3A_317] {strides = array<i32>} : memref<125x80xf32, #tpu.memory_space<vmem>>, vector<1x16xf32>,
        %parallel_loop3A_319 = vector.shape_cast %parallel_loop3A_318 : vector<1x16xf32> to vector<16xf32>
        %parallel_loop3A_320 = arith.mulf %parallel_loop3A_319, %parallel_loop3A_315 : vector<16xf32>
        %parallel_loop3A_321 = arith.index_cast %parallel_loop3A_247 : i32 to index
        %parallel_loop3A_322 = arith.constant 16 : index
        %parallel_loop3A_323 = tpu.vector_load %arg10[%parallel_loop3A_321, %parallel_loop3A_322] {strides = array<i32>} : memref<125x80xf32, #tpu.memory_space<vmem>>, vector<1x16xf32>,
        %parallel_loop3A_324 = vector.shape_cast %parallel_loop3A_323 : vector<1x16xf32> to vector<16xf32>
        %parallel_loop3A_325 = vector.shape_cast %parallel_loop3A_320 : vector<16xf32> to vector<1x16xf32>
        tpu.vector_store %arg10[%parallel_loop3A_321, %parallel_loop3A_322], %parallel_loop3A_325 {strides = array<i32>} : memref<125x80xf32, #tpu.memory_space<vmem>>, vector<1x16xf32>,
        %parallel_loop3A_326 = arith.constant 4 : i32
        %parallel_loop3A_327 = vector.broadcast %parallel_loop3A_326 : i32 to vector<16xi32>
        %parallel_loop3A_328 = arith.addi %parallel_loop3A_279, %parallel_loop3A_327 : vector<16xi32>
        %parallel_loop3A_329 = arith.constant 0 : i32
        %parallel_loop3A_330 = vector.broadcast %parallel_loop3A_329 : i32 to vector<16xi32>
        %parallel_loop3A_331 = arith.cmpi slt, %parallel_loop3A_328, %parallel_loop3A_330 : vector<16xi32>
        %parallel_loop3A_332 = arith.constant 16 : i32
        %parallel_loop3A_333 = vector.broadcast %parallel_loop3A_332 : i32 to vector<16xi32>
        %parallel_loop3A_334 = arith.addi %parallel_loop3A_328, %parallel_loop3A_333 : vector<16xi32>
        %parallel_loop3A_335 = arith.select %parallel_loop3A_331, %parallel_loop3A_334, %parallel_loop3A_328 : vector<16xi1>, vector<16xi32>
        %parallel_loop3A_336 = vector.shape_cast %parallel_loop3A_335 : vector<16xi32> to vector<16x1xi32>
        %parallel_loop3A_337 = vector.shape_cast %parallel_loop3A_336 : vector<16x1xi32> to vector<16xi32>
        %parallel_loop3A_338 = tpu.dynamic_gather %parallel_loop3A_271[%parallel_loop3A_337] in [0] : vector<16xf32>, vector<16xi32> -> vector<16xf32>
        %parallel_loop3A_339 = arith.index_cast %parallel_loop3A_247 : i32 to index
        %parallel_loop3A_340 = arith.constant 32 : index
        %parallel_loop3A_341 = tpu.vector_load %arg10[%parallel_loop3A_339, %parallel_loop3A_340] {strides = array<i32>} : memref<125x80xf32, #tpu.memory_space<vmem>>, vector<1x16xf32>,
        %parallel_loop3A_342 = vector.shape_cast %parallel_loop3A_341 : vector<1x16xf32> to vector<16xf32>
        %parallel_loop3A_343 = arith.mulf %parallel_loop3A_342, %parallel_loop3A_338 : vector<16xf32>
        %parallel_loop3A_344 = arith.index_cast %parallel_loop3A_247 : i32 to index
        %parallel_loop3A_345 = arith.constant 32 : index
        %parallel_loop3A_346 = tpu.vector_load %arg10[%parallel_loop3A_344, %parallel_loop3A_345] {strides = array<i32>} : memref<125x80xf32, #tpu.memory_space<vmem>>, vector<1x16xf32>,
        %parallel_loop3A_347 = vector.shape_cast %parallel_loop3A_346 : vector<1x16xf32> to vector<16xf32>
        %parallel_loop3A_348 = vector.shape_cast %parallel_loop3A_343 : vector<16xf32> to vector<1x16xf32>
        tpu.vector_store %arg10[%parallel_loop3A_344, %parallel_loop3A_345], %parallel_loop3A_348 {strides = array<i32>} : memref<125x80xf32, #tpu.memory_space<vmem>>, vector<1x16xf32>,
        %parallel_loop3A_349 = arith.constant 6 : i32
        %parallel_loop3A_350 = vector.broadcast %parallel_loop3A_349 : i32 to vector<16xi32>
        %parallel_loop3A_351 = arith.addi %parallel_loop3A_279, %parallel_loop3A_350 : vector<16xi32>
        %parallel_loop3A_352 = arith.constant 0 : i32
        %parallel_loop3A_353 = vector.broadcast %parallel_loop3A_352 : i32 to vector<16xi32>
        %parallel_loop3A_354 = arith.cmpi slt, %parallel_loop3A_351, %parallel_loop3A_353 : vector<16xi32>
        %parallel_loop3A_355 = arith.constant 16 : i32
        %parallel_loop3A_356 = vector.broadcast %parallel_loop3A_355 : i32 to vector<16xi32>
        %parallel_loop3A_357 = arith.addi %parallel_loop3A_351, %parallel_loop3A_356 : vector<16xi32>
        %parallel_loop3A_358 = arith.select %parallel_loop3A_354, %parallel_loop3A_357, %parallel_loop3A_351 : vector<16xi1>, vector<16xi32>
        %parallel_loop3A_359 = vector.shape_cast %parallel_loop3A_358 : vector<16xi32> to vector<16x1xi32>
        %parallel_loop3A_360 = vector.shape_cast %parallel_loop3A_359 : vector<16x1xi32> to vector<16xi32>
        %parallel_loop3A_361 = tpu.dynamic_gather %parallel_loop3A_271[%parallel_loop3A_360] in [0] : vector<16xf32>, vector<16xi32> -> vector<16xf32>
        %parallel_loop3A_362 = arith.index_cast %parallel_loop3A_247 : i32 to index
        %parallel_loop3A_363 = arith.constant 48 : index
        %parallel_loop3A_364 = tpu.vector_load %arg10[%parallel_loop3A_362, %parallel_loop3A_363] {strides = array<i32>} : memref<125x80xf32, #tpu.memory_space<vmem>>, vector<1x16xf32>,
        %parallel_loop3A_365 = vector.shape_cast %parallel_loop3A_364 : vector<1x16xf32> to vector<16xf32>
        %parallel_loop3A_366 = arith.mulf %parallel_loop3A_365, %parallel_loop3A_361 : vector<16xf32>
        %parallel_loop3A_367 = arith.index_cast %parallel_loop3A_247 : i32 to index
        %parallel_loop3A_368 = arith.constant 48 : index
        %parallel_loop3A_369 = tpu.vector_load %arg10[%parallel_loop3A_367, %parallel_loop3A_368] {strides = array<i32>} : memref<125x80xf32, #tpu.memory_space<vmem>>, vector<1x16xf32>,
        %parallel_loop3A_370 = vector.shape_cast %parallel_loop3A_369 : vector<1x16xf32> to vector<16xf32>
        %parallel_loop3A_371 = vector.shape_cast %parallel_loop3A_366 : vector<16xf32> to vector<1x16xf32>
        tpu.vector_store %arg10[%parallel_loop3A_367, %parallel_loop3A_368], %parallel_loop3A_371 {strides = array<i32>} : memref<125x80xf32, #tpu.memory_space<vmem>>, vector<1x16xf32>,
      } {sc.loop_unroll_factor = 5 : i64, sc.parallel_access}
      %dma_start3A_166 = arith.constant 0 : i32
      %dma_start3A_167 = tpu.memref_slice %arg8[%add3A_131, %dma_start3A_166] : memref<80x125xi32, #tpu.memory_space<vmem>> -> memref<1x125xi32, #tpu.memory_space<vmem>>
      %dma_start3A_168 = tpu.memref_squeeze %dma_start3A_167 : memref<1x125xi32, #tpu.memory_space<vmem>> -> memref<125xi32, #tpu.memory_space<vmem>>
      %dma_start3A_169 = arith.constant 0 : i32
      %dma_start3A_170 = arith.constant 0 : i32
      %dma_start3A_171 = tpu.memref_slice %arg18[%dma_start3A_169, %dma_start3A_170] : memref<10240x80xf32, #tpu.memory_space<vmem_shared>> -> memref<10240x80xf32, #tpu.memory_space<vmem_shared>>
      tpu.enqueue_indirect_dma source(%arg10 : memref<125x80xf32, #tpu.memory_space<vmem>>) target(%dma_start3A_171 : memref<10240x80xf32, #tpu.memory_space<vmem_shared>>) offsets(%dma_start3A_168 : memref<125xi32, #tpu.memory_space<vmem>>) semaphore(%arg28 : memref<!tpu.dma_semaphore, #tpu.memory_space<semaphore_mem>>) {add = true}
      %add3A_172 = arith.constant 2 : i32
      %add3A_173 = arith.addi %mul3A_91, %add3A_172 : i32
      %ge3A_174 = arith.constant 1 : i32
      %ge3A_175 = arith.cmpi sge, %add3A_89, %ge3A_174 : i32
      %convert_element_type3A_176 = arith.extui %ge3A_175 : i1 to i32
      %cond3A_177 = arith.constant 0 : i32
      %cond3A_178 = arith.cmpi ne, %convert_element_type3A_176, %cond3A_177 : i32
      scf.if %cond3A_178 {
        %dma_wait3A_247 = arith.constant 0 : i32
        %dma_wait3A_248 = arith.constant 0 : i32
        %dma_wait3A_249 = tpu.memref_slice %arg4[%dma_wait3A_247, %dma_wait3A_248] : memref<10000x80xf32, #tpu.memory_space<hbm>> -> memref<125x80xf32, #tpu.memory_space<hbm>>
        %dma_wait3A_250 = arith.constant 0 : i32
        %dma_wait3A_251 = arith.constant 0 : i32
        %dma_wait3A_252 = tpu.memref_slice %arg4[%dma_wait3A_250, %dma_wait3A_251] : memref<10000x80xf32, #tpu.memory_space<hbm>> -> memref<125x80xf32, #tpu.memory_space<hbm>>
        tpu.wait_dma2 semaphore(%arg30 : memref<!tpu.dma_semaphore, #tpu.memory_space<semaphore_mem>>) src(%dma_wait3A_252 : memref<125x80xf32, #tpu.memory_space<hbm>>) dst(%arg12 : memref<125x80xf32, #tpu.memory_space<vmem>>)
      } else {
      }
      %add3A_179 = arith.constant 1 : i32
      %add3A_180 = arith.addi %add3A_173, %add3A_179 : i32
      %dma_start3A_181 = arith.constant 0 : i32
      %dma_start3A_182 = tpu.memref_slice %arg7[%add3A_180, %dma_start3A_181] : memref<80x125xi32, #tpu.memory_space<vmem>> -> memref<1x125xi32, #tpu.memory_space<vmem>>
      %dma_start3A_183 = tpu.memref_squeeze %dma_start3A_182 : memref<1x125xi32, #tpu.memory_space<vmem>> -> memref<125xi32, #tpu.memory_space<vmem>>
      %dma_start3A_184 = arith.constant 0 : i32
      %dma_start3A_185 = arith.constant 0 : i32
      %dma_start3A_186 = tpu.memref_slice %arg4[%dma_start3A_184, %dma_start3A_185] : memref<10000x80xf32, #tpu.memory_space<hbm>> -> memref<10000x80xf32, #tpu.memory_space<hbm>>
      tpu.enqueue_indirect_dma source(%dma_start3A_186 : memref<10000x80xf32, #tpu.memory_space<hbm>>) target(%arg12 : memref<125x80xf32, #tpu.memory_space<vmem>>) offsets(%dma_start3A_183 : memref<125xi32, #tpu.memory_space<vmem>>) semaphore(%arg22 : memref<!tpu.dma_semaphore, #tpu.memory_space<semaphore_mem>>)
      %dma_start3A_187 = arith.constant 0 : i32
      %dma_start3A_188 = tpu.memref_slice %arg8[%add3A_180, %dma_start3A_187] : memref<80x125xi32, #tpu.memory_space<vmem>> -> memref<1x125xi32, #tpu.memory_space<vmem>>
      %dma_start3A_189 = tpu.memref_squeeze %dma_start3A_188 : memref<1x125xi32, #tpu.memory_space<vmem>> -> memref<125xi32, #tpu.memory_space<vmem>>
      %dma_start3A_190 = arith.constant 0 : i32
      %dma_start3A_191 = arith.constant 0 : i32
      %dma_start3A_192 = tpu.memref_slice %arg5[%dma_start3A_190, %dma_start3A_191] : memref<10000x16xf32, #tpu.memory_space<hbm>> -> memref<10000x16xf32, #tpu.memory_space<hbm>>
      tpu.enqueue_indirect_dma source(%dma_start3A_192 : memref<10000x16xf32, #tpu.memory_space<hbm>>) target(%arg16 : memref<125x16xf32, #tpu.memory_space<vmem>>) offsets(%dma_start3A_189 : memref<125xi32, #tpu.memory_space<vmem>>) semaphore(%arg26 : memref<!tpu.dma_semaphore, #tpu.memory_space<semaphore_mem>>)
      %dma_wait3A_193 = arith.constant 0 : i32
      %dma_wait3A_194 = arith.constant 0 : i32
      %dma_wait3A_195 = tpu.memref_slice %arg4[%dma_wait3A_193, %dma_wait3A_194] : memref<10000x80xf32, #tpu.memory_space<hbm>> -> memref<125x80xf32, #tpu.memory_space<hbm>>
      %dma_wait3A_196 = arith.constant 0 : i32
      %dma_wait3A_197 = arith.constant 0 : i32
      %dma_wait3A_198 = tpu.memref_slice %arg4[%dma_wait3A_196, %dma_wait3A_197] : memref<10000x80xf32, #tpu.memory_space<hbm>> -> memref<125x80xf32, #tpu.memory_space<hbm>>
      tpu.wait_dma2 semaphore(%arg21 : memref<!tpu.dma_semaphore, #tpu.memory_space<semaphore_mem>>) src(%dma_wait3A_198 : memref<125x80xf32, #tpu.memory_space<hbm>>) dst(%arg11 : memref<125x80xf32, #tpu.memory_space<vmem>>)
      %dma_wait3A_199 = arith.constant 0 : i32
      %dma_wait3A_200 = arith.constant 0 : i32
      %dma_wait3A_201 = tpu.memref_slice %arg5[%dma_wait3A_199, %dma_wait3A_200] : memref<10000x16xf32, #tpu.memory_space<hbm>> -> memref<125x16xf32, #tpu.memory_space<hbm>>
      %dma_wait3A_202 = arith.constant 0 : i32
      %dma_wait3A_203 = arith.constant 0 : i32
      %dma_wait3A_204 = tpu.memref_slice %arg5[%dma_wait3A_202, %dma_wait3A_203] : memref<10000x16xf32, #tpu.memory_space<hbm>> -> memref<125x16xf32, #tpu.memory_space<hbm>>
      tpu.wait_dma2 semaphore(%arg25 : memref<!tpu.dma_semaphore, #tpu.memory_space<semaphore_mem>>) src(%dma_wait3A_204 : memref<125x16xf32, #tpu.memory_space<hbm>>) dst(%arg15 : memref<125x16xf32, #tpu.memory_space<vmem>>)
      %parallel_loop3A_205 = arith.constant 0 : i32
      %parallel_loop3A_206 = arith.constant 125 : i32
      %parallel_loop3A_207 = arith.constant 1 : i32
      scf.for %parallel_loop3A_247 = %parallel_loop3A_205 to %parallel_loop3A_206 step %parallel_loop3A_207  : i32 {
        %parallel_loop3A_248 = tpu.iota {dimensions = array<i32: 0>} : vector<16xi32>
        %parallel_loop3A_249 = arith.index_cast %parallel_loop3A_247 : i32 to index
        %parallel_loop3A_250 = arith.constant 64 : index
        %parallel_loop3A_251 = tpu.vector_load %arg11[%parallel_loop3A_249, %parallel_loop3A_250] {strides = array<i32>} : memref<125x80xf32, #tpu.memory_space<vmem>>, vector<1x16xf32>,
        %parallel_loop3A_252 = vector.shape_cast %parallel_loop3A_251 : vector<1x16xf32> to vector<16xf32>
        %parallel_loop3A_253 = arith.index_cast %parallel_loop3A_247 : i32 to index
        %parallel_loop3A_254 = arith.constant 0 : index
        %parallel_loop3A_255 = tpu.vector_load %arg15[%parallel_loop3A_253, %parallel_loop3A_254] {strides = array<i32>} : memref<125x16xf32, #tpu.memory_space<vmem>>, vector<1x16xf32>,
        %parallel_loop3A_256 = vector.shape_cast %parallel_loop3A_255 : vector<1x16xf32> to vector<16xf32>
        %parallel_loop3A_257 = arith.addf %parallel_loop3A_252, %parallel_loop3A_256 : vector<16xf32>
        %parallel_loop3A_258 = arith.constant 0.000000e+00 : f32
        %parallel_loop3A_259 = vector.broadcast %parallel_loop3A_258 : f32 to vector<16xf32>
        %parallel_loop3A_260 = arith.cmpf ogt, %parallel_loop3A_257, %parallel_loop3A_259 : vector<16xf32>
        %parallel_loop3A_261 = arith.constant 2.000000e-01 : f32
        %parallel_loop3A_262 = vector.broadcast %parallel_loop3A_261 : f32 to vector<16xf32>
        %parallel_loop3A_263 = arith.mulf %parallel_loop3A_262, %parallel_loop3A_257 : vector<16xf32>
        %parallel_loop3A_264 = arith.select %parallel_loop3A_260, %parallel_loop3A_257, %parallel_loop3A_263 : vector<16xi1>, vector<16xf32>
        %parallel_loop3A_265 = arith.constant 8 : i32
        %parallel_loop3A_266 = vector.broadcast %parallel_loop3A_265 : i32 to vector<16xi32>
        %parallel_loop3A_267 = arith.cmpi slt, %parallel_loop3A_248, %parallel_loop3A_266 : vector<16xi32>
        %parallel_loop3A_268 = math.exp %parallel_loop3A_264 : vector<16xf32>
        %parallel_loop3A_269 = arith.constant 0.000000e+00 : f32
        %parallel_loop3A_270 = vector.broadcast %parallel_loop3A_269 : f32 to vector<16xf32>
        %parallel_loop3A_271 = arith.select %parallel_loop3A_267, %parallel_loop3A_268, %parallel_loop3A_270 : vector<16xi1>, vector<16xf32>
        %parallel_loop3A_272 = arith.index_cast %parallel_loop3A_247 : i32 to index
        %parallel_loop3A_273 = arith.constant 64 : index
        %parallel_loop3A_274 = tpu.vector_load %arg11[%parallel_loop3A_272, %parallel_loop3A_273] {strides = array<i32>} : memref<125x80xf32, #tpu.memory_space<vmem>>, vector<1x16xf32>,
        %parallel_loop3A_275 = vector.shape_cast %parallel_loop3A_274 : vector<1x16xf32> to vector<16xf32>
        %parallel_loop3A_276 = vector.shape_cast %parallel_loop3A_271 : vector<16xf32> to vector<1x16xf32>
        tpu.vector_store %arg11[%parallel_loop3A_272, %parallel_loop3A_273], %parallel_loop3A_276 {strides = array<i32>} : memref<125x80xf32, #tpu.memory_space<vmem>>, vector<1x16xf32>,
        %parallel_loop3A_277 = arith.constant 3 : i32
        %parallel_loop3A_278 = vector.broadcast %parallel_loop3A_277 : i32 to vector<16xi32>
        %parallel_loop3A_279 = arith.shrsi %parallel_loop3A_248, %parallel_loop3A_278 : vector<16xi32>
        %parallel_loop3A_280 = arith.constant 0 : i32
        %parallel_loop3A_281 = vector.broadcast %parallel_loop3A_280 : i32 to vector<16xi32>
        %parallel_loop3A_282 = arith.addi %parallel_loop3A_279, %parallel_loop3A_281 : vector<16xi32>
        %parallel_loop3A_283 = arith.constant 0 : i32
        %parallel_loop3A_284 = vector.broadcast %parallel_loop3A_283 : i32 to vector<16xi32>
        %parallel_loop3A_285 = arith.cmpi slt, %parallel_loop3A_282, %parallel_loop3A_284 : vector<16xi32>
        %parallel_loop3A_286 = arith.constant 16 : i32
        %parallel_loop3A_287 = vector.broadcast %parallel_loop3A_286 : i32 to vector<16xi32>
        %parallel_loop3A_288 = arith.addi %parallel_loop3A_282, %parallel_loop3A_287 : vector<16xi32>
        %parallel_loop3A_289 = arith.select %parallel_loop3A_285, %parallel_loop3A_288, %parallel_loop3A_282 : vector<16xi1>, vector<16xi32>
        %parallel_loop3A_290 = vector.shape_cast %parallel_loop3A_289 : vector<16xi32> to vector<16x1xi32>
        %parallel_loop3A_291 = vector.shape_cast %parallel_loop3A_290 : vector<16x1xi32> to vector<16xi32>
        %parallel_loop3A_292 = tpu.dynamic_gather %parallel_loop3A_271[%parallel_loop3A_291] in [0] : vector<16xf32>, vector<16xi32> -> vector<16xf32>
        %parallel_loop3A_293 = arith.index_cast %parallel_loop3A_247 : i32 to index
        %parallel_loop3A_294 = arith.constant 0 : index
        %parallel_loop3A_295 = tpu.vector_load %arg11[%parallel_loop3A_293, %parallel_loop3A_294] {strides = array<i32>} : memref<125x80xf32, #tpu.memory_space<vmem>>, vector<1x16xf32>,
        %parallel_loop3A_296 = vector.shape_cast %parallel_loop3A_295 : vector<1x16xf32> to vector<16xf32>
        %parallel_loop3A_297 = arith.mulf %parallel_loop3A_296, %parallel_loop3A_292 : vector<16xf32>
        %parallel_loop3A_298 = arith.index_cast %parallel_loop3A_247 : i32 to index
        %parallel_loop3A_299 = arith.constant 0 : index
        %parallel_loop3A_300 = tpu.vector_load %arg11[%parallel_loop3A_298, %parallel_loop3A_299] {strides = array<i32>} : memref<125x80xf32, #tpu.memory_space<vmem>>, vector<1x16xf32>,
        %parallel_loop3A_301 = vector.shape_cast %parallel_loop3A_300 : vector<1x16xf32> to vector<16xf32>
        %parallel_loop3A_302 = vector.shape_cast %parallel_loop3A_297 : vector<16xf32> to vector<1x16xf32>
        tpu.vector_store %arg11[%parallel_loop3A_298, %parallel_loop3A_299], %parallel_loop3A_302 {strides = array<i32>} : memref<125x80xf32, #tpu.memory_space<vmem>>, vector<1x16xf32>,
        %parallel_loop3A_303 = arith.constant 2 : i32
        %parallel_loop3A_304 = vector.broadcast %parallel_loop3A_303 : i32 to vector<16xi32>
        %parallel_loop3A_305 = arith.addi %parallel_loop3A_279, %parallel_loop3A_304 : vector<16xi32>
        %parallel_loop3A_306 = arith.constant 0 : i32
        %parallel_loop3A_307 = vector.broadcast %parallel_loop3A_306 : i32 to vector<16xi32>
        %parallel_loop3A_308 = arith.cmpi slt, %parallel_loop3A_305, %parallel_loop3A_307 : vector<16xi32>
        %parallel_loop3A_309 = arith.constant 16 : i32
        %parallel_loop3A_310 = vector.broadcast %parallel_loop3A_309 : i32 to vector<16xi32>
        %parallel_loop3A_311 = arith.addi %parallel_loop3A_305, %parallel_loop3A_310 : vector<16xi32>
        %parallel_loop3A_312 = arith.select %parallel_loop3A_308, %parallel_loop3A_311, %parallel_loop3A_305 : vector<16xi1>, vector<16xi32>
        %parallel_loop3A_313 = vector.shape_cast %parallel_loop3A_312 : vector<16xi32> to vector<16x1xi32>
        %parallel_loop3A_314 = vector.shape_cast %parallel_loop3A_313 : vector<16x1xi32> to vector<16xi32>
        %parallel_loop3A_315 = tpu.dynamic_gather %parallel_loop3A_271[%parallel_loop3A_314] in [0] : vector<16xf32>, vector<16xi32> -> vector<16xf32>
        %parallel_loop3A_316 = arith.index_cast %parallel_loop3A_247 : i32 to index
        %parallel_loop3A_317 = arith.constant 16 : index
        %parallel_loop3A_318 = tpu.vector_load %arg11[%parallel_loop3A_316, %parallel_loop3A_317] {strides = array<i32>} : memref<125x80xf32, #tpu.memory_space<vmem>>, vector<1x16xf32>,
        %parallel_loop3A_319 = vector.shape_cast %parallel_loop3A_318 : vector<1x16xf32> to vector<16xf32>
        %parallel_loop3A_320 = arith.mulf %parallel_loop3A_319, %parallel_loop3A_315 : vector<16xf32>
        %parallel_loop3A_321 = arith.index_cast %parallel_loop3A_247 : i32 to index
        %parallel_loop3A_322 = arith.constant 16 : index
        %parallel_loop3A_323 = tpu.vector_load %arg11[%parallel_loop3A_321, %parallel_loop3A_322] {strides = array<i32>} : memref<125x80xf32, #tpu.memory_space<vmem>>, vector<1x16xf32>,
        %parallel_loop3A_324 = vector.shape_cast %parallel_loop3A_323 : vector<1x16xf32> to vector<16xf32>
        %parallel_loop3A_325 = vector.shape_cast %parallel_loop3A_320 : vector<16xf32> to vector<1x16xf32>
        tpu.vector_store %arg11[%parallel_loop3A_321, %parallel_loop3A_322], %parallel_loop3A_325 {strides = array<i32>} : memref<125x80xf32, #tpu.memory_space<vmem>>, vector<1x16xf32>,
        %parallel_loop3A_326 = arith.constant 4 : i32
        %parallel_loop3A_327 = vector.broadcast %parallel_loop3A_326 : i32 to vector<16xi32>
        %parallel_loop3A_328 = arith.addi %parallel_loop3A_279, %parallel_loop3A_327 : vector<16xi32>
        %parallel_loop3A_329 = arith.constant 0 : i32
        %parallel_loop3A_330 = vector.broadcast %parallel_loop3A_329 : i32 to vector<16xi32>
        %parallel_loop3A_331 = arith.cmpi slt, %parallel_loop3A_328, %parallel_loop3A_330 : vector<16xi32>
        %parallel_loop3A_332 = arith.constant 16 : i32
        %parallel_loop3A_333 = vector.broadcast %parallel_loop3A_332 : i32 to vector<16xi32>
        %parallel_loop3A_334 = arith.addi %parallel_loop3A_328, %parallel_loop3A_333 : vector<16xi32>
        %parallel_loop3A_335 = arith.select %parallel_loop3A_331, %parallel_loop3A_334, %parallel_loop3A_328 : vector<16xi1>, vector<16xi32>
        %parallel_loop3A_336 = vector.shape_cast %parallel_loop3A_335 : vector<16xi32> to vector<16x1xi32>
        %parallel_loop3A_337 = vector.shape_cast %parallel_loop3A_336 : vector<16x1xi32> to vector<16xi32>
        %parallel_loop3A_338 = tpu.dynamic_gather %parallel_loop3A_271[%parallel_loop3A_337] in [0] : vector<16xf32>, vector<16xi32> -> vector<16xf32>
        %parallel_loop3A_339 = arith.index_cast %parallel_loop3A_247 : i32 to index
        %parallel_loop3A_340 = arith.constant 32 : index
        %parallel_loop3A_341 = tpu.vector_load %arg11[%parallel_loop3A_339, %parallel_loop3A_340] {strides = array<i32>} : memref<125x80xf32, #tpu.memory_space<vmem>>, vector<1x16xf32>,
        %parallel_loop3A_342 = vector.shape_cast %parallel_loop3A_341 : vector<1x16xf32> to vector<16xf32>
        %parallel_loop3A_343 = arith.mulf %parallel_loop3A_342, %parallel_loop3A_338 : vector<16xf32>
        %parallel_loop3A_344 = arith.index_cast %parallel_loop3A_247 : i32 to index
        %parallel_loop3A_345 = arith.constant 32 : index
        %parallel_loop3A_346 = tpu.vector_load %arg11[%parallel_loop3A_344, %parallel_loop3A_345] {strides = array<i32>} : memref<125x80xf32, #tpu.memory_space<vmem>>, vector<1x16xf32>,
        %parallel_loop3A_347 = vector.shape_cast %parallel_loop3A_346 : vector<1x16xf32> to vector<16xf32>
        %parallel_loop3A_348 = vector.shape_cast %parallel_loop3A_343 : vector<16xf32> to vector<1x16xf32>
        tpu.vector_store %arg11[%parallel_loop3A_344, %parallel_loop3A_345], %parallel_loop3A_348 {strides = array<i32>} : memref<125x80xf32, #tpu.memory_space<vmem>>, vector<1x16xf32>,
        %parallel_loop3A_349 = arith.constant 6 : i32
        %parallel_loop3A_350 = vector.broadcast %parallel_loop3A_349 : i32 to vector<16xi32>
        %parallel_loop3A_351 = arith.addi %parallel_loop3A_279, %parallel_loop3A_350 : vector<16xi32>
        %parallel_loop3A_352 = arith.constant 0 : i32
        %parallel_loop3A_353 = vector.broadcast %parallel_loop3A_352 : i32 to vector<16xi32>
        %parallel_loop3A_354 = arith.cmpi slt, %parallel_loop3A_351, %parallel_loop3A_353 : vector<16xi32>
        %parallel_loop3A_355 = arith.constant 16 : i32
        %parallel_loop3A_356 = vector.broadcast %parallel_loop3A_355 : i32 to vector<16xi32>
        %parallel_loop3A_357 = arith.addi %parallel_loop3A_351, %parallel_loop3A_356 : vector<16xi32>
        %parallel_loop3A_358 = arith.select %parallel_loop3A_354, %parallel_loop3A_357, %parallel_loop3A_351 : vector<16xi1>, vector<16xi32>
        %parallel_loop3A_359 = vector.shape_cast %parallel_loop3A_358 : vector<16xi32> to vector<16x1xi32>
        %parallel_loop3A_360 = vector.shape_cast %parallel_loop3A_359 : vector<16x1xi32> to vector<16xi32>
        %parallel_loop3A_361 = tpu.dynamic_gather %parallel_loop3A_271[%parallel_loop3A_360] in [0] : vector<16xf32>, vector<16xi32> -> vector<16xf32>
        %parallel_loop3A_362 = arith.index_cast %parallel_loop3A_247 : i32 to index
        %parallel_loop3A_363 = arith.constant 48 : index
        %parallel_loop3A_364 = tpu.vector_load %arg11[%parallel_loop3A_362, %parallel_loop3A_363] {strides = array<i32>} : memref<125x80xf32, #tpu.memory_space<vmem>>, vector<1x16xf32>,
        %parallel_loop3A_365 = vector.shape_cast %parallel_loop3A_364 : vector<1x16xf32> to vector<16xf32>
        %parallel_loop3A_366 = arith.mulf %parallel_loop3A_365, %parallel_loop3A_361 : vector<16xf32>
        %parallel_loop3A_367 = arith.index_cast %parallel_loop3A_247 : i32 to index
        %parallel_loop3A_368 = arith.constant 48 : index
        %parallel_loop3A_369 = tpu.vector_load %arg11[%parallel_loop3A_367, %parallel_loop3A_368] {strides = array<i32>} : memref<125x80xf32, #tpu.memory_space<vmem>>, vector<1x16xf32>,
        %parallel_loop3A_370 = vector.shape_cast %parallel_loop3A_369 : vector<1x16xf32> to vector<16xf32>
        %parallel_loop3A_371 = vector.shape_cast %parallel_loop3A_366 : vector<16xf32> to vector<1x16xf32>
        tpu.vector_store %arg11[%parallel_loop3A_367, %parallel_loop3A_368], %parallel_loop3A_371 {strides = array<i32>} : memref<125x80xf32, #tpu.memory_space<vmem>>, vector<1x16xf32>,
      } {sc.loop_unroll_factor = 5 : i64, sc.parallel_access}
      %dma_start3A_208 = arith.constant 0 : i32
      %dma_start3A_209 = tpu.memref_slice %arg8[%add3A_173, %dma_start3A_208] : memref<80x125xi32, #tpu.memory_space<vmem>> -> memref<1x125xi32, #tpu.memory_space<vmem>>
      %dma_start3A_210 = tpu.memref_squeeze %dma_start3A_209 : memref<1x125xi32, #tpu.memory_space<vmem>> -> memref<125xi32, #tpu.memory_space<vmem>>
      %dma_start3A_211 = arith.constant 0 : i32
      %dma_start3A_212 = arith.constant 0 : i32
      %dma_start3A_213 = tpu.memref_slice %arg18[%dma_start3A_211, %dma_start3A_212] : memref<10240x80xf32, #tpu.memory_space<vmem_shared>> -> memref<10240x80xf32, #tpu.memory_space<vmem_shared>>
      tpu.enqueue_indirect_dma source(%arg11 : memref<125x80xf32, #tpu.memory_space<vmem>>) target(%dma_start3A_213 : memref<10240x80xf32, #tpu.memory_space<vmem_shared>>) offsets(%dma_start3A_210 : memref<125xi32, #tpu.memory_space<vmem>>) semaphore(%arg29 : memref<!tpu.dma_semaphore, #tpu.memory_space<semaphore_mem>>) {add = true}
      %add3A_214 = arith.constant 3 : i32
      %add3A_215 = arith.addi %mul3A_91, %add3A_214 : i32
      %dma_wait3A_216 = arith.constant 0 : i32
      %dma_wait3A_217 = arith.constant 0 : i32
      %dma_wait3A_218 = tpu.memref_slice %arg4[%dma_wait3A_216, %dma_wait3A_217] : memref<10000x80xf32, #tpu.memory_space<hbm>> -> memref<125x80xf32, #tpu.memory_space<hbm>>
      %dma_wait3A_219 = arith.constant 0 : i32
      %dma_wait3A_220 = arith.constant 0 : i32
      %dma_wait3A_221 = tpu.memref_slice %arg4[%dma_wait3A_219, %dma_wait3A_220] : memref<10000x80xf32, #tpu.memory_space<hbm>> -> memref<125x80xf32, #tpu.memory_space<hbm>>
      tpu.wait_dma2 semaphore(%arg27 : memref<!tpu.dma_semaphore, #tpu.memory_space<semaphore_mem>>) src(%dma_wait3A_221 : memref<125x80xf32, #tpu.memory_space<hbm>>) dst(%arg9 : memref<125x80xf32, #tpu.memory_space<vmem>>)
      %lt3A = arith.constant 19 : i32
      %lt3A_222 = arith.cmpi slt, %add3A_89, %lt3A : i32
      %convert_element_type3A_223 = arith.extui %lt3A_222 : i1 to i32
      %cond3A_224 = arith.constant 0 : i32
      %cond3A_225 = arith.cmpi ne, %convert_element_type3A_223, %cond3A_224 : i32
      scf.if %cond3A_225 {
        %add3A_247 = arith.constant 1 : i32
        %add3A_248 = arith.addi %add3A_215, %add3A_247 : i32
        %dma_start3A_249 = arith.constant 0 : i32
        %dma_start3A_250 = tpu.memref_slice %arg7[%add3A_248, %dma_start3A_249] : memref<80x125xi32, #tpu.memory_space<vmem>> -> memref<1x125xi32, #tpu.memory_space<vmem>>
        %dma_start3A_251 = tpu.memref_squeeze %dma_start3A_250 : memref<1x125xi32, #tpu.memory_space<vmem>> -> memref<125xi32, #tpu.memory_space<vmem>>
        %dma_start3A_252 = arith.constant 0 : i32
        %dma_start3A_253 = arith.constant 0 : i32
        %dma_start3A_254 = tpu.memref_slice %arg4[%dma_start3A_252, %dma_start3A_253] : memref<10000x80xf32, #tpu.memory_space<hbm>> -> memref<10000x80xf32, #tpu.memory_space<hbm>>
        tpu.enqueue_indirect_dma source(%dma_start3A_254 : memref<10000x80xf32, #tpu.memory_space<hbm>>) target(%arg9 : memref<125x80xf32, #tpu.memory_space<vmem>>) offsets(%dma_start3A_251 : memref<125xi32, #tpu.memory_space<vmem>>) semaphore(%arg19 : memref<!tpu.dma_semaphore, #tpu.memory_space<semaphore_mem>>)
        %dma_start3A_255 = arith.constant 0 : i32
        %dma_start3A_256 = tpu.memref_slice %arg8[%add3A_248, %dma_start3A_255] : memref<80x125xi32, #tpu.memory_space<vmem>> -> memref<1x125xi32, #tpu.memory_space<vmem>>
        %dma_start3A_257 = tpu.memref_squeeze %dma_start3A_256 : memref<1x125xi32, #tpu.memory_space<vmem>> -> memref<125xi32, #tpu.memory_space<vmem>>
        %dma_start3A_258 = arith.constant 0 : i32
        %dma_start3A_259 = arith.constant 0 : i32
        %dma_start3A_260 = tpu.memref_slice %arg5[%dma_start3A_258, %dma_start3A_259] : memref<10000x16xf32, #tpu.memory_space<hbm>> -> memref<10000x16xf32, #tpu.memory_space<hbm>>
        tpu.enqueue_indirect_dma source(%dma_start3A_260 : memref<10000x16xf32, #tpu.memory_space<hbm>>) target(%arg13 : memref<125x16xf32, #tpu.memory_space<vmem>>) offsets(%dma_start3A_257 : memref<125xi32, #tpu.memory_space<vmem>>) semaphore(%arg23 : memref<!tpu.dma_semaphore, #tpu.memory_space<semaphore_mem>>)
      } else {
      }
      %dma_wait3A_226 = arith.constant 0 : i32
      %dma_wait3A_227 = arith.constant 0 : i32
      %dma_wait3A_228 = tpu.memref_slice %arg4[%dma_wait3A_226, %dma_wait3A_227] : memref<10000x80xf32, #tpu.memory_space<hbm>> -> memref<125x80xf32, #tpu.memory_space<hbm>>
      %dma_wait3A_229 = arith.constant 0 : i32
      %dma_wait3A_230 = arith.constant 0 : i32
      %dma_wait3A_231 = tpu.memref_slice %arg4[%dma_wait3A_229, %dma_wait3A_230] : memref<10000x80xf32, #tpu.memory_space<hbm>> -> memref<125x80xf32, #tpu.memory_space<hbm>>
      tpu.wait_dma2 semaphore(%arg22 : memref<!tpu.dma_semaphore, #tpu.memory_space<semaphore_mem>>) src(%dma_wait3A_231 : memref<125x80xf32, #tpu.memory_space<hbm>>) dst(%arg12 : memref<125x80xf32, #tpu.memory_space<vmem>>)
      %dma_wait3A_232 = arith.constant 0 : i32
      %dma_wait3A_233 = arith.constant 0 : i32
      %dma_wait3A_234 = tpu.memref_slice %arg5[%dma_wait3A_232, %dma_wait3A_233] : memref<10000x16xf32, #tpu.memory_space<hbm>> -> memref<125x16xf32, #tpu.memory_space<hbm>>
      %dma_wait3A_235 = arith.constant 0 : i32
      %dma_wait3A_236 = arith.constant 0 : i32
      %dma_wait3A_237 = tpu.memref_slice %arg5[%dma_wait3A_235, %dma_wait3A_236] : memref<10000x16xf32, #tpu.memory_space<hbm>> -> memref<125x16xf32, #tpu.memory_space<hbm>>
      tpu.wait_dma2 semaphore(%arg26 : memref<!tpu.dma_semaphore, #tpu.memory_space<semaphore_mem>>) src(%dma_wait3A_237 : memref<125x16xf32, #tpu.memory_space<hbm>>) dst(%arg16 : memref<125x16xf32, #tpu.memory_space<vmem>>)
      %parallel_loop3A_238 = arith.constant 0 : i32
      %parallel_loop3A_239 = arith.constant 125 : i32
      %parallel_loop3A_240 = arith.constant 1 : i32
      scf.for %parallel_loop3A_247 = %parallel_loop3A_238 to %parallel_loop3A_239 step %parallel_loop3A_240  : i32 {
        %parallel_loop3A_248 = tpu.iota {dimensions = array<i32: 0>} : vector<16xi32>
        %parallel_loop3A_249 = arith.index_cast %parallel_loop3A_247 : i32 to index
        %parallel_loop3A_250 = arith.constant 64 : index
        %parallel_loop3A_251 = tpu.vector_load %arg12[%parallel_loop3A_249, %parallel_loop3A_250] {strides = array<i32>} : memref<125x80xf32, #tpu.memory_space<vmem>>, vector<1x16xf32>,
        %parallel_loop3A_252 = vector.shape_cast %parallel_loop3A_251 : vector<1x16xf32> to vector<16xf32>
        %parallel_loop3A_253 = arith.index_cast %parallel_loop3A_247 : i32 to index
        %parallel_loop3A_254 = arith.constant 0 : index
        %parallel_loop3A_255 = tpu.vector_load %arg16[%parallel_loop3A_253, %parallel_loop3A_254] {strides = array<i32>} : memref<125x16xf32, #tpu.memory_space<vmem>>, vector<1x16xf32>,
        %parallel_loop3A_256 = vector.shape_cast %parallel_loop3A_255 : vector<1x16xf32> to vector<16xf32>
        %parallel_loop3A_257 = arith.addf %parallel_loop3A_252, %parallel_loop3A_256 : vector<16xf32>
        %parallel_loop3A_258 = arith.constant 0.000000e+00 : f32
        %parallel_loop3A_259 = vector.broadcast %parallel_loop3A_258 : f32 to vector<16xf32>
        %parallel_loop3A_260 = arith.cmpf ogt, %parallel_loop3A_257, %parallel_loop3A_259 : vector<16xf32>
        %parallel_loop3A_261 = arith.constant 2.000000e-01 : f32
        %parallel_loop3A_262 = vector.broadcast %parallel_loop3A_261 : f32 to vector<16xf32>
        %parallel_loop3A_263 = arith.mulf %parallel_loop3A_262, %parallel_loop3A_257 : vector<16xf32>
        %parallel_loop3A_264 = arith.select %parallel_loop3A_260, %parallel_loop3A_257, %parallel_loop3A_263 : vector<16xi1>, vector<16xf32>
        %parallel_loop3A_265 = arith.constant 8 : i32
        %parallel_loop3A_266 = vector.broadcast %parallel_loop3A_265 : i32 to vector<16xi32>
        %parallel_loop3A_267 = arith.cmpi slt, %parallel_loop3A_248, %parallel_loop3A_266 : vector<16xi32>
        %parallel_loop3A_268 = math.exp %parallel_loop3A_264 : vector<16xf32>
        %parallel_loop3A_269 = arith.constant 0.000000e+00 : f32
        %parallel_loop3A_270 = vector.broadcast %parallel_loop3A_269 : f32 to vector<16xf32>
        %parallel_loop3A_271 = arith.select %parallel_loop3A_267, %parallel_loop3A_268, %parallel_loop3A_270 : vector<16xi1>, vector<16xf32>
        %parallel_loop3A_272 = arith.index_cast %parallel_loop3A_247 : i32 to index
        %parallel_loop3A_273 = arith.constant 64 : index
        %parallel_loop3A_274 = tpu.vector_load %arg12[%parallel_loop3A_272, %parallel_loop3A_273] {strides = array<i32>} : memref<125x80xf32, #tpu.memory_space<vmem>>, vector<1x16xf32>,
        %parallel_loop3A_275 = vector.shape_cast %parallel_loop3A_274 : vector<1x16xf32> to vector<16xf32>
        %parallel_loop3A_276 = vector.shape_cast %parallel_loop3A_271 : vector<16xf32> to vector<1x16xf32>
        tpu.vector_store %arg12[%parallel_loop3A_272, %parallel_loop3A_273], %parallel_loop3A_276 {strides = array<i32>} : memref<125x80xf32, #tpu.memory_space<vmem>>, vector<1x16xf32>,
        %parallel_loop3A_277 = arith.constant 3 : i32
        %parallel_loop3A_278 = vector.broadcast %parallel_loop3A_277 : i32 to vector<16xi32>
        %parallel_loop3A_279 = arith.shrsi %parallel_loop3A_248, %parallel_loop3A_278 : vector<16xi32>
        %parallel_loop3A_280 = arith.constant 0 : i32
        %parallel_loop3A_281 = vector.broadcast %parallel_loop3A_280 : i32 to vector<16xi32>
        %parallel_loop3A_282 = arith.addi %parallel_loop3A_279, %parallel_loop3A_281 : vector<16xi32>
        %parallel_loop3A_283 = arith.constant 0 : i32
        %parallel_loop3A_284 = vector.broadcast %parallel_loop3A_283 : i32 to vector<16xi32>
        %parallel_loop3A_285 = arith.cmpi slt, %parallel_loop3A_282, %parallel_loop3A_284 : vector<16xi32>
        %parallel_loop3A_286 = arith.constant 16 : i32
        %parallel_loop3A_287 = vector.broadcast %parallel_loop3A_286 : i32 to vector<16xi32>
        %parallel_loop3A_288 = arith.addi %parallel_loop3A_282, %parallel_loop3A_287 : vector<16xi32>
        %parallel_loop3A_289 = arith.select %parallel_loop3A_285, %parallel_loop3A_288, %parallel_loop3A_282 : vector<16xi1>, vector<16xi32>
        %parallel_loop3A_290 = vector.shape_cast %parallel_loop3A_289 : vector<16xi32> to vector<16x1xi32>
        %parallel_loop3A_291 = vector.shape_cast %parallel_loop3A_290 : vector<16x1xi32> to vector<16xi32>
        %parallel_loop3A_292 = tpu.dynamic_gather %parallel_loop3A_271[%parallel_loop3A_291] in [0] : vector<16xf32>, vector<16xi32> -> vector<16xf32>
        %parallel_loop3A_293 = arith.index_cast %parallel_loop3A_247 : i32 to index
        %parallel_loop3A_294 = arith.constant 0 : index
        %parallel_loop3A_295 = tpu.vector_load %arg12[%parallel_loop3A_293, %parallel_loop3A_294] {strides = array<i32>} : memref<125x80xf32, #tpu.memory_space<vmem>>, vector<1x16xf32>,
        %parallel_loop3A_296 = vector.shape_cast %parallel_loop3A_295 : vector<1x16xf32> to vector<16xf32>
        %parallel_loop3A_297 = arith.mulf %parallel_loop3A_296, %parallel_loop3A_292 : vector<16xf32>
        %parallel_loop3A_298 = arith.index_cast %parallel_loop3A_247 : i32 to index
        %parallel_loop3A_299 = arith.constant 0 : index
        %parallel_loop3A_300 = tpu.vector_load %arg12[%parallel_loop3A_298, %parallel_loop3A_299] {strides = array<i32>} : memref<125x80xf32, #tpu.memory_space<vmem>>, vector<1x16xf32>,
        %parallel_loop3A_301 = vector.shape_cast %parallel_loop3A_300 : vector<1x16xf32> to vector<16xf32>
        %parallel_loop3A_302 = vector.shape_cast %parallel_loop3A_297 : vector<16xf32> to vector<1x16xf32>
        tpu.vector_store %arg12[%parallel_loop3A_298, %parallel_loop3A_299], %parallel_loop3A_302 {strides = array<i32>} : memref<125x80xf32, #tpu.memory_space<vmem>>, vector<1x16xf32>,
        %parallel_loop3A_303 = arith.constant 2 : i32
        %parallel_loop3A_304 = vector.broadcast %parallel_loop3A_303 : i32 to vector<16xi32>
        %parallel_loop3A_305 = arith.addi %parallel_loop3A_279, %parallel_loop3A_304 : vector<16xi32>
        %parallel_loop3A_306 = arith.constant 0 : i32
        %parallel_loop3A_307 = vector.broadcast %parallel_loop3A_306 : i32 to vector<16xi32>
        %parallel_loop3A_308 = arith.cmpi slt, %parallel_loop3A_305, %parallel_loop3A_307 : vector<16xi32>
        %parallel_loop3A_309 = arith.constant 16 : i32
        %parallel_loop3A_310 = vector.broadcast %parallel_loop3A_309 : i32 to vector<16xi32>
        %parallel_loop3A_311 = arith.addi %parallel_loop3A_305, %parallel_loop3A_310 : vector<16xi32>
        %parallel_loop3A_312 = arith.select %parallel_loop3A_308, %parallel_loop3A_311, %parallel_loop3A_305 : vector<16xi1>, vector<16xi32>
        %parallel_loop3A_313 = vector.shape_cast %parallel_loop3A_312 : vector<16xi32> to vector<16x1xi32>
        %parallel_loop3A_314 = vector.shape_cast %parallel_loop3A_313 : vector<16x1xi32> to vector<16xi32>
        %parallel_loop3A_315 = tpu.dynamic_gather %parallel_loop3A_271[%parallel_loop3A_314] in [0] : vector<16xf32>, vector<16xi32> -> vector<16xf32>
        %parallel_loop3A_316 = arith.index_cast %parallel_loop3A_247 : i32 to index
        %parallel_loop3A_317 = arith.constant 16 : index
        %parallel_loop3A_318 = tpu.vector_load %arg12[%parallel_loop3A_316, %parallel_loop3A_317] {strides = array<i32>} : memref<125x80xf32, #tpu.memory_space<vmem>>, vector<1x16xf32>,
        %parallel_loop3A_319 = vector.shape_cast %parallel_loop3A_318 : vector<1x16xf32> to vector<16xf32>
        %parallel_loop3A_320 = arith.mulf %parallel_loop3A_319, %parallel_loop3A_315 : vector<16xf32>
        %parallel_loop3A_321 = arith.index_cast %parallel_loop3A_247 : i32 to index
        %parallel_loop3A_322 = arith.constant 16 : index
        %parallel_loop3A_323 = tpu.vector_load %arg12[%parallel_loop3A_321, %parallel_loop3A_322] {strides = array<i32>} : memref<125x80xf32, #tpu.memory_space<vmem>>, vector<1x16xf32>,
        %parallel_loop3A_324 = vector.shape_cast %parallel_loop3A_323 : vector<1x16xf32> to vector<16xf32>
        %parallel_loop3A_325 = vector.shape_cast %parallel_loop3A_320 : vector<16xf32> to vector<1x16xf32>
        tpu.vector_store %arg12[%parallel_loop3A_321, %parallel_loop3A_322], %parallel_loop3A_325 {strides = array<i32>} : memref<125x80xf32, #tpu.memory_space<vmem>>, vector<1x16xf32>,
        %parallel_loop3A_326 = arith.constant 4 : i32
        %parallel_loop3A_327 = vector.broadcast %parallel_loop3A_326 : i32 to vector<16xi32>
        %parallel_loop3A_328 = arith.addi %parallel_loop3A_279, %parallel_loop3A_327 : vector<16xi32>
        %parallel_loop3A_329 = arith.constant 0 : i32
        %parallel_loop3A_330 = vector.broadcast %parallel_loop3A_329 : i32 to vector<16xi32>
        %parallel_loop3A_331 = arith.cmpi slt, %parallel_loop3A_328, %parallel_loop3A_330 : vector<16xi32>
        %parallel_loop3A_332 = arith.constant 16 : i32
        %parallel_loop3A_333 = vector.broadcast %parallel_loop3A_332 : i32 to vector<16xi32>
        %parallel_loop3A_334 = arith.addi %parallel_loop3A_328, %parallel_loop3A_333 : vector<16xi32>
        %parallel_loop3A_335 = arith.select %parallel_loop3A_331, %parallel_loop3A_334, %parallel_loop3A_328 : vector<16xi1>, vector<16xi32>
        %parallel_loop3A_336 = vector.shape_cast %parallel_loop3A_335 : vector<16xi32> to vector<16x1xi32>
        %parallel_loop3A_337 = vector.shape_cast %parallel_loop3A_336 : vector<16x1xi32> to vector<16xi32>
        %parallel_loop3A_338 = tpu.dynamic_gather %parallel_loop3A_271[%parallel_loop3A_337] in [0] : vector<16xf32>, vector<16xi32> -> vector<16xf32>
        %parallel_loop3A_339 = arith.index_cast %parallel_loop3A_247 : i32 to index
        %parallel_loop3A_340 = arith.constant 32 : index
        %parallel_loop3A_341 = tpu.vector_load %arg12[%parallel_loop3A_339, %parallel_loop3A_340] {strides = array<i32>} : memref<125x80xf32, #tpu.memory_space<vmem>>, vector<1x16xf32>,
        %parallel_loop3A_342 = vector.shape_cast %parallel_loop3A_341 : vector<1x16xf32> to vector<16xf32>
        %parallel_loop3A_343 = arith.mulf %parallel_loop3A_342, %parallel_loop3A_338 : vector<16xf32>
        %parallel_loop3A_344 = arith.index_cast %parallel_loop3A_247 : i32 to index
        %parallel_loop3A_345 = arith.constant 32 : index
        %parallel_loop3A_346 = tpu.vector_load %arg12[%parallel_loop3A_344, %parallel_loop3A_345] {strides = array<i32>} : memref<125x80xf32, #tpu.memory_space<vmem>>, vector<1x16xf32>,
        %parallel_loop3A_347 = vector.shape_cast %parallel_loop3A_346 : vector<1x16xf32> to vector<16xf32>
        %parallel_loop3A_348 = vector.shape_cast %parallel_loop3A_343 : vector<16xf32> to vector<1x16xf32>
        tpu.vector_store %arg12[%parallel_loop3A_344, %parallel_loop3A_345], %parallel_loop3A_348 {strides = array<i32>} : memref<125x80xf32, #tpu.memory_space<vmem>>, vector<1x16xf32>,
        %parallel_loop3A_349 = arith.constant 6 : i32
        %parallel_loop3A_350 = vector.broadcast %parallel_loop3A_349 : i32 to vector<16xi32>
        %parallel_loop3A_351 = arith.addi %parallel_loop3A_279, %parallel_loop3A_350 : vector<16xi32>
        %parallel_loop3A_352 = arith.constant 0 : i32
        %parallel_loop3A_353 = vector.broadcast %parallel_loop3A_352 : i32 to vector<16xi32>
        %parallel_loop3A_354 = arith.cmpi slt, %parallel_loop3A_351, %parallel_loop3A_353 : vector<16xi32>
        %parallel_loop3A_355 = arith.constant 16 : i32
        %parallel_loop3A_356 = vector.broadcast %parallel_loop3A_355 : i32 to vector<16xi32>
        %parallel_loop3A_357 = arith.addi %parallel_loop3A_351, %parallel_loop3A_356 : vector<16xi32>
        %parallel_loop3A_358 = arith.select %parallel_loop3A_354, %parallel_loop3A_357, %parallel_loop3A_351 : vector<16xi1>, vector<16xi32>
        %parallel_loop3A_359 = vector.shape_cast %parallel_loop3A_358 : vector<16xi32> to vector<16x1xi32>
        %parallel_loop3A_360 = vector.shape_cast %parallel_loop3A_359 : vector<16x1xi32> to vector<16xi32>
        %parallel_loop3A_361 = tpu.dynamic_gather %parallel_loop3A_271[%parallel_loop3A_360] in [0] : vector<16xf32>, vector<16xi32> -> vector<16xf32>
        %parallel_loop3A_362 = arith.index_cast %parallel_loop3A_247 : i32 to index
        %parallel_loop3A_363 = arith.constant 48 : index
        %parallel_loop3A_364 = tpu.vector_load %arg12[%parallel_loop3A_362, %parallel_loop3A_363] {strides = array<i32>} : memref<125x80xf32, #tpu.memory_space<vmem>>, vector<1x16xf32>,
        %parallel_loop3A_365 = vector.shape_cast %parallel_loop3A_364 : vector<1x16xf32> to vector<16xf32>
        %parallel_loop3A_366 = arith.mulf %parallel_loop3A_365, %parallel_loop3A_361 : vector<16xf32>
        %parallel_loop3A_367 = arith.index_cast %parallel_loop3A_247 : i32 to index
        %parallel_loop3A_368 = arith.constant 48 : index
        %parallel_loop3A_369 = tpu.vector_load %arg12[%parallel_loop3A_367, %parallel_loop3A_368] {strides = array<i32>} : memref<125x80xf32, #tpu.memory_space<vmem>>, vector<1x16xf32>,
        %parallel_loop3A_370 = vector.shape_cast %parallel_loop3A_369 : vector<1x16xf32> to vector<16xf32>
        %parallel_loop3A_371 = vector.shape_cast %parallel_loop3A_366 : vector<16xf32> to vector<1x16xf32>
        tpu.vector_store %arg12[%parallel_loop3A_367, %parallel_loop3A_368], %parallel_loop3A_371 {strides = array<i32>} : memref<125x80xf32, #tpu.memory_space<vmem>>, vector<1x16xf32>,
      } {sc.loop_unroll_factor = 5 : i64, sc.parallel_access}
      %dma_start3A_241 = arith.constant 0 : i32
      %dma_start3A_242 = tpu.memref_slice %arg8[%add3A_215, %dma_start3A_241] : memref<80x125xi32, #tpu.memory_space<vmem>> -> memref<1x125xi32, #tpu.memory_space<vmem>>
      %dma_start3A_243 = tpu.memref_squeeze %dma_start3A_242 : memref<1x125xi32, #tpu.memory_space<vmem>> -> memref<125xi32, #tpu.memory_space<vmem>>
      %dma_start3A_244 = arith.constant 0 : i32
      %dma_start3A_245 = arith.constant 0 : i32
      %dma_start3A_246 = tpu.memref_slice %arg18[%dma_start3A_244, %dma_start3A_245] : memref<10240x80xf32, #tpu.memory_space<vmem_shared>> -> memref<10240x80xf32, #tpu.memory_space<vmem_shared>>
      tpu.enqueue_indirect_dma source(%arg12 : memref<125x80xf32, #tpu.memory_space<vmem>>) target(%dma_start3A_246 : memref<10240x80xf32, #tpu.memory_space<vmem_shared>>) offsets(%dma_start3A_243 : memref<125xi32, #tpu.memory_space<vmem>>) semaphore(%arg30 : memref<!tpu.dma_semaphore, #tpu.memory_space<semaphore_mem>>) {add = true}
    }
    %scan3A_46 = arith.constant 20 : i32
    %dma_wait3A = arith.constant 0 : i32
    %dma_wait3A_47 = arith.constant 0 : i32
    %dma_wait3A_48 = tpu.memref_slice %arg4[%dma_wait3A, %dma_wait3A_47] : memref<10000x80xf32, #tpu.memory_space<hbm>> -> memref<125x80xf32, #tpu.memory_space<hbm>>
    %dma_wait3A_49 = arith.constant 0 : i32
    %dma_wait3A_50 = arith.constant 0 : i32
    %dma_wait3A_51 = tpu.memref_slice %arg4[%dma_wait3A_49, %dma_wait3A_50] : memref<10000x80xf32, #tpu.memory_space<hbm>> -> memref<125x80xf32, #tpu.memory_space<hbm>>
    tpu.wait_dma2 semaphore(%arg28 : memref<!tpu.dma_semaphore, #tpu.memory_space<semaphore_mem>>) src(%dma_wait3A_51 : memref<125x80xf32, #tpu.memory_space<hbm>>) dst(%arg10 : memref<125x80xf32, #tpu.memory_space<vmem>>)
    %dma_wait3A_52 = arith.constant 0 : i32
    %dma_wait3A_53 = arith.constant 0 : i32
    %dma_wait3A_54 = tpu.memref_slice %arg4[%dma_wait3A_52, %dma_wait3A_53] : memref<10000x80xf32, #tpu.memory_space<hbm>> -> memref<125x80xf32, #tpu.memory_space<hbm>>
    %dma_wait3A_55 = arith.constant 0 : i32
    %dma_wait3A_56 = arith.constant 0 : i32
    %dma_wait3A_57 = tpu.memref_slice %arg4[%dma_wait3A_55, %dma_wait3A_56] : memref<10000x80xf32, #tpu.memory_space<hbm>> -> memref<125x80xf32, #tpu.memory_space<hbm>>
    tpu.wait_dma2 semaphore(%arg29 : memref<!tpu.dma_semaphore, #tpu.memory_space<semaphore_mem>>) src(%dma_wait3A_57 : memref<125x80xf32, #tpu.memory_space<hbm>>) dst(%arg11 : memref<125x80xf32, #tpu.memory_space<vmem>>)
    %dma_wait3A_58 = arith.constant 0 : i32
    %dma_wait3A_59 = arith.constant 0 : i32
    %dma_wait3A_60 = tpu.memref_slice %arg4[%dma_wait3A_58, %dma_wait3A_59] : memref<10000x80xf32, #tpu.memory_space<hbm>> -> memref<125x80xf32, #tpu.memory_space<hbm>>
    %dma_wait3A_61 = arith.constant 0 : i32
    %dma_wait3A_62 = arith.constant 0 : i32
    %dma_wait3A_63 = tpu.memref_slice %arg4[%dma_wait3A_61, %dma_wait3A_62] : memref<10000x80xf32, #tpu.memory_space<hbm>> -> memref<125x80xf32, #tpu.memory_space<hbm>>
    tpu.wait_dma2 semaphore(%arg30 : memref<!tpu.dma_semaphore, #tpu.memory_space<semaphore_mem>>) src(%dma_wait3A_63 : memref<125x80xf32, #tpu.memory_space<hbm>>) dst(%arg12 : memref<125x80xf32, #tpu.memory_space<vmem>>)
    %barrier3A_64 = arith.constant 0 : index
    tpu.barrier barrier_id(%barrier3A_64)
    %mul3A_65 = arith.constant 640 : i32
    %mul3A_66 = arith.muli %arg1, %mul3A_65 : i32
    %add3A_67 = arith.constant 0 : i32
    %add3A_68 = arith.addi %mul3A_66, %add3A_67 : i32
    "tpu.region"() ({
      %run_scoped3A = tpu.sem_alloc : memref<!tpu.dma_semaphore, #tpu.memory_space<semaphore_mem>>
      %dma_start3A_85 = arith.constant 0 : i32
      %dma_start3A_86 = tpu.memref_slice %arg18[%add3A_68, %dma_start3A_85] : memref<10240x80xf32, #tpu.memory_space<vmem_shared>> -> memref<128x80xf32, #tpu.memory_space<vmem_shared>>
      %dma_start3A_87 = arith.constant 0 : i32
      %dma_start3A_88 = tpu.memref_slice %arg18[%add3A_68, %dma_start3A_87] : memref<10240x80xf32, #tpu.memory_space<vmem_shared>> -> memref<128x80xf32, #tpu.memory_space<vmem_shared>>
      tpu.enqueue_dma source(%dma_start3A_88 : memref<128x80xf32, #tpu.memory_space<vmem_shared>>) target(%arg17 : memref<128x80xf32, #tpu.memory_space<vmem>>) target_semaphore(%run_scoped3A : memref<!tpu.dma_semaphore, #tpu.memory_space<semaphore_mem>>)
      %dma_wait3A_89 = arith.constant 0 : i32
      %dma_wait3A_90 = tpu.memref_slice %arg18[%add3A_68, %dma_wait3A_89] : memref<10240x80xf32, #tpu.memory_space<vmem_shared>> -> memref<128x80xf32, #tpu.memory_space<vmem_shared>>
      %dma_wait3A_91 = arith.constant 0 : i32
      %dma_wait3A_92 = tpu.memref_slice %arg18[%add3A_68, %dma_wait3A_91] : memref<10240x80xf32, #tpu.memory_space<vmem_shared>> -> memref<128x80xf32, #tpu.memory_space<vmem_shared>>
      tpu.wait_dma2 semaphore(%run_scoped3A : memref<!tpu.dma_semaphore, #tpu.memory_space<semaphore_mem>>) src(%dma_wait3A_92 : memref<128x80xf32, #tpu.memory_space<vmem_shared>>) dst(%arg17 : memref<128x80xf32, #tpu.memory_space<vmem>>)
      tpu.yield
    }) : () -> ()
    "tpu.region"() ({
      %run_scoped3A = tpu.sem_alloc : memref<!tpu.dma_semaphore, #tpu.memory_space<semaphore_mem>>
      %dma_start3A_85 = arith.constant 0 : i32
      %dma_start3A_86 = tpu.memref_slice %arg6[%arg0, %add3A_68, %dma_start3A_85] : memref<2x10240x80xf32, #tpu.memory_space<hbm>> -> memref<1x128x80xf32, #tpu.memory_space<hbm>>
      %dma_start3A_87 = tpu.memref_squeeze %dma_start3A_86 : memref<1x128x80xf32, #tpu.memory_space<hbm>> -> memref<128x80xf32, #tpu.memory_space<hbm>>
      %dma_start3A_88 = arith.constant 0 : i32
      %dma_start3A_89 = tpu.memref_slice %arg6[%arg0, %add3A_68, %dma_start3A_88] : memref<2x10240x80xf32, #tpu.memory_space<hbm>> -> memref<1x128x80xf32, #tpu.memory_space<hbm>>
      %dma_start3A_90 = tpu.memref_squeeze %dma_start3A_89 : memref<1x128x80xf32, #tpu.memory_space<hbm>> -> memref<128x80xf32, #tpu.memory_space<hbm>>
      tpu.enqueue_dma source(%arg17 : memref<128x80xf32, #tpu.memory_space<vmem>>) target(%dma_start3A_90 : memref<128x80xf32, #tpu.memory_space<hbm>>) target_semaphore(%run_scoped3A : memref<!tpu.dma_semaphore, #tpu.memory_space<semaphore_mem>>)
      %dma_wait3A_91 = arith.constant 0 : i32
      %dma_wait3A_92 = tpu.memref_slice %arg6[%arg0, %add3A_68, %dma_wait3A_91] : memref<2x10240x80xf32, #tpu.memory_space<hbm>> -> memref<1x128x80xf32, #tpu.memory_space<hbm>>
      %dma_wait3A_93 = tpu.memref_squeeze %dma_wait3A_92 : memref<1x128x80xf32, #tpu.memory_space<hbm>> -> memref<128x80xf32, #tpu.memory_space<hbm>>
      %dma_wait3A_94 = arith.constant 0 : i32
      %dma_wait3A_95 = tpu.memref_slice %arg6[%arg0, %add3A_68, %dma_wait3A_94] : memref<2x10240x80xf32, #tpu.memory_space<hbm>> -> memref<1x128x80xf32, #tpu.memory_space<hbm>>
      %dma_wait3A_96 = tpu.memref_squeeze %dma_wait3A_95 : memref<1x128x80xf32, #tpu.memory_space<hbm>> -> memref<128x80xf32, #tpu.memory_space<hbm>>
      tpu.wait_dma2 semaphore(%run_scoped3A : memref<!tpu.dma_semaphore, #tpu.memory_space<semaphore_mem>>) src(%arg17 : memref<128x80xf32, #tpu.memory_space<vmem>>) dst(%dma_wait3A_96 : memref<128x80xf32, #tpu.memory_space<hbm>>)
      tpu.yield
    }) : () -> ()
    %mul3A_69 = arith.constant 640 : i32
    %mul3A_70 = arith.muli %arg1, %mul3A_69 : i32
    %add3A_71 = arith.constant 128 : i32
    %add3A_72 = arith.addi %mul3A_70, %add3A_71 : i32
    "tpu.region"() ({
      %run_scoped3A = tpu.sem_alloc : memref<!tpu.dma_semaphore, #tpu.memory_space<semaphore_mem>>
      %dma_start3A_85 = arith.constant 0 : i32
      %dma_start3A_86 = tpu.memref_slice %arg18[%add3A_72, %dma_start3A_85] : memref<10240x80xf32, #tpu.memory_space<vmem_shared>> -> memref<128x80xf32, #tpu.memory_space<vmem_shared>>
      %dma_start3A_87 = arith.constant 0 : i32
      %dma_start3A_88 = tpu.memref_slice %arg18[%add3A_72, %dma_start3A_87] : memref<10240x80xf32, #tpu.memory_space<vmem_shared>> -> memref<128x80xf32, #tpu.memory_space<vmem_shared>>
      tpu.enqueue_dma source(%dma_start3A_88 : memref<128x80xf32, #tpu.memory_space<vmem_shared>>) target(%arg17 : memref<128x80xf32, #tpu.memory_space<vmem>>) target_semaphore(%run_scoped3A : memref<!tpu.dma_semaphore, #tpu.memory_space<semaphore_mem>>)
      %dma_wait3A_89 = arith.constant 0 : i32
      %dma_wait3A_90 = tpu.memref_slice %arg18[%add3A_72, %dma_wait3A_89] : memref<10240x80xf32, #tpu.memory_space<vmem_shared>> -> memref<128x80xf32, #tpu.memory_space<vmem_shared>>
      %dma_wait3A_91 = arith.constant 0 : i32
      %dma_wait3A_92 = tpu.memref_slice %arg18[%add3A_72, %dma_wait3A_91] : memref<10240x80xf32, #tpu.memory_space<vmem_shared>> -> memref<128x80xf32, #tpu.memory_space<vmem_shared>>
      tpu.wait_dma2 semaphore(%run_scoped3A : memref<!tpu.dma_semaphore, #tpu.memory_space<semaphore_mem>>) src(%dma_wait3A_92 : memref<128x80xf32, #tpu.memory_space<vmem_shared>>) dst(%arg17 : memref<128x80xf32, #tpu.memory_space<vmem>>)
      tpu.yield
    }) : () -> ()
    "tpu.region"() ({
      %run_scoped3A = tpu.sem_alloc : memref<!tpu.dma_semaphore, #tpu.memory_space<semaphore_mem>>
      %dma_start3A_85 = arith.constant 0 : i32
      %dma_start3A_86 = tpu.memref_slice %arg6[%arg0, %add3A_72, %dma_start3A_85] : memref<2x10240x80xf32, #tpu.memory_space<hbm>> -> memref<1x128x80xf32, #tpu.memory_space<hbm>>
      %dma_start3A_87 = tpu.memref_squeeze %dma_start3A_86 : memref<1x128x80xf32, #tpu.memory_space<hbm>> -> memref<128x80xf32, #tpu.memory_space<hbm>>
      %dma_start3A_88 = arith.constant 0 : i32
      %dma_start3A_89 = tpu.memref_slice %arg6[%arg0, %add3A_72, %dma_start3A_88] : memref<2x10240x80xf32, #tpu.memory_space<hbm>> -> memref<1x128x80xf32, #tpu.memory_space<hbm>>
      %dma_start3A_90 = tpu.memref_squeeze %dma_start3A_89 : memref<1x128x80xf32, #tpu.memory_space<hbm>> -> memref<128x80xf32, #tpu.memory_space<hbm>>
      tpu.enqueue_dma source(%arg17 : memref<128x80xf32, #tpu.memory_space<vmem>>) target(%dma_start3A_90 : memref<128x80xf32, #tpu.memory_space<hbm>>) target_semaphore(%run_scoped3A : memref<!tpu.dma_semaphore, #tpu.memory_space<semaphore_mem>>)
      %dma_wait3A_91 = arith.constant 0 : i32
      %dma_wait3A_92 = tpu.memref_slice %arg6[%arg0, %add3A_72, %dma_wait3A_91] : memref<2x10240x80xf32, #tpu.memory_space<hbm>> -> memref<1x128x80xf32, #tpu.memory_space<hbm>>
      %dma_wait3A_93 = tpu.memref_squeeze %dma_wait3A_92 : memref<1x128x80xf32, #tpu.memory_space<hbm>> -> memref<128x80xf32, #tpu.memory_space<hbm>>
      %dma_wait3A_94 = arith.constant 0 : i32
      %dma_wait3A_95 = tpu.memref_slice %arg6[%arg0, %add3A_72, %dma_wait3A_94] : memref<2x10240x80xf32, #tpu.memory_space<hbm>> -> memref<1x128x80xf32, #tpu.memory_space<hbm>>
      %dma_wait3A_96 = tpu.memref_squeeze %dma_wait3A_95 : memref<1x128x80xf32, #tpu.memory_space<hbm>> -> memref<128x80xf32, #tpu.memory_space<hbm>>
      tpu.wait_dma2 semaphore(%run_scoped3A : memref<!tpu.dma_semaphore, #tpu.memory_space<semaphore_mem>>) src(%arg17 : memref<128x80xf32, #tpu.memory_space<vmem>>) dst(%dma_wait3A_96 : memref<128x80xf32, #tpu.memory_space<hbm>>)
      tpu.yield
    }) : () -> ()
    %mul3A_73 = arith.constant 640 : i32
    %mul3A_74 = arith.muli %arg1, %mul3A_73 : i32
    %add3A_75 = arith.constant 256 : i32
    %add3A_76 = arith.addi %mul3A_74, %add3A_75 : i32
    "tpu.region"() ({
      %run_scoped3A = tpu.sem_alloc : memref<!tpu.dma_semaphore, #tpu.memory_space<semaphore_mem>>
      %dma_start3A_85 = arith.constant 0 : i32
      %dma_start3A_86 = tpu.memref_slice %arg18[%add3A_76, %dma_start3A_85] : memref<10240x80xf32, #tpu.memory_space<vmem_shared>> -> memref<128x80xf32, #tpu.memory_space<vmem_shared>>
      %dma_start3A_87 = arith.constant 0 : i32
      %dma_start3A_88 = tpu.memref_slice %arg18[%add3A_76, %dma_start3A_87] : memref<10240x80xf32, #tpu.memory_space<vmem_shared>> -> memref<128x80xf32, #tpu.memory_space<vmem_shared>>
      tpu.enqueue_dma source(%dma_start3A_88 : memref<128x80xf32, #tpu.memory_space<vmem_shared>>) target(%arg17 : memref<128x80xf32, #tpu.memory_space<vmem>>) target_semaphore(%run_scoped3A : memref<!tpu.dma_semaphore, #tpu.memory_space<semaphore_mem>>)
      %dma_wait3A_89 = arith.constant 0 : i32
      %dma_wait3A_90 = tpu.memref_slice %arg18[%add3A_76, %dma_wait3A_89] : memref<10240x80xf32, #tpu.memory_space<vmem_shared>> -> memref<128x80xf32, #tpu.memory_space<vmem_shared>>
      %dma_wait3A_91 = arith.constant 0 : i32
      %dma_wait3A_92 = tpu.memref_slice %arg18[%add3A_76, %dma_wait3A_91] : memref<10240x80xf32, #tpu.memory_space<vmem_shared>> -> memref<128x80xf32, #tpu.memory_space<vmem_shared>>
      tpu.wait_dma2 semaphore(%run_scoped3A : memref<!tpu.dma_semaphore, #tpu.memory_space<semaphore_mem>>) src(%dma_wait3A_92 : memref<128x80xf32, #tpu.memory_space<vmem_shared>>) dst(%arg17 : memref<128x80xf32, #tpu.memory_space<vmem>>)
      tpu.yield
    }) : () -> ()
    "tpu.region"() ({
      %run_scoped3A = tpu.sem_alloc : memref<!tpu.dma_semaphore, #tpu.memory_space<semaphore_mem>>
      %dma_start3A_85 = arith.constant 0 : i32
      %dma_start3A_86 = tpu.memref_slice %arg6[%arg0, %add3A_76, %dma_start3A_85] : memref<2x10240x80xf32, #tpu.memory_space<hbm>> -> memref<1x128x80xf32, #tpu.memory_space<hbm>>
      %dma_start3A_87 = tpu.memref_squeeze %dma_start3A_86 : memref<1x128x80xf32, #tpu.memory_space<hbm>> -> memref<128x80xf32, #tpu.memory_space<hbm>>
      %dma_start3A_88 = arith.constant 0 : i32
      %dma_start3A_89 = tpu.memref_slice %arg6[%arg0, %add3A_76, %dma_start3A_88] : memref<2x10240x80xf32, #tpu.memory_space<hbm>> -> memref<1x128x80xf32, #tpu.memory_space<hbm>>
      %dma_start3A_90 = tpu.memref_squeeze %dma_start3A_89 : memref<1x128x80xf32, #tpu.memory_space<hbm>> -> memref<128x80xf32, #tpu.memory_space<hbm>>
      tpu.enqueue_dma source(%arg17 : memref<128x80xf32, #tpu.memory_space<vmem>>) target(%dma_start3A_90 : memref<128x80xf32, #tpu.memory_space<hbm>>) target_semaphore(%run_scoped3A : memref<!tpu.dma_semaphore, #tpu.memory_space<semaphore_mem>>)
      %dma_wait3A_91 = arith.constant 0 : i32
      %dma_wait3A_92 = tpu.memref_slice %arg6[%arg0, %add3A_76, %dma_wait3A_91] : memref<2x10240x80xf32, #tpu.memory_space<hbm>> -> memref<1x128x80xf32, #tpu.memory_space<hbm>>
      %dma_wait3A_93 = tpu.memref_squeeze %dma_wait3A_92 : memref<1x128x80xf32, #tpu.memory_space<hbm>> -> memref<128x80xf32, #tpu.memory_space<hbm>>
      %dma_wait3A_94 = arith.constant 0 : i32
      %dma_wait3A_95 = tpu.memref_slice %arg6[%arg0, %add3A_76, %dma_wait3A_94] : memref<2x10240x80xf32, #tpu.memory_space<hbm>> -> memref<1x128x80xf32, #tpu.memory_space<hbm>>
      %dma_wait3A_96 = tpu.memref_squeeze %dma_wait3A_95 : memref<1x128x80xf32, #tpu.memory_space<hbm>> -> memref<128x80xf32, #tpu.memory_space<hbm>>
      tpu.wait_dma2 semaphore(%run_scoped3A : memref<!tpu.dma_semaphore, #tpu.memory_space<semaphore_mem>>) src(%arg17 : memref<128x80xf32, #tpu.memory_space<vmem>>) dst(%dma_wait3A_96 : memref<128x80xf32, #tpu.memory_space<hbm>>)
      tpu.yield
    }) : () -> ()
    %mul3A_77 = arith.constant 640 : i32
    %mul3A_78 = arith.muli %arg1, %mul3A_77 : i32
    %add3A_79 = arith.constant 384 : i32
    %add3A_80 = arith.addi %mul3A_78, %add3A_79 : i32
    "tpu.region"() ({
      %run_scoped3A = tpu.sem_alloc : memref<!tpu.dma_semaphore, #tpu.memory_space<semaphore_mem>>
      %dma_start3A_85 = arith.constant 0 : i32
      %dma_start3A_86 = tpu.memref_slice %arg18[%add3A_80, %dma_start3A_85] : memref<10240x80xf32, #tpu.memory_space<vmem_shared>> -> memref<128x80xf32, #tpu.memory_space<vmem_shared>>
      %dma_start3A_87 = arith.constant 0 : i32
      %dma_start3A_88 = tpu.memref_slice %arg18[%add3A_80, %dma_start3A_87] : memref<10240x80xf32, #tpu.memory_space<vmem_shared>> -> memref<128x80xf32, #tpu.memory_space<vmem_shared>>
      tpu.enqueue_dma source(%dma_start3A_88 : memref<128x80xf32, #tpu.memory_space<vmem_shared>>) target(%arg17 : memref<128x80xf32, #tpu.memory_space<vmem>>) target_semaphore(%run_scoped3A : memref<!tpu.dma_semaphore, #tpu.memory_space<semaphore_mem>>)
      %dma_wait3A_89 = arith.constant 0 : i32
      %dma_wait3A_90 = tpu.memref_slice %arg18[%add3A_80, %dma_wait3A_89] : memref<10240x80xf32, #tpu.memory_space<vmem_shared>> -> memref<128x80xf32, #tpu.memory_space<vmem_shared>>
      %dma_wait3A_91 = arith.constant 0 : i32
      %dma_wait3A_92 = tpu.memref_slice %arg18[%add3A_80, %dma_wait3A_91] : memref<10240x80xf32, #tpu.memory_space<vmem_shared>> -> memref<128x80xf32, #tpu.memory_space<vmem_shared>>
      tpu.wait_dma2 semaphore(%run_scoped3A : memref<!tpu.dma_semaphore, #tpu.memory_space<semaphore_mem>>) src(%dma_wait3A_92 : memref<128x80xf32, #tpu.memory_space<vmem_shared>>) dst(%arg17 : memref<128x80xf32, #tpu.memory_space<vmem>>)
      tpu.yield
    }) : () -> ()
    "tpu.region"() ({
      %run_scoped3A = tpu.sem_alloc : memref<!tpu.dma_semaphore, #tpu.memory_space<semaphore_mem>>
      %dma_start3A_85 = arith.constant 0 : i32
      %dma_start3A_86 = tpu.memref_slice %arg6[%arg0, %add3A_80, %dma_start3A_85] : memref<2x10240x80xf32, #tpu.memory_space<hbm>> -> memref<1x128x80xf32, #tpu.memory_space<hbm>>
      %dma_start3A_87 = tpu.memref_squeeze %dma_start3A_86 : memref<1x128x80xf32, #tpu.memory_space<hbm>> -> memref<128x80xf32, #tpu.memory_space<hbm>>
      %dma_start3A_88 = arith.constant 0 : i32
      %dma_start3A_89 = tpu.memref_slice %arg6[%arg0, %add3A_80, %dma_start3A_88] : memref<2x10240x80xf32, #tpu.memory_space<hbm>> -> memref<1x128x80xf32, #tpu.memory_space<hbm>>
      %dma_start3A_90 = tpu.memref_squeeze %dma_start3A_89 : memref<1x128x80xf32, #tpu.memory_space<hbm>> -> memref<128x80xf32, #tpu.memory_space<hbm>>
      tpu.enqueue_dma source(%arg17 : memref<128x80xf32, #tpu.memory_space<vmem>>) target(%dma_start3A_90 : memref<128x80xf32, #tpu.memory_space<hbm>>) target_semaphore(%run_scoped3A : memref<!tpu.dma_semaphore, #tpu.memory_space<semaphore_mem>>)
      %dma_wait3A_91 = arith.constant 0 : i32
      %dma_wait3A_92 = tpu.memref_slice %arg6[%arg0, %add3A_80, %dma_wait3A_91] : memref<2x10240x80xf32, #tpu.memory_space<hbm>> -> memref<1x128x80xf32, #tpu.memory_space<hbm>>
      %dma_wait3A_93 = tpu.memref_squeeze %dma_wait3A_92 : memref<1x128x80xf32, #tpu.memory_space<hbm>> -> memref<128x80xf32, #tpu.memory_space<hbm>>
      %dma_wait3A_94 = arith.constant 0 : i32
      %dma_wait3A_95 = tpu.memref_slice %arg6[%arg0, %add3A_80, %dma_wait3A_94] : memref<2x10240x80xf32, #tpu.memory_space<hbm>> -> memref<1x128x80xf32, #tpu.memory_space<hbm>>
      %dma_wait3A_96 = tpu.memref_squeeze %dma_wait3A_95 : memref<1x128x80xf32, #tpu.memory_space<hbm>> -> memref<128x80xf32, #tpu.memory_space<hbm>>
      tpu.wait_dma2 semaphore(%run_scoped3A : memref<!tpu.dma_semaphore, #tpu.memory_space<semaphore_mem>>) src(%arg17 : memref<128x80xf32, #tpu.memory_space<vmem>>) dst(%dma_wait3A_96 : memref<128x80xf32, #tpu.memory_space<hbm>>)
      tpu.yield
    }) : () -> ()
    %mul3A_81 = arith.constant 640 : i32
    %mul3A_82 = arith.muli %arg1, %mul3A_81 : i32
    %add3A_83 = arith.constant 512 : i32
    %add3A_84 = arith.addi %mul3A_82, %add3A_83 : i32
    "tpu.region"() ({
      %run_scoped3A = tpu.sem_alloc : memref<!tpu.dma_semaphore, #tpu.memory_space<semaphore_mem>>
      %dma_start3A_85 = arith.constant 0 : i32
      %dma_start3A_86 = tpu.memref_slice %arg18[%add3A_84, %dma_start3A_85] : memref<10240x80xf32, #tpu.memory_space<vmem_shared>> -> memref<128x80xf32, #tpu.memory_space<vmem_shared>>
      %dma_start3A_87 = arith.constant 0 : i32
      %dma_start3A_88 = tpu.memref_slice %arg18[%add3A_84, %dma_start3A_87] : memref<10240x80xf32, #tpu.memory_space<vmem_shared>> -> memref<128x80xf32, #tpu.memory_space<vmem_shared>>
      tpu.enqueue_dma source(%dma_start3A_88 : memref<128x80xf32, #tpu.memory_space<vmem_shared>>) target(%arg17 : memref<128x80xf32, #tpu.memory_space<vmem>>) target_semaphore(%run_scoped3A : memref<!tpu.dma_semaphore, #tpu.memory_space<semaphore_mem>>)
      %dma_wait3A_89 = arith.constant 0 : i32
      %dma_wait3A_90 = tpu.memref_slice %arg18[%add3A_84, %dma_wait3A_89] : memref<10240x80xf32, #tpu.memory_space<vmem_shared>> -> memref<128x80xf32, #tpu.memory_space<vmem_shared>>
      %dma_wait3A_91 = arith.constant 0 : i32
      %dma_wait3A_92 = tpu.memref_slice %arg18[%add3A_84, %dma_wait3A_91] : memref<10240x80xf32, #tpu.memory_space<vmem_shared>> -> memref<128x80xf32, #tpu.memory_space<vmem_shared>>
      tpu.wait_dma2 semaphore(%run_scoped3A : memref<!tpu.dma_semaphore, #tpu.memory_space<semaphore_mem>>) src(%dma_wait3A_92 : memref<128x80xf32, #tpu.memory_space<vmem_shared>>) dst(%arg17 : memref<128x80xf32, #tpu.memory_space<vmem>>)
      tpu.yield
    }) : () -> ()
    "tpu.region"() ({
      %run_scoped3A = tpu.sem_alloc : memref<!tpu.dma_semaphore, #tpu.memory_space<semaphore_mem>>
      %dma_start3A_85 = arith.constant 0 : i32
      %dma_start3A_86 = tpu.memref_slice %arg6[%arg0, %add3A_84, %dma_start3A_85] : memref<2x10240x80xf32, #tpu.memory_space<hbm>> -> memref<1x128x80xf32, #tpu.memory_space<hbm>>
      %dma_start3A_87 = tpu.memref_squeeze %dma_start3A_86 : memref<1x128x80xf32, #tpu.memory_space<hbm>> -> memref<128x80xf32, #tpu.memory_space<hbm>>
      %dma_start3A_88 = arith.constant 0 : i32
      %dma_start3A_89 = tpu.memref_slice %arg6[%arg0, %add3A_84, %dma_start3A_88] : memref<2x10240x80xf32, #tpu.memory_space<hbm>> -> memref<1x128x80xf32, #tpu.memory_space<hbm>>
      %dma_start3A_90 = tpu.memref_squeeze %dma_start3A_89 : memref<1x128x80xf32, #tpu.memory_space<hbm>> -> memref<128x80xf32, #tpu.memory_space<hbm>>
      tpu.enqueue_dma source(%arg17 : memref<128x80xf32, #tpu.memory_space<vmem>>) target(%dma_start3A_90 : memref<128x80xf32, #tpu.memory_space<hbm>>) target_semaphore(%run_scoped3A : memref<!tpu.dma_semaphore, #tpu.memory_space<semaphore_mem>>)
      %dma_wait3A_91 = arith.constant 0 : i32
      %dma_wait3A_92 = tpu.memref_slice %arg6[%arg0, %add3A_84, %dma_wait3A_91] : memref<2x10240x80xf32, #tpu.memory_space<hbm>> -> memref<1x128x80xf32, #tpu.memory_space<hbm>>
      %dma_wait3A_93 = tpu.memref_squeeze %dma_wait3A_92 : memref<1x128x80xf32, #tpu.memory_space<hbm>> -> memref<128x80xf32, #tpu.memory_space<hbm>>
      %dma_wait3A_94 = arith.constant 0 : i32
      %dma_wait3A_95 = tpu.memref_slice %arg6[%arg0, %add3A_84, %dma_wait3A_94] : memref<2x10240x80xf32, #tpu.memory_space<hbm>> -> memref<1x128x80xf32, #tpu.memory_space<hbm>>
      %dma_wait3A_96 = tpu.memref_squeeze %dma_wait3A_95 : memref<1x128x80xf32, #tpu.memory_space<hbm>> -> memref<128x80xf32, #tpu.memory_space<hbm>>
      tpu.wait_dma2 semaphore(%run_scoped3A : memref<!tpu.dma_semaphore, #tpu.memory_space<semaphore_mem>>) src(%arg17 : memref<128x80xf32, #tpu.memory_space<vmem>>) dst(%dma_wait3A_96 : memref<128x80xf32, #tpu.memory_space<hbm>>)
      tpu.yield
    }) : () -> ()
    return
  }
}

#map = affine_map<(d0, d1) -> (0, 0)>
#map1 = affine_map<(d0, d1) -> (0, 0, 0)>
module attributes {stable_mosaic.version = 14 : i64} {
  func.func @edge_pass(%arg0: i32, %arg1: i32, %arg2: memref<2560x125xi32, #tpu.memory_space<hbm>>, %arg3: memref<2560x125xi32, #tpu.memory_space<hbm>>, %arg4: memref<10000x16xf32, #tpu.memory_space<hbm>>, %arg5: memref<10000x16xf32, #tpu.memory_space<hbm>>, %arg6: memref<2x10240x32xf32, #tpu.memory_space<hbm>>, %arg7: memref<80x125xi32, #tpu.memory_space<vmem>>, %arg8: memref<80x125xi32, #tpu.memory_space<vmem>>, %arg9: memref<125x16xf32, #tpu.memory_space<vmem>>, %arg10: memref<125x16xf32, #tpu.memory_space<vmem>>, %arg11: memref<125x16xf32, #tpu.memory_space<vmem>>, %arg12: memref<125x16xf32, #tpu.memory_space<vmem>>, %arg13: memref<125x16xf32, #tpu.memory_space<vmem>>, %arg14: memref<125x16xf32, #tpu.memory_space<vmem>>, %arg15: memref<125x16xf32, #tpu.memory_space<vmem>>, %arg16: memref<125x16xf32, #tpu.memory_space<vmem>>, %arg17: memref<125x16xf32, #tpu.memory_space<vmem>>, %arg18: memref<125x16xf32, #tpu.memory_space<vmem>>, %arg19: memref<125x16xf32, #tpu.memory_space<vmem>>, %arg20: memref<125x16xf32, #tpu.memory_space<vmem>>, %arg21: memref<125x32xf32, #tpu.memory_space<vmem>>, %arg22: memref<125x32xf32, #tpu.memory_space<vmem>>, %arg23: memref<125x32xf32, #tpu.memory_space<vmem>>, %arg24: memref<125x32xf32, #tpu.memory_space<vmem>>, %arg25: memref<128x32xf32, #tpu.memory_space<vmem>>, %arg26: memref<10240x32xf32, #tpu.memory_space<vmem_shared>>, %arg27: memref<10000x16xf32, #tpu.memory_space<vmem_shared>>, %arg28: memref<!tpu.dma_semaphore, #tpu.memory_space<semaphore_mem>>, %arg29: memref<!tpu.dma_semaphore, #tpu.memory_space<semaphore_mem>>, %arg30: memref<!tpu.dma_semaphore, #tpu.memory_space<semaphore_mem>>, %arg31: memref<!tpu.dma_semaphore, #tpu.memory_space<semaphore_mem>>, %arg32: memref<!tpu.dma_semaphore, #tpu.memory_space<semaphore_mem>>, %arg33: memref<!tpu.dma_semaphore, #tpu.memory_space<semaphore_mem>>, %arg34: memref<!tpu.dma_semaphore, #tpu.memory_space<semaphore_mem>>, %arg35: memref<!tpu.dma_semaphore, #tpu.memory_space<semaphore_mem>>, %arg36: memref<!tpu.dma_semaphore, #tpu.memory_space<semaphore_mem>>, %arg37: memref<!tpu.dma_semaphore, #tpu.memory_space<semaphore_mem>>, %arg38: memref<!tpu.dma_semaphore, #tpu.memory_space<semaphore_mem>>, %arg39: memref<!tpu.dma_semaphore, #tpu.memory_space<semaphore_mem>>, %arg40: memref<!tpu.dma_semaphore, #tpu.memory_space<semaphore_mem>>, %arg41: memref<!tpu.dma_semaphore, #tpu.memory_space<semaphore_mem>>, %arg42: memref<!tpu.dma_semaphore, #tpu.memory_space<semaphore_mem>>, %arg43: memref<!tpu.dma_semaphore, #tpu.memory_space<semaphore_mem>>) attributes {dimension_semantics = [#tpu.dimension_semantics<core_parallel>, #tpu.dimension_semantics<subcore_parallel>], iteration_bounds = array<i64: 2, 16>, scalar_prefetch = 0 : i64, scratch_operands = 37 : i64, tpu.core_type = #tpu.core_type<sc_vector_subcore>, window_params = [{transform_indices = #map}, {transform_indices = #map}, {transform_indices = #map}, {transform_indices = #map}, {transform_indices = #map1}]} {
    %mul3A = arith.constant 16 : i32
    %mul3A_0 = arith.muli %arg0, %mul3A : i32
    %add3A = arith.addi %mul3A_0, %arg1 : i32
    %scan3A = arith.constant 0 : i32
    %scan3A_1 = arith.constant 128 : i32
    %scan3A_2 = arith.addi %scan3A, %scan3A_1 : i32
    %scan3A_3 = arith.constant 1 : i32
    scf.for %scan3A_121 = %scan3A to %scan3A_2 step %scan3A_3  : i32 {
      %mul3A_122 = arith.constant 1 : i32
      %mul3A_123 = arith.muli %scan3A_121, %mul3A_122 : i32
      %add3A_124 = arith.constant 0 : i32
      %add3A_125 = arith.addi %add3A_124, %mul3A_123 : i32
      %broadcast_in_dim3A = arith.constant 0.000000e+00 : f32
      %broadcast_in_dim3A_126 = vector.broadcast %broadcast_in_dim3A : f32 to vector<16xf32>
      %swap3A = arith.index_cast %add3A_125 : i32 to index
      %swap3A_127 = arith.constant 0 : index
      %swap3A_128 = tpu.vector_load %arg25[%swap3A, %swap3A_127] {strides = array<i32>} : memref<128x32xf32, #tpu.memory_space<vmem>>, vector<1x16xf32>,
      %swap3A_129 = vector.shape_cast %swap3A_128 : vector<1x16xf32> to vector<16xf32>
      %swap3A_130 = vector.shape_cast %broadcast_in_dim3A_126 : vector<16xf32> to vector<1x16xf32>
      tpu.vector_store %arg25[%swap3A, %swap3A_127], %swap3A_130 {strides = array<i32>} : memref<128x32xf32, #tpu.memory_space<vmem>>, vector<1x16xf32>,
      %broadcast_in_dim3A_131 = arith.constant 0.000000e+00 : f32
      %broadcast_in_dim3A_132 = vector.broadcast %broadcast_in_dim3A_131 : f32 to vector<16xf32>
      %swap3A_133 = arith.index_cast %add3A_125 : i32 to index
      %swap3A_134 = arith.constant 16 : index
      %swap3A_135 = tpu.vector_load %arg25[%swap3A_133, %swap3A_134] {strides = array<i32>} : memref<128x32xf32, #tpu.memory_space<vmem>>, vector<1x16xf32>,
      %swap3A_136 = vector.shape_cast %swap3A_135 : vector<1x16xf32> to vector<16xf32>
      %swap3A_137 = vector.shape_cast %broadcast_in_dim3A_132 : vector<16xf32> to vector<1x16xf32>
      tpu.vector_store %arg25[%swap3A_133, %swap3A_134], %swap3A_137 {strides = array<i32>} : memref<128x32xf32, #tpu.memory_space<vmem>>, vector<1x16xf32>,
    }
    %scan3A_4 = arith.constant 128 : i32
    %mul3A_5 = arith.constant 640 : i32
    %mul3A_6 = arith.muli %arg1, %mul3A_5 : i32
    %add3A_7 = arith.constant 0 : i32
    %add3A_8 = arith.addi %mul3A_6, %add3A_7 : i32
    "tpu.region"() ({
      %run_scoped3A = tpu.sem_alloc : memref<!tpu.dma_semaphore, #tpu.memory_space<semaphore_mem>>
      %dma_start3A_121 = arith.constant 0 : i32
      %dma_start3A_122 = tpu.memref_slice %arg26[%add3A_8, %dma_start3A_121] : memref<10240x32xf32, #tpu.memory_space<vmem_shared>> -> memref<128x32xf32, #tpu.memory_space<vmem_shared>>
      %dma_start3A_123 = arith.constant 0 : i32
      %dma_start3A_124 = tpu.memref_slice %arg26[%add3A_8, %dma_start3A_123] : memref<10240x32xf32, #tpu.memory_space<vmem_shared>> -> memref<128x32xf32, #tpu.memory_space<vmem_shared>>
      tpu.enqueue_dma source(%arg25 : memref<128x32xf32, #tpu.memory_space<vmem>>) target(%dma_start3A_124 : memref<128x32xf32, #tpu.memory_space<vmem_shared>>) target_semaphore(%run_scoped3A : memref<!tpu.dma_semaphore, #tpu.memory_space<semaphore_mem>>)
      %dma_wait3A_125 = arith.constant 0 : i32
      %dma_wait3A_126 = tpu.memref_slice %arg26[%add3A_8, %dma_wait3A_125] : memref<10240x32xf32, #tpu.memory_space<vmem_shared>> -> memref<128x32xf32, #tpu.memory_space<vmem_shared>>
      %dma_wait3A_127 = arith.constant 0 : i32
      %dma_wait3A_128 = tpu.memref_slice %arg26[%add3A_8, %dma_wait3A_127] : memref<10240x32xf32, #tpu.memory_space<vmem_shared>> -> memref<128x32xf32, #tpu.memory_space<vmem_shared>>
      tpu.wait_dma2 semaphore(%run_scoped3A : memref<!tpu.dma_semaphore, #tpu.memory_space<semaphore_mem>>) src(%arg25 : memref<128x32xf32, #tpu.memory_space<vmem>>) dst(%dma_wait3A_128 : memref<128x32xf32, #tpu.memory_space<vmem_shared>>)
      tpu.yield
    }) : () -> ()
    %mul3A_9 = arith.constant 640 : i32
    %mul3A_10 = arith.muli %arg1, %mul3A_9 : i32
    %add3A_11 = arith.constant 128 : i32
    %add3A_12 = arith.addi %mul3A_10, %add3A_11 : i32
    "tpu.region"() ({
      %run_scoped3A = tpu.sem_alloc : memref<!tpu.dma_semaphore, #tpu.memory_space<semaphore_mem>>
      %dma_start3A_121 = arith.constant 0 : i32
      %dma_start3A_122 = tpu.memref_slice %arg26[%add3A_12, %dma_start3A_121] : memref<10240x32xf32, #tpu.memory_space<vmem_shared>> -> memref<128x32xf32, #tpu.memory_space<vmem_shared>>
      %dma_start3A_123 = arith.constant 0 : i32
      %dma_start3A_124 = tpu.memref_slice %arg26[%add3A_12, %dma_start3A_123] : memref<10240x32xf32, #tpu.memory_space<vmem_shared>> -> memref<128x32xf32, #tpu.memory_space<vmem_shared>>
      tpu.enqueue_dma source(%arg25 : memref<128x32xf32, #tpu.memory_space<vmem>>) target(%dma_start3A_124 : memref<128x32xf32, #tpu.memory_space<vmem_shared>>) target_semaphore(%run_scoped3A : memref<!tpu.dma_semaphore, #tpu.memory_space<semaphore_mem>>)
      %dma_wait3A_125 = arith.constant 0 : i32
      %dma_wait3A_126 = tpu.memref_slice %arg26[%add3A_12, %dma_wait3A_125] : memref<10240x32xf32, #tpu.memory_space<vmem_shared>> -> memref<128x32xf32, #tpu.memory_space<vmem_shared>>
      %dma_wait3A_127 = arith.constant 0 : i32
      %dma_wait3A_128 = tpu.memref_slice %arg26[%add3A_12, %dma_wait3A_127] : memref<10240x32xf32, #tpu.memory_space<vmem_shared>> -> memref<128x32xf32, #tpu.memory_space<vmem_shared>>
      tpu.wait_dma2 semaphore(%run_scoped3A : memref<!tpu.dma_semaphore, #tpu.memory_space<semaphore_mem>>) src(%arg25 : memref<128x32xf32, #tpu.memory_space<vmem>>) dst(%dma_wait3A_128 : memref<128x32xf32, #tpu.memory_space<vmem_shared>>)
      tpu.yield
    }) : () -> ()
    %mul3A_13 = arith.constant 640 : i32
    %mul3A_14 = arith.muli %arg1, %mul3A_13 : i32
    %add3A_15 = arith.constant 256 : i32
    %add3A_16 = arith.addi %mul3A_14, %add3A_15 : i32
    "tpu.region"() ({
      %run_scoped3A = tpu.sem_alloc : memref<!tpu.dma_semaphore, #tpu.memory_space<semaphore_mem>>
      %dma_start3A_121 = arith.constant 0 : i32
      %dma_start3A_122 = tpu.memref_slice %arg26[%add3A_16, %dma_start3A_121] : memref<10240x32xf32, #tpu.memory_space<vmem_shared>> -> memref<128x32xf32, #tpu.memory_space<vmem_shared>>
      %dma_start3A_123 = arith.constant 0 : i32
      %dma_start3A_124 = tpu.memref_slice %arg26[%add3A_16, %dma_start3A_123] : memref<10240x32xf32, #tpu.memory_space<vmem_shared>> -> memref<128x32xf32, #tpu.memory_space<vmem_shared>>
      tpu.enqueue_dma source(%arg25 : memref<128x32xf32, #tpu.memory_space<vmem>>) target(%dma_start3A_124 : memref<128x32xf32, #tpu.memory_space<vmem_shared>>) target_semaphore(%run_scoped3A : memref<!tpu.dma_semaphore, #tpu.memory_space<semaphore_mem>>)
      %dma_wait3A_125 = arith.constant 0 : i32
      %dma_wait3A_126 = tpu.memref_slice %arg26[%add3A_16, %dma_wait3A_125] : memref<10240x32xf32, #tpu.memory_space<vmem_shared>> -> memref<128x32xf32, #tpu.memory_space<vmem_shared>>
      %dma_wait3A_127 = arith.constant 0 : i32
      %dma_wait3A_128 = tpu.memref_slice %arg26[%add3A_16, %dma_wait3A_127] : memref<10240x32xf32, #tpu.memory_space<vmem_shared>> -> memref<128x32xf32, #tpu.memory_space<vmem_shared>>
      tpu.wait_dma2 semaphore(%run_scoped3A : memref<!tpu.dma_semaphore, #tpu.memory_space<semaphore_mem>>) src(%arg25 : memref<128x32xf32, #tpu.memory_space<vmem>>) dst(%dma_wait3A_128 : memref<128x32xf32, #tpu.memory_space<vmem_shared>>)
      tpu.yield
    }) : () -> ()
    %mul3A_17 = arith.constant 640 : i32
    %mul3A_18 = arith.muli %arg1, %mul3A_17 : i32
    %add3A_19 = arith.constant 384 : i32
    %add3A_20 = arith.addi %mul3A_18, %add3A_19 : i32
    "tpu.region"() ({
      %run_scoped3A = tpu.sem_alloc : memref<!tpu.dma_semaphore, #tpu.memory_space<semaphore_mem>>
      %dma_start3A_121 = arith.constant 0 : i32
      %dma_start3A_122 = tpu.memref_slice %arg26[%add3A_20, %dma_start3A_121] : memref<10240x32xf32, #tpu.memory_space<vmem_shared>> -> memref<128x32xf32, #tpu.memory_space<vmem_shared>>
      %dma_start3A_123 = arith.constant 0 : i32
      %dma_start3A_124 = tpu.memref_slice %arg26[%add3A_20, %dma_start3A_123] : memref<10240x32xf32, #tpu.memory_space<vmem_shared>> -> memref<128x32xf32, #tpu.memory_space<vmem_shared>>
      tpu.enqueue_dma source(%arg25 : memref<128x32xf32, #tpu.memory_space<vmem>>) target(%dma_start3A_124 : memref<128x32xf32, #tpu.memory_space<vmem_shared>>) target_semaphore(%run_scoped3A : memref<!tpu.dma_semaphore, #tpu.memory_space<semaphore_mem>>)
      %dma_wait3A_125 = arith.constant 0 : i32
      %dma_wait3A_126 = tpu.memref_slice %arg26[%add3A_20, %dma_wait3A_125] : memref<10240x32xf32, #tpu.memory_space<vmem_shared>> -> memref<128x32xf32, #tpu.memory_space<vmem_shared>>
      %dma_wait3A_127 = arith.constant 0 : i32
      %dma_wait3A_128 = tpu.memref_slice %arg26[%add3A_20, %dma_wait3A_127] : memref<10240x32xf32, #tpu.memory_space<vmem_shared>> -> memref<128x32xf32, #tpu.memory_space<vmem_shared>>
      tpu.wait_dma2 semaphore(%run_scoped3A : memref<!tpu.dma_semaphore, #tpu.memory_space<semaphore_mem>>) src(%arg25 : memref<128x32xf32, #tpu.memory_space<vmem>>) dst(%dma_wait3A_128 : memref<128x32xf32, #tpu.memory_space<vmem_shared>>)
      tpu.yield
    }) : () -> ()
    %mul3A_21 = arith.constant 640 : i32
    %mul3A_22 = arith.muli %arg1, %mul3A_21 : i32
    %add3A_23 = arith.constant 512 : i32
    %add3A_24 = arith.addi %mul3A_22, %add3A_23 : i32
    "tpu.region"() ({
      %run_scoped3A = tpu.sem_alloc : memref<!tpu.dma_semaphore, #tpu.memory_space<semaphore_mem>>
      %dma_start3A_121 = arith.constant 0 : i32
      %dma_start3A_122 = tpu.memref_slice %arg26[%add3A_24, %dma_start3A_121] : memref<10240x32xf32, #tpu.memory_space<vmem_shared>> -> memref<128x32xf32, #tpu.memory_space<vmem_shared>>
      %dma_start3A_123 = arith.constant 0 : i32
      %dma_start3A_124 = tpu.memref_slice %arg26[%add3A_24, %dma_start3A_123] : memref<10240x32xf32, #tpu.memory_space<vmem_shared>> -> memref<128x32xf32, #tpu.memory_space<vmem_shared>>
      tpu.enqueue_dma source(%arg25 : memref<128x32xf32, #tpu.memory_space<vmem>>) target(%dma_start3A_124 : memref<128x32xf32, #tpu.memory_space<vmem_shared>>) target_semaphore(%run_scoped3A : memref<!tpu.dma_semaphore, #tpu.memory_space<semaphore_mem>>)
      %dma_wait3A_125 = arith.constant 0 : i32
      %dma_wait3A_126 = tpu.memref_slice %arg26[%add3A_24, %dma_wait3A_125] : memref<10240x32xf32, #tpu.memory_space<vmem_shared>> -> memref<128x32xf32, #tpu.memory_space<vmem_shared>>
      %dma_wait3A_127 = arith.constant 0 : i32
      %dma_wait3A_128 = tpu.memref_slice %arg26[%add3A_24, %dma_wait3A_127] : memref<10240x32xf32, #tpu.memory_space<vmem_shared>> -> memref<128x32xf32, #tpu.memory_space<vmem_shared>>
      tpu.wait_dma2 semaphore(%run_scoped3A : memref<!tpu.dma_semaphore, #tpu.memory_space<semaphore_mem>>) src(%arg25 : memref<128x32xf32, #tpu.memory_space<vmem>>) dst(%dma_wait3A_128 : memref<128x32xf32, #tpu.memory_space<vmem_shared>>)
      tpu.yield
    }) : () -> ()
    %mul3A_25 = arith.constant 625 : i32
    %mul3A_26 = arith.muli %arg1, %mul3A_25 : i32
    %add3A_27 = arith.constant 0 : i32
    %add3A_28 = arith.addi %mul3A_26, %add3A_27 : i32
    "tpu.region"() ({
      %run_scoped3A = tpu.sem_alloc : memref<!tpu.dma_semaphore, #tpu.memory_space<semaphore_mem>>
      %dma_start3A_121 = arith.constant 0 : i32
      %dma_start3A_122 = tpu.memref_slice %arg5[%add3A_28, %dma_start3A_121] : memref<10000x16xf32, #tpu.memory_space<hbm>> -> memref<125x16xf32, #tpu.memory_space<hbm>>
      %dma_start3A_123 = arith.constant 0 : i32
      %dma_start3A_124 = tpu.memref_slice %arg5[%add3A_28, %dma_start3A_123] : memref<10000x16xf32, #tpu.memory_space<hbm>> -> memref<125x16xf32, #tpu.memory_space<hbm>>
      tpu.enqueue_dma source(%dma_start3A_124 : memref<125x16xf32, #tpu.memory_space<hbm>>) target(%arg13 : memref<125x16xf32, #tpu.memory_space<vmem>>) target_semaphore(%run_scoped3A : memref<!tpu.dma_semaphore, #tpu.memory_space<semaphore_mem>>)
      %dma_wait3A_125 = arith.constant 0 : i32
      %dma_wait3A_126 = tpu.memref_slice %arg5[%add3A_28, %dma_wait3A_125] : memref<10000x16xf32, #tpu.memory_space<hbm>> -> memref<125x16xf32, #tpu.memory_space<hbm>>
      %dma_wait3A_127 = arith.constant 0 : i32
      %dma_wait3A_128 = tpu.memref_slice %arg5[%add3A_28, %dma_wait3A_127] : memref<10000x16xf32, #tpu.memory_space<hbm>> -> memref<125x16xf32, #tpu.memory_space<hbm>>
      tpu.wait_dma2 semaphore(%run_scoped3A : memref<!tpu.dma_semaphore, #tpu.memory_space<semaphore_mem>>) src(%dma_wait3A_128 : memref<125x16xf32, #tpu.memory_space<hbm>>) dst(%arg13 : memref<125x16xf32, #tpu.memory_space<vmem>>)
      tpu.yield
    }) : () -> ()
    "tpu.region"() ({
      %run_scoped3A = tpu.sem_alloc : memref<!tpu.dma_semaphore, #tpu.memory_space<semaphore_mem>>
      %dma_start3A_121 = arith.constant 0 : i32
      %dma_start3A_122 = tpu.memref_slice %arg27[%add3A_28, %dma_start3A_121] : memref<10000x16xf32, #tpu.memory_space<vmem_shared>> -> memref<125x16xf32, #tpu.memory_space<vmem_shared>>
      %dma_start3A_123 = arith.constant 0 : i32
      %dma_start3A_124 = tpu.memref_slice %arg27[%add3A_28, %dma_start3A_123] : memref<10000x16xf32, #tpu.memory_space<vmem_shared>> -> memref<125x16xf32, #tpu.memory_space<vmem_shared>>
      tpu.enqueue_dma source(%arg13 : memref<125x16xf32, #tpu.memory_space<vmem>>) target(%dma_start3A_124 : memref<125x16xf32, #tpu.memory_space<vmem_shared>>) target_semaphore(%run_scoped3A : memref<!tpu.dma_semaphore, #tpu.memory_space<semaphore_mem>>)
      %dma_wait3A_125 = arith.constant 0 : i32
      %dma_wait3A_126 = tpu.memref_slice %arg27[%add3A_28, %dma_wait3A_125] : memref<10000x16xf32, #tpu.memory_space<vmem_shared>> -> memref<125x16xf32, #tpu.memory_space<vmem_shared>>
      %dma_wait3A_127 = arith.constant 0 : i32
      %dma_wait3A_128 = tpu.memref_slice %arg27[%add3A_28, %dma_wait3A_127] : memref<10000x16xf32, #tpu.memory_space<vmem_shared>> -> memref<125x16xf32, #tpu.memory_space<vmem_shared>>
      tpu.wait_dma2 semaphore(%run_scoped3A : memref<!tpu.dma_semaphore, #tpu.memory_space<semaphore_mem>>) src(%arg13 : memref<125x16xf32, #tpu.memory_space<vmem>>) dst(%dma_wait3A_128 : memref<125x16xf32, #tpu.memory_space<vmem_shared>>)
      tpu.yield
    }) : () -> ()
    %mul3A_29 = arith.constant 625 : i32
    %mul3A_30 = arith.muli %arg1, %mul3A_29 : i32
    %add3A_31 = arith.constant 125 : i32
    %add3A_32 = arith.addi %mul3A_30, %add3A_31 : i32
    "tpu.region"() ({
      %run_scoped3A = tpu.sem_alloc : memref<!tpu.dma_semaphore, #tpu.memory_space<semaphore_mem>>
      %dma_start3A_121 = arith.constant 0 : i32
      %dma_start3A_122 = tpu.memref_slice %arg5[%add3A_32, %dma_start3A_121] : memref<10000x16xf32, #tpu.memory_space<hbm>> -> memref<125x16xf32, #tpu.memory_space<hbm>>
      %dma_start3A_123 = arith.constant 0 : i32
      %dma_start3A_124 = tpu.memref_slice %arg5[%add3A_32, %dma_start3A_123] : memref<10000x16xf32, #tpu.memory_space<hbm>> -> memref<125x16xf32, #tpu.memory_space<hbm>>
      tpu.enqueue_dma source(%dma_start3A_124 : memref<125x16xf32, #tpu.memory_space<hbm>>) target(%arg13 : memref<125x16xf32, #tpu.memory_space<vmem>>) target_semaphore(%run_scoped3A : memref<!tpu.dma_semaphore, #tpu.memory_space<semaphore_mem>>)
      %dma_wait3A_125 = arith.constant 0 : i32
      %dma_wait3A_126 = tpu.memref_slice %arg5[%add3A_32, %dma_wait3A_125] : memref<10000x16xf32, #tpu.memory_space<hbm>> -> memref<125x16xf32, #tpu.memory_space<hbm>>
      %dma_wait3A_127 = arith.constant 0 : i32
      %dma_wait3A_128 = tpu.memref_slice %arg5[%add3A_32, %dma_wait3A_127] : memref<10000x16xf32, #tpu.memory_space<hbm>> -> memref<125x16xf32, #tpu.memory_space<hbm>>
      tpu.wait_dma2 semaphore(%run_scoped3A : memref<!tpu.dma_semaphore, #tpu.memory_space<semaphore_mem>>) src(%dma_wait3A_128 : memref<125x16xf32, #tpu.memory_space<hbm>>) dst(%arg13 : memref<125x16xf32, #tpu.memory_space<vmem>>)
      tpu.yield
    }) : () -> ()
    "tpu.region"() ({
      %run_scoped3A = tpu.sem_alloc : memref<!tpu.dma_semaphore, #tpu.memory_space<semaphore_mem>>
      %dma_start3A_121 = arith.constant 0 : i32
      %dma_start3A_122 = tpu.memref_slice %arg27[%add3A_32, %dma_start3A_121] : memref<10000x16xf32, #tpu.memory_space<vmem_shared>> -> memref<125x16xf32, #tpu.memory_space<vmem_shared>>
      %dma_start3A_123 = arith.constant 0 : i32
      %dma_start3A_124 = tpu.memref_slice %arg27[%add3A_32, %dma_start3A_123] : memref<10000x16xf32, #tpu.memory_space<vmem_shared>> -> memref<125x16xf32, #tpu.memory_space<vmem_shared>>
      tpu.enqueue_dma source(%arg13 : memref<125x16xf32, #tpu.memory_space<vmem>>) target(%dma_start3A_124 : memref<125x16xf32, #tpu.memory_space<vmem_shared>>) target_semaphore(%run_scoped3A : memref<!tpu.dma_semaphore, #tpu.memory_space<semaphore_mem>>)
      %dma_wait3A_125 = arith.constant 0 : i32
      %dma_wait3A_126 = tpu.memref_slice %arg27[%add3A_32, %dma_wait3A_125] : memref<10000x16xf32, #tpu.memory_space<vmem_shared>> -> memref<125x16xf32, #tpu.memory_space<vmem_shared>>
      %dma_wait3A_127 = arith.constant 0 : i32
      %dma_wait3A_128 = tpu.memref_slice %arg27[%add3A_32, %dma_wait3A_127] : memref<10000x16xf32, #tpu.memory_space<vmem_shared>> -> memref<125x16xf32, #tpu.memory_space<vmem_shared>>
      tpu.wait_dma2 semaphore(%run_scoped3A : memref<!tpu.dma_semaphore, #tpu.memory_space<semaphore_mem>>) src(%arg13 : memref<125x16xf32, #tpu.memory_space<vmem>>) dst(%dma_wait3A_128 : memref<125x16xf32, #tpu.memory_space<vmem_shared>>)
      tpu.yield
    }) : () -> ()
    %mul3A_33 = arith.constant 625 : i32
    %mul3A_34 = arith.muli %arg1, %mul3A_33 : i32
    %add3A_35 = arith.constant 250 : i32
    %add3A_36 = arith.addi %mul3A_34, %add3A_35 : i32
    "tpu.region"() ({
      %run_scoped3A = tpu.sem_alloc : memref<!tpu.dma_semaphore, #tpu.memory_space<semaphore_mem>>
      %dma_start3A_121 = arith.constant 0 : i32
      %dma_start3A_122 = tpu.memref_slice %arg5[%add3A_36, %dma_start3A_121] : memref<10000x16xf32, #tpu.memory_space<hbm>> -> memref<125x16xf32, #tpu.memory_space<hbm>>
      %dma_start3A_123 = arith.constant 0 : i32
      %dma_start3A_124 = tpu.memref_slice %arg5[%add3A_36, %dma_start3A_123] : memref<10000x16xf32, #tpu.memory_space<hbm>> -> memref<125x16xf32, #tpu.memory_space<hbm>>
      tpu.enqueue_dma source(%dma_start3A_124 : memref<125x16xf32, #tpu.memory_space<hbm>>) target(%arg13 : memref<125x16xf32, #tpu.memory_space<vmem>>) target_semaphore(%run_scoped3A : memref<!tpu.dma_semaphore, #tpu.memory_space<semaphore_mem>>)
      %dma_wait3A_125 = arith.constant 0 : i32
      %dma_wait3A_126 = tpu.memref_slice %arg5[%add3A_36, %dma_wait3A_125] : memref<10000x16xf32, #tpu.memory_space<hbm>> -> memref<125x16xf32, #tpu.memory_space<hbm>>
      %dma_wait3A_127 = arith.constant 0 : i32
      %dma_wait3A_128 = tpu.memref_slice %arg5[%add3A_36, %dma_wait3A_127] : memref<10000x16xf32, #tpu.memory_space<hbm>> -> memref<125x16xf32, #tpu.memory_space<hbm>>
      tpu.wait_dma2 semaphore(%run_scoped3A : memref<!tpu.dma_semaphore, #tpu.memory_space<semaphore_mem>>) src(%dma_wait3A_128 : memref<125x16xf32, #tpu.memory_space<hbm>>) dst(%arg13 : memref<125x16xf32, #tpu.memory_space<vmem>>)
      tpu.yield
    }) : () -> ()
    "tpu.region"() ({
      %run_scoped3A = tpu.sem_alloc : memref<!tpu.dma_semaphore, #tpu.memory_space<semaphore_mem>>
      %dma_start3A_121 = arith.constant 0 : i32
      %dma_start3A_122 = tpu.memref_slice %arg27[%add3A_36, %dma_start3A_121] : memref<10000x16xf32, #tpu.memory_space<vmem_shared>> -> memref<125x16xf32, #tpu.memory_space<vmem_shared>>
      %dma_start3A_123 = arith.constant 0 : i32
      %dma_start3A_124 = tpu.memref_slice %arg27[%add3A_36, %dma_start3A_123] : memref<10000x16xf32, #tpu.memory_space<vmem_shared>> -> memref<125x16xf32, #tpu.memory_space<vmem_shared>>
      tpu.enqueue_dma source(%arg13 : memref<125x16xf32, #tpu.memory_space<vmem>>) target(%dma_start3A_124 : memref<125x16xf32, #tpu.memory_space<vmem_shared>>) target_semaphore(%run_scoped3A : memref<!tpu.dma_semaphore, #tpu.memory_space<semaphore_mem>>)
      %dma_wait3A_125 = arith.constant 0 : i32
      %dma_wait3A_126 = tpu.memref_slice %arg27[%add3A_36, %dma_wait3A_125] : memref<10000x16xf32, #tpu.memory_space<vmem_shared>> -> memref<125x16xf32, #tpu.memory_space<vmem_shared>>
      %dma_wait3A_127 = arith.constant 0 : i32
      %dma_wait3A_128 = tpu.memref_slice %arg27[%add3A_36, %dma_wait3A_127] : memref<10000x16xf32, #tpu.memory_space<vmem_shared>> -> memref<125x16xf32, #tpu.memory_space<vmem_shared>>
      tpu.wait_dma2 semaphore(%run_scoped3A : memref<!tpu.dma_semaphore, #tpu.memory_space<semaphore_mem>>) src(%arg13 : memref<125x16xf32, #tpu.memory_space<vmem>>) dst(%dma_wait3A_128 : memref<125x16xf32, #tpu.memory_space<vmem_shared>>)
      tpu.yield
    }) : () -> ()
    %mul3A_37 = arith.constant 625 : i32
    %mul3A_38 = arith.muli %arg1, %mul3A_37 : i32
    %add3A_39 = arith.constant 375 : i32
    %add3A_40 = arith.addi %mul3A_38, %add3A_39 : i32
    "tpu.region"() ({
      %run_scoped3A = tpu.sem_alloc : memref<!tpu.dma_semaphore, #tpu.memory_space<semaphore_mem>>
      %dma_start3A_121 = arith.constant 0 : i32
      %dma_start3A_122 = tpu.memref_slice %arg5[%add3A_40, %dma_start3A_121] : memref<10000x16xf32, #tpu.memory_space<hbm>> -> memref<125x16xf32, #tpu.memory_space<hbm>>
      %dma_start3A_123 = arith.constant 0 : i32
      %dma_start3A_124 = tpu.memref_slice %arg5[%add3A_40, %dma_start3A_123] : memref<10000x16xf32, #tpu.memory_space<hbm>> -> memref<125x16xf32, #tpu.memory_space<hbm>>
      tpu.enqueue_dma source(%dma_start3A_124 : memref<125x16xf32, #tpu.memory_space<hbm>>) target(%arg13 : memref<125x16xf32, #tpu.memory_space<vmem>>) target_semaphore(%run_scoped3A : memref<!tpu.dma_semaphore, #tpu.memory_space<semaphore_mem>>)
      %dma_wait3A_125 = arith.constant 0 : i32
      %dma_wait3A_126 = tpu.memref_slice %arg5[%add3A_40, %dma_wait3A_125] : memref<10000x16xf32, #tpu.memory_space<hbm>> -> memref<125x16xf32, #tpu.memory_space<hbm>>
      %dma_wait3A_127 = arith.constant 0 : i32
      %dma_wait3A_128 = tpu.memref_slice %arg5[%add3A_40, %dma_wait3A_127] : memref<10000x16xf32, #tpu.memory_space<hbm>> -> memref<125x16xf32, #tpu.memory_space<hbm>>
      tpu.wait_dma2 semaphore(%run_scoped3A : memref<!tpu.dma_semaphore, #tpu.memory_space<semaphore_mem>>) src(%dma_wait3A_128 : memref<125x16xf32, #tpu.memory_space<hbm>>) dst(%arg13 : memref<125x16xf32, #tpu.memory_space<vmem>>)
      tpu.yield
    }) : () -> ()
    "tpu.region"() ({
      %run_scoped3A = tpu.sem_alloc : memref<!tpu.dma_semaphore, #tpu.memory_space<semaphore_mem>>
      %dma_start3A_121 = arith.constant 0 : i32
      %dma_start3A_122 = tpu.memref_slice %arg27[%add3A_40, %dma_start3A_121] : memref<10000x16xf32, #tpu.memory_space<vmem_shared>> -> memref<125x16xf32, #tpu.memory_space<vmem_shared>>
      %dma_start3A_123 = arith.constant 0 : i32
      %dma_start3A_124 = tpu.memref_slice %arg27[%add3A_40, %dma_start3A_123] : memref<10000x16xf32, #tpu.memory_space<vmem_shared>> -> memref<125x16xf32, #tpu.memory_space<vmem_shared>>
      tpu.enqueue_dma source(%arg13 : memref<125x16xf32, #tpu.memory_space<vmem>>) target(%dma_start3A_124 : memref<125x16xf32, #tpu.memory_space<vmem_shared>>) target_semaphore(%run_scoped3A : memref<!tpu.dma_semaphore, #tpu.memory_space<semaphore_mem>>)
      %dma_wait3A_125 = arith.constant 0 : i32
      %dma_wait3A_126 = tpu.memref_slice %arg27[%add3A_40, %dma_wait3A_125] : memref<10000x16xf32, #tpu.memory_space<vmem_shared>> -> memref<125x16xf32, #tpu.memory_space<vmem_shared>>
      %dma_wait3A_127 = arith.constant 0 : i32
      %dma_wait3A_128 = tpu.memref_slice %arg27[%add3A_40, %dma_wait3A_127] : memref<10000x16xf32, #tpu.memory_space<vmem_shared>> -> memref<125x16xf32, #tpu.memory_space<vmem_shared>>
      tpu.wait_dma2 semaphore(%run_scoped3A : memref<!tpu.dma_semaphore, #tpu.memory_space<semaphore_mem>>) src(%arg13 : memref<125x16xf32, #tpu.memory_space<vmem>>) dst(%dma_wait3A_128 : memref<125x16xf32, #tpu.memory_space<vmem_shared>>)
      tpu.yield
    }) : () -> ()
    %mul3A_41 = arith.constant 625 : i32
    %mul3A_42 = arith.muli %arg1, %mul3A_41 : i32
    %add3A_43 = arith.constant 500 : i32
    %add3A_44 = arith.addi %mul3A_42, %add3A_43 : i32
    "tpu.region"() ({
      %run_scoped3A = tpu.sem_alloc : memref<!tpu.dma_semaphore, #tpu.memory_space<semaphore_mem>>
      %dma_start3A_121 = arith.constant 0 : i32
      %dma_start3A_122 = tpu.memref_slice %arg5[%add3A_44, %dma_start3A_121] : memref<10000x16xf32, #tpu.memory_space<hbm>> -> memref<125x16xf32, #tpu.memory_space<hbm>>
      %dma_start3A_123 = arith.constant 0 : i32
      %dma_start3A_124 = tpu.memref_slice %arg5[%add3A_44, %dma_start3A_123] : memref<10000x16xf32, #tpu.memory_space<hbm>> -> memref<125x16xf32, #tpu.memory_space<hbm>>
      tpu.enqueue_dma source(%dma_start3A_124 : memref<125x16xf32, #tpu.memory_space<hbm>>) target(%arg13 : memref<125x16xf32, #tpu.memory_space<vmem>>) target_semaphore(%run_scoped3A : memref<!tpu.dma_semaphore, #tpu.memory_space<semaphore_mem>>)
      %dma_wait3A_125 = arith.constant 0 : i32
      %dma_wait3A_126 = tpu.memref_slice %arg5[%add3A_44, %dma_wait3A_125] : memref<10000x16xf32, #tpu.memory_space<hbm>> -> memref<125x16xf32, #tpu.memory_space<hbm>>
      %dma_wait3A_127 = arith.constant 0 : i32
      %dma_wait3A_128 = tpu.memref_slice %arg5[%add3A_44, %dma_wait3A_127] : memref<10000x16xf32, #tpu.memory_space<hbm>> -> memref<125x16xf32, #tpu.memory_space<hbm>>
      tpu.wait_dma2 semaphore(%run_scoped3A : memref<!tpu.dma_semaphore, #tpu.memory_space<semaphore_mem>>) src(%dma_wait3A_128 : memref<125x16xf32, #tpu.memory_space<hbm>>) dst(%arg13 : memref<125x16xf32, #tpu.memory_space<vmem>>)
      tpu.yield
    }) : () -> ()
    "tpu.region"() ({
      %run_scoped3A = tpu.sem_alloc : memref<!tpu.dma_semaphore, #tpu.memory_space<semaphore_mem>>
      %dma_start3A_121 = arith.constant 0 : i32
      %dma_start3A_122 = tpu.memref_slice %arg27[%add3A_44, %dma_start3A_121] : memref<10000x16xf32, #tpu.memory_space<vmem_shared>> -> memref<125x16xf32, #tpu.memory_space<vmem_shared>>
      %dma_start3A_123 = arith.constant 0 : i32
      %dma_start3A_124 = tpu.memref_slice %arg27[%add3A_44, %dma_start3A_123] : memref<10000x16xf32, #tpu.memory_space<vmem_shared>> -> memref<125x16xf32, #tpu.memory_space<vmem_shared>>
      tpu.enqueue_dma source(%arg13 : memref<125x16xf32, #tpu.memory_space<vmem>>) target(%dma_start3A_124 : memref<125x16xf32, #tpu.memory_space<vmem_shared>>) target_semaphore(%run_scoped3A : memref<!tpu.dma_semaphore, #tpu.memory_space<semaphore_mem>>)
      %dma_wait3A_125 = arith.constant 0 : i32
      %dma_wait3A_126 = tpu.memref_slice %arg27[%add3A_44, %dma_wait3A_125] : memref<10000x16xf32, #tpu.memory_space<vmem_shared>> -> memref<125x16xf32, #tpu.memory_space<vmem_shared>>
      %dma_wait3A_127 = arith.constant 0 : i32
      %dma_wait3A_128 = tpu.memref_slice %arg27[%add3A_44, %dma_wait3A_127] : memref<10000x16xf32, #tpu.memory_space<vmem_shared>> -> memref<125x16xf32, #tpu.memory_space<vmem_shared>>
      tpu.wait_dma2 semaphore(%run_scoped3A : memref<!tpu.dma_semaphore, #tpu.memory_space<semaphore_mem>>) src(%arg13 : memref<125x16xf32, #tpu.memory_space<vmem>>) dst(%dma_wait3A_128 : memref<125x16xf32, #tpu.memory_space<vmem_shared>>)
      tpu.yield
    }) : () -> ()
    %barrier3A = arith.constant 0 : index
    tpu.barrier barrier_id(%barrier3A)
    %mul3A_45 = arith.constant 80 : i32
    %mul3A_46 = arith.muli %add3A, %mul3A_45 : i32
    "tpu.region"() ({
      %run_scoped3A = tpu.sem_alloc : memref<!tpu.dma_semaphore, #tpu.memory_space<semaphore_mem>>
      %dma_start3A_121 = arith.constant 0 : i32
      %dma_start3A_122 = tpu.memref_slice %arg2[%mul3A_46, %dma_start3A_121] : memref<2560x125xi32, #tpu.memory_space<hbm>> -> memref<80x125xi32, #tpu.memory_space<hbm>>
      %dma_start3A_123 = arith.constant 0 : i32
      %dma_start3A_124 = tpu.memref_slice %arg2[%mul3A_46, %dma_start3A_123] : memref<2560x125xi32, #tpu.memory_space<hbm>> -> memref<80x125xi32, #tpu.memory_space<hbm>>
      tpu.enqueue_dma source(%dma_start3A_124 : memref<80x125xi32, #tpu.memory_space<hbm>>) target(%arg7 : memref<80x125xi32, #tpu.memory_space<vmem>>) target_semaphore(%run_scoped3A : memref<!tpu.dma_semaphore, #tpu.memory_space<semaphore_mem>>)
      %dma_wait3A_125 = arith.constant 0 : i32
      %dma_wait3A_126 = tpu.memref_slice %arg2[%mul3A_46, %dma_wait3A_125] : memref<2560x125xi32, #tpu.memory_space<hbm>> -> memref<80x125xi32, #tpu.memory_space<hbm>>
      %dma_wait3A_127 = arith.constant 0 : i32
      %dma_wait3A_128 = tpu.memref_slice %arg2[%mul3A_46, %dma_wait3A_127] : memref<2560x125xi32, #tpu.memory_space<hbm>> -> memref<80x125xi32, #tpu.memory_space<hbm>>
      tpu.wait_dma2 semaphore(%run_scoped3A : memref<!tpu.dma_semaphore, #tpu.memory_space<semaphore_mem>>) src(%dma_wait3A_128 : memref<80x125xi32, #tpu.memory_space<hbm>>) dst(%arg7 : memref<80x125xi32, #tpu.memory_space<vmem>>)
      tpu.yield
    }) : () -> ()
    %mul3A_47 = arith.constant 80 : i32
    %mul3A_48 = arith.muli %add3A, %mul3A_47 : i32
    "tpu.region"() ({
      %run_scoped3A = tpu.sem_alloc : memref<!tpu.dma_semaphore, #tpu.memory_space<semaphore_mem>>
      %dma_start3A_121 = arith.constant 0 : i32
      %dma_start3A_122 = tpu.memref_slice %arg3[%mul3A_48, %dma_start3A_121] : memref<2560x125xi32, #tpu.memory_space<hbm>> -> memref<80x125xi32, #tpu.memory_space<hbm>>
      %dma_start3A_123 = arith.constant 0 : i32
      %dma_start3A_124 = tpu.memref_slice %arg3[%mul3A_48, %dma_start3A_123] : memref<2560x125xi32, #tpu.memory_space<hbm>> -> memref<80x125xi32, #tpu.memory_space<hbm>>
      tpu.enqueue_dma source(%dma_start3A_124 : memref<80x125xi32, #tpu.memory_space<hbm>>) target(%arg8 : memref<80x125xi32, #tpu.memory_space<vmem>>) target_semaphore(%run_scoped3A : memref<!tpu.dma_semaphore, #tpu.memory_space<semaphore_mem>>)
      %dma_wait3A_125 = arith.constant 0 : i32
      %dma_wait3A_126 = tpu.memref_slice %arg3[%mul3A_48, %dma_wait3A_125] : memref<2560x125xi32, #tpu.memory_space<hbm>> -> memref<80x125xi32, #tpu.memory_space<hbm>>
      %dma_wait3A_127 = arith.constant 0 : i32
      %dma_wait3A_128 = tpu.memref_slice %arg3[%mul3A_48, %dma_wait3A_127] : memref<2560x125xi32, #tpu.memory_space<hbm>> -> memref<80x125xi32, #tpu.memory_space<hbm>>
      tpu.wait_dma2 semaphore(%run_scoped3A : memref<!tpu.dma_semaphore, #tpu.memory_space<semaphore_mem>>) src(%dma_wait3A_128 : memref<80x125xi32, #tpu.memory_space<hbm>>) dst(%arg8 : memref<80x125xi32, #tpu.memory_space<vmem>>)
      tpu.yield
    }) : () -> ()
    %dma_start3A = arith.constant 0 : i32
    %dma_start3A_49 = arith.constant 0 : i32
    %dma_start3A_50 = tpu.memref_slice %arg7[%dma_start3A, %dma_start3A_49] : memref<80x125xi32, #tpu.memory_space<vmem>> -> memref<1x125xi32, #tpu.memory_space<vmem>>
    %dma_start3A_51 = tpu.memref_squeeze %dma_start3A_50 : memref<1x125xi32, #tpu.memory_space<vmem>> -> memref<125xi32, #tpu.memory_space<vmem>>
    %dma_start3A_52 = arith.constant 0 : i32
    %dma_start3A_53 = arith.constant 0 : i32
    %dma_start3A_54 = tpu.memref_slice %arg4[%dma_start3A_52, %dma_start3A_53] : memref<10000x16xf32, #tpu.memory_space<hbm>> -> memref<10000x16xf32, #tpu.memory_space<hbm>>
    tpu.enqueue_indirect_dma source(%dma_start3A_54 : memref<10000x16xf32, #tpu.memory_space<hbm>>) target(%arg9 : memref<125x16xf32, #tpu.memory_space<vmem>>) offsets(%dma_start3A_51 : memref<125xi32, #tpu.memory_space<vmem>>) semaphore(%arg28 : memref<!tpu.dma_semaphore, #tpu.memory_space<semaphore_mem>>)
    %dma_start3A_55 = arith.constant 0 : i32
    %dma_start3A_56 = arith.constant 0 : i32
    %dma_start3A_57 = tpu.memref_slice %arg7[%dma_start3A_55, %dma_start3A_56] : memref<80x125xi32, #tpu.memory_space<vmem>> -> memref<1x125xi32, #tpu.memory_space<vmem>>
    %dma_start3A_58 = tpu.memref_squeeze %dma_start3A_57 : memref<1x125xi32, #tpu.memory_space<vmem>> -> memref<125xi32, #tpu.memory_space<vmem>>
    %dma_start3A_59 = arith.constant 0 : i32
    %dma_start3A_60 = arith.constant 0 : i32
    %dma_start3A_61 = tpu.memref_slice %arg27[%dma_start3A_59, %dma_start3A_60] : memref<10000x16xf32, #tpu.memory_space<vmem_shared>> -> memref<10000x16xf32, #tpu.memory_space<vmem_shared>>
    tpu.enqueue_indirect_dma source(%dma_start3A_61 : memref<10000x16xf32, #tpu.memory_space<vmem_shared>>) target(%arg13 : memref<125x16xf32, #tpu.memory_space<vmem>>) offsets(%dma_start3A_58 : memref<125xi32, #tpu.memory_space<vmem>>) semaphore(%arg32 : memref<!tpu.dma_semaphore, #tpu.memory_space<semaphore_mem>>)
    %dma_start3A_62 = arith.constant 0 : i32
    %dma_start3A_63 = arith.constant 0 : i32
    %dma_start3A_64 = tpu.memref_slice %arg8[%dma_start3A_62, %dma_start3A_63] : memref<80x125xi32, #tpu.memory_space<vmem>> -> memref<1x125xi32, #tpu.memory_space<vmem>>
    %dma_start3A_65 = tpu.memref_squeeze %dma_start3A_64 : memref<1x125xi32, #tpu.memory_space<vmem>> -> memref<125xi32, #tpu.memory_space<vmem>>
    %dma_start3A_66 = arith.constant 0 : i32
    %dma_start3A_67 = arith.constant 0 : i32
    %dma_start3A_68 = tpu.memref_slice %arg27[%dma_start3A_66, %dma_start3A_67] : memref<10000x16xf32, #tpu.memory_space<vmem_shared>> -> memref<10000x16xf32, #tpu.memory_space<vmem_shared>>
    tpu.enqueue_indirect_dma source(%dma_start3A_68 : memref<10000x16xf32, #tpu.memory_space<vmem_shared>>) target(%arg17 : memref<125x16xf32, #tpu.memory_space<vmem>>) offsets(%dma_start3A_65 : memref<125xi32, #tpu.memory_space<vmem>>) semaphore(%arg36 : memref<!tpu.dma_semaphore, #tpu.memory_space<semaphore_mem>>)
    %scan3A_69 = arith.constant 0 : i32
    %scan3A_70 = arith.constant 20 : i32
    %scan3A_71 = arith.addi %scan3A_69, %scan3A_70 : i32
    %scan3A_72 = arith.constant 1 : i32
    scf.for %scan3A_121 = %scan3A_69 to %scan3A_71 step %scan3A_72  : i32 {
      %mul3A_122 = arith.constant 1 : i32
      %mul3A_123 = arith.muli %scan3A_121, %mul3A_122 : i32
      %add3A_124 = arith.constant 0 : i32
      %add3A_125 = arith.addi %add3A_124, %mul3A_123 : i32
      %mul3A_126 = arith.constant 4 : i32
      %mul3A_127 = arith.muli %add3A_125, %mul3A_126 : i32
      %add3A_128 = arith.constant 0 : i32
      %add3A_129 = arith.addi %mul3A_127, %add3A_128 : i32
      %ge3A = arith.constant 1 : i32
      %ge3A_130 = arith.cmpi sge, %add3A_125, %ge3A : i32
      %convert_element_type3A = arith.extui %ge3A_130 : i1 to i32
      %cond3A = arith.constant 0 : i32
      %cond3A_131 = arith.cmpi ne, %convert_element_type3A, %cond3A : i32
      scf.if %cond3A_131 {
        %dma_wait3A_328 = arith.constant 0 : i32
        %dma_wait3A_329 = arith.constant 0 : i32
        %dma_wait3A_330 = arith.constant 0 : i32
        %dma_wait3A_331 = tpu.memref_slice %arg6[%dma_wait3A_328, %dma_wait3A_329, %dma_wait3A_330] : memref<2x10240x32xf32, #tpu.memory_space<hbm>> -> memref<1x125x32xf32, #tpu.memory_space<hbm>>
        %dma_wait3A_332 = tpu.memref_squeeze %dma_wait3A_331 : memref<1x125x32xf32, #tpu.memory_space<hbm>> -> memref<125x32xf32, #tpu.memory_space<hbm>>
        %dma_wait3A_333 = arith.constant 0 : i32
        %dma_wait3A_334 = arith.constant 0 : i32
        %dma_wait3A_335 = tpu.memref_slice %arg6[%dma_wait3A_328, %dma_wait3A_333, %dma_wait3A_334] : memref<2x10240x32xf32, #tpu.memory_space<hbm>> -> memref<1x125x32xf32, #tpu.memory_space<hbm>>
        %dma_wait3A_336 = tpu.memref_squeeze %dma_wait3A_335 : memref<1x125x32xf32, #tpu.memory_space<hbm>> -> memref<125x32xf32, #tpu.memory_space<hbm>>
        tpu.wait_dma2 semaphore(%arg41 : memref<!tpu.dma_semaphore, #tpu.memory_space<semaphore_mem>>) src(%dma_wait3A_336 : memref<125x32xf32, #tpu.memory_space<hbm>>) dst(%arg22 : memref<125x32xf32, #tpu.memory_space<vmem>>)
      } else {
      }
      %add3A_132 = arith.constant 1 : i32
      %add3A_133 = arith.addi %add3A_129, %add3A_132 : i32
      %dma_start3A_134 = arith.constant 0 : i32
      %dma_start3A_135 = tpu.memref_slice %arg7[%add3A_133, %dma_start3A_134] : memref<80x125xi32, #tpu.memory_space<vmem>> -> memref<1x125xi32, #tpu.memory_space<vmem>>
      %dma_start3A_136 = tpu.memref_squeeze %dma_start3A_135 : memref<1x125xi32, #tpu.memory_space<vmem>> -> memref<125xi32, #tpu.memory_space<vmem>>
      %dma_start3A_137 = arith.constant 0 : i32
      %dma_start3A_138 = arith.constant 0 : i32
      %dma_start3A_139 = tpu.memref_slice %arg4[%dma_start3A_137, %dma_start3A_138] : memref<10000x16xf32, #tpu.memory_space<hbm>> -> memref<10000x16xf32, #tpu.memory_space<hbm>>
      tpu.enqueue_indirect_dma source(%dma_start3A_139 : memref<10000x16xf32, #tpu.memory_space<hbm>>) target(%arg10 : memref<125x16xf32, #tpu.memory_space<vmem>>) offsets(%dma_start3A_136 : memref<125xi32, #tpu.memory_space<vmem>>) semaphore(%arg29 : memref<!tpu.dma_semaphore, #tpu.memory_space<semaphore_mem>>)
      %dma_start3A_140 = arith.constant 0 : i32
      %dma_start3A_141 = tpu.memref_slice %arg7[%add3A_133, %dma_start3A_140] : memref<80x125xi32, #tpu.memory_space<vmem>> -> memref<1x125xi32, #tpu.memory_space<vmem>>
      %dma_start3A_142 = tpu.memref_squeeze %dma_start3A_141 : memref<1x125xi32, #tpu.memory_space<vmem>> -> memref<125xi32, #tpu.memory_space<vmem>>
      %dma_start3A_143 = arith.constant 0 : i32
      %dma_start3A_144 = arith.constant 0 : i32
      %dma_start3A_145 = tpu.memref_slice %arg27[%dma_start3A_143, %dma_start3A_144] : memref<10000x16xf32, #tpu.memory_space<vmem_shared>> -> memref<10000x16xf32, #tpu.memory_space<vmem_shared>>
      tpu.enqueue_indirect_dma source(%dma_start3A_145 : memref<10000x16xf32, #tpu.memory_space<vmem_shared>>) target(%arg14 : memref<125x16xf32, #tpu.memory_space<vmem>>) offsets(%dma_start3A_142 : memref<125xi32, #tpu.memory_space<vmem>>) semaphore(%arg33 : memref<!tpu.dma_semaphore, #tpu.memory_space<semaphore_mem>>)
      %dma_start3A_146 = arith.constant 0 : i32
      %dma_start3A_147 = tpu.memref_slice %arg8[%add3A_133, %dma_start3A_146] : memref<80x125xi32, #tpu.memory_space<vmem>> -> memref<1x125xi32, #tpu.memory_space<vmem>>
      %dma_start3A_148 = tpu.memref_squeeze %dma_start3A_147 : memref<1x125xi32, #tpu.memory_space<vmem>> -> memref<125xi32, #tpu.memory_space<vmem>>
      %dma_start3A_149 = arith.constant 0 : i32
      %dma_start3A_150 = arith.constant 0 : i32
      %dma_start3A_151 = tpu.memref_slice %arg27[%dma_start3A_149, %dma_start3A_150] : memref<10000x16xf32, #tpu.memory_space<vmem_shared>> -> memref<10000x16xf32, #tpu.memory_space<vmem_shared>>
      tpu.enqueue_indirect_dma source(%dma_start3A_151 : memref<10000x16xf32, #tpu.memory_space<vmem_shared>>) target(%arg18 : memref<125x16xf32, #tpu.memory_space<vmem>>) offsets(%dma_start3A_148 : memref<125xi32, #tpu.memory_space<vmem>>) semaphore(%arg37 : memref<!tpu.dma_semaphore, #tpu.memory_space<semaphore_mem>>)
      %dma_wait3A_152 = arith.constant 0 : i32
      %dma_wait3A_153 = arith.constant 0 : i32
      %dma_wait3A_154 = tpu.memref_slice %arg4[%dma_wait3A_152, %dma_wait3A_153] : memref<10000x16xf32, #tpu.memory_space<hbm>> -> memref<125x16xf32, #tpu.memory_space<hbm>>
      %dma_wait3A_155 = arith.constant 0 : i32
      %dma_wait3A_156 = arith.constant 0 : i32
      %dma_wait3A_157 = tpu.memref_slice %arg4[%dma_wait3A_155, %dma_wait3A_156] : memref<10000x16xf32, #tpu.memory_space<hbm>> -> memref<125x16xf32, #tpu.memory_space<hbm>>
      tpu.wait_dma2 semaphore(%arg28 : memref<!tpu.dma_semaphore, #tpu.memory_space<semaphore_mem>>) src(%dma_wait3A_157 : memref<125x16xf32, #tpu.memory_space<hbm>>) dst(%arg9 : memref<125x16xf32, #tpu.memory_space<vmem>>)
      %dma_wait3A_158 = arith.constant 0 : i32
      %dma_wait3A_159 = arith.constant 0 : i32
      %dma_wait3A_160 = tpu.memref_slice %arg5[%dma_wait3A_158, %dma_wait3A_159] : memref<10000x16xf32, #tpu.memory_space<hbm>> -> memref<125x16xf32, #tpu.memory_space<hbm>>
      %dma_wait3A_161 = arith.constant 0 : i32
      %dma_wait3A_162 = arith.constant 0 : i32
      %dma_wait3A_163 = tpu.memref_slice %arg5[%dma_wait3A_161, %dma_wait3A_162] : memref<10000x16xf32, #tpu.memory_space<hbm>> -> memref<125x16xf32, #tpu.memory_space<hbm>>
      tpu.wait_dma2 semaphore(%arg32 : memref<!tpu.dma_semaphore, #tpu.memory_space<semaphore_mem>>) src(%dma_wait3A_163 : memref<125x16xf32, #tpu.memory_space<hbm>>) dst(%arg13 : memref<125x16xf32, #tpu.memory_space<vmem>>)
      %dma_wait3A_164 = arith.constant 0 : i32
      %dma_wait3A_165 = arith.constant 0 : i32
      %dma_wait3A_166 = tpu.memref_slice %arg5[%dma_wait3A_164, %dma_wait3A_165] : memref<10000x16xf32, #tpu.memory_space<hbm>> -> memref<125x16xf32, #tpu.memory_space<hbm>>
      %dma_wait3A_167 = arith.constant 0 : i32
      %dma_wait3A_168 = arith.constant 0 : i32
      %dma_wait3A_169 = tpu.memref_slice %arg5[%dma_wait3A_167, %dma_wait3A_168] : memref<10000x16xf32, #tpu.memory_space<hbm>> -> memref<125x16xf32, #tpu.memory_space<hbm>>
      tpu.wait_dma2 semaphore(%arg36 : memref<!tpu.dma_semaphore, #tpu.memory_space<semaphore_mem>>) src(%dma_wait3A_169 : memref<125x16xf32, #tpu.memory_space<hbm>>) dst(%arg17 : memref<125x16xf32, #tpu.memory_space<vmem>>)
      %parallel_loop3A = arith.constant 0 : i32
      %parallel_loop3A_170 = arith.constant 125 : i32
      %parallel_loop3A_171 = arith.constant 1 : i32
      scf.for %parallel_loop3A_328 = %parallel_loop3A to %parallel_loop3A_170 step %parallel_loop3A_171  : i32 {
        %parallel_loop3A_329 = tpu.iota {dimensions = array<i32: 0>} : vector<16xi32>
        %parallel_loop3A_330 = arith.index_cast %parallel_loop3A_328 : i32 to index
        %parallel_loop3A_331 = arith.constant 0 : index
        %parallel_loop3A_332 = tpu.vector_load %arg13[%parallel_loop3A_330, %parallel_loop3A_331] {strides = array<i32>} : memref<125x16xf32, #tpu.memory_space<vmem>>, vector<1x16xf32>,
        %parallel_loop3A_333 = vector.shape_cast %parallel_loop3A_332 : vector<1x16xf32> to vector<16xf32>
        %parallel_loop3A_334 = arith.index_cast %parallel_loop3A_328 : i32 to index
        %parallel_loop3A_335 = arith.constant 0 : index
        %parallel_loop3A_336 = tpu.vector_load %arg17[%parallel_loop3A_334, %parallel_loop3A_335] {strides = array<i32>} : memref<125x16xf32, #tpu.memory_space<vmem>>, vector<1x16xf32>,
        %parallel_loop3A_337 = vector.shape_cast %parallel_loop3A_336 : vector<1x16xf32> to vector<16xf32>
        %parallel_loop3A_338 = arith.constant 1 : i32
        %parallel_loop3A_339 = vector.broadcast %parallel_loop3A_338 : i32 to vector<16xi32>
        %parallel_loop3A_340 = arith.constant 0 : i32
        %parallel_loop3A_341 = vector.broadcast %parallel_loop3A_340 : i32 to vector<16xi32>
        %parallel_loop3A_342 = arith.cmpi slt, %parallel_loop3A_339, %parallel_loop3A_341 : vector<16xi32>
        %parallel_loop3A_343 = arith.constant 16 : i32
        %parallel_loop3A_344 = vector.broadcast %parallel_loop3A_343 : i32 to vector<16xi32>
        %parallel_loop3A_345 = arith.addi %parallel_loop3A_339, %parallel_loop3A_344 : vector<16xi32>
        %parallel_loop3A_346 = arith.select %parallel_loop3A_342, %parallel_loop3A_345, %parallel_loop3A_339 : vector<16xi1>, vector<16xi32>
        %parallel_loop3A_347 = vector.shape_cast %parallel_loop3A_346 : vector<16xi32> to vector<16x1xi32>
        %parallel_loop3A_348 = vector.shape_cast %parallel_loop3A_347 : vector<16x1xi32> to vector<16xi32>
        %parallel_loop3A_349 = tpu.dynamic_gather %parallel_loop3A_337[%parallel_loop3A_348] in [0] : vector<16xf32>, vector<16xi32> -> vector<16xf32>
        %parallel_loop3A_350 = arith.addf %parallel_loop3A_333, %parallel_loop3A_349 : vector<16xf32>
        %parallel_loop3A_351 = arith.constant 0.000000e+00 : f32
        %parallel_loop3A_352 = vector.broadcast %parallel_loop3A_351 : f32 to vector<16xf32>
        %parallel_loop3A_353 = arith.cmpf ogt, %parallel_loop3A_350, %parallel_loop3A_352 : vector<16xf32>
        %parallel_loop3A_354 = arith.constant 2.000000e-01 : f32
        %parallel_loop3A_355 = vector.broadcast %parallel_loop3A_354 : f32 to vector<16xf32>
        %parallel_loop3A_356 = arith.mulf %parallel_loop3A_355, %parallel_loop3A_350 : vector<16xf32>
        %parallel_loop3A_357 = arith.select %parallel_loop3A_353, %parallel_loop3A_350, %parallel_loop3A_356 : vector<16xi1>, vector<16xf32>
        %parallel_loop3A_358 = arith.constant 1 : i32
        %parallel_loop3A_359 = vector.broadcast %parallel_loop3A_358 : i32 to vector<16xi32>
        %parallel_loop3A_360 = arith.cmpi slt, %parallel_loop3A_329, %parallel_loop3A_359 : vector<16xi32>
        %parallel_loop3A_361 = math.exp %parallel_loop3A_357 : vector<16xf32>
        %parallel_loop3A_362 = arith.constant 0.000000e+00 : f32
        %parallel_loop3A_363 = vector.broadcast %parallel_loop3A_362 : f32 to vector<16xf32>
        %parallel_loop3A_364 = arith.select %parallel_loop3A_360, %parallel_loop3A_361, %parallel_loop3A_363 : vector<16xi1>, vector<16xf32>
        %parallel_loop3A_365 = arith.index_cast %parallel_loop3A_328 : i32 to index
        %parallel_loop3A_366 = arith.constant 16 : index
        %parallel_loop3A_367 = tpu.vector_load %arg21[%parallel_loop3A_365, %parallel_loop3A_366] {strides = array<i32>} : memref<125x32xf32, #tpu.memory_space<vmem>>, vector<1x16xf32>,
        %parallel_loop3A_368 = vector.shape_cast %parallel_loop3A_367 : vector<1x16xf32> to vector<16xf32>
        %parallel_loop3A_369 = vector.shape_cast %parallel_loop3A_364 : vector<16xf32> to vector<1x16xf32>
        tpu.vector_store %arg21[%parallel_loop3A_365, %parallel_loop3A_366], %parallel_loop3A_369 {strides = array<i32>} : memref<125x32xf32, #tpu.memory_space<vmem>>, vector<1x16xf32>,
        %parallel_loop3A_370 = arith.constant 0 : i32
        %parallel_loop3A_371 = vector.broadcast %parallel_loop3A_370 : i32 to vector<16xi32>
        %parallel_loop3A_372 = arith.constant 0 : i32
        %parallel_loop3A_373 = vector.broadcast %parallel_loop3A_372 : i32 to vector<16xi32>
        %parallel_loop3A_374 = arith.cmpi slt, %parallel_loop3A_371, %parallel_loop3A_373 : vector<16xi32>
        %parallel_loop3A_375 = arith.constant 16 : i32
        %parallel_loop3A_376 = vector.broadcast %parallel_loop3A_375 : i32 to vector<16xi32>
        %parallel_loop3A_377 = arith.addi %parallel_loop3A_371, %parallel_loop3A_376 : vector<16xi32>
        %parallel_loop3A_378 = arith.select %parallel_loop3A_374, %parallel_loop3A_377, %parallel_loop3A_371 : vector<16xi1>, vector<16xi32>
        %parallel_loop3A_379 = vector.shape_cast %parallel_loop3A_378 : vector<16xi32> to vector<16x1xi32>
        %parallel_loop3A_380 = vector.shape_cast %parallel_loop3A_379 : vector<16x1xi32> to vector<16xi32>
        %parallel_loop3A_381 = tpu.dynamic_gather %parallel_loop3A_364[%parallel_loop3A_380] in [0] : vector<16xf32>, vector<16xi32> -> vector<16xf32>
        %parallel_loop3A_382 = arith.index_cast %parallel_loop3A_328 : i32 to index
        %parallel_loop3A_383 = arith.constant 0 : index
        %parallel_loop3A_384 = tpu.vector_load %arg9[%parallel_loop3A_382, %parallel_loop3A_383] {strides = array<i32>} : memref<125x16xf32, #tpu.memory_space<vmem>>, vector<1x16xf32>,
        %parallel_loop3A_385 = vector.shape_cast %parallel_loop3A_384 : vector<1x16xf32> to vector<16xf32>
        %parallel_loop3A_386 = arith.mulf %parallel_loop3A_385, %parallel_loop3A_381 : vector<16xf32>
        %parallel_loop3A_387 = arith.index_cast %parallel_loop3A_328 : i32 to index
        %parallel_loop3A_388 = arith.constant 0 : index
        %parallel_loop3A_389 = tpu.vector_load %arg21[%parallel_loop3A_387, %parallel_loop3A_388] {strides = array<i32>} : memref<125x32xf32, #tpu.memory_space<vmem>>, vector<1x16xf32>,
        %parallel_loop3A_390 = vector.shape_cast %parallel_loop3A_389 : vector<1x16xf32> to vector<16xf32>
        %parallel_loop3A_391 = vector.shape_cast %parallel_loop3A_386 : vector<16xf32> to vector<1x16xf32>
        tpu.vector_store %arg21[%parallel_loop3A_387, %parallel_loop3A_388], %parallel_loop3A_391 {strides = array<i32>} : memref<125x32xf32, #tpu.memory_space<vmem>>, vector<1x16xf32>,
      } {sc.loop_unroll_factor = 5 : i64, sc.parallel_access}
      %dma_start3A_172 = arith.constant 0 : i32
      %dma_start3A_173 = tpu.memref_slice %arg8[%add3A_129, %dma_start3A_172] : memref<80x125xi32, #tpu.memory_space<vmem>> -> memref<1x125xi32, #tpu.memory_space<vmem>>
      %dma_start3A_174 = tpu.memref_squeeze %dma_start3A_173 : memref<1x125xi32, #tpu.memory_space<vmem>> -> memref<125xi32, #tpu.memory_space<vmem>>
      %dma_start3A_175 = arith.constant 0 : i32
      %dma_start3A_176 = arith.constant 0 : i32
      %dma_start3A_177 = tpu.memref_slice %arg26[%dma_start3A_175, %dma_start3A_176] : memref<10240x32xf32, #tpu.memory_space<vmem_shared>> -> memref<10240x32xf32, #tpu.memory_space<vmem_shared>>
      tpu.enqueue_indirect_dma source(%arg21 : memref<125x32xf32, #tpu.memory_space<vmem>>) target(%dma_start3A_177 : memref<10240x32xf32, #tpu.memory_space<vmem_shared>>) offsets(%dma_start3A_174 : memref<125xi32, #tpu.memory_space<vmem>>) semaphore(%arg40 : memref<!tpu.dma_semaphore, #tpu.memory_space<semaphore_mem>>) {add = true}
      %add3A_178 = arith.constant 1 : i32
      %add3A_179 = arith.addi %mul3A_127, %add3A_178 : i32
      %ge3A_180 = arith.constant 1 : i32
      %ge3A_181 = arith.cmpi sge, %add3A_125, %ge3A_180 : i32
      %convert_element_type3A_182 = arith.extui %ge3A_181 : i1 to i32
      %cond3A_183 = arith.constant 0 : i32
      %cond3A_184 = arith.cmpi ne, %convert_element_type3A_182, %cond3A_183 : i32
      scf.if %cond3A_184 {
        %dma_wait3A_328 = arith.constant 0 : i32
        %dma_wait3A_329 = arith.constant 0 : i32
        %dma_wait3A_330 = arith.constant 0 : i32
        %dma_wait3A_331 = tpu.memref_slice %arg6[%dma_wait3A_328, %dma_wait3A_329, %dma_wait3A_330] : memref<2x10240x32xf32, #tpu.memory_space<hbm>> -> memref<1x125x32xf32, #tpu.memory_space<hbm>>
        %dma_wait3A_332 = tpu.memref_squeeze %dma_wait3A_331 : memref<1x125x32xf32, #tpu.memory_space<hbm>> -> memref<125x32xf32, #tpu.memory_space<hbm>>
        %dma_wait3A_333 = arith.constant 0 : i32
        %dma_wait3A_334 = arith.constant 0 : i32
        %dma_wait3A_335 = tpu.memref_slice %arg6[%dma_wait3A_328, %dma_wait3A_333, %dma_wait3A_334] : memref<2x10240x32xf32, #tpu.memory_space<hbm>> -> memref<1x125x32xf32, #tpu.memory_space<hbm>>
        %dma_wait3A_336 = tpu.memref_squeeze %dma_wait3A_335 : memref<1x125x32xf32, #tpu.memory_space<hbm>> -> memref<125x32xf32, #tpu.memory_space<hbm>>
        tpu.wait_dma2 semaphore(%arg42 : memref<!tpu.dma_semaphore, #tpu.memory_space<semaphore_mem>>) src(%dma_wait3A_336 : memref<125x32xf32, #tpu.memory_space<hbm>>) dst(%arg23 : memref<125x32xf32, #tpu.memory_space<vmem>>)
      } else {
      }
      %add3A_185 = arith.constant 1 : i32
      %add3A_186 = arith.addi %add3A_179, %add3A_185 : i32
      %dma_start3A_187 = arith.constant 0 : i32
      %dma_start3A_188 = tpu.memref_slice %arg7[%add3A_186, %dma_start3A_187] : memref<80x125xi32, #tpu.memory_space<vmem>> -> memref<1x125xi32, #tpu.memory_space<vmem>>
      %dma_start3A_189 = tpu.memref_squeeze %dma_start3A_188 : memref<1x125xi32, #tpu.memory_space<vmem>> -> memref<125xi32, #tpu.memory_space<vmem>>
      %dma_start3A_190 = arith.constant 0 : i32
      %dma_start3A_191 = arith.constant 0 : i32
      %dma_start3A_192 = tpu.memref_slice %arg4[%dma_start3A_190, %dma_start3A_191] : memref<10000x16xf32, #tpu.memory_space<hbm>> -> memref<10000x16xf32, #tpu.memory_space<hbm>>
      tpu.enqueue_indirect_dma source(%dma_start3A_192 : memref<10000x16xf32, #tpu.memory_space<hbm>>) target(%arg11 : memref<125x16xf32, #tpu.memory_space<vmem>>) offsets(%dma_start3A_189 : memref<125xi32, #tpu.memory_space<vmem>>) semaphore(%arg30 : memref<!tpu.dma_semaphore, #tpu.memory_space<semaphore_mem>>)
      %dma_start3A_193 = arith.constant 0 : i32
      %dma_start3A_194 = tpu.memref_slice %arg7[%add3A_186, %dma_start3A_193] : memref<80x125xi32, #tpu.memory_space<vmem>> -> memref<1x125xi32, #tpu.memory_space<vmem>>
      %dma_start3A_195 = tpu.memref_squeeze %dma_start3A_194 : memref<1x125xi32, #tpu.memory_space<vmem>> -> memref<125xi32, #tpu.memory_space<vmem>>
      %dma_start3A_196 = arith.constant 0 : i32
      %dma_start3A_197 = arith.constant 0 : i32
      %dma_start3A_198 = tpu.memref_slice %arg27[%dma_start3A_196, %dma_start3A_197] : memref<10000x16xf32, #tpu.memory_space<vmem_shared>> -> memref<10000x16xf32, #tpu.memory_space<vmem_shared>>
      tpu.enqueue_indirect_dma source(%dma_start3A_198 : memref<10000x16xf32, #tpu.memory_space<vmem_shared>>) target(%arg15 : memref<125x16xf32, #tpu.memory_space<vmem>>) offsets(%dma_start3A_195 : memref<125xi32, #tpu.memory_space<vmem>>) semaphore(%arg34 : memref<!tpu.dma_semaphore, #tpu.memory_space<semaphore_mem>>)
      %dma_start3A_199 = arith.constant 0 : i32
      %dma_start3A_200 = tpu.memref_slice %arg8[%add3A_186, %dma_start3A_199] : memref<80x125xi32, #tpu.memory_space<vmem>> -> memref<1x125xi32, #tpu.memory_space<vmem>>
      %dma_start3A_201 = tpu.memref_squeeze %dma_start3A_200 : memref<1x125xi32, #tpu.memory_space<vmem>> -> memref<125xi32, #tpu.memory_space<vmem>>
      %dma_start3A_202 = arith.constant 0 : i32
      %dma_start3A_203 = arith.constant 0 : i32
      %dma_start3A_204 = tpu.memref_slice %arg27[%dma_start3A_202, %dma_start3A_203] : memref<10000x16xf32, #tpu.memory_space<vmem_shared>> -> memref<10000x16xf32, #tpu.memory_space<vmem_shared>>
      tpu.enqueue_indirect_dma source(%dma_start3A_204 : memref<10000x16xf32, #tpu.memory_space<vmem_shared>>) target(%arg19 : memref<125x16xf32, #tpu.memory_space<vmem>>) offsets(%dma_start3A_201 : memref<125xi32, #tpu.memory_space<vmem>>) semaphore(%arg38 : memref<!tpu.dma_semaphore, #tpu.memory_space<semaphore_mem>>)
      %dma_wait3A_205 = arith.constant 0 : i32
      %dma_wait3A_206 = arith.constant 0 : i32
      %dma_wait3A_207 = tpu.memref_slice %arg4[%dma_wait3A_205, %dma_wait3A_206] : memref<10000x16xf32, #tpu.memory_space<hbm>> -> memref<125x16xf32, #tpu.memory_space<hbm>>
      %dma_wait3A_208 = arith.constant 0 : i32
      %dma_wait3A_209 = arith.constant 0 : i32
      %dma_wait3A_210 = tpu.memref_slice %arg4[%dma_wait3A_208, %dma_wait3A_209] : memref<10000x16xf32, #tpu.memory_space<hbm>> -> memref<125x16xf32, #tpu.memory_space<hbm>>
      tpu.wait_dma2 semaphore(%arg29 : memref<!tpu.dma_semaphore, #tpu.memory_space<semaphore_mem>>) src(%dma_wait3A_210 : memref<125x16xf32, #tpu.memory_space<hbm>>) dst(%arg10 : memref<125x16xf32, #tpu.memory_space<vmem>>)
      %dma_wait3A_211 = arith.constant 0 : i32
      %dma_wait3A_212 = arith.constant 0 : i32
      %dma_wait3A_213 = tpu.memref_slice %arg5[%dma_wait3A_211, %dma_wait3A_212] : memref<10000x16xf32, #tpu.memory_space<hbm>> -> memref<125x16xf32, #tpu.memory_space<hbm>>
      %dma_wait3A_214 = arith.constant 0 : i32
      %dma_wait3A_215 = arith.constant 0 : i32
      %dma_wait3A_216 = tpu.memref_slice %arg5[%dma_wait3A_214, %dma_wait3A_215] : memref<10000x16xf32, #tpu.memory_space<hbm>> -> memref<125x16xf32, #tpu.memory_space<hbm>>
      tpu.wait_dma2 semaphore(%arg33 : memref<!tpu.dma_semaphore, #tpu.memory_space<semaphore_mem>>) src(%dma_wait3A_216 : memref<125x16xf32, #tpu.memory_space<hbm>>) dst(%arg14 : memref<125x16xf32, #tpu.memory_space<vmem>>)
      %dma_wait3A_217 = arith.constant 0 : i32
      %dma_wait3A_218 = arith.constant 0 : i32
      %dma_wait3A_219 = tpu.memref_slice %arg5[%dma_wait3A_217, %dma_wait3A_218] : memref<10000x16xf32, #tpu.memory_space<hbm>> -> memref<125x16xf32, #tpu.memory_space<hbm>>
      %dma_wait3A_220 = arith.constant 0 : i32
      %dma_wait3A_221 = arith.constant 0 : i32
      %dma_wait3A_222 = tpu.memref_slice %arg5[%dma_wait3A_220, %dma_wait3A_221] : memref<10000x16xf32, #tpu.memory_space<hbm>> -> memref<125x16xf32, #tpu.memory_space<hbm>>
      tpu.wait_dma2 semaphore(%arg37 : memref<!tpu.dma_semaphore, #tpu.memory_space<semaphore_mem>>) src(%dma_wait3A_222 : memref<125x16xf32, #tpu.memory_space<hbm>>) dst(%arg18 : memref<125x16xf32, #tpu.memory_space<vmem>>)
      %parallel_loop3A_223 = arith.constant 0 : i32
      %parallel_loop3A_224 = arith.constant 125 : i32
      %parallel_loop3A_225 = arith.constant 1 : i32
      scf.for %parallel_loop3A_328 = %parallel_loop3A_223 to %parallel_loop3A_224 step %parallel_loop3A_225  : i32 {
        %parallel_loop3A_329 = tpu.iota {dimensions = array<i32: 0>} : vector<16xi32>
        %parallel_loop3A_330 = arith.index_cast %parallel_loop3A_328 : i32 to index
        %parallel_loop3A_331 = arith.constant 0 : index
        %parallel_loop3A_332 = tpu.vector_load %arg14[%parallel_loop3A_330, %parallel_loop3A_331] {strides = array<i32>} : memref<125x16xf32, #tpu.memory_space<vmem>>, vector<1x16xf32>,
        %parallel_loop3A_333 = vector.shape_cast %parallel_loop3A_332 : vector<1x16xf32> to vector<16xf32>
        %parallel_loop3A_334 = arith.index_cast %parallel_loop3A_328 : i32 to index
        %parallel_loop3A_335 = arith.constant 0 : index
        %parallel_loop3A_336 = tpu.vector_load %arg18[%parallel_loop3A_334, %parallel_loop3A_335] {strides = array<i32>} : memref<125x16xf32, #tpu.memory_space<vmem>>, vector<1x16xf32>,
        %parallel_loop3A_337 = vector.shape_cast %parallel_loop3A_336 : vector<1x16xf32> to vector<16xf32>
        %parallel_loop3A_338 = arith.constant 1 : i32
        %parallel_loop3A_339 = vector.broadcast %parallel_loop3A_338 : i32 to vector<16xi32>
        %parallel_loop3A_340 = arith.constant 0 : i32
        %parallel_loop3A_341 = vector.broadcast %parallel_loop3A_340 : i32 to vector<16xi32>
        %parallel_loop3A_342 = arith.cmpi slt, %parallel_loop3A_339, %parallel_loop3A_341 : vector<16xi32>
        %parallel_loop3A_343 = arith.constant 16 : i32
        %parallel_loop3A_344 = vector.broadcast %parallel_loop3A_343 : i32 to vector<16xi32>
        %parallel_loop3A_345 = arith.addi %parallel_loop3A_339, %parallel_loop3A_344 : vector<16xi32>
        %parallel_loop3A_346 = arith.select %parallel_loop3A_342, %parallel_loop3A_345, %parallel_loop3A_339 : vector<16xi1>, vector<16xi32>
        %parallel_loop3A_347 = vector.shape_cast %parallel_loop3A_346 : vector<16xi32> to vector<16x1xi32>
        %parallel_loop3A_348 = vector.shape_cast %parallel_loop3A_347 : vector<16x1xi32> to vector<16xi32>
        %parallel_loop3A_349 = tpu.dynamic_gather %parallel_loop3A_337[%parallel_loop3A_348] in [0] : vector<16xf32>, vector<16xi32> -> vector<16xf32>
        %parallel_loop3A_350 = arith.addf %parallel_loop3A_333, %parallel_loop3A_349 : vector<16xf32>
        %parallel_loop3A_351 = arith.constant 0.000000e+00 : f32
        %parallel_loop3A_352 = vector.broadcast %parallel_loop3A_351 : f32 to vector<16xf32>
        %parallel_loop3A_353 = arith.cmpf ogt, %parallel_loop3A_350, %parallel_loop3A_352 : vector<16xf32>
        %parallel_loop3A_354 = arith.constant 2.000000e-01 : f32
        %parallel_loop3A_355 = vector.broadcast %parallel_loop3A_354 : f32 to vector<16xf32>
        %parallel_loop3A_356 = arith.mulf %parallel_loop3A_355, %parallel_loop3A_350 : vector<16xf32>
        %parallel_loop3A_357 = arith.select %parallel_loop3A_353, %parallel_loop3A_350, %parallel_loop3A_356 : vector<16xi1>, vector<16xf32>
        %parallel_loop3A_358 = arith.constant 1 : i32
        %parallel_loop3A_359 = vector.broadcast %parallel_loop3A_358 : i32 to vector<16xi32>
        %parallel_loop3A_360 = arith.cmpi slt, %parallel_loop3A_329, %parallel_loop3A_359 : vector<16xi32>
        %parallel_loop3A_361 = math.exp %parallel_loop3A_357 : vector<16xf32>
        %parallel_loop3A_362 = arith.constant 0.000000e+00 : f32
        %parallel_loop3A_363 = vector.broadcast %parallel_loop3A_362 : f32 to vector<16xf32>
        %parallel_loop3A_364 = arith.select %parallel_loop3A_360, %parallel_loop3A_361, %parallel_loop3A_363 : vector<16xi1>, vector<16xf32>
        %parallel_loop3A_365 = arith.index_cast %parallel_loop3A_328 : i32 to index
        %parallel_loop3A_366 = arith.constant 16 : index
        %parallel_loop3A_367 = tpu.vector_load %arg22[%parallel_loop3A_365, %parallel_loop3A_366] {strides = array<i32>} : memref<125x32xf32, #tpu.memory_space<vmem>>, vector<1x16xf32>,
        %parallel_loop3A_368 = vector.shape_cast %parallel_loop3A_367 : vector<1x16xf32> to vector<16xf32>
        %parallel_loop3A_369 = vector.shape_cast %parallel_loop3A_364 : vector<16xf32> to vector<1x16xf32>
        tpu.vector_store %arg22[%parallel_loop3A_365, %parallel_loop3A_366], %parallel_loop3A_369 {strides = array<i32>} : memref<125x32xf32, #tpu.memory_space<vmem>>, vector<1x16xf32>,
        %parallel_loop3A_370 = arith.constant 0 : i32
        %parallel_loop3A_371 = vector.broadcast %parallel_loop3A_370 : i32 to vector<16xi32>
        %parallel_loop3A_372 = arith.constant 0 : i32
        %parallel_loop3A_373 = vector.broadcast %parallel_loop3A_372 : i32 to vector<16xi32>
        %parallel_loop3A_374 = arith.cmpi slt, %parallel_loop3A_371, %parallel_loop3A_373 : vector<16xi32>
        %parallel_loop3A_375 = arith.constant 16 : i32
        %parallel_loop3A_376 = vector.broadcast %parallel_loop3A_375 : i32 to vector<16xi32>
        %parallel_loop3A_377 = arith.addi %parallel_loop3A_371, %parallel_loop3A_376 : vector<16xi32>
        %parallel_loop3A_378 = arith.select %parallel_loop3A_374, %parallel_loop3A_377, %parallel_loop3A_371 : vector<16xi1>, vector<16xi32>
        %parallel_loop3A_379 = vector.shape_cast %parallel_loop3A_378 : vector<16xi32> to vector<16x1xi32>
        %parallel_loop3A_380 = vector.shape_cast %parallel_loop3A_379 : vector<16x1xi32> to vector<16xi32>
        %parallel_loop3A_381 = tpu.dynamic_gather %parallel_loop3A_364[%parallel_loop3A_380] in [0] : vector<16xf32>, vector<16xi32> -> vector<16xf32>
        %parallel_loop3A_382 = arith.index_cast %parallel_loop3A_328 : i32 to index
        %parallel_loop3A_383 = arith.constant 0 : index
        %parallel_loop3A_384 = tpu.vector_load %arg10[%parallel_loop3A_382, %parallel_loop3A_383] {strides = array<i32>} : memref<125x16xf32, #tpu.memory_space<vmem>>, vector<1x16xf32>,
        %parallel_loop3A_385 = vector.shape_cast %parallel_loop3A_384 : vector<1x16xf32> to vector<16xf32>
        %parallel_loop3A_386 = arith.mulf %parallel_loop3A_385, %parallel_loop3A_381 : vector<16xf32>
        %parallel_loop3A_387 = arith.index_cast %parallel_loop3A_328 : i32 to index
        %parallel_loop3A_388 = arith.constant 0 : index
        %parallel_loop3A_389 = tpu.vector_load %arg22[%parallel_loop3A_387, %parallel_loop3A_388] {strides = array<i32>} : memref<125x32xf32, #tpu.memory_space<vmem>>, vector<1x16xf32>,
        %parallel_loop3A_390 = vector.shape_cast %parallel_loop3A_389 : vector<1x16xf32> to vector<16xf32>
        %parallel_loop3A_391 = vector.shape_cast %parallel_loop3A_386 : vector<16xf32> to vector<1x16xf32>
        tpu.vector_store %arg22[%parallel_loop3A_387, %parallel_loop3A_388], %parallel_loop3A_391 {strides = array<i32>} : memref<125x32xf32, #tpu.memory_space<vmem>>, vector<1x16xf32>,
      } {sc.loop_unroll_factor = 5 : i64, sc.parallel_access}
      %dma_start3A_226 = arith.constant 0 : i32
      %dma_start3A_227 = tpu.memref_slice %arg8[%add3A_179, %dma_start3A_226] : memref<80x125xi32, #tpu.memory_space<vmem>> -> memref<1x125xi32, #tpu.memory_space<vmem>>
      %dma_start3A_228 = tpu.memref_squeeze %dma_start3A_227 : memref<1x125xi32, #tpu.memory_space<vmem>> -> memref<125xi32, #tpu.memory_space<vmem>>
      %dma_start3A_229 = arith.constant 0 : i32
      %dma_start3A_230 = arith.constant 0 : i32
      %dma_start3A_231 = tpu.memref_slice %arg26[%dma_start3A_229, %dma_start3A_230] : memref<10240x32xf32, #tpu.memory_space<vmem_shared>> -> memref<10240x32xf32, #tpu.memory_space<vmem_shared>>
      tpu.enqueue_indirect_dma source(%arg22 : memref<125x32xf32, #tpu.memory_space<vmem>>) target(%dma_start3A_231 : memref<10240x32xf32, #tpu.memory_space<vmem_shared>>) offsets(%dma_start3A_228 : memref<125xi32, #tpu.memory_space<vmem>>) semaphore(%arg41 : memref<!tpu.dma_semaphore, #tpu.memory_space<semaphore_mem>>) {add = true}
      %add3A_232 = arith.constant 2 : i32
      %add3A_233 = arith.addi %mul3A_127, %add3A_232 : i32
      %ge3A_234 = arith.constant 1 : i32
      %ge3A_235 = arith.cmpi sge, %add3A_125, %ge3A_234 : i32
      %convert_element_type3A_236 = arith.extui %ge3A_235 : i1 to i32
      %cond3A_237 = arith.constant 0 : i32
      %cond3A_238 = arith.cmpi ne, %convert_element_type3A_236, %cond3A_237 : i32
      scf.if %cond3A_238 {
        %dma_wait3A_328 = arith.constant 0 : i32
        %dma_wait3A_329 = arith.constant 0 : i32
        %dma_wait3A_330 = arith.constant 0 : i32
        %dma_wait3A_331 = tpu.memref_slice %arg6[%dma_wait3A_328, %dma_wait3A_329, %dma_wait3A_330] : memref<2x10240x32xf32, #tpu.memory_space<hbm>> -> memref<1x125x32xf32, #tpu.memory_space<hbm>>
        %dma_wait3A_332 = tpu.memref_squeeze %dma_wait3A_331 : memref<1x125x32xf32, #tpu.memory_space<hbm>> -> memref<125x32xf32, #tpu.memory_space<hbm>>
        %dma_wait3A_333 = arith.constant 0 : i32
        %dma_wait3A_334 = arith.constant 0 : i32
        %dma_wait3A_335 = tpu.memref_slice %arg6[%dma_wait3A_328, %dma_wait3A_333, %dma_wait3A_334] : memref<2x10240x32xf32, #tpu.memory_space<hbm>> -> memref<1x125x32xf32, #tpu.memory_space<hbm>>
        %dma_wait3A_336 = tpu.memref_squeeze %dma_wait3A_335 : memref<1x125x32xf32, #tpu.memory_space<hbm>> -> memref<125x32xf32, #tpu.memory_space<hbm>>
        tpu.wait_dma2 semaphore(%arg43 : memref<!tpu.dma_semaphore, #tpu.memory_space<semaphore_mem>>) src(%dma_wait3A_336 : memref<125x32xf32, #tpu.memory_space<hbm>>) dst(%arg24 : memref<125x32xf32, #tpu.memory_space<vmem>>)
      } else {
      }
      %add3A_239 = arith.constant 1 : i32
      %add3A_240 = arith.addi %add3A_233, %add3A_239 : i32
      %dma_start3A_241 = arith.constant 0 : i32
      %dma_start3A_242 = tpu.memref_slice %arg7[%add3A_240, %dma_start3A_241] : memref<80x125xi32, #tpu.memory_space<vmem>> -> memref<1x125xi32, #tpu.memory_space<vmem>>
      %dma_start3A_243 = tpu.memref_squeeze %dma_start3A_242 : memref<1x125xi32, #tpu.memory_space<vmem>> -> memref<125xi32, #tpu.memory_space<vmem>>
      %dma_start3A_244 = arith.constant 0 : i32
      %dma_start3A_245 = arith.constant 0 : i32
      %dma_start3A_246 = tpu.memref_slice %arg4[%dma_start3A_244, %dma_start3A_245] : memref<10000x16xf32, #tpu.memory_space<hbm>> -> memref<10000x16xf32, #tpu.memory_space<hbm>>
      tpu.enqueue_indirect_dma source(%dma_start3A_246 : memref<10000x16xf32, #tpu.memory_space<hbm>>) target(%arg12 : memref<125x16xf32, #tpu.memory_space<vmem>>) offsets(%dma_start3A_243 : memref<125xi32, #tpu.memory_space<vmem>>) semaphore(%arg31 : memref<!tpu.dma_semaphore, #tpu.memory_space<semaphore_mem>>)
      %dma_start3A_247 = arith.constant 0 : i32
      %dma_start3A_248 = tpu.memref_slice %arg7[%add3A_240, %dma_start3A_247] : memref<80x125xi32, #tpu.memory_space<vmem>> -> memref<1x125xi32, #tpu.memory_space<vmem>>
      %dma_start3A_249 = tpu.memref_squeeze %dma_start3A_248 : memref<1x125xi32, #tpu.memory_space<vmem>> -> memref<125xi32, #tpu.memory_space<vmem>>
      %dma_start3A_250 = arith.constant 0 : i32
      %dma_start3A_251 = arith.constant 0 : i32
      %dma_start3A_252 = tpu.memref_slice %arg27[%dma_start3A_250, %dma_start3A_251] : memref<10000x16xf32, #tpu.memory_space<vmem_shared>> -> memref<10000x16xf32, #tpu.memory_space<vmem_shared>>
      tpu.enqueue_indirect_dma source(%dma_start3A_252 : memref<10000x16xf32, #tpu.memory_space<vmem_shared>>) target(%arg16 : memref<125x16xf32, #tpu.memory_space<vmem>>) offsets(%dma_start3A_249 : memref<125xi32, #tpu.memory_space<vmem>>) semaphore(%arg35 : memref<!tpu.dma_semaphore, #tpu.memory_space<semaphore_mem>>)
      %dma_start3A_253 = arith.constant 0 : i32
      %dma_start3A_254 = tpu.memref_slice %arg8[%add3A_240, %dma_start3A_253] : memref<80x125xi32, #tpu.memory_space<vmem>> -> memref<1x125xi32, #tpu.memory_space<vmem>>
      %dma_start3A_255 = tpu.memref_squeeze %dma_start3A_254 : memref<1x125xi32, #tpu.memory_space<vmem>> -> memref<125xi32, #tpu.memory_space<vmem>>
      %dma_start3A_256 = arith.constant 0 : i32
      %dma_start3A_257 = arith.constant 0 : i32
      %dma_start3A_258 = tpu.memref_slice %arg27[%dma_start3A_256, %dma_start3A_257] : memref<10000x16xf32, #tpu.memory_space<vmem_shared>> -> memref<10000x16xf32, #tpu.memory_space<vmem_shared>>
      tpu.enqueue_indirect_dma source(%dma_start3A_258 : memref<10000x16xf32, #tpu.memory_space<vmem_shared>>) target(%arg20 : memref<125x16xf32, #tpu.memory_space<vmem>>) offsets(%dma_start3A_255 : memref<125xi32, #tpu.memory_space<vmem>>) semaphore(%arg39 : memref<!tpu.dma_semaphore, #tpu.memory_space<semaphore_mem>>)
      %dma_wait3A_259 = arith.constant 0 : i32
      %dma_wait3A_260 = arith.constant 0 : i32
      %dma_wait3A_261 = tpu.memref_slice %arg4[%dma_wait3A_259, %dma_wait3A_260] : memref<10000x16xf32, #tpu.memory_space<hbm>> -> memref<125x16xf32, #tpu.memory_space<hbm>>
      %dma_wait3A_262 = arith.constant 0 : i32
      %dma_wait3A_263 = arith.constant 0 : i32
      %dma_wait3A_264 = tpu.memref_slice %arg4[%dma_wait3A_262, %dma_wait3A_263] : memref<10000x16xf32, #tpu.memory_space<hbm>> -> memref<125x16xf32, #tpu.memory_space<hbm>>
      tpu.wait_dma2 semaphore(%arg30 : memref<!tpu.dma_semaphore, #tpu.memory_space<semaphore_mem>>) src(%dma_wait3A_264 : memref<125x16xf32, #tpu.memory_space<hbm>>) dst(%arg11 : memref<125x16xf32, #tpu.memory_space<vmem>>)
      %dma_wait3A_265 = arith.constant 0 : i32
      %dma_wait3A_266 = arith.constant 0 : i32
      %dma_wait3A_267 = tpu.memref_slice %arg5[%dma_wait3A_265, %dma_wait3A_266] : memref<10000x16xf32, #tpu.memory_space<hbm>> -> memref<125x16xf32, #tpu.memory_space<hbm>>
      %dma_wait3A_268 = arith.constant 0 : i32
      %dma_wait3A_269 = arith.constant 0 : i32
      %dma_wait3A_270 = tpu.memref_slice %arg5[%dma_wait3A_268, %dma_wait3A_269] : memref<10000x16xf32, #tpu.memory_space<hbm>> -> memref<125x16xf32, #tpu.memory_space<hbm>>
      tpu.wait_dma2 semaphore(%arg34 : memref<!tpu.dma_semaphore, #tpu.memory_space<semaphore_mem>>) src(%dma_wait3A_270 : memref<125x16xf32, #tpu.memory_space<hbm>>) dst(%arg15 : memref<125x16xf32, #tpu.memory_space<vmem>>)
      %dma_wait3A_271 = arith.constant 0 : i32
      %dma_wait3A_272 = arith.constant 0 : i32
      %dma_wait3A_273 = tpu.memref_slice %arg5[%dma_wait3A_271, %dma_wait3A_272] : memref<10000x16xf32, #tpu.memory_space<hbm>> -> memref<125x16xf32, #tpu.memory_space<hbm>>
      %dma_wait3A_274 = arith.constant 0 : i32
      %dma_wait3A_275 = arith.constant 0 : i32
      %dma_wait3A_276 = tpu.memref_slice %arg5[%dma_wait3A_274, %dma_wait3A_275] : memref<10000x16xf32, #tpu.memory_space<hbm>> -> memref<125x16xf32, #tpu.memory_space<hbm>>
      tpu.wait_dma2 semaphore(%arg38 : memref<!tpu.dma_semaphore, #tpu.memory_space<semaphore_mem>>) src(%dma_wait3A_276 : memref<125x16xf32, #tpu.memory_space<hbm>>) dst(%arg19 : memref<125x16xf32, #tpu.memory_space<vmem>>)
      %parallel_loop3A_277 = arith.constant 0 : i32
      %parallel_loop3A_278 = arith.constant 125 : i32
      %parallel_loop3A_279 = arith.constant 1 : i32
      scf.for %parallel_loop3A_328 = %parallel_loop3A_277 to %parallel_loop3A_278 step %parallel_loop3A_279  : i32 {
        %parallel_loop3A_329 = tpu.iota {dimensions = array<i32: 0>} : vector<16xi32>
        %parallel_loop3A_330 = arith.index_cast %parallel_loop3A_328 : i32 to index
        %parallel_loop3A_331 = arith.constant 0 : index
        %parallel_loop3A_332 = tpu.vector_load %arg15[%parallel_loop3A_330, %parallel_loop3A_331] {strides = array<i32>} : memref<125x16xf32, #tpu.memory_space<vmem>>, vector<1x16xf32>,
        %parallel_loop3A_333 = vector.shape_cast %parallel_loop3A_332 : vector<1x16xf32> to vector<16xf32>
        %parallel_loop3A_334 = arith.index_cast %parallel_loop3A_328 : i32 to index
        %parallel_loop3A_335 = arith.constant 0 : index
        %parallel_loop3A_336 = tpu.vector_load %arg19[%parallel_loop3A_334, %parallel_loop3A_335] {strides = array<i32>} : memref<125x16xf32, #tpu.memory_space<vmem>>, vector<1x16xf32>,
        %parallel_loop3A_337 = vector.shape_cast %parallel_loop3A_336 : vector<1x16xf32> to vector<16xf32>
        %parallel_loop3A_338 = arith.constant 1 : i32
        %parallel_loop3A_339 = vector.broadcast %parallel_loop3A_338 : i32 to vector<16xi32>
        %parallel_loop3A_340 = arith.constant 0 : i32
        %parallel_loop3A_341 = vector.broadcast %parallel_loop3A_340 : i32 to vector<16xi32>
        %parallel_loop3A_342 = arith.cmpi slt, %parallel_loop3A_339, %parallel_loop3A_341 : vector<16xi32>
        %parallel_loop3A_343 = arith.constant 16 : i32
        %parallel_loop3A_344 = vector.broadcast %parallel_loop3A_343 : i32 to vector<16xi32>
        %parallel_loop3A_345 = arith.addi %parallel_loop3A_339, %parallel_loop3A_344 : vector<16xi32>
        %parallel_loop3A_346 = arith.select %parallel_loop3A_342, %parallel_loop3A_345, %parallel_loop3A_339 : vector<16xi1>, vector<16xi32>
        %parallel_loop3A_347 = vector.shape_cast %parallel_loop3A_346 : vector<16xi32> to vector<16x1xi32>
        %parallel_loop3A_348 = vector.shape_cast %parallel_loop3A_347 : vector<16x1xi32> to vector<16xi32>
        %parallel_loop3A_349 = tpu.dynamic_gather %parallel_loop3A_337[%parallel_loop3A_348] in [0] : vector<16xf32>, vector<16xi32> -> vector<16xf32>
        %parallel_loop3A_350 = arith.addf %parallel_loop3A_333, %parallel_loop3A_349 : vector<16xf32>
        %parallel_loop3A_351 = arith.constant 0.000000e+00 : f32
        %parallel_loop3A_352 = vector.broadcast %parallel_loop3A_351 : f32 to vector<16xf32>
        %parallel_loop3A_353 = arith.cmpf ogt, %parallel_loop3A_350, %parallel_loop3A_352 : vector<16xf32>
        %parallel_loop3A_354 = arith.constant 2.000000e-01 : f32
        %parallel_loop3A_355 = vector.broadcast %parallel_loop3A_354 : f32 to vector<16xf32>
        %parallel_loop3A_356 = arith.mulf %parallel_loop3A_355, %parallel_loop3A_350 : vector<16xf32>
        %parallel_loop3A_357 = arith.select %parallel_loop3A_353, %parallel_loop3A_350, %parallel_loop3A_356 : vector<16xi1>, vector<16xf32>
        %parallel_loop3A_358 = arith.constant 1 : i32
        %parallel_loop3A_359 = vector.broadcast %parallel_loop3A_358 : i32 to vector<16xi32>
        %parallel_loop3A_360 = arith.cmpi slt, %parallel_loop3A_329, %parallel_loop3A_359 : vector<16xi32>
        %parallel_loop3A_361 = math.exp %parallel_loop3A_357 : vector<16xf32>
        %parallel_loop3A_362 = arith.constant 0.000000e+00 : f32
        %parallel_loop3A_363 = vector.broadcast %parallel_loop3A_362 : f32 to vector<16xf32>
        %parallel_loop3A_364 = arith.select %parallel_loop3A_360, %parallel_loop3A_361, %parallel_loop3A_363 : vector<16xi1>, vector<16xf32>
        %parallel_loop3A_365 = arith.index_cast %parallel_loop3A_328 : i32 to index
        %parallel_loop3A_366 = arith.constant 16 : index
        %parallel_loop3A_367 = tpu.vector_load %arg23[%parallel_loop3A_365, %parallel_loop3A_366] {strides = array<i32>} : memref<125x32xf32, #tpu.memory_space<vmem>>, vector<1x16xf32>,
        %parallel_loop3A_368 = vector.shape_cast %parallel_loop3A_367 : vector<1x16xf32> to vector<16xf32>
        %parallel_loop3A_369 = vector.shape_cast %parallel_loop3A_364 : vector<16xf32> to vector<1x16xf32>
        tpu.vector_store %arg23[%parallel_loop3A_365, %parallel_loop3A_366], %parallel_loop3A_369 {strides = array<i32>} : memref<125x32xf32, #tpu.memory_space<vmem>>, vector<1x16xf32>,
        %parallel_loop3A_370 = arith.constant 0 : i32
        %parallel_loop3A_371 = vector.broadcast %parallel_loop3A_370 : i32 to vector<16xi32>
        %parallel_loop3A_372 = arith.constant 0 : i32
        %parallel_loop3A_373 = vector.broadcast %parallel_loop3A_372 : i32 to vector<16xi32>
        %parallel_loop3A_374 = arith.cmpi slt, %parallel_loop3A_371, %parallel_loop3A_373 : vector<16xi32>
        %parallel_loop3A_375 = arith.constant 16 : i32
        %parallel_loop3A_376 = vector.broadcast %parallel_loop3A_375 : i32 to vector<16xi32>
        %parallel_loop3A_377 = arith.addi %parallel_loop3A_371, %parallel_loop3A_376 : vector<16xi32>
        %parallel_loop3A_378 = arith.select %parallel_loop3A_374, %parallel_loop3A_377, %parallel_loop3A_371 : vector<16xi1>, vector<16xi32>
        %parallel_loop3A_379 = vector.shape_cast %parallel_loop3A_378 : vector<16xi32> to vector<16x1xi32>
        %parallel_loop3A_380 = vector.shape_cast %parallel_loop3A_379 : vector<16x1xi32> to vector<16xi32>
        %parallel_loop3A_381 = tpu.dynamic_gather %parallel_loop3A_364[%parallel_loop3A_380] in [0] : vector<16xf32>, vector<16xi32> -> vector<16xf32>
        %parallel_loop3A_382 = arith.index_cast %parallel_loop3A_328 : i32 to index
        %parallel_loop3A_383 = arith.constant 0 : index
        %parallel_loop3A_384 = tpu.vector_load %arg11[%parallel_loop3A_382, %parallel_loop3A_383] {strides = array<i32>} : memref<125x16xf32, #tpu.memory_space<vmem>>, vector<1x16xf32>,
        %parallel_loop3A_385 = vector.shape_cast %parallel_loop3A_384 : vector<1x16xf32> to vector<16xf32>
        %parallel_loop3A_386 = arith.mulf %parallel_loop3A_385, %parallel_loop3A_381 : vector<16xf32>
        %parallel_loop3A_387 = arith.index_cast %parallel_loop3A_328 : i32 to index
        %parallel_loop3A_388 = arith.constant 0 : index
        %parallel_loop3A_389 = tpu.vector_load %arg23[%parallel_loop3A_387, %parallel_loop3A_388] {strides = array<i32>} : memref<125x32xf32, #tpu.memory_space<vmem>>, vector<1x16xf32>,
        %parallel_loop3A_390 = vector.shape_cast %parallel_loop3A_389 : vector<1x16xf32> to vector<16xf32>
        %parallel_loop3A_391 = vector.shape_cast %parallel_loop3A_386 : vector<16xf32> to vector<1x16xf32>
        tpu.vector_store %arg23[%parallel_loop3A_387, %parallel_loop3A_388], %parallel_loop3A_391 {strides = array<i32>} : memref<125x32xf32, #tpu.memory_space<vmem>>, vector<1x16xf32>,
      } {sc.loop_unroll_factor = 5 : i64, sc.parallel_access}
      %dma_start3A_280 = arith.constant 0 : i32
      %dma_start3A_281 = tpu.memref_slice %arg8[%add3A_233, %dma_start3A_280] : memref<80x125xi32, #tpu.memory_space<vmem>> -> memref<1x125xi32, #tpu.memory_space<vmem>>
      %dma_start3A_282 = tpu.memref_squeeze %dma_start3A_281 : memref<1x125xi32, #tpu.memory_space<vmem>> -> memref<125xi32, #tpu.memory_space<vmem>>
      %dma_start3A_283 = arith.constant 0 : i32
      %dma_start3A_284 = arith.constant 0 : i32
      %dma_start3A_285 = tpu.memref_slice %arg26[%dma_start3A_283, %dma_start3A_284] : memref<10240x32xf32, #tpu.memory_space<vmem_shared>> -> memref<10240x32xf32, #tpu.memory_space<vmem_shared>>
      tpu.enqueue_indirect_dma source(%arg23 : memref<125x32xf32, #tpu.memory_space<vmem>>) target(%dma_start3A_285 : memref<10240x32xf32, #tpu.memory_space<vmem_shared>>) offsets(%dma_start3A_282 : memref<125xi32, #tpu.memory_space<vmem>>) semaphore(%arg42 : memref<!tpu.dma_semaphore, #tpu.memory_space<semaphore_mem>>) {add = true}
      %add3A_286 = arith.constant 3 : i32
      %add3A_287 = arith.addi %mul3A_127, %add3A_286 : i32
      %dma_wait3A_288 = arith.constant 0 : i32
      %dma_wait3A_289 = arith.constant 0 : i32
      %dma_wait3A_290 = arith.constant 0 : i32
      %dma_wait3A_291 = tpu.memref_slice %arg6[%dma_wait3A_288, %dma_wait3A_289, %dma_wait3A_290] : memref<2x10240x32xf32, #tpu.memory_space<hbm>> -> memref<1x125x32xf32, #tpu.memory_space<hbm>>
      %dma_wait3A_292 = tpu.memref_squeeze %dma_wait3A_291 : memref<1x125x32xf32, #tpu.memory_space<hbm>> -> memref<125x32xf32, #tpu.memory_space<hbm>>
      %dma_wait3A_293 = arith.constant 0 : i32
      %dma_wait3A_294 = arith.constant 0 : i32
      %dma_wait3A_295 = tpu.memref_slice %arg6[%dma_wait3A_288, %dma_wait3A_293, %dma_wait3A_294] : memref<2x10240x32xf32, #tpu.memory_space<hbm>> -> memref<1x125x32xf32, #tpu.memory_space<hbm>>
      %dma_wait3A_296 = tpu.memref_squeeze %dma_wait3A_295 : memref<1x125x32xf32, #tpu.memory_space<hbm>> -> memref<125x32xf32, #tpu.memory_space<hbm>>
      tpu.wait_dma2 semaphore(%arg40 : memref<!tpu.dma_semaphore, #tpu.memory_space<semaphore_mem>>) src(%dma_wait3A_296 : memref<125x32xf32, #tpu.memory_space<hbm>>) dst(%arg21 : memref<125x32xf32, #tpu.memory_space<vmem>>)
      %lt3A = arith.constant 19 : i32
      %lt3A_297 = arith.cmpi slt, %add3A_125, %lt3A : i32
      %convert_element_type3A_298 = arith.extui %lt3A_297 : i1 to i32
      %cond3A_299 = arith.constant 0 : i32
      %cond3A_300 = arith.cmpi ne, %convert_element_type3A_298, %cond3A_299 : i32
      scf.if %cond3A_300 {
        %add3A_328 = arith.constant 1 : i32
        %add3A_329 = arith.addi %add3A_287, %add3A_328 : i32
        %dma_start3A_330 = arith.constant 0 : i32
        %dma_start3A_331 = tpu.memref_slice %arg7[%add3A_329, %dma_start3A_330] : memref<80x125xi32, #tpu.memory_space<vmem>> -> memref<1x125xi32, #tpu.memory_space<vmem>>
        %dma_start3A_332 = tpu.memref_squeeze %dma_start3A_331 : memref<1x125xi32, #tpu.memory_space<vmem>> -> memref<125xi32, #tpu.memory_space<vmem>>
        %dma_start3A_333 = arith.constant 0 : i32
        %dma_start3A_334 = arith.constant 0 : i32
        %dma_start3A_335 = tpu.memref_slice %arg4[%dma_start3A_333, %dma_start3A_334] : memref<10000x16xf32, #tpu.memory_space<hbm>> -> memref<10000x16xf32, #tpu.memory_space<hbm>>
        tpu.enqueue_indirect_dma source(%dma_start3A_335 : memref<10000x16xf32, #tpu.memory_space<hbm>>) target(%arg9 : memref<125x16xf32, #tpu.memory_space<vmem>>) offsets(%dma_start3A_332 : memref<125xi32, #tpu.memory_space<vmem>>) semaphore(%arg28 : memref<!tpu.dma_semaphore, #tpu.memory_space<semaphore_mem>>)
        %dma_start3A_336 = arith.constant 0 : i32
        %dma_start3A_337 = tpu.memref_slice %arg7[%add3A_329, %dma_start3A_336] : memref<80x125xi32, #tpu.memory_space<vmem>> -> memref<1x125xi32, #tpu.memory_space<vmem>>
        %dma_start3A_338 = tpu.memref_squeeze %dma_start3A_337 : memref<1x125xi32, #tpu.memory_space<vmem>> -> memref<125xi32, #tpu.memory_space<vmem>>
        %dma_start3A_339 = arith.constant 0 : i32
        %dma_start3A_340 = arith.constant 0 : i32
        %dma_start3A_341 = tpu.memref_slice %arg27[%dma_start3A_339, %dma_start3A_340] : memref<10000x16xf32, #tpu.memory_space<vmem_shared>> -> memref<10000x16xf32, #tpu.memory_space<vmem_shared>>
        tpu.enqueue_indirect_dma source(%dma_start3A_341 : memref<10000x16xf32, #tpu.memory_space<vmem_shared>>) target(%arg13 : memref<125x16xf32, #tpu.memory_space<vmem>>) offsets(%dma_start3A_338 : memref<125xi32, #tpu.memory_space<vmem>>) semaphore(%arg32 : memref<!tpu.dma_semaphore, #tpu.memory_space<semaphore_mem>>)
        %dma_start3A_342 = arith.constant 0 : i32
        %dma_start3A_343 = tpu.memref_slice %arg8[%add3A_329, %dma_start3A_342] : memref<80x125xi32, #tpu.memory_space<vmem>> -> memref<1x125xi32, #tpu.memory_space<vmem>>
        %dma_start3A_344 = tpu.memref_squeeze %dma_start3A_343 : memref<1x125xi32, #tpu.memory_space<vmem>> -> memref<125xi32, #tpu.memory_space<vmem>>
        %dma_start3A_345 = arith.constant 0 : i32
        %dma_start3A_346 = arith.constant 0 : i32
        %dma_start3A_347 = tpu.memref_slice %arg27[%dma_start3A_345, %dma_start3A_346] : memref<10000x16xf32, #tpu.memory_space<vmem_shared>> -> memref<10000x16xf32, #tpu.memory_space<vmem_shared>>
        tpu.enqueue_indirect_dma source(%dma_start3A_347 : memref<10000x16xf32, #tpu.memory_space<vmem_shared>>) target(%arg17 : memref<125x16xf32, #tpu.memory_space<vmem>>) offsets(%dma_start3A_344 : memref<125xi32, #tpu.memory_space<vmem>>) semaphore(%arg36 : memref<!tpu.dma_semaphore, #tpu.memory_space<semaphore_mem>>)
      } else {
      }
      %dma_wait3A_301 = arith.constant 0 : i32
      %dma_wait3A_302 = arith.constant 0 : i32
      %dma_wait3A_303 = tpu.memref_slice %arg4[%dma_wait3A_301, %dma_wait3A_302] : memref<10000x16xf32, #tpu.memory_space<hbm>> -> memref<125x16xf32, #tpu.memory_space<hbm>>
      %dma_wait3A_304 = arith.constant 0 : i32
      %dma_wait3A_305 = arith.constant 0 : i32
      %dma_wait3A_306 = tpu.memref_slice %arg4[%dma_wait3A_304, %dma_wait3A_305] : memref<10000x16xf32, #tpu.memory_space<hbm>> -> memref<125x16xf32, #tpu.memory_space<hbm>>
      tpu.wait_dma2 semaphore(%arg31 : memref<!tpu.dma_semaphore, #tpu.memory_space<semaphore_mem>>) src(%dma_wait3A_306 : memref<125x16xf32, #tpu.memory_space<hbm>>) dst(%arg12 : memref<125x16xf32, #tpu.memory_space<vmem>>)
      %dma_wait3A_307 = arith.constant 0 : i32
      %dma_wait3A_308 = arith.constant 0 : i32
      %dma_wait3A_309 = tpu.memref_slice %arg5[%dma_wait3A_307, %dma_wait3A_308] : memref<10000x16xf32, #tpu.memory_space<hbm>> -> memref<125x16xf32, #tpu.memory_space<hbm>>
      %dma_wait3A_310 = arith.constant 0 : i32
      %dma_wait3A_311 = arith.constant 0 : i32
      %dma_wait3A_312 = tpu.memref_slice %arg5[%dma_wait3A_310, %dma_wait3A_311] : memref<10000x16xf32, #tpu.memory_space<hbm>> -> memref<125x16xf32, #tpu.memory_space<hbm>>
      tpu.wait_dma2 semaphore(%arg35 : memref<!tpu.dma_semaphore, #tpu.memory_space<semaphore_mem>>) src(%dma_wait3A_312 : memref<125x16xf32, #tpu.memory_space<hbm>>) dst(%arg16 : memref<125x16xf32, #tpu.memory_space<vmem>>)
      %dma_wait3A_313 = arith.constant 0 : i32
      %dma_wait3A_314 = arith.constant 0 : i32
      %dma_wait3A_315 = tpu.memref_slice %arg5[%dma_wait3A_313, %dma_wait3A_314] : memref<10000x16xf32, #tpu.memory_space<hbm>> -> memref<125x16xf32, #tpu.memory_space<hbm>>
      %dma_wait3A_316 = arith.constant 0 : i32
      %dma_wait3A_317 = arith.constant 0 : i32
      %dma_wait3A_318 = tpu.memref_slice %arg5[%dma_wait3A_316, %dma_wait3A_317] : memref<10000x16xf32, #tpu.memory_space<hbm>> -> memref<125x16xf32, #tpu.memory_space<hbm>>
      tpu.wait_dma2 semaphore(%arg39 : memref<!tpu.dma_semaphore, #tpu.memory_space<semaphore_mem>>) src(%dma_wait3A_318 : memref<125x16xf32, #tpu.memory_space<hbm>>) dst(%arg20 : memref<125x16xf32, #tpu.memory_space<vmem>>)
      %parallel_loop3A_319 = arith.constant 0 : i32
      %parallel_loop3A_320 = arith.constant 125 : i32
      %parallel_loop3A_321 = arith.constant 1 : i32
      scf.for %parallel_loop3A_328 = %parallel_loop3A_319 to %parallel_loop3A_320 step %parallel_loop3A_321  : i32 {
        %parallel_loop3A_329 = tpu.iota {dimensions = array<i32: 0>} : vector<16xi32>
        %parallel_loop3A_330 = arith.index_cast %parallel_loop3A_328 : i32 to index
        %parallel_loop3A_331 = arith.constant 0 : index
        %parallel_loop3A_332 = tpu.vector_load %arg16[%parallel_loop3A_330, %parallel_loop3A_331] {strides = array<i32>} : memref<125x16xf32, #tpu.memory_space<vmem>>, vector<1x16xf32>,
        %parallel_loop3A_333 = vector.shape_cast %parallel_loop3A_332 : vector<1x16xf32> to vector<16xf32>
        %parallel_loop3A_334 = arith.index_cast %parallel_loop3A_328 : i32 to index
        %parallel_loop3A_335 = arith.constant 0 : index
        %parallel_loop3A_336 = tpu.vector_load %arg20[%parallel_loop3A_334, %parallel_loop3A_335] {strides = array<i32>} : memref<125x16xf32, #tpu.memory_space<vmem>>, vector<1x16xf32>,
        %parallel_loop3A_337 = vector.shape_cast %parallel_loop3A_336 : vector<1x16xf32> to vector<16xf32>
        %parallel_loop3A_338 = arith.constant 1 : i32
        %parallel_loop3A_339 = vector.broadcast %parallel_loop3A_338 : i32 to vector<16xi32>
        %parallel_loop3A_340 = arith.constant 0 : i32
        %parallel_loop3A_341 = vector.broadcast %parallel_loop3A_340 : i32 to vector<16xi32>
        %parallel_loop3A_342 = arith.cmpi slt, %parallel_loop3A_339, %parallel_loop3A_341 : vector<16xi32>
        %parallel_loop3A_343 = arith.constant 16 : i32
        %parallel_loop3A_344 = vector.broadcast %parallel_loop3A_343 : i32 to vector<16xi32>
        %parallel_loop3A_345 = arith.addi %parallel_loop3A_339, %parallel_loop3A_344 : vector<16xi32>
        %parallel_loop3A_346 = arith.select %parallel_loop3A_342, %parallel_loop3A_345, %parallel_loop3A_339 : vector<16xi1>, vector<16xi32>
        %parallel_loop3A_347 = vector.shape_cast %parallel_loop3A_346 : vector<16xi32> to vector<16x1xi32>
        %parallel_loop3A_348 = vector.shape_cast %parallel_loop3A_347 : vector<16x1xi32> to vector<16xi32>
        %parallel_loop3A_349 = tpu.dynamic_gather %parallel_loop3A_337[%parallel_loop3A_348] in [0] : vector<16xf32>, vector<16xi32> -> vector<16xf32>
        %parallel_loop3A_350 = arith.addf %parallel_loop3A_333, %parallel_loop3A_349 : vector<16xf32>
        %parallel_loop3A_351 = arith.constant 0.000000e+00 : f32
        %parallel_loop3A_352 = vector.broadcast %parallel_loop3A_351 : f32 to vector<16xf32>
        %parallel_loop3A_353 = arith.cmpf ogt, %parallel_loop3A_350, %parallel_loop3A_352 : vector<16xf32>
        %parallel_loop3A_354 = arith.constant 2.000000e-01 : f32
        %parallel_loop3A_355 = vector.broadcast %parallel_loop3A_354 : f32 to vector<16xf32>
        %parallel_loop3A_356 = arith.mulf %parallel_loop3A_355, %parallel_loop3A_350 : vector<16xf32>
        %parallel_loop3A_357 = arith.select %parallel_loop3A_353, %parallel_loop3A_350, %parallel_loop3A_356 : vector<16xi1>, vector<16xf32>
        %parallel_loop3A_358 = arith.constant 1 : i32
        %parallel_loop3A_359 = vector.broadcast %parallel_loop3A_358 : i32 to vector<16xi32>
        %parallel_loop3A_360 = arith.cmpi slt, %parallel_loop3A_329, %parallel_loop3A_359 : vector<16xi32>
        %parallel_loop3A_361 = math.exp %parallel_loop3A_357 : vector<16xf32>
        %parallel_loop3A_362 = arith.constant 0.000000e+00 : f32
        %parallel_loop3A_363 = vector.broadcast %parallel_loop3A_362 : f32 to vector<16xf32>
        %parallel_loop3A_364 = arith.select %parallel_loop3A_360, %parallel_loop3A_361, %parallel_loop3A_363 : vector<16xi1>, vector<16xf32>
        %parallel_loop3A_365 = arith.index_cast %parallel_loop3A_328 : i32 to index
        %parallel_loop3A_366 = arith.constant 16 : index
        %parallel_loop3A_367 = tpu.vector_load %arg24[%parallel_loop3A_365, %parallel_loop3A_366] {strides = array<i32>} : memref<125x32xf32, #tpu.memory_space<vmem>>, vector<1x16xf32>,
        %parallel_loop3A_368 = vector.shape_cast %parallel_loop3A_367 : vector<1x16xf32> to vector<16xf32>
        %parallel_loop3A_369 = vector.shape_cast %parallel_loop3A_364 : vector<16xf32> to vector<1x16xf32>
        tpu.vector_store %arg24[%parallel_loop3A_365, %parallel_loop3A_366], %parallel_loop3A_369 {strides = array<i32>} : memref<125x32xf32, #tpu.memory_space<vmem>>, vector<1x16xf32>,
        %parallel_loop3A_370 = arith.constant 0 : i32
        %parallel_loop3A_371 = vector.broadcast %parallel_loop3A_370 : i32 to vector<16xi32>
        %parallel_loop3A_372 = arith.constant 0 : i32
        %parallel_loop3A_373 = vector.broadcast %parallel_loop3A_372 : i32 to vector<16xi32>
        %parallel_loop3A_374 = arith.cmpi slt, %parallel_loop3A_371, %parallel_loop3A_373 : vector<16xi32>
        %parallel_loop3A_375 = arith.constant 16 : i32
        %parallel_loop3A_376 = vector.broadcast %parallel_loop3A_375 : i32 to vector<16xi32>
        %parallel_loop3A_377 = arith.addi %parallel_loop3A_371, %parallel_loop3A_376 : vector<16xi32>
        %parallel_loop3A_378 = arith.select %parallel_loop3A_374, %parallel_loop3A_377, %parallel_loop3A_371 : vector<16xi1>, vector<16xi32>
        %parallel_loop3A_379 = vector.shape_cast %parallel_loop3A_378 : vector<16xi32> to vector<16x1xi32>
        %parallel_loop3A_380 = vector.shape_cast %parallel_loop3A_379 : vector<16x1xi32> to vector<16xi32>
        %parallel_loop3A_381 = tpu.dynamic_gather %parallel_loop3A_364[%parallel_loop3A_380] in [0] : vector<16xf32>, vector<16xi32> -> vector<16xf32>
        %parallel_loop3A_382 = arith.index_cast %parallel_loop3A_328 : i32 to index
        %parallel_loop3A_383 = arith.constant 0 : index
        %parallel_loop3A_384 = tpu.vector_load %arg12[%parallel_loop3A_382, %parallel_loop3A_383] {strides = array<i32>} : memref<125x16xf32, #tpu.memory_space<vmem>>, vector<1x16xf32>,
        %parallel_loop3A_385 = vector.shape_cast %parallel_loop3A_384 : vector<1x16xf32> to vector<16xf32>
        %parallel_loop3A_386 = arith.mulf %parallel_loop3A_385, %parallel_loop3A_381 : vector<16xf32>
        %parallel_loop3A_387 = arith.index_cast %parallel_loop3A_328 : i32 to index
        %parallel_loop3A_388 = arith.constant 0 : index
        %parallel_loop3A_389 = tpu.vector_load %arg24[%parallel_loop3A_387, %parallel_loop3A_388] {strides = array<i32>} : memref<125x32xf32, #tpu.memory_space<vmem>>, vector<1x16xf32>,
        %parallel_loop3A_390 = vector.shape_cast %parallel_loop3A_389 : vector<1x16xf32> to vector<16xf32>
        %parallel_loop3A_391 = vector.shape_cast %parallel_loop3A_386 : vector<16xf32> to vector<1x16xf32>
        tpu.vector_store %arg24[%parallel_loop3A_387, %parallel_loop3A_388], %parallel_loop3A_391 {strides = array<i32>} : memref<125x32xf32, #tpu.memory_space<vmem>>, vector<1x16xf32>,
      } {sc.loop_unroll_factor = 5 : i64, sc.parallel_access}
      %dma_start3A_322 = arith.constant 0 : i32
      %dma_start3A_323 = tpu.memref_slice %arg8[%add3A_287, %dma_start3A_322] : memref<80x125xi32, #tpu.memory_space<vmem>> -> memref<1x125xi32, #tpu.memory_space<vmem>>
      %dma_start3A_324 = tpu.memref_squeeze %dma_start3A_323 : memref<1x125xi32, #tpu.memory_space<vmem>> -> memref<125xi32, #tpu.memory_space<vmem>>
      %dma_start3A_325 = arith.constant 0 : i32
      %dma_start3A_326 = arith.constant 0 : i32
      %dma_start3A_327 = tpu.memref_slice %arg26[%dma_start3A_325, %dma_start3A_326] : memref<10240x32xf32, #tpu.memory_space<vmem_shared>> -> memref<10240x32xf32, #tpu.memory_space<vmem_shared>>
      tpu.enqueue_indirect_dma source(%arg24 : memref<125x32xf32, #tpu.memory_space<vmem>>) target(%dma_start3A_327 : memref<10240x32xf32, #tpu.memory_space<vmem_shared>>) offsets(%dma_start3A_324 : memref<125xi32, #tpu.memory_space<vmem>>) semaphore(%arg43 : memref<!tpu.dma_semaphore, #tpu.memory_space<semaphore_mem>>) {add = true}
    }
    %scan3A_73 = arith.constant 20 : i32
    %dma_wait3A = arith.constant 0 : i32
    %dma_wait3A_74 = arith.constant 0 : i32
    %dma_wait3A_75 = arith.constant 0 : i32
    %dma_wait3A_76 = tpu.memref_slice %arg6[%dma_wait3A, %dma_wait3A_74, %dma_wait3A_75] : memref<2x10240x32xf32, #tpu.memory_space<hbm>> -> memref<1x125x32xf32, #tpu.memory_space<hbm>>
    %dma_wait3A_77 = tpu.memref_squeeze %dma_wait3A_76 : memref<1x125x32xf32, #tpu.memory_space<hbm>> -> memref<125x32xf32, #tpu.memory_space<hbm>>
    %dma_wait3A_78 = arith.constant 0 : i32
    %dma_wait3A_79 = arith.constant 0 : i32
    %dma_wait3A_80 = tpu.memref_slice %arg6[%dma_wait3A, %dma_wait3A_78, %dma_wait3A_79] : memref<2x10240x32xf32, #tpu.memory_space<hbm>> -> memref<1x125x32xf32, #tpu.memory_space<hbm>>
    %dma_wait3A_81 = tpu.memref_squeeze %dma_wait3A_80 : memref<1x125x32xf32, #tpu.memory_space<hbm>> -> memref<125x32xf32, #tpu.memory_space<hbm>>
    tpu.wait_dma2 semaphore(%arg41 : memref<!tpu.dma_semaphore, #tpu.memory_space<semaphore_mem>>) src(%dma_wait3A_81 : memref<125x32xf32, #tpu.memory_space<hbm>>) dst(%arg22 : memref<125x32xf32, #tpu.memory_space<vmem>>)
    %dma_wait3A_82 = arith.constant 0 : i32
    %dma_wait3A_83 = arith.constant 0 : i32
    %dma_wait3A_84 = arith.constant 0 : i32
    %dma_wait3A_85 = tpu.memref_slice %arg6[%dma_wait3A_82, %dma_wait3A_83, %dma_wait3A_84] : memref<2x10240x32xf32, #tpu.memory_space<hbm>> -> memref<1x125x32xf32, #tpu.memory_space<hbm>>
    %dma_wait3A_86 = tpu.memref_squeeze %dma_wait3A_85 : memref<1x125x32xf32, #tpu.memory_space<hbm>> -> memref<125x32xf32, #tpu.memory_space<hbm>>
    %dma_wait3A_87 = arith.constant 0 : i32
    %dma_wait3A_88 = arith.constant 0 : i32
    %dma_wait3A_89 = tpu.memref_slice %arg6[%dma_wait3A_82, %dma_wait3A_87, %dma_wait3A_88] : memref<2x10240x32xf32, #tpu.memory_space<hbm>> -> memref<1x125x32xf32, #tpu.memory_space<hbm>>
    %dma_wait3A_90 = tpu.memref_squeeze %dma_wait3A_89 : memref<1x125x32xf32, #tpu.memory_space<hbm>> -> memref<125x32xf32, #tpu.memory_space<hbm>>
    tpu.wait_dma2 semaphore(%arg42 : memref<!tpu.dma_semaphore, #tpu.memory_space<semaphore_mem>>) src(%dma_wait3A_90 : memref<125x32xf32, #tpu.memory_space<hbm>>) dst(%arg23 : memref<125x32xf32, #tpu.memory_space<vmem>>)
    %dma_wait3A_91 = arith.constant 0 : i32
    %dma_wait3A_92 = arith.constant 0 : i32
    %dma_wait3A_93 = arith.constant 0 : i32
    %dma_wait3A_94 = tpu.memref_slice %arg6[%dma_wait3A_91, %dma_wait3A_92, %dma_wait3A_93] : memref<2x10240x32xf32, #tpu.memory_space<hbm>> -> memref<1x125x32xf32, #tpu.memory_space<hbm>>
    %dma_wait3A_95 = tpu.memref_squeeze %dma_wait3A_94 : memref<1x125x32xf32, #tpu.memory_space<hbm>> -> memref<125x32xf32, #tpu.memory_space<hbm>>
    %dma_wait3A_96 = arith.constant 0 : i32
    %dma_wait3A_97 = arith.constant 0 : i32
    %dma_wait3A_98 = tpu.memref_slice %arg6[%dma_wait3A_91, %dma_wait3A_96, %dma_wait3A_97] : memref<2x10240x32xf32, #tpu.memory_space<hbm>> -> memref<1x125x32xf32, #tpu.memory_space<hbm>>
    %dma_wait3A_99 = tpu.memref_squeeze %dma_wait3A_98 : memref<1x125x32xf32, #tpu.memory_space<hbm>> -> memref<125x32xf32, #tpu.memory_space<hbm>>
    tpu.wait_dma2 semaphore(%arg43 : memref<!tpu.dma_semaphore, #tpu.memory_space<semaphore_mem>>) src(%dma_wait3A_99 : memref<125x32xf32, #tpu.memory_space<hbm>>) dst(%arg24 : memref<125x32xf32, #tpu.memory_space<vmem>>)
    %barrier3A_100 = arith.constant 0 : index
    tpu.barrier barrier_id(%barrier3A_100)
    %mul3A_101 = arith.constant 640 : i32
    %mul3A_102 = arith.muli %arg1, %mul3A_101 : i32
    %add3A_103 = arith.constant 0 : i32
    %add3A_104 = arith.addi %mul3A_102, %add3A_103 : i32
    "tpu.region"() ({
      %run_scoped3A = tpu.sem_alloc : memref<!tpu.dma_semaphore, #tpu.memory_space<semaphore_mem>>
      %dma_start3A_121 = arith.constant 0 : i32
      %dma_start3A_122 = tpu.memref_slice %arg26[%add3A_104, %dma_start3A_121] : memref<10240x32xf32, #tpu.memory_space<vmem_shared>> -> memref<128x32xf32, #tpu.memory_space<vmem_shared>>
      %dma_start3A_123 = arith.constant 0 : i32
      %dma_start3A_124 = tpu.memref_slice %arg26[%add3A_104, %dma_start3A_123] : memref<10240x32xf32, #tpu.memory_space<vmem_shared>> -> memref<128x32xf32, #tpu.memory_space<vmem_shared>>
      tpu.enqueue_dma source(%dma_start3A_124 : memref<128x32xf32, #tpu.memory_space<vmem_shared>>) target(%arg25 : memref<128x32xf32, #tpu.memory_space<vmem>>) target_semaphore(%run_scoped3A : memref<!tpu.dma_semaphore, #tpu.memory_space<semaphore_mem>>)
      %dma_wait3A_125 = arith.constant 0 : i32
      %dma_wait3A_126 = tpu.memref_slice %arg26[%add3A_104, %dma_wait3A_125] : memref<10240x32xf32, #tpu.memory_space<vmem_shared>> -> memref<128x32xf32, #tpu.memory_space<vmem_shared>>
      %dma_wait3A_127 = arith.constant 0 : i32
      %dma_wait3A_128 = tpu.memref_slice %arg26[%add3A_104, %dma_wait3A_127] : memref<10240x32xf32, #tpu.memory_space<vmem_shared>> -> memref<128x32xf32, #tpu.memory_space<vmem_shared>>
      tpu.wait_dma2 semaphore(%run_scoped3A : memref<!tpu.dma_semaphore, #tpu.memory_space<semaphore_mem>>) src(%dma_wait3A_128 : memref<128x32xf32, #tpu.memory_space<vmem_shared>>) dst(%arg25 : memref<128x32xf32, #tpu.memory_space<vmem>>)
      tpu.yield
    }) : () -> ()
    "tpu.region"() ({
      %run_scoped3A = tpu.sem_alloc : memref<!tpu.dma_semaphore, #tpu.memory_space<semaphore_mem>>
      %dma_start3A_121 = arith.constant 0 : i32
      %dma_start3A_122 = tpu.memref_slice %arg6[%arg0, %add3A_104, %dma_start3A_121] : memref<2x10240x32xf32, #tpu.memory_space<hbm>> -> memref<1x128x32xf32, #tpu.memory_space<hbm>>
      %dma_start3A_123 = tpu.memref_squeeze %dma_start3A_122 : memref<1x128x32xf32, #tpu.memory_space<hbm>> -> memref<128x32xf32, #tpu.memory_space<hbm>>
      %dma_start3A_124 = arith.constant 0 : i32
      %dma_start3A_125 = tpu.memref_slice %arg6[%arg0, %add3A_104, %dma_start3A_124] : memref<2x10240x32xf32, #tpu.memory_space<hbm>> -> memref<1x128x32xf32, #tpu.memory_space<hbm>>
      %dma_start3A_126 = tpu.memref_squeeze %dma_start3A_125 : memref<1x128x32xf32, #tpu.memory_space<hbm>> -> memref<128x32xf32, #tpu.memory_space<hbm>>
      tpu.enqueue_dma source(%arg25 : memref<128x32xf32, #tpu.memory_space<vmem>>) target(%dma_start3A_126 : memref<128x32xf32, #tpu.memory_space<hbm>>) target_semaphore(%run_scoped3A : memref<!tpu.dma_semaphore, #tpu.memory_space<semaphore_mem>>)
      %dma_wait3A_127 = arith.constant 0 : i32
      %dma_wait3A_128 = tpu.memref_slice %arg6[%arg0, %add3A_104, %dma_wait3A_127] : memref<2x10240x32xf32, #tpu.memory_space<hbm>> -> memref<1x128x32xf32, #tpu.memory_space<hbm>>
      %dma_wait3A_129 = tpu.memref_squeeze %dma_wait3A_128 : memref<1x128x32xf32, #tpu.memory_space<hbm>> -> memref<128x32xf32, #tpu.memory_space<hbm>>
      %dma_wait3A_130 = arith.constant 0 : i32
      %dma_wait3A_131 = tpu.memref_slice %arg6[%arg0, %add3A_104, %dma_wait3A_130] : memref<2x10240x32xf32, #tpu.memory_space<hbm>> -> memref<1x128x32xf32, #tpu.memory_space<hbm>>
      %dma_wait3A_132 = tpu.memref_squeeze %dma_wait3A_131 : memref<1x128x32xf32, #tpu.memory_space<hbm>> -> memref<128x32xf32, #tpu.memory_space<hbm>>
      tpu.wait_dma2 semaphore(%run_scoped3A : memref<!tpu.dma_semaphore, #tpu.memory_space<semaphore_mem>>) src(%arg25 : memref<128x32xf32, #tpu.memory_space<vmem>>) dst(%dma_wait3A_132 : memref<128x32xf32, #tpu.memory_space<hbm>>)
      tpu.yield
    }) : () -> ()
    %mul3A_105 = arith.constant 640 : i32
    %mul3A_106 = arith.muli %arg1, %mul3A_105 : i32
    %add3A_107 = arith.constant 128 : i32
    %add3A_108 = arith.addi %mul3A_106, %add3A_107 : i32
    "tpu.region"() ({
      %run_scoped3A = tpu.sem_alloc : memref<!tpu.dma_semaphore, #tpu.memory_space<semaphore_mem>>
      %dma_start3A_121 = arith.constant 0 : i32
      %dma_start3A_122 = tpu.memref_slice %arg26[%add3A_108, %dma_start3A_121] : memref<10240x32xf32, #tpu.memory_space<vmem_shared>> -> memref<128x32xf32, #tpu.memory_space<vmem_shared>>
      %dma_start3A_123 = arith.constant 0 : i32
      %dma_start3A_124 = tpu.memref_slice %arg26[%add3A_108, %dma_start3A_123] : memref<10240x32xf32, #tpu.memory_space<vmem_shared>> -> memref<128x32xf32, #tpu.memory_space<vmem_shared>>
      tpu.enqueue_dma source(%dma_start3A_124 : memref<128x32xf32, #tpu.memory_space<vmem_shared>>) target(%arg25 : memref<128x32xf32, #tpu.memory_space<vmem>>) target_semaphore(%run_scoped3A : memref<!tpu.dma_semaphore, #tpu.memory_space<semaphore_mem>>)
      %dma_wait3A_125 = arith.constant 0 : i32
      %dma_wait3A_126 = tpu.memref_slice %arg26[%add3A_108, %dma_wait3A_125] : memref<10240x32xf32, #tpu.memory_space<vmem_shared>> -> memref<128x32xf32, #tpu.memory_space<vmem_shared>>
      %dma_wait3A_127 = arith.constant 0 : i32
      %dma_wait3A_128 = tpu.memref_slice %arg26[%add3A_108, %dma_wait3A_127] : memref<10240x32xf32, #tpu.memory_space<vmem_shared>> -> memref<128x32xf32, #tpu.memory_space<vmem_shared>>
      tpu.wait_dma2 semaphore(%run_scoped3A : memref<!tpu.dma_semaphore, #tpu.memory_space<semaphore_mem>>) src(%dma_wait3A_128 : memref<128x32xf32, #tpu.memory_space<vmem_shared>>) dst(%arg25 : memref<128x32xf32, #tpu.memory_space<vmem>>)
      tpu.yield
    }) : () -> ()
    "tpu.region"() ({
      %run_scoped3A = tpu.sem_alloc : memref<!tpu.dma_semaphore, #tpu.memory_space<semaphore_mem>>
      %dma_start3A_121 = arith.constant 0 : i32
      %dma_start3A_122 = tpu.memref_slice %arg6[%arg0, %add3A_108, %dma_start3A_121] : memref<2x10240x32xf32, #tpu.memory_space<hbm>> -> memref<1x128x32xf32, #tpu.memory_space<hbm>>
      %dma_start3A_123 = tpu.memref_squeeze %dma_start3A_122 : memref<1x128x32xf32, #tpu.memory_space<hbm>> -> memref<128x32xf32, #tpu.memory_space<hbm>>
      %dma_start3A_124 = arith.constant 0 : i32
      %dma_start3A_125 = tpu.memref_slice %arg6[%arg0, %add3A_108, %dma_start3A_124] : memref<2x10240x32xf32, #tpu.memory_space<hbm>> -> memref<1x128x32xf32, #tpu.memory_space<hbm>>
      %dma_start3A_126 = tpu.memref_squeeze %dma_start3A_125 : memref<1x128x32xf32, #tpu.memory_space<hbm>> -> memref<128x32xf32, #tpu.memory_space<hbm>>
      tpu.enqueue_dma source(%arg25 : memref<128x32xf32, #tpu.memory_space<vmem>>) target(%dma_start3A_126 : memref<128x32xf32, #tpu.memory_space<hbm>>) target_semaphore(%run_scoped3A : memref<!tpu.dma_semaphore, #tpu.memory_space<semaphore_mem>>)
      %dma_wait3A_127 = arith.constant 0 : i32
      %dma_wait3A_128 = tpu.memref_slice %arg6[%arg0, %add3A_108, %dma_wait3A_127] : memref<2x10240x32xf32, #tpu.memory_space<hbm>> -> memref<1x128x32xf32, #tpu.memory_space<hbm>>
      %dma_wait3A_129 = tpu.memref_squeeze %dma_wait3A_128 : memref<1x128x32xf32, #tpu.memory_space<hbm>> -> memref<128x32xf32, #tpu.memory_space<hbm>>
      %dma_wait3A_130 = arith.constant 0 : i32
      %dma_wait3A_131 = tpu.memref_slice %arg6[%arg0, %add3A_108, %dma_wait3A_130] : memref<2x10240x32xf32, #tpu.memory_space<hbm>> -> memref<1x128x32xf32, #tpu.memory_space<hbm>>
      %dma_wait3A_132 = tpu.memref_squeeze %dma_wait3A_131 : memref<1x128x32xf32, #tpu.memory_space<hbm>> -> memref<128x32xf32, #tpu.memory_space<hbm>>
      tpu.wait_dma2 semaphore(%run_scoped3A : memref<!tpu.dma_semaphore, #tpu.memory_space<semaphore_mem>>) src(%arg25 : memref<128x32xf32, #tpu.memory_space<vmem>>) dst(%dma_wait3A_132 : memref<128x32xf32, #tpu.memory_space<hbm>>)
      tpu.yield
    }) : () -> ()
    %mul3A_109 = arith.constant 640 : i32
    %mul3A_110 = arith.muli %arg1, %mul3A_109 : i32
    %add3A_111 = arith.constant 256 : i32
    %add3A_112 = arith.addi %mul3A_110, %add3A_111 : i32
    "tpu.region"() ({
      %run_scoped3A = tpu.sem_alloc : memref<!tpu.dma_semaphore, #tpu.memory_space<semaphore_mem>>
      %dma_start3A_121 = arith.constant 0 : i32
      %dma_start3A_122 = tpu.memref_slice %arg26[%add3A_112, %dma_start3A_121] : memref<10240x32xf32, #tpu.memory_space<vmem_shared>> -> memref<128x32xf32, #tpu.memory_space<vmem_shared>>
      %dma_start3A_123 = arith.constant 0 : i32
      %dma_start3A_124 = tpu.memref_slice %arg26[%add3A_112, %dma_start3A_123] : memref<10240x32xf32, #tpu.memory_space<vmem_shared>> -> memref<128x32xf32, #tpu.memory_space<vmem_shared>>
      tpu.enqueue_dma source(%dma_start3A_124 : memref<128x32xf32, #tpu.memory_space<vmem_shared>>) target(%arg25 : memref<128x32xf32, #tpu.memory_space<vmem>>) target_semaphore(%run_scoped3A : memref<!tpu.dma_semaphore, #tpu.memory_space<semaphore_mem>>)
      %dma_wait3A_125 = arith.constant 0 : i32
      %dma_wait3A_126 = tpu.memref_slice %arg26[%add3A_112, %dma_wait3A_125] : memref<10240x32xf32, #tpu.memory_space<vmem_shared>> -> memref<128x32xf32, #tpu.memory_space<vmem_shared>>
      %dma_wait3A_127 = arith.constant 0 : i32
      %dma_wait3A_128 = tpu.memref_slice %arg26[%add3A_112, %dma_wait3A_127] : memref<10240x32xf32, #tpu.memory_space<vmem_shared>> -> memref<128x32xf32, #tpu.memory_space<vmem_shared>>
      tpu.wait_dma2 semaphore(%run_scoped3A : memref<!tpu.dma_semaphore, #tpu.memory_space<semaphore_mem>>) src(%dma_wait3A_128 : memref<128x32xf32, #tpu.memory_space<vmem_shared>>) dst(%arg25 : memref<128x32xf32, #tpu.memory_space<vmem>>)
      tpu.yield
    }) : () -> ()
    "tpu.region"() ({
      %run_scoped3A = tpu.sem_alloc : memref<!tpu.dma_semaphore, #tpu.memory_space<semaphore_mem>>
      %dma_start3A_121 = arith.constant 0 : i32
      %dma_start3A_122 = tpu.memref_slice %arg6[%arg0, %add3A_112, %dma_start3A_121] : memref<2x10240x32xf32, #tpu.memory_space<hbm>> -> memref<1x128x32xf32, #tpu.memory_space<hbm>>
      %dma_start3A_123 = tpu.memref_squeeze %dma_start3A_122 : memref<1x128x32xf32, #tpu.memory_space<hbm>> -> memref<128x32xf32, #tpu.memory_space<hbm>>
      %dma_start3A_124 = arith.constant 0 : i32
      %dma_start3A_125 = tpu.memref_slice %arg6[%arg0, %add3A_112, %dma_start3A_124] : memref<2x10240x32xf32, #tpu.memory_space<hbm>> -> memref<1x128x32xf32, #tpu.memory_space<hbm>>
      %dma_start3A_126 = tpu.memref_squeeze %dma_start3A_125 : memref<1x128x32xf32, #tpu.memory_space<hbm>> -> memref<128x32xf32, #tpu.memory_space<hbm>>
      tpu.enqueue_dma source(%arg25 : memref<128x32xf32, #tpu.memory_space<vmem>>) target(%dma_start3A_126 : memref<128x32xf32, #tpu.memory_space<hbm>>) target_semaphore(%run_scoped3A : memref<!tpu.dma_semaphore, #tpu.memory_space<semaphore_mem>>)
      %dma_wait3A_127 = arith.constant 0 : i32
      %dma_wait3A_128 = tpu.memref_slice %arg6[%arg0, %add3A_112, %dma_wait3A_127] : memref<2x10240x32xf32, #tpu.memory_space<hbm>> -> memref<1x128x32xf32, #tpu.memory_space<hbm>>
      %dma_wait3A_129 = tpu.memref_squeeze %dma_wait3A_128 : memref<1x128x32xf32, #tpu.memory_space<hbm>> -> memref<128x32xf32, #tpu.memory_space<hbm>>
      %dma_wait3A_130 = arith.constant 0 : i32
      %dma_wait3A_131 = tpu.memref_slice %arg6[%arg0, %add3A_112, %dma_wait3A_130] : memref<2x10240x32xf32, #tpu.memory_space<hbm>> -> memref<1x128x32xf32, #tpu.memory_space<hbm>>
      %dma_wait3A_132 = tpu.memref_squeeze %dma_wait3A_131 : memref<1x128x32xf32, #tpu.memory_space<hbm>> -> memref<128x32xf32, #tpu.memory_space<hbm>>
      tpu.wait_dma2 semaphore(%run_scoped3A : memref<!tpu.dma_semaphore, #tpu.memory_space<semaphore_mem>>) src(%arg25 : memref<128x32xf32, #tpu.memory_space<vmem>>) dst(%dma_wait3A_132 : memref<128x32xf32, #tpu.memory_space<hbm>>)
      tpu.yield
    }) : () -> ()
    %mul3A_113 = arith.constant 640 : i32
    %mul3A_114 = arith.muli %arg1, %mul3A_113 : i32
    %add3A_115 = arith.constant 384 : i32
    %add3A_116 = arith.addi %mul3A_114, %add3A_115 : i32
    "tpu.region"() ({
      %run_scoped3A = tpu.sem_alloc : memref<!tpu.dma_semaphore, #tpu.memory_space<semaphore_mem>>
      %dma_start3A_121 = arith.constant 0 : i32
      %dma_start3A_122 = tpu.memref_slice %arg26[%add3A_116, %dma_start3A_121] : memref<10240x32xf32, #tpu.memory_space<vmem_shared>> -> memref<128x32xf32, #tpu.memory_space<vmem_shared>>
      %dma_start3A_123 = arith.constant 0 : i32
      %dma_start3A_124 = tpu.memref_slice %arg26[%add3A_116, %dma_start3A_123] : memref<10240x32xf32, #tpu.memory_space<vmem_shared>> -> memref<128x32xf32, #tpu.memory_space<vmem_shared>>
      tpu.enqueue_dma source(%dma_start3A_124 : memref<128x32xf32, #tpu.memory_space<vmem_shared>>) target(%arg25 : memref<128x32xf32, #tpu.memory_space<vmem>>) target_semaphore(%run_scoped3A : memref<!tpu.dma_semaphore, #tpu.memory_space<semaphore_mem>>)
      %dma_wait3A_125 = arith.constant 0 : i32
      %dma_wait3A_126 = tpu.memref_slice %arg26[%add3A_116, %dma_wait3A_125] : memref<10240x32xf32, #tpu.memory_space<vmem_shared>> -> memref<128x32xf32, #tpu.memory_space<vmem_shared>>
      %dma_wait3A_127 = arith.constant 0 : i32
      %dma_wait3A_128 = tpu.memref_slice %arg26[%add3A_116, %dma_wait3A_127] : memref<10240x32xf32, #tpu.memory_space<vmem_shared>> -> memref<128x32xf32, #tpu.memory_space<vmem_shared>>
      tpu.wait_dma2 semaphore(%run_scoped3A : memref<!tpu.dma_semaphore, #tpu.memory_space<semaphore_mem>>) src(%dma_wait3A_128 : memref<128x32xf32, #tpu.memory_space<vmem_shared>>) dst(%arg25 : memref<128x32xf32, #tpu.memory_space<vmem>>)
      tpu.yield
    }) : () -> ()
    "tpu.region"() ({
      %run_scoped3A = tpu.sem_alloc : memref<!tpu.dma_semaphore, #tpu.memory_space<semaphore_mem>>
      %dma_start3A_121 = arith.constant 0 : i32
      %dma_start3A_122 = tpu.memref_slice %arg6[%arg0, %add3A_116, %dma_start3A_121] : memref<2x10240x32xf32, #tpu.memory_space<hbm>> -> memref<1x128x32xf32, #tpu.memory_space<hbm>>
      %dma_start3A_123 = tpu.memref_squeeze %dma_start3A_122 : memref<1x128x32xf32, #tpu.memory_space<hbm>> -> memref<128x32xf32, #tpu.memory_space<hbm>>
      %dma_start3A_124 = arith.constant 0 : i32
      %dma_start3A_125 = tpu.memref_slice %arg6[%arg0, %add3A_116, %dma_start3A_124] : memref<2x10240x32xf32, #tpu.memory_space<hbm>> -> memref<1x128x32xf32, #tpu.memory_space<hbm>>
      %dma_start3A_126 = tpu.memref_squeeze %dma_start3A_125 : memref<1x128x32xf32, #tpu.memory_space<hbm>> -> memref<128x32xf32, #tpu.memory_space<hbm>>
      tpu.enqueue_dma source(%arg25 : memref<128x32xf32, #tpu.memory_space<vmem>>) target(%dma_start3A_126 : memref<128x32xf32, #tpu.memory_space<hbm>>) target_semaphore(%run_scoped3A : memref<!tpu.dma_semaphore, #tpu.memory_space<semaphore_mem>>)
      %dma_wait3A_127 = arith.constant 0 : i32
      %dma_wait3A_128 = tpu.memref_slice %arg6[%arg0, %add3A_116, %dma_wait3A_127] : memref<2x10240x32xf32, #tpu.memory_space<hbm>> -> memref<1x128x32xf32, #tpu.memory_space<hbm>>
      %dma_wait3A_129 = tpu.memref_squeeze %dma_wait3A_128 : memref<1x128x32xf32, #tpu.memory_space<hbm>> -> memref<128x32xf32, #tpu.memory_space<hbm>>
      %dma_wait3A_130 = arith.constant 0 : i32
      %dma_wait3A_131 = tpu.memref_slice %arg6[%arg0, %add3A_116, %dma_wait3A_130] : memref<2x10240x32xf32, #tpu.memory_space<hbm>> -> memref<1x128x32xf32, #tpu.memory_space<hbm>>
      %dma_wait3A_132 = tpu.memref_squeeze %dma_wait3A_131 : memref<1x128x32xf32, #tpu.memory_space<hbm>> -> memref<128x32xf32, #tpu.memory_space<hbm>>
      tpu.wait_dma2 semaphore(%run_scoped3A : memref<!tpu.dma_semaphore, #tpu.memory_space<semaphore_mem>>) src(%arg25 : memref<128x32xf32, #tpu.memory_space<vmem>>) dst(%dma_wait3A_132 : memref<128x32xf32, #tpu.memory_space<hbm>>)
      tpu.yield
    }) : () -> ()
    %mul3A_117 = arith.constant 640 : i32
    %mul3A_118 = arith.muli %arg1, %mul3A_117 : i32
    %add3A_119 = arith.constant 512 : i32
    %add3A_120 = arith.addi %mul3A_118, %add3A_119 : i32
    "tpu.region"() ({
      %run_scoped3A = tpu.sem_alloc : memref<!tpu.dma_semaphore, #tpu.memory_space<semaphore_mem>>
      %dma_start3A_121 = arith.constant 0 : i32
      %dma_start3A_122 = tpu.memref_slice %arg26[%add3A_120, %dma_start3A_121] : memref<10240x32xf32, #tpu.memory_space<vmem_shared>> -> memref<128x32xf32, #tpu.memory_space<vmem_shared>>
      %dma_start3A_123 = arith.constant 0 : i32
      %dma_start3A_124 = tpu.memref_slice %arg26[%add3A_120, %dma_start3A_123] : memref<10240x32xf32, #tpu.memory_space<vmem_shared>> -> memref<128x32xf32, #tpu.memory_space<vmem_shared>>
      tpu.enqueue_dma source(%dma_start3A_124 : memref<128x32xf32, #tpu.memory_space<vmem_shared>>) target(%arg25 : memref<128x32xf32, #tpu.memory_space<vmem>>) target_semaphore(%run_scoped3A : memref<!tpu.dma_semaphore, #tpu.memory_space<semaphore_mem>>)
      %dma_wait3A_125 = arith.constant 0 : i32
      %dma_wait3A_126 = tpu.memref_slice %arg26[%add3A_120, %dma_wait3A_125] : memref<10240x32xf32, #tpu.memory_space<vmem_shared>> -> memref<128x32xf32, #tpu.memory_space<vmem_shared>>
      %dma_wait3A_127 = arith.constant 0 : i32
      %dma_wait3A_128 = tpu.memref_slice %arg26[%add3A_120, %dma_wait3A_127] : memref<10240x32xf32, #tpu.memory_space<vmem_shared>> -> memref<128x32xf32, #tpu.memory_space<vmem_shared>>
      tpu.wait_dma2 semaphore(%run_scoped3A : memref<!tpu.dma_semaphore, #tpu.memory_space<semaphore_mem>>) src(%dma_wait3A_128 : memref<128x32xf32, #tpu.memory_space<vmem_shared>>) dst(%arg25 : memref<128x32xf32, #tpu.memory_space<vmem>>)
      tpu.yield
    }) : () -> ()
    "tpu.region"() ({
      %run_scoped3A = tpu.sem_alloc : memref<!tpu.dma_semaphore, #tpu.memory_space<semaphore_mem>>
      %dma_start3A_121 = arith.constant 0 : i32
      %dma_start3A_122 = tpu.memref_slice %arg6[%arg0, %add3A_120, %dma_start3A_121] : memref<2x10240x32xf32, #tpu.memory_space<hbm>> -> memref<1x128x32xf32, #tpu.memory_space<hbm>>
      %dma_start3A_123 = tpu.memref_squeeze %dma_start3A_122 : memref<1x128x32xf32, #tpu.memory_space<hbm>> -> memref<128x32xf32, #tpu.memory_space<hbm>>
      %dma_start3A_124 = arith.constant 0 : i32
      %dma_start3A_125 = tpu.memref_slice %arg6[%arg0, %add3A_120, %dma_start3A_124] : memref<2x10240x32xf32, #tpu.memory_space<hbm>> -> memref<1x128x32xf32, #tpu.memory_space<hbm>>
      %dma_start3A_126 = tpu.memref_squeeze %dma_start3A_125 : memref<1x128x32xf32, #tpu.memory_space<hbm>> -> memref<128x32xf32, #tpu.memory_space<hbm>>
      tpu.enqueue_dma source(%arg25 : memref<128x32xf32, #tpu.memory_space<vmem>>) target(%dma_start3A_126 : memref<128x32xf32, #tpu.memory_space<hbm>>) target_semaphore(%run_scoped3A : memref<!tpu.dma_semaphore, #tpu.memory_space<semaphore_mem>>)
      %dma_wait3A_127 = arith.constant 0 : i32
      %dma_wait3A_128 = tpu.memref_slice %arg6[%arg0, %add3A_120, %dma_wait3A_127] : memref<2x10240x32xf32, #tpu.memory_space<hbm>> -> memref<1x128x32xf32, #tpu.memory_space<hbm>>
      %dma_wait3A_129 = tpu.memref_squeeze %dma_wait3A_128 : memref<1x128x32xf32, #tpu.memory_space<hbm>> -> memref<128x32xf32, #tpu.memory_space<hbm>>
      %dma_wait3A_130 = arith.constant 0 : i32
      %dma_wait3A_131 = tpu.memref_slice %arg6[%arg0, %add3A_120, %dma_wait3A_130] : memref<2x10240x32xf32, #tpu.memory_space<hbm>> -> memref<1x128x32xf32, #tpu.memory_space<hbm>>
      %dma_wait3A_132 = tpu.memref_squeeze %dma_wait3A_131 : memref<1x128x32xf32, #tpu.memory_space<hbm>> -> memref<128x32xf32, #tpu.memory_space<hbm>>
      tpu.wait_dma2 semaphore(%run_scoped3A : memref<!tpu.dma_semaphore, #tpu.memory_space<semaphore_mem>>) src(%arg25 : memref<128x32xf32, #tpu.memory_space<vmem>>) dst(%dma_wait3A_132 : memref<128x32xf32, #tpu.memory_space<hbm>>)
      tpu.yield
    }) : () -> ()
    return
  }
}

module attributes {stable_mosaic.version = 14 : i64} {
  func.func @_prep1_body(%arg0: i32, %arg1: memref<5000x128xf32, #tpu.memory_space<vmem>>, %arg2: memref<128x64xf32, #tpu.memory_space<vmem>>, %arg3: memref<64x8xf32, #tpu.memory_space<vmem>>, %arg4: memref<64x8xf32, #tpu.memory_space<vmem>>, %arg5: memref<8x64xf32, #tpu.memory_space<vmem>>, %arg6: memref<5000x80xf32, #tpu.memory_space<vmem>>, %arg7: memref<5000x16xf32, #tpu.memory_space<vmem>>, %arg8: memref<5000x80xf32, #tpu.memory_space<vmem>>) attributes {dimension_semantics = [#tpu.dimension_semantics<arbitrary>], iteration_bounds = array<i64: 2>, scalar_prefetch = 0 : i64, scratch_operands = 0 : i64, tpu.core_type = #tpu.core_type<tc>, window_params = [{transform_indices = @transform_0, window_bounds = array<i64: 5000, 128>}, {pipeline_mode = #tpu.pipeline_mode<synchronous>, transform_indices = @transform_1, window_bounds = array<i64: 128, 64>}, {pipeline_mode = #tpu.pipeline_mode<synchronous>, transform_indices = @transform_2, window_bounds = array<i64: 64, 8>}, {pipeline_mode = #tpu.pipeline_mode<synchronous>, transform_indices = @transform_3, window_bounds = array<i64: 64, 8>}, {pipeline_mode = #tpu.pipeline_mode<synchronous>, transform_indices = @transform_4, window_bounds = array<i64: 8, 64>}, {transform_indices = @transform_5, window_bounds = array<i64: 5000, 80>}, {transform_indices = @transform_6, window_bounds = array<i64: 5000, 16>}, {transform_indices = @transform_7, window_bounds = array<i64: 5000, 80>}]} {
    %get3A = arith.constant 0 : index
    %get3A_0 = arith.constant 0 : index
    %get3A_1 = vector.load %arg1[%get3A, %get3A_0] : memref<5000x128xf32, #tpu.memory_space<vmem>>, vector<5000x128xf32>
    %get3A_2 = arith.constant 0 : index
    %get3A_3 = arith.constant 0 : index
    %get3A_4 = vector.load %arg2[%get3A_2, %get3A_3] : memref<128x64xf32, #tpu.memory_space<vmem>>, vector<128x64xf32>
    %dot_general3A = arith.constant dense<0.000000e+00> : vector<5000x64xf32>
    %dot_general3A_5 = tpu.matmul %get3A_1, %get3A_4, %dot_general3A {dimension_numbers = #tpu.dot_dimension_numbers<[1], [0], [0], [1], [0, 0, 1, 1], [], []>, transpose_lhs_hint = false} : vector<5000x128xf32>, vector<128x64xf32>, vector<5000x64xf32> -> vector<5000x64xf32>
    %get3A_6 = arith.constant 0 : index
    %get3A_7 = arith.constant 0 : index
    %get3A_8 = vector.load %arg3[%get3A_6, %get3A_7] : memref<64x8xf32, #tpu.memory_space<vmem>>, vector<64x8xf32>
    %dot_general3A_9 = arith.constant dense<0.000000e+00> : vector<5000x8xf32>
    %dot_general3A_10 = tpu.matmul %dot_general3A_5, %get3A_8, %dot_general3A_9 {dimension_numbers = #tpu.dot_dimension_numbers<[1], [0], [0], [1], [0, 0, 1, 1], [], []>, transpose_lhs_hint = false} : vector<5000x64xf32>, vector<64x8xf32>, vector<5000x8xf32> -> vector<5000x8xf32>
    %get3A_11 = arith.constant 0 : index
    %get3A_12 = arith.constant 0 : index
    %get3A_13 = vector.load %arg4[%get3A_11, %get3A_12] : memref<64x8xf32, #tpu.memory_space<vmem>>, vector<64x8xf32>
    %dot_general3A_14 = arith.constant dense<0.000000e+00> : vector<5000x8xf32>
    %dot_general3A_15 = tpu.matmul %dot_general3A_5, %get3A_13, %dot_general3A_14 {dimension_numbers = #tpu.dot_dimension_numbers<[1], [0], [0], [1], [0, 0, 1, 1], [], []>, transpose_lhs_hint = false} : vector<5000x64xf32>, vector<64x8xf32>, vector<5000x8xf32> -> vector<5000x8xf32>
    %add3A = arith.addf %dot_general3A_10, %dot_general3A_15 : vector<5000x8xf32>
    %gt3A = arith.constant 0.000000e+00 : f32
    %gt3A_16 = vector.broadcast %gt3A : f32 to vector<5000x8xf32>
    %gt3A_17 = arith.cmpf ogt, %add3A, %gt3A_16 : vector<5000x8xf32>
    %mul3A = arith.constant 2.000000e-01 : f32
    %mul3A_18 = vector.broadcast %mul3A : f32 to vector<5000x8xf32>
    %mul3A_19 = arith.mulf %mul3A_18, %add3A : vector<5000x8xf32>
    %select_n3A = arith.select %gt3A_17, %add3A, %mul3A_19 : vector<5000x8xi1>, vector<5000x8xf32>
    %exp3A = math.exp %select_n3A : vector<5000x8xf32>
    %get3A_20 = arith.constant 0 : index
    %get3A_21 = arith.constant 0 : index
    %get3A_22 = vector.load %arg5[%get3A_20, %get3A_21] : memref<8x64xf32, #tpu.memory_space<vmem>>, vector<8x64xf32>
    %dot_general3A_23 = arith.constant dense<0.000000e+00> : vector<5000x64xf32>
    %dot_general3A_24 = tpu.matmul %exp3A, %get3A_22, %dot_general3A_23 {dimension_numbers = #tpu.dot_dimension_numbers<[1], [0], [0], [1], [0, 0, 1, 1], [], []>, transpose_lhs_hint = false} : vector<5000x8xf32>, vector<8x64xf32>, vector<5000x64xf32> -> vector<5000x64xf32>
    %broadcast_in_dim3A = arith.constant 0.000000e+00 : f32
    %broadcast_in_dim3A_25 = vector.broadcast %broadcast_in_dim3A : f32 to vector<5000x8xf32>
    %concatenate3A = tpu.concatenate %dot_general3A_5, %dot_general3A_10, %broadcast_in_dim3A_25 in 1 : vector<5000x64xf32>, vector<5000x8xf32>, vector<5000x8xf32> -> vector<5000x80xf32>
    %swap3A = arith.constant 0 : index
    %swap3A_26 = arith.constant 0 : index
    %swap3A_27 = vector.load %arg6[%swap3A, %swap3A_26] : memref<5000x80xf32, #tpu.memory_space<vmem>>, vector<5000x80xf32>
    tpu.vector_store %arg6[%swap3A, %swap3A_26], %concatenate3A {strides = array<i32>} : memref<5000x80xf32, #tpu.memory_space<vmem>>, vector<5000x80xf32>,
    %concatenate3A_28 = tpu.concatenate %dot_general3A_15, %broadcast_in_dim3A_25 in 1 : vector<5000x8xf32>, vector<5000x8xf32> -> vector<5000x16xf32>
    %swap3A_29 = arith.constant 0 : index
    %swap3A_30 = arith.constant 0 : index
    %swap3A_31 = vector.load %arg7[%swap3A_29, %swap3A_30] : memref<5000x16xf32, #tpu.memory_space<vmem>>, vector<5000x16xf32>
    tpu.vector_store %arg7[%swap3A_29, %swap3A_30], %concatenate3A_28 {strides = array<i32>} : memref<5000x16xf32, #tpu.memory_space<vmem>>, vector<5000x16xf32>,
    %mul3A_32 = arith.mulf %dot_general3A_5, %dot_general3A_24 : vector<5000x64xf32>
    %concatenate3A_33 = tpu.concatenate %mul3A_32, %exp3A, %broadcast_in_dim3A_25 in 1 : vector<5000x64xf32>, vector<5000x8xf32>, vector<5000x8xf32> -> vector<5000x80xf32>
    %swap3A_34 = arith.constant 0 : index
    %swap3A_35 = arith.constant 0 : index
    %swap3A_36 = vector.load %arg8[%swap3A_34, %swap3A_35] : memref<5000x80xf32, #tpu.memory_space<vmem>>, vector<5000x80xf32>
    tpu.vector_store %arg8[%swap3A_34, %swap3A_35], %concatenate3A_33 {strides = array<i32>} : memref<5000x80xf32, #tpu.memory_space<vmem>>, vector<5000x80xf32>,
    return
  }
  func.func @transform_0(%arg0: i32) -> (i32, i32) {
    %c0_i32 = arith.constant 0 : i32
    %c0_i32_0 = arith.constant 0 : i32
    return %arg0, %c0_i32 : i32, i32
  }
  func.func @transform_1(%arg0: i32) -> (i32, i32) {
    %c0_i32 = arith.constant 0 : i32
    %c0_i32_0 = arith.constant 0 : i32
    %c0_i32_1 = arith.constant 0 : i32
    return %c0_i32, %c0_i32_0 : i32, i32
  }
  func.func @transform_2(%arg0: i32) -> (i32, i32) {
    %c0_i32 = arith.constant 0 : i32
    %c0_i32_0 = arith.constant 0 : i32
    %c0_i32_1 = arith.constant 0 : i32
    return %c0_i32, %c0_i32_0 : i32, i32
  }
  func.func @transform_3(%arg0: i32) -> (i32, i32) {
    %c0_i32 = arith.constant 0 : i32
    %c0_i32_0 = arith.constant 0 : i32
    %c0_i32_1 = arith.constant 0 : i32
    return %c0_i32, %c0_i32_0 : i32, i32
  }
  func.func @transform_4(%arg0: i32) -> (i32, i32) {
    %c0_i32 = arith.constant 0 : i32
    %c0_i32_0 = arith.constant 0 : i32
    %c0_i32_1 = arith.constant 0 : i32
    return %c0_i32, %c0_i32_0 : i32, i32
  }
  func.func @transform_5(%arg0: i32) -> (i32, i32) {
    %c0_i32 = arith.constant 0 : i32
    %c0_i32_0 = arith.constant 0 : i32
    return %arg0, %c0_i32 : i32, i32
  }
  func.func @transform_6(%arg0: i32) -> (i32, i32) {
    %c0_i32 = arith.constant 0 : i32
    %c0_i32_0 = arith.constant 0 : i32
    return %arg0, %c0_i32 : i32, i32
  }
  func.func @transform_7(%arg0: i32) -> (i32, i32) {
    %c0_i32 = arith.constant 0 : i32
    %c0_i32_0 = arith.constant 0 : i32
    return %arg0, %c0_i32 : i32, i32
  }
}

module attributes {stable_mosaic.version = 14 : i64} {
  func.func @_mid_body(%arg0: i32, %arg1: memref<1x5000x80xf32, #tpu.memory_space<vmem>>, %arg2: memref<1x5000x80xf32, #tpu.memory_space<vmem>>, %arg3: memref<5000x80xf32, #tpu.memory_space<vmem>>, %arg4: memref<1x64xf32, #tpu.memory_space<vmem>>, %arg5: memref<64x16xf32, #tpu.memory_space<vmem>>, %arg6: memref<16x1xf32, #tpu.memory_space<vmem>>, %arg7: memref<16x1xf32, #tpu.memory_space<vmem>>, %arg8: memref<8x64xf32, #tpu.memory_space<vmem>>, %arg9: memref<5000x16xf32, #tpu.memory_space<vmem>>, %arg10: memref<5000x16xf32, #tpu.memory_space<vmem>>, %arg11: memref<5000x32xf32, #tpu.memory_space<vmem>>) attributes {dimension_semantics = [#tpu.dimension_semantics<arbitrary>], iteration_bounds = array<i64: 2>, scalar_prefetch = 0 : i64, scratch_operands = 0 : i64, tpu.core_type = #tpu.core_type<tc>, window_params = [{transform_indices = @transform_0, window_bounds = array<i64: 1, 5000, 80>}, {transform_indices = @transform_1, window_bounds = array<i64: 1, 5000, 80>}, {transform_indices = @transform_2, window_bounds = array<i64: 5000, 80>}, {pipeline_mode = #tpu.pipeline_mode<synchronous>, transform_indices = @transform_3, window_bounds = array<i64: 1, 64>}, {pipeline_mode = #tpu.pipeline_mode<synchronous>, transform_indices = @transform_4, window_bounds = array<i64: 64, 16>}, {pipeline_mode = #tpu.pipeline_mode<synchronous>, transform_indices = @transform_5, window_bounds = array<i64: 16, 1>}, {pipeline_mode = #tpu.pipeline_mode<synchronous>, transform_indices = @transform_6, window_bounds = array<i64: 16, 1>}, {pipeline_mode = #tpu.pipeline_mode<synchronous>, transform_indices = @transform_7, window_bounds = array<i64: 8, 64>}, {transform_indices = @transform_8, window_bounds = array<i64: 5000, 16>}, {transform_indices = @transform_9, window_bounds = array<i64: 5000, 16>}, {transform_indices = @transform_10, window_bounds = array<i64: 5000, 32>}]} {
    %get3A = arith.constant 0 : index
    %get3A_0 = arith.constant 0 : index
    %get3A_1 = arith.constant 0 : index
    %get3A_2 = vector.load %arg1[%get3A, %get3A_0, %get3A_1] : memref<1x5000x80xf32, #tpu.memory_space<vmem>>, vector<1x5000x80xf32>
    %get3A_3 = vector.shape_cast %get3A_2 : vector<1x5000x80xf32> to vector<5000x80xf32>
    %get3A_4 = arith.constant 0 : index
    %get3A_5 = arith.constant 0 : index
    %get3A_6 = arith.constant 0 : index
    %get3A_7 = vector.load %arg2[%get3A_4, %get3A_5, %get3A_6] : memref<1x5000x80xf32, #tpu.memory_space<vmem>>, vector<1x5000x80xf32>
    %get3A_8 = vector.shape_cast %get3A_7 : vector<1x5000x80xf32> to vector<5000x80xf32>
    %add3A = arith.addf %get3A_3, %get3A_8 : vector<5000x80xf32>
    %get3A_9 = arith.constant 0 : index
    %get3A_10 = arith.constant 0 : index
    %get3A_11 = vector.load %arg3[%get3A_9, %get3A_10] : memref<5000x80xf32, #tpu.memory_space<vmem>>, vector<5000x80xf32>
    %add3A_12 = arith.addf %add3A, %get3A_11 : vector<5000x80xf32>
    %slice3A = vector.extract_strided_slice %add3A_12 {offsets = [0, 64], sizes = [5000, 8], strides = [1, 1]} : vector<5000x80xf32> to vector<5000x8xf32>
    %add3A_13 = arith.constant 1.000000e-16 : f32
    %add3A_14 = vector.broadcast %add3A_13 : f32 to vector<5000x8xf32>
    %add3A_15 = arith.addf %slice3A, %add3A_14 : vector<5000x8xf32>
    %div3A = arith.constant 1.000000e+00 : f32
    %div3A_16 = vector.broadcast %div3A : f32 to vector<5000x8xf32>
    %div3A_17 = arith.divf %div3A_16, %add3A_15 : vector<5000x8xf32>
    %get3A_18 = arith.constant 0 : index
    %get3A_19 = arith.constant 0 : index
    %get3A_20 = vector.load %arg8[%get3A_18, %get3A_19] : memref<8x64xf32, #tpu.memory_space<vmem>>, vector<8x64xf32>
    %dot_general3A = arith.constant dense<0.000000e+00> : vector<5000x64xf32>
    %dot_general3A_21 = tpu.matmul %div3A_17, %get3A_20, %dot_general3A {dimension_numbers = #tpu.dot_dimension_numbers<[1], [0], [0], [1], [0, 0, 1, 1], [], []>, transpose_lhs_hint = false} : vector<5000x8xf32>, vector<8x64xf32>, vector<5000x64xf32> -> vector<5000x64xf32>
    %slice3A_22 = vector.extract_strided_slice %add3A_12 {offsets = [0, 0], sizes = [5000, 64], strides = [1, 1]} : vector<5000x80xf32> to vector<5000x64xf32>
    %mul3A = arith.mulf %slice3A_22, %dot_general3A_21 : vector<5000x64xf32>
    %get3A_23 = arith.constant 0 : index
    %get3A_24 = arith.constant 0 : index
    %get3A_25 = vector.load %arg4[%get3A_23, %get3A_24] : memref<1x64xf32, #tpu.memory_space<vmem>>, vector<1x64xf32>
    %add3A_26 = vector.broadcast %get3A_25 : vector<1x64xf32> to vector<5000x64xf32>
    %add3A_27 = arith.addf %mul3A, %add3A_26 : vector<5000x64xf32>
    %gt3A = arith.constant 0.000000e+00 : f32
    %gt3A_28 = vector.broadcast %gt3A : f32 to vector<5000x64xf32>
    %gt3A_29 = arith.cmpf ogt, %add3A_27, %gt3A_28 : vector<5000x64xf32>
    %min3A = arith.constant 0.000000e+00 : f32
    %min3A_30 = vector.broadcast %min3A : f32 to vector<5000x64xf32>
    %min3A_31 = arith.minimumf %add3A_27, %min3A_30 : vector<5000x64xf32>
    %exp3A = math.exp %min3A_31 : vector<5000x64xf32>
    %sub3A = arith.constant 1.000000e+00 : f32
    %sub3A_32 = vector.broadcast %sub3A : f32 to vector<5000x64xf32>
    %sub3A_33 = arith.subf %exp3A, %sub3A_32 : vector<5000x64xf32>
    %select_n3A = arith.select %gt3A_29, %add3A_27, %sub3A_33 : vector<5000x64xi1>, vector<5000x64xf32>
    %get3A_34 = arith.constant 0 : index
    %get3A_35 = arith.constant 0 : index
    %get3A_36 = vector.load %arg5[%get3A_34, %get3A_35] : memref<64x16xf32, #tpu.memory_space<vmem>>, vector<64x16xf32>
    %dot_general3A_37 = arith.constant dense<0.000000e+00> : vector<5000x16xf32>
    %dot_general3A_38 = tpu.matmul %select_n3A, %get3A_36, %dot_general3A_37 {dimension_numbers = #tpu.dot_dimension_numbers<[1], [0], [0], [1], [0, 0, 1, 1], [], []>, transpose_lhs_hint = false} : vector<5000x64xf32>, vector<64x16xf32>, vector<5000x16xf32> -> vector<5000x16xf32>
    %get3A_39 = arith.constant 0 : index
    %get3A_40 = arith.constant 0 : index
    %get3A_41 = vector.load %arg6[%get3A_39, %get3A_40] : memref<16x1xf32, #tpu.memory_space<vmem>>, vector<16x1xf32>
    %dot_general3A_42 = arith.constant dense<0.000000e+00> : vector<5000x1xf32>
    %dot_general3A_43 = tpu.matmul %dot_general3A_38, %get3A_41, %dot_general3A_42 {dimension_numbers = #tpu.dot_dimension_numbers<[1], [0], [0], [1], [0, 0, 1, 1], [], []>, transpose_lhs_hint = false} : vector<5000x16xf32>, vector<16x1xf32>, vector<5000x1xf32> -> vector<5000x1xf32>
    %get3A_44 = arith.constant 0 : index
    %get3A_45 = arith.constant 0 : index
    %get3A_46 = vector.load %arg7[%get3A_44, %get3A_45] : memref<16x1xf32, #tpu.memory_space<vmem>>, vector<16x1xf32>
    %dot_general3A_47 = arith.constant dense<0.000000e+00> : vector<5000x1xf32>
    %dot_general3A_48 = tpu.matmul %dot_general3A_38, %get3A_46, %dot_general3A_47 {dimension_numbers = #tpu.dot_dimension_numbers<[1], [0], [0], [1], [0, 0, 1, 1], [], []>, transpose_lhs_hint = false} : vector<5000x16xf32>, vector<16x1xf32>, vector<5000x1xf32> -> vector<5000x1xf32>
    %add3A_49 = arith.addf %dot_general3A_43, %dot_general3A_48 : vector<5000x1xf32>
    %gt3A_50 = arith.constant 0.000000e+00 : f32
    %gt3A_51 = vector.broadcast %gt3A_50 : f32 to vector<5000x1xf32>
    %gt3A_52 = arith.cmpf ogt, %add3A_49, %gt3A_51 : vector<5000x1xf32>
    %mul3A_53 = arith.constant 2.000000e-01 : f32
    %mul3A_54 = vector.broadcast %mul3A_53 : f32 to vector<5000x1xf32>
    %mul3A_55 = arith.mulf %mul3A_54, %add3A_49 : vector<5000x1xf32>
    %select_n3A_56 = arith.select %gt3A_52, %add3A_49, %mul3A_55 : vector<5000x1xi1>, vector<5000x1xf32>
    %exp3A_57 = math.exp %select_n3A_56 : vector<5000x1xf32>
    %broadcast_in_dim3A = arith.constant 0.000000e+00 : f32
    %broadcast_in_dim3A_58 = vector.broadcast %broadcast_in_dim3A : f32 to vector<5000x14xf32>
    %broadcast_in_dim3A_59 = arith.constant 0.000000e+00 : f32
    %broadcast_in_dim3A_60 = vector.broadcast %broadcast_in_dim3A_59 : f32 to vector<5000x15xf32>
    %swap3A = arith.constant 0 : index
    %swap3A_61 = arith.constant 0 : index
    %swap3A_62 = vector.load %arg9[%swap3A, %swap3A_61] : memref<5000x16xf32, #tpu.memory_space<vmem>>, vector<5000x16xf32>
    tpu.vector_store %arg9[%swap3A, %swap3A_61], %dot_general3A_38 {strides = array<i32>} : memref<5000x16xf32, #tpu.memory_space<vmem>>, vector<5000x16xf32>,
    %concatenate3A = tpu.concatenate %dot_general3A_43, %dot_general3A_48, %broadcast_in_dim3A_58 in 1 : vector<5000x1xf32>, vector<5000x1xf32>, vector<5000x14xf32> -> vector<5000x16xf32>
    %swap3A_63 = arith.constant 0 : index
    %swap3A_64 = arith.constant 0 : index
    %swap3A_65 = vector.load %arg10[%swap3A_63, %swap3A_64] : memref<5000x16xf32, #tpu.memory_space<vmem>>, vector<5000x16xf32>
    tpu.vector_store %arg10[%swap3A_63, %swap3A_64], %concatenate3A {strides = array<i32>} : memref<5000x16xf32, #tpu.memory_space<vmem>>, vector<5000x16xf32>,
    %mul3A_66 = vector.broadcast %exp3A_57 : vector<5000x1xf32> to vector<5000x16xf32>
    %mul3A_67 = arith.mulf %dot_general3A_38, %mul3A_66 : vector<5000x16xf32>
    %concatenate3A_68 = tpu.concatenate %mul3A_67, %exp3A_57, %broadcast_in_dim3A_60 in 1 : vector<5000x16xf32>, vector<5000x1xf32>, vector<5000x15xf32> -> vector<5000x32xf32>
    %swap3A_69 = arith.constant 0 : index
    %swap3A_70 = arith.constant 0 : index
    %swap3A_71 = vector.load %arg11[%swap3A_69, %swap3A_70] : memref<5000x32xf32, #tpu.memory_space<vmem>>, vector<5000x32xf32>
    tpu.vector_store %arg11[%swap3A_69, %swap3A_70], %concatenate3A_68 {strides = array<i32>} : memref<5000x32xf32, #tpu.memory_space<vmem>>, vector<5000x32xf32>,
    return
  }
  func.func @transform_0(%arg0: i32) -> (i32, i32, i32) {
    %c0_i32 = arith.constant 0 : i32
    %c0_i32_0 = arith.constant 0 : i32
    %c0_i32_1 = arith.constant 0 : i32
    return %c0_i32, %arg0, %c0_i32_0 : i32, i32, i32
  }
  func.func @transform_1(%arg0: i32) -> (i32, i32, i32) {
    %c1_i32 = arith.constant 1 : i32
    %c0_i32 = arith.constant 0 : i32
    %c0_i32_0 = arith.constant 0 : i32
    return %c1_i32, %arg0, %c0_i32 : i32, i32, i32
  }
  func.func @transform_2(%arg0: i32) -> (i32, i32) {
    %c0_i32 = arith.constant 0 : i32
    %c0_i32_0 = arith.constant 0 : i32
    return %arg0, %c0_i32 : i32, i32
  }
  func.func @transform_3(%arg0: i32) -> (i32, i32) {
    %c0_i32 = arith.constant 0 : i32
    %c0_i32_0 = arith.constant 0 : i32
    %c0_i32_1 = arith.constant 0 : i32
    return %c0_i32, %c0_i32_0 : i32, i32
  }
  func.func @transform_4(%arg0: i32) -> (i32, i32) {
    %c0_i32 = arith.constant 0 : i32
    %c0_i32_0 = arith.constant 0 : i32
    %c0_i32_1 = arith.constant 0 : i32
    return %c0_i32, %c0_i32_0 : i32, i32
  }
  func.func @transform_5(%arg0: i32) -> (i32, i32) {
    %c0_i32 = arith.constant 0 : i32
    %c0_i32_0 = arith.constant 0 : i32
    %c0_i32_1 = arith.constant 0 : i32
    return %c0_i32, %c0_i32_0 : i32, i32
  }
  func.func @transform_6(%arg0: i32) -> (i32, i32) {
    %c0_i32 = arith.constant 0 : i32
    %c0_i32_0 = arith.constant 0 : i32
    %c0_i32_1 = arith.constant 0 : i32
    return %c0_i32, %c0_i32_0 : i32, i32
  }
  func.func @transform_7(%arg0: i32) -> (i32, i32) {
    %c0_i32 = arith.constant 0 : i32
    %c0_i32_0 = arith.constant 0 : i32
    %c0_i32_1 = arith.constant 0 : i32
    return %c0_i32, %c0_i32_0 : i32, i32
  }
  func.func @transform_8(%arg0: i32) -> (i32, i32) {
    %c0_i32 = arith.constant 0 : i32
    %c0_i32_0 = arith.constant 0 : i32
    return %arg0, %c0_i32 : i32, i32
  }
  func.func @transform_9(%arg0: i32) -> (i32, i32) {
    %c0_i32 = arith.constant 0 : i32
    %c0_i32_0 = arith.constant 0 : i32
    return %arg0, %c0_i32 : i32, i32
  }
  func.func @transform_10(%arg0: i32) -> (i32, i32) {
    %c0_i32 = arith.constant 0 : i32
    %c0_i32_0 = arith.constant 0 : i32
    return %arg0, %c0_i32 : i32, i32
  }
}

module attributes {stable_mosaic.version = 14 : i64} {
  func.func @_final_body(%arg0: i32, %arg1: memref<1x5000x32xf32, #tpu.memory_space<vmem>>, %arg2: memref<1x5000x32xf32, #tpu.memory_space<vmem>>, %arg3: memref<5000x32xf32, #tpu.memory_space<vmem>>, %arg4: memref<1x16xf32, #tpu.memory_space<vmem>>, %arg5: memref<5000x16xf32, #tpu.memory_space<vmem>>) attributes {dimension_semantics = [#tpu.dimension_semantics<arbitrary>], iteration_bounds = array<i64: 2>, scalar_prefetch = 0 : i64, scratch_operands = 0 : i64, tpu.core_type = #tpu.core_type<tc>, window_params = [{transform_indices = @transform_0, window_bounds = array<i64: 1, 5000, 32>}, {transform_indices = @transform_1, window_bounds = array<i64: 1, 5000, 32>}, {transform_indices = @transform_2, window_bounds = array<i64: 5000, 32>}, {pipeline_mode = #tpu.pipeline_mode<synchronous>, transform_indices = @transform_3, window_bounds = array<i64: 1, 16>}, {transform_indices = @transform_4, window_bounds = array<i64: 5000, 16>}]} {
    %get3A = arith.constant 0 : index
    %get3A_0 = arith.constant 0 : index
    %get3A_1 = arith.constant 0 : index
    %get3A_2 = vector.load %arg1[%get3A, %get3A_0, %get3A_1] : memref<1x5000x32xf32, #tpu.memory_space<vmem>>, vector<1x5000x32xf32>
    %get3A_3 = vector.shape_cast %get3A_2 : vector<1x5000x32xf32> to vector<5000x32xf32>
    %get3A_4 = arith.constant 0 : index
    %get3A_5 = arith.constant 0 : index
    %get3A_6 = arith.constant 0 : index
    %get3A_7 = vector.load %arg2[%get3A_4, %get3A_5, %get3A_6] : memref<1x5000x32xf32, #tpu.memory_space<vmem>>, vector<1x5000x32xf32>
    %get3A_8 = vector.shape_cast %get3A_7 : vector<1x5000x32xf32> to vector<5000x32xf32>
    %add3A = arith.addf %get3A_3, %get3A_8 : vector<5000x32xf32>
    %get3A_9 = arith.constant 0 : index
    %get3A_10 = arith.constant 0 : index
    %get3A_11 = vector.load %arg3[%get3A_9, %get3A_10] : memref<5000x32xf32, #tpu.memory_space<vmem>>, vector<5000x32xf32>
    %add3A_12 = arith.addf %add3A, %get3A_11 : vector<5000x32xf32>
    %slice3A = vector.extract_strided_slice %add3A_12 {offsets = [0, 0], sizes = [5000, 16], strides = [1, 1]} : vector<5000x32xf32> to vector<5000x16xf32>
    %slice3A_13 = vector.extract_strided_slice %add3A_12 {offsets = [0, 16], sizes = [5000, 1], strides = [1, 1]} : vector<5000x32xf32> to vector<5000x1xf32>
    %add3A_14 = arith.constant 1.000000e-16 : f32
    %add3A_15 = vector.broadcast %add3A_14 : f32 to vector<5000x1xf32>
    %add3A_16 = arith.addf %slice3A_13, %add3A_15 : vector<5000x1xf32>
    %div3A = vector.broadcast %add3A_16 : vector<5000x1xf32> to vector<5000x16xf32>
    %div3A_17 = arith.divf %slice3A, %div3A : vector<5000x16xf32>
    %get3A_18 = arith.constant 0 : index
    %get3A_19 = arith.constant 0 : index
    %get3A_20 = vector.load %arg4[%get3A_18, %get3A_19] : memref<1x16xf32, #tpu.memory_space<vmem>>, vector<1x16xf32>
    %add3A_21 = vector.broadcast %get3A_20 : vector<1x16xf32> to vector<5000x16xf32>
    %add3A_22 = arith.addf %div3A_17, %add3A_21 : vector<5000x16xf32>
    %reduce_max3A = arith.constant dense<0xFF800000> : vector<5000xf32>
    %reduce_max3A_23 = vector.multi_reduction <maximumf>, %add3A_22, %reduce_max3A [1] : vector<5000x16xf32> to vector<5000xf32>
    %broadcast_in_dim3A = vector.shape_cast %reduce_max3A_23 : vector<5000xf32> to vector<5000x1xf32>
    %sub3A = vector.broadcast %broadcast_in_dim3A : vector<5000x1xf32> to vector<5000x16xf32>
    %sub3A_24 = arith.subf %add3A_22, %sub3A : vector<5000x16xf32>
    %exp3A = math.exp %sub3A_24 : vector<5000x16xf32>
    %reduce_sum3A = arith.constant dense<0.000000e+00> : vector<5000xf32>
    %reduce_sum3A_25 = vector.multi_reduction <add>, %exp3A, %reduce_sum3A [1] : vector<5000x16xf32> to vector<5000xf32>
    %broadcast_in_dim3A_26 = vector.shape_cast %reduce_sum3A_25 : vector<5000xf32> to vector<5000x1xf32>
    %log3A = math.log %broadcast_in_dim3A_26 : vector<5000x1xf32>
    %sub3A_27 = vector.broadcast %log3A : vector<5000x1xf32> to vector<5000x16xf32>
    %sub3A_28 = arith.subf %sub3A_24, %sub3A_27 : vector<5000x16xf32>
    %swap3A = arith.constant 0 : index
    %swap3A_29 = arith.constant 0 : index
    %swap3A_30 = vector.load %arg5[%swap3A, %swap3A_29] : memref<5000x16xf32, #tpu.memory_space<vmem>>, vector<5000x16xf32>
    tpu.vector_store %arg5[%swap3A, %swap3A_29], %sub3A_28 {strides = array<i32>} : memref<5000x16xf32, #tpu.memory_space<vmem>>, vector<5000x16xf32>,
    return
  }
  func.func @transform_0(%arg0: i32) -> (i32, i32, i32) {
    %c0_i32 = arith.constant 0 : i32
    %c0_i32_0 = arith.constant 0 : i32
    %c0_i32_1 = arith.constant 0 : i32
    return %c0_i32, %arg0, %c0_i32_0 : i32, i32, i32
  }
  func.func @transform_1(%arg0: i32) -> (i32, i32, i32) {
    %c1_i32 = arith.constant 1 : i32
    %c0_i32 = arith.constant 0 : i32
    %c0_i32_0 = arith.constant 0 : i32
    return %c1_i32, %arg0, %c0_i32 : i32, i32, i32
  }
  func.func @transform_2(%arg0: i32) -> (i32, i32) {
    %c0_i32 = arith.constant 0 : i32
    %c0_i32_0 = arith.constant 0 : i32
    return %arg0, %c0_i32 : i32, i32
  }
  func.func @transform_3(%arg0: i32) -> (i32, i32) {
    %c0_i32 = arith.constant 0 : i32
    %c0_i32_0 = arith.constant 0 : i32
    %c0_i32_1 = arith.constant 0 : i32
    return %c0_i32, %c0_i32_0 : i32, i32
  }
  func.func @transform_4(%arg0: i32) -> (i32, i32) {
    %c0_i32 = arith.constant 0 : i32
    %c0_i32_0 = arith.constant 0 : i32
    return %arg0, %c0_i32 : i32, i32
  }
}

</mosaic_0001>

<sc_bundles>
// kernel: kernel.10.cloned.1.call-start
scs
__scs_entry_jumppad:
0x0: {  	(pc) =	sbr.rel $0x88, $3  }
0x1: {  	(tag) =	ssettag $0x0;
	lr =	simm.s32 $0x1  }
0x2: {  	[smem:$0x3F97] =	sst lr;
	_ =	strace $0xD0000000  }
0x3: {  	_ = 	snop  }
0x4: {  	_ = 	snop  }
0x5: {  	_ = 	snop  }
0x6: {  	_ = 	snop  }
0x7: {  	_ = 	snop  }
__scs_overlays_trampoline_lowered:
0x8: {  	[smem:$0x3FA6] =	sst s0  }
0x9: {  	[smem:$0x3FA7] =	sst s1  }
0xa: {  	[smem:$0x3FA8] =	sst s2  }
0xb: {  	[smem:$0x3FA9] =	sst s3  }
0xc: {  	[smem:$0x3FAA] =	sst s4  }
0xd: {  	[smem:$0x3FAB] =	sst s5  }
0xe: {  	[smem:$0x3FAC] =	sst s6  }
0xf: {  	[smem:$0x3FAD] =	sst s7  }
0x10: {  	[smem:$0x3FAE] =	sst s8  }
0x11: {  	[smem:$0x3FAF] =	sst s9;
	s0 =	simm.s32 @!p0 $0x0  }
0x12: {  	s1 =	sld [smem:$0x3F95];
	s0 =	simm.s32 @p0 $0x1  }
0x13: {  	[smem:$0x3FB0] =	sst s0;
	s0 =	simm.s32 @!p1 $0x0  }
0x14: {  	s2 =	sld [smem:$0x3F94];
	s0 =	simm.s32 @p1 $0x1  }
0x15: {  	[smem:$0x3FB1] =	sst s0;
	s0 =	simm.s32 @!p2 $0x0  }
0x16: {  	s3 =	sld [smem:$0x3FDB];
	s0 =	simm.s32 @p2 $0x1  }
0x17: {  	s4 =	simm.s32 $0x1BF5;
	[smem:$0x3FB3] =	sst s0  }
0x18: {  	s0 =	sld [smem:$0x3F96];
	_ =	swait.ge [sflag:s4], $0x0  }
0x19: {  	s7 =	sld [smem:$0x3F97]  }
0x1a: {  	s8 =	sadd.s32 $0xFFFFE003, lr  }
0x1b: {  	s9 =	sadd.s32 $0xFFFFFEF7, lr;
	s5 =	simm.s32 $0xFFFFFFFF;
	p2 =	slt.u32 s8, $0xFFFFF086  }
0x1c: {  	p1 =	slt.u32 s9, $0xF7A;
	s5 =	simm.s32 @!p2 $0x0  }
0x1d: {  	s5 =	simm.s32 @p1 $0x1;
	p0 =	seq.s32 s7, s2  }
0x1e: {  	s7 =	smul.u32 @!p0 $0xF7A, s2;
	p2 =	seq.s32 @!p0 s5, $0x0  }
0x1f: {  	s9 =	smul.u32 $0xF7A, s1;
	s8 =	simm.s32 @!p0 $0x1BF5;
	p2 =	por !p2, p0  }
0x20: {  	[sflag:s8] =	ssyncset.s32 @!p0 $0xFFFFF086;
	s6 =	sadd.s32 @!p0 s3, s7;
	s7 =	simm.s32 @!p0 $0x108  }
0x21: {  	s3 =	sadd.s32 s3, s9;
	s6 =	sadd.s32 @!p0 $0x88, s6;
	s7 =	simm.s32 @p2 $0x1082  }
0x22: {  	[simem:s7], [sflag:s8] =	dma.local @!p0 [hbm:s6], $0xF7A  }
0x23: {  	s9 =	sor.u32 $0xD0000000, s2;
	s6 =	simm.s32 $0x108;
	_ =	swait.ge @!p0 [sflag:s8], $0x0  }
0x24: {  	s3 =	sadd.s32 $0x88, s3;
	s6 =	simm.s32 @!p1 $0x1082;
	[sflag:s4] =	ssyncset.s32 $0xFFFFF086  }
0x25: {  	[simem:s6], [sflag:s4] =	dma.local [hbm:s3], $0xF7A  }
0x26: {  	[smem:$0x3F97] =	sst s1;
	(tag) =	ssettag s2;
	_ =	strace s9  }
0x27: {  	s1 =	sld [smem:$0x3FA7]  }
0x28: {  	s2 =	sld [smem:$0x3FA8]  }
0x29: {  	s4 =	sld [smem:$0x3FAA]  }
0x2a: {  	p0 =	seq.s32 s5, $0x0;
	s5 =	sld [smem:$0x3FAB]  }
0x2b: {  	s6 =	sld [smem:$0x3FAC]  }
0x2c: {  	s7 =	sld [smem:$0x3FAD]  }
0x2d: {  	s3 =	simm.s32 $0x108;
	s8 =	sld [smem:$0x3FAE]  }
0x2e: {  	s3 =	simm.s32 @!p0 $0x1082;
	s9 =	sld [smem:$0x3FAF]  }
0x2f: {  	lr =	sadd.s32 s0, s3;
	s0 =	sld [smem:$0x3FA6]  }
0x30: {  	s3 =	sld [smem:$0x3FA9]  }
0x31: {  	[smem:$0x3FB2] =	sst s10  }
0x32: {  	s10 =	sld [smem:$0x3FB0];
	_ =	sdelay $0x3  }
0x33: {  	p0 =	seq.s32 s10, $0x1;
	s10 =	sld [smem:$0x3FB2];
	_ =	sdelay $0x3  }
0x34: {  	[smem:$0x3FB2] =	sst s10  }
0x35: {  	s10 =	sld [smem:$0x3FB1];
	_ =	sdelay $0x3  }
0x36: {  	p1 =	seq.s32 s10, $0x1;
	s10 =	sld [smem:$0x3FB2];
	_ =	sdelay $0x3  }
0x37: {  	[smem:$0x3FB2] =	sst s10  }
0x38: {  	s10 =	sld [smem:$0x3FB3]  }
0x39: {  	_ = 	snop;
	(pc) =	sbr.ind lr, $3  }
0x3a: {  	_ = 	snop  }
0x3b: {  	_ = 	snop  }
0x3c: {  	p2 =	seq.s32 s10, $0x1;
	s10 =	sld [smem:$0x3FB2]  }
0x3d: {  	_ =	shalt  }
0x3e: {  	_ =	shalt  }
0x3f: {  	_ =	shalt  }
0x40: {  	_ =	shalt  }
0x41: {  	_ =	shalt  }
0x42: {  	_ =	shalt  }
0x43: {  	_ =	shalt  }
0x44: {  	_ =	shalt  }
0x45: {  	_ =	shalt  }
0x46: {  	_ =	shalt  }
0x47: {  	_ =	shalt  }
0x48: {  	_ =	shalt  }
0x49: {  	_ =	shalt  }
0x4a: {  	_ =	shalt  }
0x4b: {  	_ =	shalt  }
0x4c: {  	_ =	shalt  }
0x4d: {  	_ =	shalt  }
0x4e: {  	_ =	shalt  }
0x4f: {  	_ =	shalt  }
0x50: {  	_ =	shalt  }
0x51: {  	_ =	shalt  }
0x52: {  	_ =	shalt  }
0x53: {  	_ =	shalt  }
0x54: {  	_ =	shalt  }
0x55: {  	_ =	shalt  }
0x56: {  	_ =	shalt  }
0x57: {  	_ =	shalt  }
0x58: {  	_ =	shalt  }
0x59: {  	_ =	shalt  }
0x5a: {  	_ =	shalt  }
0x5b: {  	_ =	shalt  }
0x5c: {  	_ =	shalt  }
0x5d: {  	_ =	shalt  }
0x5e: {  	_ =	shalt  }
0x5f: {  	_ =	shalt  }
0x60: {  	_ =	shalt  }
0x61: {  	_ =	shalt  }
0x62: {  	_ =	shalt  }
0x63: {  	_ =	shalt  }
0x64: {  	_ =	shalt  }
0x65: {  	_ =	shalt  }
0x66: {  	_ =	shalt  }
0x67: {  	_ =	shalt  }
0x68: {  	_ =	shalt  }
0x69: {  	_ =	shalt  }
0x6a: {  	_ =	shalt  }
0x6b: {  	_ =	shalt  }
0x6c: {  	_ =	shalt  }
0x6d: {  	_ =	shalt  }
0x6e: {  	_ =	shalt  }
0x6f: {  	_ =	shalt  }
0x70: {  	_ =	shalt  }
0x71: {  	_ =	shalt  }
0x72: {  	_ =	shalt  }
0x73: {  	_ =	shalt  }
0x74: {  	_ =	shalt  }
0x75: {  	_ =	shalt  }
0x76: {  	_ =	shalt  }
0x77: {  	_ =	shalt  }
0x78: {  	_ =	shalt  }
0x79: {  	_ =	shalt  }
0x7a: {  	_ =	shalt  }
0x7b: {  	_ =	shalt  }
0x7c: {  	_ =	shalt  }
0x7d: {  	_ =	shalt  }
0x7e: {  	_ =	shalt  }
0x7f: {  	_ =	shalt  }
0x80: {  	_ =	shalt  }
0x81: {  	_ =	shalt  }
0x82: {  	_ =	shalt  }
0x83: {  	_ =	shalt  }
0x84: {  	_ =	shalt  }
0x85: {  	_ =	shalt  }
0x86: {  	_ =	shalt  }
0x87: {  	_ =	shalt  }
.Lfunc_end0:
.L_simem_size_0:
called_computation.1_lowered:
.L_overlay_start_0:
0x88: {  	s2 =	sld [smem:$0x3FD9]  }
0x89: {  	s3 =	sld [smem:$0x3FFE];
	_ =	sdelay $0x1  }
0x8a: {  	s1 =	srdreg.scid  }
0x8b: {  	s0 =	sand.u32 $0x1, s1  }
0x8c: {  	s17 =	sshll.u32 s0, $0xA;
	s2 =	sadd.s32 s3, s2  }
0x8d: {  	s2 =	sadd.s32 s2, s17  }
0x8e: {  	[smem:$0x3FBE] =	sst s2  }
0x8f: {  	_ = 	snop  }
0x90: {  	s2 =	sld [smem:$0x3FD0];
	(tm) =	ssettm $0x1  }
0x91: {  	s18 =	sld [smem:$0x3FFB];
	_ =	sdelay $0x3  }
0x92: {  	_ =	strace s18  }
0x93: {  	s3 =	sld [smem:$0x3FFC];
	_ =	sdelay $0x3  }
0x94: {  	_ =	strace s3  }
0x95: {  	s3 =	sld [smem:$0x3FFD];
	_ =	sdelay $0x3  }
0x96: {  	_ =	strace s3  }
0x97: {  	_ =	strace $0x8FFFFFFF  }
0x98: {  	s19 =	sld [smem:$0x3FDB];
	_ =	sdelay $0x1  }
0x99: {  	s4 =	simm.s32 $_scs_section_size  }
0x9a: {  	s5 =	simm.s32 $_size__tile_overlayer_lowered;
	s6 =	simm.s32 $_tile_overlayer_lowered  }
0x9b: {  	s22 =	simm.s32 $0x1BFF;
	s21 =	sshll.u32 s6, $0x1;
	s3 =	sadd.s32 s4, s19  }
0x9c: {  	s7 =	simm.s32 $0x0;
	s20 =	sshll.u32 s5, $0x1;
	s5 =	sadd.s32 s21, s3  }
0x9d: {  	[timem:s7], [sflag:s22] =	dma.local [hbm:s5], s20  }
0x9e: {  	_ =	swait.ge [sflag:s22], s20  }
0x9f: {  	s4 =	ssub.s32 $0x0, s20;
	[sflag:s22] =	ssyncset.done $0x0  }
0xa0: {  	[sflag:s22] =	ssyncadd.s32 s4;
	_ =	sdelay $0x1  }
0xa1: {  	s23 =	simm.s32 $0x1B8B  }
0xa2: {  	_ =	swait.ge [sflag:s23], $0x1  }
0xa3: {  	[sflag:s23] =	ssyncset.done $0x0  }
0xa4: {  	s25 =	simm.s32 $0x1B8E;
	s24 =	sld [smem:$0x3FFE];
	[sflag:s23] =	ssyncadd.s32 $0xFFFFFFFF  }
0xa5: {  	s26 =	simm.s32 $execute0_lowered;
	[smem:$0x3FD2] =	sst s25  }
0xa6: {  	s5 =	sshll.u32 s26, $0x1;
	_ =	strace $0x80000049;
	[dreg:$0x1] =	wrdreg $0xFFFFFFFF  }
0xa7: {  	s28 =	simm.s32 $_size_execute0_lowered;
	s3 =	sadd.s32 s3, s5;
	[dreg:$0x0] =	wrdreg $0x0  }
0xa8: {  	s5 =	sshll.u32 s28, $0x1;
	[dreg:$0x2] =	wrdreg s3  }
0xa9: {  	[dreg:$0x3] =	wrdreg s5  }
0xaa: {  	[dreg:$0x4] =	wrdreg $0xC0  }
0xab: {  	_ =	task [dreg:s7], $0x5FFFF  }
0xac: {  	[dreg:$0x1] =	wrdreg $0xFFFFFFFF  }
0xad: {  	[dreg:$0x0] =	wrdreg $0x60  }
0xae: {  	[dreg:$0x2] =	wrdreg s24  }
0xaf: {  	[dreg:$0x3] =	wrdreg s2  }
0xb0: {  	[dreg:$0x4] =	wrdreg $0xFC400  }
0xb1: {  	[dreg:$0x5] =	wrdreg $0x14C400  }
0xb2: {  	[dreg:$0x6] =	wrdreg $0x9  }
0xb3: {  	_ =	task.clear_ibuf [dreg:s7], $0x7FFFF;
	_ =	strace $0x90000049  }
0xb4: {  	s29 =	simm.s32 $0x9;
	_ =	strace $0x8000004B  }
0xb5: {  	_ =	swait.ge [sflag:s29], $0x1  }
0xb6: {  	[sflag:s29] =	ssyncadd.s32 $0xFFFFFFFF  }
0xb7: {  	_ =	strace $0x9000004B  }
0xb8: {  	_ =	sfence  }
0xb9: {  	s30 =	sld [smem:$0x0];
	_ =	sdelay $0x2  }
0xba: {  	s31 =	sshll.u32 s1, $0xD;
	s1 =	sshrl.u32 s1, $0x2  }
0xbb: {  	s3 =	sand.u32 $0x4000, s31;
	s1 =	sadd.s32 s1, s30  }
0xbc: {  	s0 =	sor.u32 s3, s0;
	s1 =	sshll.u32 s1, $0x11  }
0xbd: {  	s0 =	sor.u32 s1, s0  }
0xbe: {  	s0 =	sadd.s32 $0x8F2B, s0  }
0xbf: {  	[sflag:s0] =	ssyncadd.remote.s32 $0x1  }
0xc0: {  	_ =	sfence.sel $0xFFFF  }
0xc1: {  	[dreg:$0x0] =	wrdreg $0xFFFFFFFF;
	(pc) =	sbr.abs _section_cstart, $3  }
0xc2: {  	[dreg:$0x1] =	wrdreg $0xFFFFFFFF  }
0xc3: {  	_ =	task.clear_ibuf [dreg:s7], $0x2FFFF;
	_ =	strace $0x9FFFFFFF  }
0xc4: {  	(tm) =	ssettm $0x7FFFFFFF  }
0xc5: {  	_ =	shalt  }
tec
execute0_lowered:
.L_overlay_start_1:
0x0: {  	(tag) =	ssettag $0x1  }
0x1: {  	s0 =	srdreg.scid;
	s2 =	rddreg [dreg:$0x0];
	s4 =	simm.s32 $0x0  }
0x2: {  	s8 =	stileid.u32;
	s0 =	sand.u32 $0x1, s0;
	[smem:$0x7FF] =	sst s4  }
0x3: {  	s5 =	smul.u32 $0x5000, s8;
	s6 =	sadd.s32 $0x15800, s2;
	s1 =	sshll.u32 s0, $0x4  }
0x4: {  	s21 =	ssub.s32 $0x2, s0;
	s0 =	smul.u32 $0x50000, s0;
	s3 =	sor.u32 s8, s1  }
0x5: {  	s1 =	rddreg [dreg:$0x1];
	s7 =	sshrl.u32 s21, $0x1;
	s8 =	smul.u32 $0x2710, s8  }
0x6: {  	s22 =	sadd.s32 $0x1000, s5;
	s9 =	sadd.s32 $0x2000, s5;
	s10 =	sadd.s32 $0x3000, s5  }
0x7: {  	s14 =	sadd.s32 $0x4000, s5;
	s3 =	smul.u32 $0x500, s3;
	s28 =	sadd.s32 s5, s0  }
0x8: {  	s30 =	sadd.s32 s0, s22;
	s31 =	sadd.s32 s0, s9;
	s20 =	sadd.s32 s0, s10  }
0x9: {  	s0 =	sadd.s32 s0, s14;
	s11 =	sadd.s32 $0x7D0, s8;
	s12 =	sshrl.u32 s8, $0x3  }
0xa: {  	s15 =	sadd.s32 $0xFA0, s8;
	s16 =	sadd.s32 $0x1770, s8;
	s17 =	sadd.s32 $0x1F40, s8  }
0xb: {  	s0 =	sshrl.u32 s0, $0x3;
	s13 =	sshrl.u32 s11, $0x3;
	s12 =	sadd.s32 s6, s12  }
0xc: {  	s24 =	sshrl.u32 s15, $0x3;
	[dreg:$0x5] =	wrdreg s12;
	s23 =	sadd.s32 s6, s13  }
0xd: {  	s25 =	sshrl.u32 s16, $0x3;
	s12 =	sadd.s32 s6, s24;
	[dreg:$0x6] =	wrdreg s23  }
0xe: {  	s18 =	sshrl.u32 s17, $0x3;
	s26 =	sadd.s32 s6, s25;
	[dreg:$0x7] =	wrdreg s12  }
0xf: {  	s3 =	sadd.s32 s3, s2;
	s6 =	sadd.s32 s6, s18;
	[dreg:$0x8] =	wrdreg s26  }
0x10: {  	s2 =	sadd.s32 $0x1A800, s2;
	s13 =	sshrl.u32 s31, $0x3;
	[dreg:$0x9] =	wrdreg s6  }
0x11: {  	s0 =	sadd.s32 s2, s0;
	s19 =	sadd.s32 s2, s13;
	s13 =	rddreg [dreg:$0x3]  }
0x12: {  	s29 =	simm.s32 $0x3;
	s4 =	ssub.s32 s21, s7;
	[dreg:$0xe] =	wrdreg s0  }
0x13: {  	s6 =	sshrl.u32 s28, $0x3;
	s12 =	sshrl.u32 s30, $0x3;
	[dreg:$0xc] =	wrdreg s19  }
0x14: {  	s6 =	sadd.s32 s2, s6;
	s18 =	sadd.s32 s2, s12;
	s12 =	rddreg [dreg:$0x2]  }
0x15: {  	s7 =	simm.s32 $0x1;
	[dreg:$0xa] =	wrdreg s6;
	s6 =	sshrl.u32 s20, $0x3  }
0x16: {  	s31 =	smax.u32 s4, $0x1;
	[dreg:$0xb] =	wrdreg s18;
	s6 =	sadd.s32 s2, s6  }
0x17: {  	s21 =	sadd.s32 s8, s13;
	s24 =	sadd.s32 s22, s12;
	[dreg:$0xd] =	wrdreg s6  }
0x18: {  	s22 =	sadd.s32 s11, s13;
	_ =	strace $0x8000004A;
	[dreg:$0x14] =	wrdreg s21  }
0x19: {  	s28 =	sadd.s32 $0xB800, s3;
	s23 =	sadd.s32 s15, s13;
	[dreg:$0x15] =	wrdreg s22  }
0x1a: {  	s30 =	sadd.s32 $0x1800, s3;
	s25 =	sadd.s32 s16, s13;
	[dreg:$0x16] =	wrdreg s23  }
0x1b: {  	s3 =	simm.s32 $0x7D;
	s26 =	sadd.s32 s17, s13;
	[dreg:$0x17] =	wrdreg s25  }
0x1c: {  	s0 =	simm.s32 $0x5;
	s15 =	simm.s32 $0xEC40;
	[dreg:$0x18] =	wrdreg s26  }
0x1d: {  	s8 =	simm.s32 $0x9;
	s16 =	simm.s32 $0x7;
	[dreg:$0x19] =	wrdreg s28  }
0x1e: {  	s17 =	simm.s32 $0xB;
	s19 =	simm.s32 $0xD;
	[dreg:$0x1a] =	wrdreg s30  }
0x1f: {  	s18 =	sadd.s32 s5, s12;
	s9 =	sadd.s32 s9, s12;
	[dreg:$0x1b] =	wrdreg s31  }
0x20: {  	s10 =	sadd.s32 s10, s12;
	s14 =	sadd.s32 s14, s12;
	[dreg:$0xf] =	wrdreg s18  }
0x21: {  	s20 =	simm.s32 $0x4;
	s11 =	simm.s32 $0xC;
	[dreg:$0x10] =	wrdreg s24  }
0x22: {  	s5 =	simm.s32 $0x0;
	s2 =	simm.s32 $0x8;
	[dreg:$0x11] =	wrdreg s9  }
0x23: {  	v0 =	vimm.f32 $0.0e+00;
	s25 =	simm.s32 $0x11;
	s21 =	simm.s32 $0x2;
	[dreg:$0x12] =	wrdreg s10  }
0x24: {  	v1 =	vimm.s32 $0x1;
	vm0 =	vmmov $0x1;
	v2 =	vimm.s32 $0x0;
	s22 =	simm.s32 $0x6;
	s23 =	simm.s32 $0xA;
	[dreg:$0x13] =	wrdreg s14  }
.LBB2_1:
0x25: {  	[dreg:$0x1c] =	wrdreg s5;
	s4 =	simm.s32 $0x80;
	s5 =	simm.s32 $0x0  }
.LBB2_2:
0x26: {  	p0 =	sne.s32 s4, $0x3F80;
	[tilespmem:s5+$0xEC40] =	vst v0;
	s6 =	smov.u32 s4;
	s4 =	sadd.s32 $0x80, s4  }
.Ltmp0:
0x27: {  	[tilespmem:s5+$0xEC50] =	vst v0;
	(pc) =	sbr.rel @p0 .LBB2_2-.Ltmp0, $2  }
0x28: {  	_ =	sdelay $0x2  }
0x29: {  	s5 =	sshra.s32 s6, $0x2  }
0x2a: {  	[tilespmem:s5+$0xEC40] =	vst v0  }
0x2b: {  	[tilespmem:s5+$0xEC50] =	vst v0  }
0x2c: {  	[spmem:s18] =	stream.linear.scatter [tilespmem:s15], [sflag:$0x11], $0x1000, $0x38;
	[tilespmem:$0x17350] =	vst v63  }
0x2d: {  	_ =	swait.ge [sflag:s25], $0x1000  }
0x2e: {  	[sflag:s25] =	ssyncset.done $0x0  }
0x2f: {  	[sflag:s25] =	ssyncadd.s32 $0xFFFFF000  }
0x30: {  	[spmem:s24] =	stream.linear.scatter [tilespmem:s15], [sflag:$0x11], $0x1000, $0x38;
	[tilespmem:$0x17350] =	vst v63  }
0x31: {  	_ =	swait.ge [sflag:s25], $0x1000  }
0x32: {  	[sflag:s25] =	ssyncset.done $0x0  }
0x33: {  	[sflag:s25] =	ssyncadd.s32 $0xFFFFF000  }
0x34: {  	[spmem:s9] =	stream.linear.scatter [tilespmem:s15], [sflag:$0x11], $0x1000, $0x38;
	[tilespmem:$0x17350] =	vst v63  }
0x35: {  	_ =	swait.ge [sflag:s25], $0x1000  }
0x36: {  	[sflag:s25] =	ssyncset.done $0x0  }
0x37: {  	[sflag:s25] =	ssyncadd.s32 $0xFFFFF000  }
0x38: {  	[spmem:s10] =	stream.linear.scatter [tilespmem:s15], [sflag:$0x11], $0x1000, $0x38;
	[tilespmem:$0x17350] =	vst v63  }
0x39: {  	_ =	swait.ge [sflag:s25], $0x1000  }
0x3a: {  	[sflag:s25] =	ssyncset.done $0x0  }
0x3b: {  	[sflag:s25] =	ssyncadd.s32 $0xFFFFF000  }
0x3c: {  	[spmem:s14] =	stream.linear.scatter [tilespmem:s15], [sflag:$0x11], $0x1000, $0x38;
	[tilespmem:$0x17350] =	vst v63  }
0x3d: {  	_ =	swait.ge [sflag:s25], $0x1000  }
0x3e: {  	s4 =	simm.s32 $0x0;
	[sflag:s25] =	ssyncset.done $0x0  }
0x3f: {  	s6 =	simm.s32 $0x6F40;
	s24 =	rddreg [dreg:$0x5];
	[sflag:s25] =	ssyncadd.s32 $0xFFFFF000  }
0x40: {  	[tilespmem:s6], [sflag:$0x11] =	stream.linear.gather [hbm4b:s24+s4], $0x7D0, $0x38;
	[tilespmem:$0x17350] =	vst v63  }
0x41: {  	_ =	swait.ge [sflag:s25], $0x7D0  }
0x42: {  	[sflag:s25] =	ssyncset.done $0x0  }
0x43: {  	s26 =	rddreg [dreg:$0x14];
	[sflag:s25] =	ssyncadd.s32 $0xFFFFF830  }
0x44: {  	[spmem:s26] =	stream.linear.scatter [tilespmem:s6], [sflag:$0x11], $0x7D0, $0x38;
	[tilespmem:$0x17350] =	vst v63  }
0x45: {  	_ =	swait.ge [sflag:s25], $0x7D0  }
0x46: {  	[sflag:s25] =	ssyncset.done $0x0  }
0x47: {  	s28 =	rddreg [dreg:$0x6];
	[sflag:s25] =	ssyncadd.s32 $0xFFFFF830  }
0x48: {  	[tilespmem:s6], [sflag:$0x11] =	stream.linear.gather [hbm4b:s28+s4], $0x7D0, $0x38;
	[tilespmem:$0x17350] =	vst v63  }
0x49: {  	_ =	swait.ge [sflag:s25], $0x7D0  }
0x4a: {  	[sflag:s25] =	ssyncset.done $0x0  }
0x4b: {  	s30 =	rddreg [dreg:$0x15];
	[sflag:s25] =	ssyncadd.s32 $0xFFFFF830  }
0x4c: {  	[spmem:s30] =	stream.linear.scatter [tilespmem:s6], [sflag:$0x11], $0x7D0, $0x38;
	[tilespmem:$0x17350] =	vst v63  }
0x4d: {  	_ =	swait.ge [sflag:s25], $0x7D0  }
0x4e: {  	[sflag:s25] =	ssyncset.done $0x0  }
0x4f: {  	s31 =	rddreg [dreg:$0x7];
	[sflag:s25] =	ssyncadd.s32 $0xFFFFF830  }
0x50: {  	[tilespmem:s6], [sflag:$0x11] =	stream.linear.gather [hbm4b:s31+s4], $0x7D0, $0x38;
	[tilespmem:$0x17350] =	vst v63  }
0x51: {  	_ =	swait.ge [sflag:s25], $0x7D0  }
0x52: {  	[sflag:s25] =	ssyncset.done $0x0  }
0x53: {  	s9 =	rddreg [dreg:$0x16];
	[sflag:s25] =	ssyncadd.s32 $0xFFFFF830  }
0x54: {  	[spmem:s9] =	stream.linear.scatter [tilespmem:s6], [sflag:$0x11], $0x7D0, $0x38;
	[tilespmem:$0x17350] =	vst v63  }
0x55: {  	_ =	swait.ge [sflag:s25], $0x7D0  }
0x56: {  	[sflag:s25] =	ssyncset.done $0x0  }
0x57: {  	s10 =	rddreg [dreg:$0x8];
	[sflag:s25] =	ssyncadd.s32 $0xFFFFF830  }
0x58: {  	[tilespmem:s6], [sflag:$0x11] =	stream.linear.gather [hbm4b:s10+s4], $0x7D0, $0x38;
	[tilespmem:$0x17350] =	vst v63  }
0x59: {  	_ =	swait.ge [sflag:s25], $0x7D0  }
0x5a: {  	[sflag:s25] =	ssyncset.done $0x0  }
0x5b: {  	s14 =	rddreg [dreg:$0x17];
	[sflag:s25] =	ssyncadd.s32 $0xFFFFF830  }
0x5c: {  	[spmem:s14] =	stream.linear.scatter [tilespmem:s6], [sflag:$0x11], $0x7D0, $0x38;
	[tilespmem:$0x17350] =	vst v63  }
0x5d: {  	_ =	swait.ge [sflag:s25], $0x7D0  }
0x5e: {  	[sflag:s25] =	ssyncset.done $0x0  }
0x5f: {  	s15 =	rddreg [dreg:$0x9];
	[sflag:s25] =	ssyncadd.s32 $0xFFFFF830  }
0x60: {  	[tilespmem:s6], [sflag:$0x11] =	stream.linear.gather [hbm4b:s15+s4], $0x7D0, $0x38;
	[tilespmem:$0x17350] =	vst v63  }
0x61: {  	_ =	swait.ge [sflag:s25], $0x7D0  }
0x62: {  	[sflag:s25] =	ssyncset.done $0x0  }
0x63: {  	s18 =	rddreg [dreg:$0x18];
	[sflag:s25] =	ssyncadd.s32 $0xFFFFF830  }
0x64: {  	[spmem:s18] =	stream.linear.scatter [tilespmem:s6], [sflag:$0x11], $0x7D0, $0x38;
	[tilespmem:$0x17350] =	vst v63  }
0x65: {  	_ =	swait.ge [sflag:s25], $0x7D0  }
0x66: {  	[sflag:s25] =	ssyncset.done $0x0  }
0x67: {  	[sflag:s25] =	ssyncadd.s32 $0xFFFFF830  }
0x68: {  	[bflag:$0x0] =	sbarrier.arrive $0xFFFF  }
0x69: {  	s24 =	rddreg [dreg:$0x19]  }
0x6a: {  	[tilespmem:s4], [sflag:$0x11] =	stream.linear.gather [hbm4b:s24+s4], $0x2800, $0x38;
	[tilespmem:$0x17350] =	vst v63  }
0x6b: {  	_ =	swait.ge [sflag:s25], $0x2800  }
0x6c: {  	[sflag:s25] =	ssyncset.done $0x0  }
0x6d: {  	s28 =	simm.s32 $0x2800;
	s26 =	rddreg [dreg:$0x1a];
	[sflag:s25] =	ssyncadd.s32 $0xFFFFD800  }
0x6e: {  	[tilespmem:s28], [sflag:$0x11] =	stream.linear.gather [hbm4b:s26+s4], $0x2800, $0x38;
	[tilespmem:$0x17350] =	vst v63  }
0x6f: {  	_ =	swait.ge [sflag:s25], $0x2800  }
0x70: {  	[sflag:s25] =	ssyncset.done $0x0  }
0x71: {  	s30 =	simm.s32 $0x5000;
	[sflag:s25] =	ssyncadd.s32 $0xFFFFD800  }
0x72: {  	[tilespmem:s30], [sflag:$0x1] =	stream.indirect.gather [hbm4b:s1+s3], $0x10, s4, s3, $0xb8;
	[tilespmem:$0x17350] =	vst v63  }
0x73: {  	_ = 	snop  }
0x74: {  	[tilespmem:s6], [sflag:$0x5] =	stream.indirect.gather [spmem:s13], $0x10, s4, s3, $0xb8;
	[tilespmem:$0x17350] =	vst v63  }
0x75: {  	s31 =	simm.s32 $0x8E80  }
0x76: {  	[tilespmem:s31], [sflag:$0x9] =	stream.indirect.gather [spmem:s13], $0x10, s28, s3, $0xb8;
	[tilespmem:$0x17350] =	vst v63  }
.LBB2_4:
0x77: {  	p0 =	seq.s32 s4, $0x0  }
0x78: {  	s6 =	simm.s32 @!p0 $0xE  }
0x79: {  	_ =	swait.ge @!p0 [sflag:s6], $0xFA0  }
0x7a: {  	s5 =	sshll.u32 s4, $0x9;
	[sflag:s6] =	ssyncset.done @!p0 $0x0  }
0x7b: {  	s9 =	simm.s32 $0x57D0;
	s15 =	sor.u32 $0x80, s5;
	[sflag:s6] =	ssyncadd.s32 @!p0 $0xFFFFF060  }
0x7c: {  	[tilespmem:s9], [sflag:$0x2] =	stream.indirect.gather [hbm4b:s1+s3], $0x10, s15, s3, $0xb8;
	[tilespmem:$0x17350] =	vst v63  }
0x7d: {  	s18 =	simm.s32 $0x7710  }
0x7e: {  	[tilespmem:s18], [sflag:$0x6] =	stream.indirect.gather [spmem:s13], $0x10, s15, s3, $0xb8;
	[tilespmem:$0x17350] =	vst v63  }
0x7f: {  	s24 =	simm.s32 $0x9650;
	s6 =	sadd.s32 $0x2880, s5  }
0x80: {  	[tilespmem:s24], [sflag:$0xA] =	stream.indirect.gather [spmem:s13], $0x10, s6, s3, $0xb8;
	[tilespmem:$0x17350] =	vst v63  }
0x81: {  	_ =	swait.ge [sflag:s7], $0x7D0  }
0x82: {  	[sflag:s7] =	ssyncset.done $0x0  }
0x83: {  	[sflag:s7] =	ssyncadd.s32 $0xFFFFF830  }
0x84: {  	_ =	swait.ge [sflag:s0], $0x7D0  }
0x85: {  	[sflag:s0] =	ssyncset.done $0x0  }
0x86: {  	[sflag:s0] =	ssyncadd.s32 $0xFFFFF830  }
0x87: {  	_ =	swait.ge [sflag:s8], $0x7D0  }
0x88: {  	[sflag:s8] =	ssyncset.done $0x0  }
0x89: {  	s25 =	simm.s32 $0x8EA0;
	[sflag:s8] =	ssyncadd.s32 $0xFFFFF830  }
0x8a: {  	s14 =	simm.s32 $0x6F60;
	v3 =	vld [tilespmem:s25+$0x10]  }
0x8b: {  	v4 =	vld [tilespmem:s14+$0x10]  }
0x8c: {  	v5 =	vld [tilespmem:s25+$0x20]  }
0x8d: {  	v7 =	vld [tilespmem:s25+$0xFFFFFFE0]  }
0x8e: {  	v8 =	vld [tilespmem:s25+$0xFFFFFFF0]  }
0x8f: {  	s15 =	simm.s32 $0x8F40;
	v9 =	vld [tilespmem:s14+$0xFFFFFFE0]  }
0x90: {  	s26 =	simm.s32 $0x8EF0;
	v16 =	vld [tilespmem:s15+$0xFFFFFFF0]  }
0x91: {  	s18 =	simm.s32 $0x7000;
	v14 =	vld [tilespmem:s26+$0x10]  }
0x92: {  	v17 =	vld [tilespmem:s18+$0xFFFFFFF0];
	v3 =	vperm.xlane v3, v1  }
0x93: {  	v12 =	vld [tilespmem:s26+$0x20]  }
0x94: {  	v6 =	vld [tilespmem:s14+$0xFFFFFFF0];
	v7 =	vperm.xlane v7, v1;
	v3 =	vadd.f32 v3, v4  }
0x95: {  	v8 =	vperm.xlane v8, v1;
	v16 =	vperm.xlane v16, v1;
	v4 =	vld [tilespmem:s14+$0x20]  }
0x96: {  	s10 =	simm.s32 $0x6FB0;
	v10 =	vld [tilespmem:s25+$0x0];
	v5 =	vperm.xlane v5, v1;
	v7 =	vadd.f32 v7, v9;
	v11 =	vmul.f32 $2.000000030e-01, v3  }
0x97: {  	v13 =	vld [tilespmem:s10+$0xFFFFFFF0];
	v14 =	vperm.xlane v14, v1;
	v16 =	vadd.f32 v16, v17;
	vm1 =	vgt.f32 v3, $0.0e+00  }
0x98: {  	v12 =	vperm.xlane v12, v1;
	v9 =	vmul.f32 $2.000000030e-01, v7;
	v3 =	vsel vm1, v3, v11;
	v11 =	vld [tilespmem:s26+$0xFFFFFFF0]  }
0x99: {  	v15 =	vld [tilespmem:s26+$0xFFFFFFE0];
	v6 =	vadd.f32 v8, v6;
	v22 =	vmul.f32 $2.000000030e-01, v16;
	vm1 =	vgt.f32 v7, $0.0e+00  }
0x9a: {  	v3 =	vmul.f32 $1.442695020e+00, v3;
	v4 =	vadd.f32 v5, v4;
	v5 =	vsel vm1, v7, v9;
	v7 =	vld [tilespmem:s10+$0x10]  }
0x9b: {  	v8 =	vld [tilespmem:s10+$0xFFFFFFE0];
	v9 =	vperm.xlane v10, v1;
	v5 =	vmul.f32 $1.442695020e+00, v5  }
0x9c: {  	vm2 =	vgt.f32 v6, $0.0e+00;
	(erf) = vpow2.f32 v3;
	v3 =	vmul.f32 $2.000000030e-01, v6  }
0x9d: {  	vm1 =	vgt.f32 v4, $0.0e+00;
	v10 =	vperm.xlane v11, v1;
	v11 =	vmul.f32 $2.000000030e-01, v4  }
0x9e: {  	(erf) = vpow2.f32 v5;
	v5 =	vperm.xlane v15, v1;
	v3 =	vsel vm2, v6, v3  }
0x9f: {  	v6 =	vld [tilespmem:s26+$0x0];
	v3 =	vmul.f32 $1.442695020e+00, v3;
	v7 =	vadd.f32 v14, v7;
	v4 =	vsel vm1, v4, v11  }
0xa0: {  	v5 =	vadd.f32 v5, v8;
	v10 =	vadd.f32 v10, v13;
	v13 =	vld [tilespmem:s14+$0x0];
	v4 =	vmul.f32 $1.442695020e+00, v4  }
0xa1: {  	v14 =	vld [tilespmem:s15+$0x20];
	(erf) = vpow2.f32 v3;
	v11 =	vmul.f32 $2.000000030e-01, v7;
	vm2 =	vgt.f32 v7, $0.0e+00  }
0xa2: {  	v8 =	vld [tilespmem:s10+$0x20];
	v15 =	vmul.f32 $2.000000030e-01, v5;
	vm3 =	vgt.f32 v5, $0.0e+00;
	vm1 =	vgt.f32 v10, $0.0e+00  }
0xa3: {  	v18 =	vld [tilespmem:s18+$0x10];
	(erf) = vpow2.f32 v4;
	v4 =	vmul.f32 $2.000000030e-01, v10;
	v7 =	vsel vm2, v7, v11  }
0xa4: {  	v6 =	vperm.xlane v6, v1;
	v11 =	vld [tilespmem:s18+$0x20];
	v5 =	vsel vm3, v5, v15;
	v7 =	vmul.f32 $1.442695020e+00, v7  }
0xa5: {  	v19 =	vld [tilespmem:s15+$0xFFFFFFE0];
	v5 =	vmul.f32 $1.442695020e+00, v5;
	v3 =	vpop (erf);
	v9 =	vadd.f32 v9, v13;
	v4 =	vsel vm1, v10, v4  }
0xa6: {  	v14 =	vperm.xlane v14, v1;
	v10 =	vld [tilespmem:s15+$0x10];
	v3 =	vnsel vm0, $0x0, v3;
	v15 =	vmul.f32 $1.442695020e+00, v4  }
0xa7: {  	s9 =	simm.s32 $0xAE10;
	v4 =	vadd.f32 v12, v8;
	v8 =	vpop (erf);
	(erf) = vpow2.f32 v7;
	v7 =	vld [tilespmem:s15+$0x0];
	v12 =	vmul.f32 $2.000000030e-01, v9  }
0xa8: {  	v17 =	vld [tilespmem:s18+$0xFFFFFFE0];
	s14 =	simm.s32 $0x5020;
	v13 =	vperm.xlane v3, v2;
	vm1 =	vgt.f32 v9, $0.0e+00;
	v8 =	vnsel vm0, $0x0, v8;
	[tilespmem:s9+$0x20] =	vst v3  }
0xa9: {  	[tilespmem:s9+$0xFFFFFFC0] =	vst v8;
	v14 =	vadd.f32 v14, v11;
	v11 =	vld [tilespmem:s14+$0x10];
	v9 =	vsel vm1, v9, v12;
	v12 =	vmul.f32 $2.000000030e-01, v4  }
0xaa: {  	(erf) = vpow2.f32 v5;
	v8 =	vperm.xlane v8, v2;
	vm1 =	vgt.f32 v4, $0.0e+00;
	v20 =	vld [tilespmem:s14+$0xFFFFFFE0]  }
0xab: {  	v5 =	vperm.xlane v10, v1;
	v10 =	vpop (erf);
	v9 =	vmul.f32 $1.442695020e+00, v9;
	v3 =	vsel vm1, v4, v12  }
0xac: {  	v4 =	vperm.xlane v7, v1;
	v10 =	vnsel vm0, $0x0, v10;
	v7 =	vmul.f32 $1.442695020e+00, v3  }
0xad: {  	s28 =	simm.s32 $0x7050;
	vm1 =	vgt.f32 v16, $0.0e+00;
	v12 =	vld [tilespmem:s10+$0x0];
	(erf) = vpow2.f32 v9;
	v9 =	vperm.xlane v19, v1  }
0xae: {  	v28 =	vld [tilespmem:s28+$0x10];
	v21 =	vpop (erf);
	v18 =	vadd.f32 v5, v18;
	(erf) = vpow2.f32 v15;
	v11 =	vmul.f32 v11, v13  }
0xaf: {  	v5 =	vld [tilespmem:s18+$0x0];
	[tilespmem:s9+$0xFFFFFFE0] =	vst v10;
	v3 =	vmul.f32 v20, v8;
	v8 =	vnsel vm0, $0x0, v21;
	v9 =	vadd.f32 v9, v17  }
0xb0: {  	s31 =	simm.s32 $0x8F90;
	v24 =	vld [tilespmem:s14+$0xFFFFFFF0];
	v17 =	vmul.f32 $2.000000030e-01, v18;
	vm2 =	vgt.f32 v18, $0.0e+00;
	(erf) = vpow2.f32 v7;
	v19 =	vpop (erf)  }
0xb1: {  	v7 =	vld [tilespmem:s31+$0xFFFFFFF0];
	v20 =	vperm.xlane v8, v2;
	[tilespmem:s9+$0x40] =	vst v8;
	v8 =	vnsel vm0, $0x0, v19;
	v19 =	vmul.f32 $2.000000030e-01, v9  }
0xb2: {  	v13 =	vld [tilespmem:s14+$0x20];
	v23 =	vadd.f32 v6, v12;
	v12 =	vsel vm2, v18, v17;
	v18 =	vperm.xlane v10, v2  }
0xb3: {  	s10 =	simm.s32 $0xAEB0;
	v15 =	vld [tilespmem:s31+$0x20];
	v10 =	vsel vm1, v16, v22;
	v6 =	vperm.xlane v8, v2;
	v16 =	vmul.f32 $1.442695020e+00, v12  }
0xb4: {  	v21 =	vld [tilespmem:s28+$0xFFFFFFF0];
	vm3 =	vgt.f32 v9, $0.0e+00;
	v12 =	vmul.f32 $1.442695020e+00, v10;
	[tilespmem:s10+$0x20] =	vst v8;
	v8 =	vmul.f32 $2.000000030e-01, v14  }
0xb5: {  	v22 =	vld [tilespmem:s31+$0x10];
	v9 =	vsel vm3, v9, v19;
	v10 =	vmul.f32 $2.000000030e-01, v23;
	v18 =	vmul.f32 v24, v18  }
0xb6: {  	v19 =	vld [tilespmem:s28+$0x20];
	v17 =	vpop (erf);
	vm1 =	vgt.f32 v23, $0.0e+00;
	v25 =	vmul.f32 $1.442695020e+00, v9;
	(erf) = vpow2.f32 v16  }
0xb7: {  	[tilespmem:s9+$0x10] =	vst v11;
	v27 =	vnsel vm0, $0x0, v17;
	v7 =	vperm.xlane v7, v1;
	v26 =	vpop (erf);
	v13 =	vmul.f32 v13, v20;
	v20 =	vld [tilespmem:s31+$0x0]  }
0xb8: {  	s26 =	simm.s32 $0x5070;
	v17 =	vld [tilespmem:s31+$0xFFFFFFE0];
	v23 =	vsel vm1, v23, v10;
	vm1 =	vgt.f32 v14, $0.0e+00;
	[tilespmem:s10+$0xFFFFFFC0] =	vst v27;
	v26 =	vnsel vm0, $0x0, v26  }
0xb9: {  	v10 =	vadd.f32 v7, v21;
	v7 =	vperm.xlane v15, v1;
	v11 =	vld [tilespmem:s26+$0xFFFFFFE0];
	(erf) = vpow2.f32 v25;
	[tilespmem:s9+$0x0] =	vst v26  }
0xba: {  	v15 =	vsel vm1, v14, v8;
	v14 =	vperm.xlane v27, v2;
	v63 =	vperm.xlane v22, v1;
	v21 =	vld [tilespmem:s14+$0x0]  }
0xbb: {  	s30 =	simm.s32 $0x8FE0;
	v9 =	vld [tilespmem:s28+$0xFFFFFFE0];
	v23 =	vmul.f32 $1.442695020e+00, v23;
	v62 =	vpop (erf);
	v16 =	vperm.xlane v26, v2;
	v7 =	vadd.f32 v7, v19  }
0xbc: {  	s24 =	simm.s32 $0x50C0;
	s25 =	simm.s32 $0xAF50;
	[tilespmem:s9+$0x30] =	vst v13;
	v19 =	vmul.f32 $1.442695020e+00, v15;
	v15 =	vnsel vm0, $0x0, v62;
	v13 =	vperm.xlane v20, v1;
	v20 =	vld [tilespmem:s26+$0x10]  }
0xbd: {  	s15 =	simm.s32 $0x5110;
	s18 =	simm.s32 $0xF;
	[tilespmem:s9+$0xFFFFFFD0] =	vst v18;
	v8 =	vld [tilespmem:s28+$0x0];
	v22 =	vpop (erf);
	vm1 =	vgt.f32 v10, $0.0e+00;
	v18 =	vadd.f32 v63, v28;
	(erf) = vpow2.f32 v23;
	s14 =	simm.s32 $0xAF50  }
.LBB2_5:
0xbe: {  	v23 =	vld [tilespmem:s30+$0x20];
	s18 =	sadd.s32 $0x5, s18;
	v17 =	vperm.xlane v17, v1;
	s28 =	sadd.s32 $0x50, s28;
	s25 =	sadd.s32 $0xA0, s25;
	v22 =	vnsel vm0, $0x0, v22;
	[tilespmem:s9+$0xFFFFFFB0] =	vst v3;
	v3 =	vmul.f32 v11, v14  }
0xbf: {  	v14 =	vld [tilespmem:s28+$0xFFFFFFF0];
	p1 =	slt.u32 s18, $0x78;
	(erf) = vpow2.f32 v12;
	v11 =	vpop (erf);
	[tilespmem:s10+$0xFFFFFFE0] =	vst v15;
	v12 =	vmul.f32 v21, v16  }
0xc0: {  	v21 =	vmul.f32 $2.000000030e-01, v18;
	v16 =	vld [tilespmem:s30+$0xFFFFFFF0];
	v17 =	vadd.f32 v17, v9;
	[tilespmem:s10+$0x40] =	vst v22;
	v22 =	vperm.xlane v22, v2  }
0xc1: {  	vm2 =	vgt.f32 v18, $0.0e+00;
	v9 =	vnsel vm0, $0x0, v11;
	v11 =	vmul.f32 v20, v6;
	v20 =	vld [tilespmem:s26+$0x20];
	[tilespmem:s9+$0xFFFFFFF0] =	vst v12;
	s9 =	smov.u32 s10;
	s10 =	smov.u32 s14;
	s14 =	smov.u32 s25  }
0xc2: {  	vm3 =	vgt.f32 v17, $0.0e+00;
	v12 =	vmul.f32 $2.000000030e-01, v17;
	(erf) = vpow2.f32 v19;
	v19 =	vld [tilespmem:s26+$0xFFFFFFF0]  }
0xc3: {  	v25 =	vmul.f32 $2.000000030e-01, v10;
	v26 =	vadd.f32 v4, v5;
	v6 =	vperm.xlane v9, v2;
	v24 =	vld [tilespmem:s28+$0x20];
	[tilespmem:s10+$0x20] =	vst v9;
	v27 =	vpop (erf)  }
0xc4: {  	v15 =	vperm.xlane v15, v2;
	v9 =	vld [tilespmem:s28+$0xFFFFFFE0];
	v17 =	vsel vm3, v17, v12;
	v12 =	vsel vm2, v18, v21;
	[tilespmem:s9+$0x10] =	vst v11  }
0xc5: {  	v5 =	vmovc v8;
	v4 =	vmovc v13;
	v18 =	vld [tilespmem:s30+$0x10];
	v21 =	vmul.f32 $1.442695020e+00, v17;
	v17 =	vsel vm1, v10, v25;
	v11 =	vmul.f32 $1.442695020e+00, v12  }
0xc6: {  	v8 =	vmul.f32 $2.000000030e-01, v26;
	vm1 =	vgt.f32 v26, $0.0e+00;
	v25 =	vld [tilespmem:s28+$0x10];
	v12 =	vmul.f32 $1.442695020e+00, v17;
	v10 =	vpop (erf)  }
0xc7: {  	v13 =	vnsel vm0, $0x0, v27;
	v20 =	vmul.f32 v20, v22;
	v17 =	vld [tilespmem:s30+$0xFFFFFFE0];
	(erf) = vpow2.f32 v11  }
0xc8: {  	v30 =	vperm.xlane v16, v1;
	v26 =	vsel vm1, v26, v8;
	v8 =	vnsel vm0, $0x0, v10;
	v27 =	vld [tilespmem:s30+$0x0];
	[tilespmem:s10+$0xFFFFFFC0] =	vst v13;
	v28 =	vpop (erf)  }
0xc9: {  	v29 =	vmul.f32 $2.000000030e-01, v7;
	vm1 =	vgt.f32 v7, $0.0e+00;
	v16 =	vperm.xlane v8, v2;
	v11 =	vld [tilespmem:s24+$0xFFFFFFE0];
	[tilespmem:s9+$0x0] =	vst v8  }
.Ltmp1:
0xca: {  	v23 =	vperm.xlane v23, v1;
	v10 =	vadd.f32 v30, v14;
	v15 =	vmul.f32 v19, v15;
	v8 =	vld [tilespmem:s28+$0x0];
	[tilespmem:s9+$0x30] =	vst v20;
	(pc) =	sbr.rel @p1 .LBB2_5-.Ltmp1, $4  }
0xcb: {  	v19 =	vsel vm1, v7, v29;
	v14 =	vperm.xlane v13, v2;
	(erf) = vpow2.f32 v21;
	v22 =	vpop (erf);
	v21 =	vld [tilespmem:s26+$0x0];
	s26 =	smov.u32 s24;
	s24 =	smov.u32 s15  }
0xcc: {  	v7 =	vadd.f32 v23, v24;
	v23 =	vmul.f32 $1.442695020e+00, v26;
	v18 =	vperm.xlane v18, v1;
	v20 =	vld [tilespmem:s26+$0x10];
	[tilespmem:s9+$0xFFFFFFD0] =	vst v15  }
0xcd: {  	v19 =	vmul.f32 $1.442695020e+00, v19;
	v15 =	vnsel vm0, $0x0, v28;
	v13 =	vperm.xlane v27, v1  }
0xce: {  	s30 =	sadd.s32 $0x50, s30;
	vm1 =	vgt.f32 v10, $0.0e+00;
	s15 =	sadd.s32 $0x50, s15;
	v18 =	vadd.f32 v18, v25;
	(erf) = vpow2.f32 v23  }
0xcf: {  	v17 =	vperm.xlane v17, v1  }
0xd0: {  	v22 =	vnsel vm0, $0x0, v22  }
0xd1: {  	(erf) = vpow2.f32 v12;
	v12 =	vmul.f32 v21, v16;
	v9 =	vadd.f32 v17, v9  }
0xd2: {  	v4 =	vadd.f32 v4, v5;
	v16 =	vpop (erf);
	v21 =	vperm.xlane v22, v2;
	(erf) = vpow2.f32 v19  }
0xd3: {  	[tilespmem:s10+$0xFFFFFFE0] =	vst v15;
	vm2 =	vgt.f32 v18, $0.0e+00;
	v17 =	vmul.f32 $2.000000030e-01, v18;
	v23 =	vmul.f32 $2.000000030e-01, v9  }
0xd4: {  	[tilespmem:s9+$0xFFFFFFB0] =	vst v3;
	v19 =	vmul.f32 $2.000000030e-01, v10;
	v3 =	vld [tilespmem:s26+$0xFFFFFFF0];
	v6 =	vmul.f32 v20, v6;
	vm3 =	vgt.f32 v9, $0.0e+00  }
0xd5: {  	[tilespmem:s10+$0x40] =	vst v22;
	v5 =	vsel vm3, v9, v23;
	v9 =	vsel vm2, v18, v17;
	v17 =	vperm.xlane v15, v2  }
0xd6: {  	v8 =	vadd.f32 v13, v8;
	v18 =	vmul.f32 $2.000000030e-01, v4;
	v15 =	vld [tilespmem:s26+$0x20];
	v9 =	vmul.f32 $1.442695020e+00, v9  }
0xd7: {  	v10 =	vsel vm1, v10, v19;
	vm1 =	vgt.f32 v4, $0.0e+00;
	v19 =	vmul.f32 $2.000000030e-01, v7  }
0xd8: {  	v10 =	vmul.f32 $1.442695020e+00, v10;
	v5 =	vmul.f32 $1.442695020e+00, v5;
	v4 =	vsel vm1, v4, v18  }
0xd9: {  	v20 =	vpop (erf);
	vm1 =	vgt.f32 v7, $0.0e+00;
	v3 =	vmul.f32 v3, v17;
	(erf) = vpow2.f32 v9  }
0xda: {  	[tilespmem:s9+$0xFFFFFFF0] =	vst v12;
	v7 =	vsel vm1, v7, v19;
	v4 =	vmul.f32 $1.442695020e+00, v4;
	v9 =	vpop (erf);
	(erf) = vpow2.f32 v5  }
0xdb: {  	[tilespmem:s10+$0x10] =	vst v6;
	v5 =	vmul.f32 $1.442695020e+00, v7;
	v6 =	vmul.f32 v15, v21;
	v9 =	vnsel vm0, $0x0, v9  }
0xdc: {  	v16 =	vnsel vm0, $0x0, v16;
	(erf) = vpow2.f32 v4;
	v4 =	vmul.f32 $2.000000030e-01, v8;
	[tilespmem:s10+$0x0] =	vst v9  }
0xdd: {  	[tilespmem:s14+$0x20] =	vst v16;
	vm1 =	vgt.f32 v8, $0.0e+00;
	(erf) = vpow2.f32 v10;
	v12 =	vld [tilespmem:s26+$0x0]  }
0xde: {  	[tilespmem:s10+$0x30] =	vst v6;
	v6 =	vld [tilespmem:s24+$0x10];
	v9 =	vperm.xlane v9, v2;
	(erf) = vpow2.f32 v5;
	v4 =	vsel vm1, v8, v4  }
0xdf: {  	[tilespmem:s10+$0xFFFFFFD0] =	vst v3;
	v7 =	vnsel vm0, $0x0, v20;
	v5 =	vmul.f32 v11, v14;
	v8 =	vpop (erf);
	v4 =	vmul.f32 $1.442695020e+00, v4  }
0xe0: {  	[tilespmem:s14+$0xFFFFFFC0] =	vst v7;
	v3 =	vpop (erf)  }
0xe1: {  	[tilespmem:s10+$0xFFFFFFB0] =	vst v5;
	v3 =	vnsel vm0, $0x0, v3;
	(erf) = vpow2.f32 v4;
	v4 =	vperm.xlane v16, v2  }
0xe2: {  	v8 =	vnsel vm0, $0x0, v8;
	[tilespmem:s14+$0x40] =	vst v3;
	v5 =	vmul.f32 v12, v9  }
0xe3: {  	[tilespmem:s14+$0xFFFFFFE0] =	vst v8;
	v9 =	vpop (erf);
	v4 =	vmul.f32 v6, v4;
	v6 =	vld [tilespmem:s24+$0x20]  }
0xe4: {  	s25 =	sadd.s32 $0xA0, s25;
	v9 =	vnsel vm0, $0x0, v9;
	[tilespmem:s10+$0xFFFFFFF0] =	vst v5  }
0xe5: {  	v11 =	vld [tilespmem:s24+$0xFFFFFFF0];
	v10 =	vpop (erf);
	[tilespmem:s25+$0x20] =	vst v9  }
0xe6: {  	v3 =	vperm.xlane v3, v2;
	v12 =	vld [tilespmem:s24+$0xFFFFFFE0];
	[tilespmem:s14+$0x10] =	vst v4;
	v10 =	vnsel vm0, $0x0, v10;
	v5 =	vpop (erf)  }
0xe7: {  	[tilespmem:s25+$0xFFFFFFC0] =	vst v10;
	v4 =	vpop (erf);
	v5 =	vnsel vm0, $0x0, v5  }
0xe8: {  	v3 =	vmul.f32 v6, v3;
	v6 =	vld [tilespmem:s15+$0x10];
	[tilespmem:s14+$0x0] =	vst v5;
	v4 =	vnsel vm0, $0x0, v4  }
0xe9: {  	v7 =	vperm.xlane v7, v2;
	v8 =	vperm.xlane v8, v2;
	v13 =	vpop (erf);
	v14 =	vld [tilespmem:s24+$0x0];
	[tilespmem:s25+$0xFFFFFFE0] =	vst v4  }
0xea: {  	v9 =	vperm.xlane v9, v2;
	v13 =	vnsel vm0, $0x0, v13;
	v16 =	vpop (erf);
	[tilespmem:s14+$0x30] =	vst v3;
	v3 =	vld [tilespmem:s15+$0xFFFFFFF0]  }
0xeb: {  	v8 =	vmul.f32 v11, v8;
	v7 =	vmul.f32 v12, v7;
	v12 =	vld [tilespmem:s15+$0xFFFFFFE0];
	[tilespmem:s25+$0x40] =	vst v13;
	v11 =	vnsel vm0, $0x0, v16  }
0xec: {  	v5 =	vperm.xlane v5, v2;
	v4 =	vperm.xlane v4, v2;
	v15 =	vld [tilespmem:s15+$0x20];
	[tilespmem:s25+$0x0] =	vst v11  }
0xed: {  	[tilespmem:s14+$0xFFFFFFD0] =	vst v8;
	v8 =	vperm.xlane v13, v2;
	v13 =	vld [tilespmem:s15+$0x0];
	v6 =	vmul.f32 v6, v9  }
0xee: {  	[tilespmem:s14+$0xFFFFFFB0] =	vst v7;
	v7 =	vperm.xlane v10, v2;
	v5 =	vmul.f32 v14, v5  }
0xef: {  	[tilespmem:s25+$0x10] =	vst v6;
	v3 =	vmul.f32 v3, v4  }
0xf0: {  	v6 =	vperm.xlane v11, v2;
	v4 =	vmul.f32 v12, v7;
	[tilespmem:s14+$0xFFFFFFF0] =	vst v5  }
0xf1: {  	v5 =	vmul.f32 v15, v8;
	[tilespmem:s25+$0xFFFFFFD0] =	vst v3  }
0xf2: {  	v3 =	vmul.f32 v13, v6;
	[tilespmem:s25+$0xFFFFFFB0] =	vst v4  }
0xf3: {  	s26 =	sand.u32 $0x3FFFFE00, s5;
	[tilespmem:s25+$0x30] =	vst v5  }
0xf4: {  	s9 =	simm.s32 @!p0 $0xF;
	s10 =	sadd.s32 $0x2800, s26;
	s14 =	simm.s32 $0xADC0;
	[tilespmem:s25+$0xFFFFFFF0] =	vst v3  }
0xf5: {  	[spmem:s12] =	stream.indirect.scatter.add.f32 [tilespmem:s14], [sflag:$0xD], $0x20, s10, s3, $0xb8;
	[tilespmem:$0x17350] =	vst v63  }
0xf6: {  	_ =	swait.ge @!p0 [sflag:s9], $0xFA0  }
0xf7: {  	[sflag:s9] =	ssyncset.done @!p0 $0x0  }
0xf8: {  	s18 =	simm.s32 $0x5FA0;
	s15 =	sor.u32 $0x100, s5;
	[sflag:s9] =	ssyncadd.s32 @!p0 $0xFFFFF060  }
0xf9: {  	[tilespmem:s18], [sflag:$0x3] =	stream.indirect.gather [hbm4b:s1+s3], $0x10, s15, s3, $0xb8;
	[tilespmem:$0x17350] =	vst v63  }
0xfa: {  	s24 =	simm.s32 $0x7EE0  }
0xfb: {  	[tilespmem:s24], [sflag:$0x7] =	stream.indirect.gather [spmem:s13], $0x10, s15, s3, $0xb8;
	[tilespmem:$0x17350] =	vst v63  }
0xfc: {  	s25 =	simm.s32 $0x9E20;
	s9 =	sadd.s32 $0x2900, s5  }
0xfd: {  	[tilespmem:s25], [sflag:$0xB] =	stream.indirect.gather [spmem:s13], $0x10, s9, s3, $0xb8;
	[tilespmem:$0x17350] =	vst v63  }
0xfe: {  	_ =	swait.ge [sflag:s21], $0x7D0  }
0xff: {  	[sflag:s21] =	ssyncset.done $0x0  }
0x100: {  	[sflag:s21] =	ssyncadd.s32 $0xFFFFF830  }
0x101: {  	_ =	swait.ge [sflag:s22], $0x7D0  }
0x102: {  	[sflag:s22] =	ssyncset.done $0x0  }
0x103: {  	[sflag:s22] =	ssyncadd.s32 $0xFFFFF830  }
0x104: {  	_ =	swait.ge [sflag:s23], $0x7D0  }
0x105: {  	[sflag:s23] =	ssyncset.done $0x0  }
0x106: {  	s26 =	simm.s32 $0x9670;
	[sflag:s23] =	ssyncadd.s32 $0xFFFFF830  }
0x107: {  	s14 =	simm.s32 $0x7730;
	v3 =	vld [tilespmem:s26+$0x10]  }
0x108: {  	v4 =	vld [tilespmem:s14+$0x10]  }
0x109: {  	v7 =	vld [tilespmem:s26+$0xFFFFFFE0]  }
0x10a: {  	v8 =	vld [tilespmem:s26+$0xFFFFFFF0]  }
0x10b: {  	v9 =	vld [tilespmem:s14+$0xFFFFFFE0]  }
0x10c: {  	s18 =	simm.s32 $0x96C0;
	v5 =	vld [tilespmem:s26+$0x20]  }
0x10d: {  	v14 =	vld [tilespmem:s18+$0x10];
	v3 =	vperm.xlane v3, v1  }
0x10e: {  	v6 =	vld [tilespmem:s14+$0xFFFFFFF0];
	v7 =	vperm.xlane v7, v1  }
0x10f: {  	v3 =	vadd.f32 v3, v4;
	v4 =	vld [tilespmem:s14+$0x20]  }
0x110: {  	v10 =	vld [tilespmem:s26+$0x0];
	v8 =	vperm.xlane v8, v1;
	v7 =	vadd.f32 v7, v9  }
0x111: {  	v12 =	vld [tilespmem:s18+$0x20];
	v5 =	vperm.xlane v5, v1;
	v11 =	vmul.f32 $2.000000030e-01, v3  }
0x112: {  	v15 =	vld [tilespmem:s18+$0xFFFFFFE0];
	v14 =	vperm.xlane v14, v1;
	vm1 =	vgt.f32 v3, $0.0e+00;
	v9 =	vmul.f32 $2.000000030e-01, v7  }
0x113: {  	s24 =	simm.s32 $0x7780;
	v6 =	vadd.f32 v8, v6;
	v3 =	vsel vm1, v3, v11;
	v11 =	vld [tilespmem:s18+$0xFFFFFFF0];
	vm1 =	vgt.f32 v7, $0.0e+00  }
0x114: {  	v8 =	vld [tilespmem:s24+$0xFFFFFFE0];
	v3 =	vmul.f32 $1.442695020e+00, v3;
	v4 =	vadd.f32 v5, v4;
	v5 =	vsel vm1, v7, v9  }
0x115: {  	v7 =	vld [tilespmem:s24+$0x10];
	v9 =	vperm.xlane v10, v1;
	v5 =	vmul.f32 $1.442695020e+00, v5  }
0x116: {  	v13 =	vld [tilespmem:s24+$0xFFFFFFF0];
	(erf) = vpow2.f32 v3;
	v3 =	vmul.f32 $2.000000030e-01, v6  }
0x117: {  	vm2 =	vgt.f32 v6, $0.0e+00;
	(erf) = vpow2.f32 v5;
	v5 =	vperm.xlane v15, v1  }
0x118: {  	v3 =	vsel vm2, v6, v3;
	v6 =	vld [tilespmem:s18+$0x0];
	v10 =	vperm.xlane v11, v1;
	v11 =	vmul.f32 $2.000000030e-01, v4  }
0x119: {  	v12 =	vperm.xlane v12, v1;
	vm1 =	vgt.f32 v4, $0.0e+00;
	s18 =	simm.s32 $0x9710;
	v3 =	vmul.f32 $1.442695020e+00, v3  }
0x11a: {  	v7 =	vadd.f32 v14, v7;
	v5 =	vadd.f32 v5, v8;
	v14 =	vld [tilespmem:s18+$0x20];
	v4 =	vsel vm1, v4, v11  }
0x11b: {  	v16 =	vld [tilespmem:s18+$0xFFFFFFF0];
	v10 =	vadd.f32 v10, v13;
	v4 =	vmul.f32 $1.442695020e+00, v4;
	(erf) = vpow2.f32 v3  }
0x11c: {  	v13 =	vld [tilespmem:s14+$0x0];
	v11 =	vmul.f32 $2.000000030e-01, v7;
	vm2 =	vgt.f32 v7, $0.0e+00;
	v15 =	vmul.f32 $2.000000030e-01, v5  }
0x11d: {  	s25 =	simm.s32 $0x77D0;
	v8 =	vld [tilespmem:s24+$0x20];
	vm3 =	vgt.f32 v5, $0.0e+00;
	v6 =	vperm.xlane v6, v1;
	(erf) = vpow2.f32 v4  }
0x11e: {  	v17 =	vld [tilespmem:s25+$0xFFFFFFF0];
	v4 =	vmul.f32 $2.000000030e-01, v10;
	v7 =	vsel vm2, v7, v11;
	v5 =	vsel vm3, v5, v15  }
0x11f: {  	v18 =	vld [tilespmem:s25+$0x10];
	v7 =	vmul.f32 $1.442695020e+00, v7;
	v5 =	vmul.f32 $1.442695020e+00, v5  }
0x120: {  	vm1 =	vgt.f32 v10, $0.0e+00;
	v11 =	vld [tilespmem:s25+$0x20];
	v16 =	vperm.xlane v16, v1;
	v14 =	vperm.xlane v14, v1;
	v3 =	vpop (erf)  }
0x121: {  	v19 =	vld [tilespmem:s18+$0xFFFFFFE0];
	v9 =	vadd.f32 v9, v13;
	v4 =	vsel vm1, v10, v4;
	v3 =	vnsel vm0, $0x0, v3  }
0x122: {  	v10 =	vld [tilespmem:s18+$0x10];
	v15 =	vmul.f32 $1.442695020e+00, v4;
	v4 =	vadd.f32 v12, v8;
	(erf) = vpow2.f32 v7  }
0x123: {  	s10 =	simm.s32 $0xBDB0;
	v8 =	vpop (erf);
	v7 =	vld [tilespmem:s18+$0x0];
	v16 =	vadd.f32 v16, v17;
	v13 =	vperm.xlane v3, v2;
	v12 =	vmul.f32 $2.000000030e-01, v9  }
0x124: {  	s15 =	simm.s32 $0x57F0;
	v17 =	vld [tilespmem:s25+$0xFFFFFFE0];
	vm1 =	vgt.f32 v9, $0.0e+00;
	v8 =	vnsel vm0, $0x0, v8;
	(erf) = vpow2.f32 v5;
	[tilespmem:s10+$0x20] =	vst v3  }
0x125: {  	[tilespmem:s10+$0xFFFFFFC0] =	vst v8;
	v14 =	vadd.f32 v14, v11;
	v11 =	vld [tilespmem:s15+$0x10];
	v9 =	vsel vm1, v9, v12;
	v12 =	vmul.f32 $2.000000030e-01, v4  }
0x126: {  	v8 =	vperm.xlane v8, v2;
	v22 =	vmul.f32 $2.000000030e-01, v16;
	vm1 =	vgt.f32 v4, $0.0e+00;
	v20 =	vld [tilespmem:s15+$0xFFFFFFE0]  }
0x127: {  	v5 =	vperm.xlane v10, v1;
	v10 =	vpop (erf);
	v9 =	vmul.f32 $1.442695020e+00, v9;
	v3 =	vsel vm1, v4, v12  }
0x128: {  	v4 =	vperm.xlane v7, v1;
	v10 =	vnsel vm0, $0x0, v10;
	v7 =	vmul.f32 $1.442695020e+00, v3  }
0x129: {  	s18 =	simm.s32 $0x7820;
	vm1 =	vgt.f32 v16, $0.0e+00;
	v12 =	vld [tilespmem:s24+$0x0];
	v21 =	vpop (erf);
	(erf) = vpow2.f32 v9;
	v9 =	vperm.xlane v19, v1  }
0x12a: {  	v28 =	vld [tilespmem:s18+$0x10];
	v18 =	vadd.f32 v5, v18;
	(erf) = vpow2.f32 v15;
	v11 =	vmul.f32 v11, v13  }
0x12b: {  	v5 =	vld [tilespmem:s25+$0x0];
	[tilespmem:s10+$0xFFFFFFE0] =	vst v10;
	v3 =	vmul.f32 v20, v8;
	v8 =	vnsel vm0, $0x0, v21;
	v9 =	vadd.f32 v9, v17  }
0x12c: {  	s26 =	simm.s32 $0x9760;
	v24 =	vld [tilespmem:s15+$0xFFFFFFF0];
	v17 =	vmul.f32 $2.000000030e-01, v18;
	vm2 =	vgt.f32 v18, $0.0e+00;
	(erf) = vpow2.f32 v7;
	v19 =	vpop (erf)  }
0x12d: {  	v7 =	vld [tilespmem:s26+$0xFFFFFFF0];
	v20 =	vperm.xlane v8, v2;
	[tilespmem:s10+$0x40] =	vst v8;
	v8 =	vnsel vm0, $0x0, v19;
	v19 =	vmul.f32 $2.000000030e-01, v9  }
0x12e: {  	v13 =	vld [tilespmem:s15+$0x20];
	v23 =	vadd.f32 v6, v12;
	v12 =	vsel vm2, v18, v17;
	v18 =	vperm.xlane v10, v2  }
0x12f: {  	s14 =	simm.s32 $0xBE50;
	v15 =	vld [tilespmem:s26+$0x20];
	v10 =	vsel vm1, v16, v22;
	v6 =	vperm.xlane v8, v2;
	v16 =	vmul.f32 $1.442695020e+00, v12  }
0x130: {  	v21 =	vld [tilespmem:s18+$0xFFFFFFF0];
	vm3 =	vgt.f32 v9, $0.0e+00;
	v12 =	vmul.f32 $1.442695020e+00, v10;
	[tilespmem:s14+$0x20] =	vst v8;
	v8 =	vmul.f32 $2.000000030e-01, v14  }
0x131: {  	v22 =	vld [tilespmem:s26+$0x10];
	v9 =	vsel vm3, v9, v19;
	v10 =	vmul.f32 $2.000000030e-01, v23;
	v18 =	vmul.f32 v24, v18  }
0x132: {  	v19 =	vld [tilespmem:s18+$0x20];
	v17 =	vpop (erf);
	vm1 =	vgt.f32 v23, $0.0e+00;
	v25 =	vmul.f32 $1.442695020e+00, v9;
	(erf) = vpow2.f32 v16  }
0x133: {  	[tilespmem:s10+$0x10] =	vst v11;
	v27 =	vnsel vm0, $0x0, v17;
	v7 =	vperm.xlane v7, v1;
	v26 =	vpop (erf);
	v13 =	vmul.f32 v13, v20;
	v20 =	vld [tilespmem:s26+$0x0]  }
0x134: {  	s28 =	simm.s32 $0x5840;
	v17 =	vld [tilespmem:s26+$0xFFFFFFE0];
	v23 =	vsel vm1, v23, v10;
	vm1 =	vgt.f32 v14, $0.0e+00;
	[tilespmem:s14+$0xFFFFFFC0] =	vst v27;
	v26 =	vnsel vm0, $0x0, v26  }
0x135: {  	v10 =	vadd.f32 v7, v21;
	v7 =	vperm.xlane v15, v1;
	v11 =	vld [tilespmem:s28+$0xFFFFFFE0];
	(erf) = vpow2.f32 v25;
	[tilespmem:s10+$0x0] =	vst v26  }
0x136: {  	v15 =	vsel vm1, v14, v8;
	v14 =	vperm.xlane v27, v2;
	v63 =	vperm.xlane v22, v1;
	v21 =	vld [tilespmem:s15+$0x0]  }
0x137: {  	s30 =	simm.s32 $0xF;
	v9 =	vld [tilespmem:s18+$0xFFFFFFE0];
	v23 =	vmul.f32 $1.442695020e+00, v23;
	v62 =	vpop (erf);
	v16 =	vperm.xlane v26, v2;
	v7 =	vadd.f32 v7, v19  }
0x138: {  	s31 =	simm.s32 $0x97B0;
	s24 =	simm.s32 $0x58E0;
	[tilespmem:s10+$0x30] =	vst v13;
	v19 =	vmul.f32 $1.442695020e+00, v15;
	v15 =	vnsel vm0, $0x0, v62;
	v13 =	vperm.xlane v20, v1;
	v20 =	vld [tilespmem:s28+$0x10]  }
0x139: {  	s25 =	simm.s32 $0x5890;
	[tilespmem:s10+$0xFFFFFFD0] =	vst v18;
	v8 =	vld [tilespmem:s18+$0x0];
	s26 =	simm.s32 $0xBEF0;
	v22 =	vpop (erf);
	vm1 =	vgt.f32 v10, $0.0e+00;
	v18 =	vadd.f32 v63, v28;
	(erf) = vpow2.f32 v23;
	s15 =	simm.s32 $0xBEF0  }
.LBB2_7:
0x13a: {  	v23 =	vld [tilespmem:s31+$0x20];
	s30 =	sadd.s32 $0x5, s30;
	v17 =	vperm.xlane v17, v1;
	s18 =	sadd.s32 $0x50, s18;
	s26 =	sadd.s32 $0xA0, s26;
	v22 =	vnsel vm0, $0x0, v22;
	[tilespmem:s10+$0xFFFFFFB0] =	vst v3;
	v3 =	vmul.f32 v11, v14  }
0x13b: {  	v14 =	vld [tilespmem:s18+$0xFFFFFFF0];
	p1 =	slt.u32 s30, $0x78;
	(erf) = vpow2.f32 v12;
	v11 =	vpop (erf);
	[tilespmem:s14+$0xFFFFFFE0] =	vst v15;
	v12 =	vmul.f32 v21, v16  }
0x13c: {  	v21 =	vmul.f32 $2.000000030e-01, v18;
	v16 =	vld [tilespmem:s31+$0xFFFFFFF0];
	v17 =	vadd.f32 v17, v9;
	[tilespmem:s14+$0x40] =	vst v22;
	v22 =	vperm.xlane v22, v2  }
0x13d: {  	vm2 =	vgt.f32 v18, $0.0e+00;
	v9 =	vnsel vm0, $0x0, v11;
	v11 =	vmul.f32 v20, v6;
	v20 =	vld [tilespmem:s28+$0x20];
	[tilespmem:s10+$0xFFFFFFF0] =	vst v12;
	s10 =	smov.u32 s14;
	s14 =	smov.u32 s15;
	s15 =	smov.u32 s26  }
0x13e: {  	vm3 =	vgt.f32 v17, $0.0e+00;
	v12 =	vmul.f32 $2.000000030e-01, v17;
	(erf) = vpow2.f32 v19;
	v19 =	vld [tilespmem:s28+$0xFFFFFFF0]  }
0x13f: {  	v25 =	vmul.f32 $2.000000030e-01, v10;
	v26 =	vadd.f32 v4, v5;
	v6 =	vperm.xlane v9, v2;
	v24 =	vld [tilespmem:s18+$0x20];
	[tilespmem:s14+$0x20] =	vst v9;
	v27 =	vpop (erf)  }
0x140: {  	v15 =	vperm.xlane v15, v2;
	v9 =	vld [tilespmem:s18+$0xFFFFFFE0];
	v17 =	vsel vm3, v17, v12;
	v12 =	vsel vm2, v18, v21;
	[tilespmem:s10+$0x10] =	vst v11  }
0x141: {  	v5 =	vmovc v8;
	v4 =	vmovc v13;
	v18 =	vld [tilespmem:s31+$0x10];
	v21 =	vmul.f32 $1.442695020e+00, v17;
	v17 =	vsel vm1, v10, v25;
	v11 =	vmul.f32 $1.442695020e+00, v12  }
0x142: {  	v8 =	vmul.f32 $2.000000030e-01, v26;
	vm1 =	vgt.f32 v26, $0.0e+00;
	v25 =	vld [tilespmem:s18+$0x10];
	v12 =	vmul.f32 $1.442695020e+00, v17;
	v10 =	vpop (erf)  }
0x143: {  	v13 =	vnsel vm0, $0x0, v27;
	v20 =	vmul.f32 v20, v22;
	v17 =	vld [tilespmem:s31+$0xFFFFFFE0];
	(erf) = vpow2.f32 v11  }
0x144: {  	v30 =	vperm.xlane v16, v1;
	v26 =	vsel vm1, v26, v8;
	v8 =	vnsel vm0, $0x0, v10;
	v27 =	vld [tilespmem:s31+$0x0];
	[tilespmem:s14+$0xFFFFFFC0] =	vst v13;
	v28 =	vpop (erf)  }
0x145: {  	v29 =	vmul.f32 $2.000000030e-01, v7;
	vm1 =	vgt.f32 v7, $0.0e+00;
	v16 =	vperm.xlane v8, v2;
	v11 =	vld [tilespmem:s25+$0xFFFFFFE0];
	[tilespmem:s10+$0x0] =	vst v8  }
.Ltmp2:
0x146: {  	v23 =	vperm.xlane v23, v1;
	v10 =	vadd.f32 v30, v14;
	v15 =	vmul.f32 v19, v15;
	v8 =	vld [tilespmem:s18+$0x0];
	[tilespmem:s10+$0x30] =	vst v20;
	(pc) =	sbr.rel @p1 .LBB2_7-.Ltmp2, $4  }
0x147: {  	v19 =	vsel vm1, v7, v29;
	v14 =	vperm.xlane v13, v2;
	(erf) = vpow2.f32 v21;
	v22 =	vpop (erf);
	v21 =	vld [tilespmem:s28+$0x0];
	s28 =	smov.u32 s25;
	s25 =	smov.u32 s24  }
0x148: {  	v7 =	vadd.f32 v23, v24;
	v23 =	vmul.f32 $1.442695020e+00, v26;
	v18 =	vperm.xlane v18, v1;
	v20 =	vld [tilespmem:s28+$0x10];
	[tilespmem:s10+$0xFFFFFFD0] =	vst v15  }
0x149: {  	v19 =	vmul.f32 $1.442695020e+00, v19;
	v15 =	vnsel vm0, $0x0, v28;
	v13 =	vperm.xlane v27, v1  }
0x14a: {  	s31 =	sadd.s32 $0x50, s31;
	vm1 =	vgt.f32 v10, $0.0e+00;
	s24 =	sadd.s32 $0x50, s24;
	v18 =	vadd.f32 v18, v25;
	(erf) = vpow2.f32 v23  }
0x14b: {  	v17 =	vperm.xlane v17, v1  }
0x14c: {  	v22 =	vnsel vm0, $0x0, v22  }
0x14d: {  	(erf) = vpow2.f32 v12;
	v12 =	vmul.f32 v21, v16;
	v9 =	vadd.f32 v17, v9  }
0x14e: {  	v4 =	vadd.f32 v4, v5;
	v16 =	vpop (erf);
	v21 =	vperm.xlane v22, v2;
	(erf) = vpow2.f32 v19  }
0x14f: {  	[tilespmem:s14+$0xFFFFFFE0] =	vst v15;
	vm2 =	vgt.f32 v18, $0.0e+00;
	v17 =	vmul.f32 $2.000000030e-01, v18;
	v23 =	vmul.f32 $2.000000030e-01, v9  }
0x150: {  	[tilespmem:s10+$0xFFFFFFB0] =	vst v3;
	v19 =	vmul.f32 $2.000000030e-01, v10;
	v3 =	vld [tilespmem:s28+$0xFFFFFFF0];
	v6 =	vmul.f32 v20, v6;
	vm3 =	vgt.f32 v9, $0.0e+00  }
0x151: {  	[tilespmem:s14+$0x40] =	vst v22;
	v5 =	vsel vm3, v9, v23;
	v9 =	vsel vm2, v18, v17;
	v17 =	vperm.xlane v15, v2  }
0x152: {  	v8 =	vadd.f32 v13, v8;
	v18 =	vmul.f32 $2.000000030e-01, v4;
	v15 =	vld [tilespmem:s28+$0x20];
	v9 =	vmul.f32 $1.442695020e+00, v9  }
0x153: {  	v10 =	vsel vm1, v10, v19;
	vm1 =	vgt.f32 v4, $0.0e+00;
	v19 =	vmul.f32 $2.000000030e-01, v7  }
0x154: {  	v10 =	vmul.f32 $1.442695020e+00, v10;
	v5 =	vmul.f32 $1.442695020e+00, v5;
	v4 =	vsel vm1, v4, v18  }
0x155: {  	v20 =	vpop (erf);
	vm1 =	vgt.f32 v7, $0.0e+00;
	v3 =	vmul.f32 v3, v17;
	(erf) = vpow2.f32 v9  }
0x156: {  	[tilespmem:s10+$0xFFFFFFF0] =	vst v12;
	v7 =	vsel vm1, v7, v19;
	v4 =	vmul.f32 $1.442695020e+00, v4;
	v9 =	vpop (erf);
	(erf) = vpow2.f32 v5  }
0x157: {  	[tilespmem:s14+$0x10] =	vst v6;
	v5 =	vmul.f32 $1.442695020e+00, v7;
	v6 =	vmul.f32 v15, v21;
	v9 =	vnsel vm0, $0x0, v9  }
0x158: {  	v16 =	vnsel vm0, $0x0, v16;
	(erf) = vpow2.f32 v4;
	v4 =	vmul.f32 $2.000000030e-01, v8;
	[tilespmem:s14+$0x0] =	vst v9  }
0x159: {  	[tilespmem:s15+$0x20] =	vst v16;
	vm1 =	vgt.f32 v8, $0.0e+00;
	(erf) = vpow2.f32 v10;
	v12 =	vld [tilespmem:s28+$0x0]  }
0x15a: {  	[tilespmem:s14+$0x30] =	vst v6;
	v6 =	vld [tilespmem:s25+$0x10];
	v9 =	vperm.xlane v9, v2;
	(erf) = vpow2.f32 v5;
	v4 =	vsel vm1, v8, v4  }
0x15b: {  	[tilespmem:s14+$0xFFFFFFD0] =	vst v3;
	v7 =	vnsel vm0, $0x0, v20;
	v5 =	vmul.f32 v11, v14;
	v8 =	vpop (erf);
	v4 =	vmul.f32 $1.442695020e+00, v4  }
0x15c: {  	[tilespmem:s15+$0xFFFFFFC0] =	vst v7;
	v3 =	vpop (erf)  }
0x15d: {  	[tilespmem:s14+$0xFFFFFFB0] =	vst v5;
	v3 =	vnsel vm0, $0x0, v3;
	(erf) = vpow2.f32 v4;
	v4 =	vperm.xlane v16, v2  }
0x15e: {  	v8 =	vnsel vm0, $0x0, v8;
	[tilespmem:s15+$0x40] =	vst v3;
	v5 =	vmul.f32 v12, v9  }
0x15f: {  	[tilespmem:s15+$0xFFFFFFE0] =	vst v8;
	v9 =	vpop (erf);
	v4 =	vmul.f32 v6, v4;
	v6 =	vld [tilespmem:s25+$0x20]  }
0x160: {  	s26 =	sadd.s32 $0xA0, s26;
	v9 =	vnsel vm0, $0x0, v9;
	[tilespmem:s14+$0xFFFFFFF0] =	vst v5  }
0x161: {  	v11 =	vld [tilespmem:s25+$0xFFFFFFF0];
	v10 =	vpop (erf);
	[tilespmem:s26+$0x20] =	vst v9  }
0x162: {  	v3 =	vperm.xlane v3, v2;
	v12 =	vld [tilespmem:s25+$0xFFFFFFE0];
	[tilespmem:s15+$0x10] =	vst v4;
	v10 =	vnsel vm0, $0x0, v10;
	v5 =	vpop (erf)  }
0x163: {  	[tilespmem:s26+$0xFFFFFFC0] =	vst v10;
	v4 =	vpop (erf);
	v5 =	vnsel vm0, $0x0, v5  }
0x164: {  	v3 =	vmul.f32 v6, v3;
	v6 =	vld [tilespmem:s24+$0x10];
	[tilespmem:s15+$0x0] =	vst v5;
	v4 =	vnsel vm0, $0x0, v4  }
0x165: {  	v7 =	vperm.xlane v7, v2;
	v8 =	vperm.xlane v8, v2;
	v13 =	vpop (erf);
	v14 =	vld [tilespmem:s25+$0x0];
	[tilespmem:s26+$0xFFFFFFE0] =	vst v4  }
0x166: {  	v9 =	vperm.xlane v9, v2;
	v13 =	vnsel vm0, $0x0, v13;
	v16 =	vpop (erf);
	[tilespmem:s15+$0x30] =	vst v3;
	v3 =	vld [tilespmem:s24+$0xFFFFFFF0]  }
0x167: {  	v8 =	vmul.f32 v11, v8;
	v7 =	vmul.f32 v12, v7;
	v12 =	vld [tilespmem:s24+$0xFFFFFFE0];
	[tilespmem:s26+$0x40] =	vst v13;
	v11 =	vnsel vm0, $0x0, v16  }
0x168: {  	v5 =	vperm.xlane v5, v2;
	v4 =	vperm.xlane v4, v2;
	v15 =	vld [tilespmem:s24+$0x20];
	[tilespmem:s26+$0x0] =	vst v11  }
0x169: {  	[tilespmem:s15+$0xFFFFFFD0] =	vst v8;
	v8 =	vperm.xlane v13, v2;
	v13 =	vld [tilespmem:s24+$0x0];
	v6 =	vmul.f32 v6, v9  }
0x16a: {  	[tilespmem:s15+$0xFFFFFFB0] =	vst v7;
	v7 =	vperm.xlane v10, v2;
	v5 =	vmul.f32 v14, v5  }
0x16b: {  	[tilespmem:s26+$0x10] =	vst v6;
	v3 =	vmul.f32 v3, v4  }
0x16c: {  	v6 =	vperm.xlane v11, v2;
	v4 =	vmul.f32 v12, v7;
	[tilespmem:s15+$0xFFFFFFF0] =	vst v5  }
0x16d: {  	v5 =	vmul.f32 v15, v8;
	[tilespmem:s26+$0xFFFFFFD0] =	vst v3  }
0x16e: {  	v3 =	vmul.f32 v13, v6;
	[tilespmem:s26+$0xFFFFFFB0] =	vst v4  }
0x16f: {  	[tilespmem:s26+$0x30] =	vst v5  }
0x170: {  	s14 =	simm.s32 $0xBD60;
	[tilespmem:s26+$0xFFFFFFF0] =	vst v3  }
0x171: {  	[spmem:s12] =	stream.indirect.scatter.add.f32 [tilespmem:s14], [sflag:$0xE], $0x20, s6, s3, $0xb8;
	[tilespmem:$0x17350] =	vst v63  }
0x172: {  	s6 =	simm.s32 @!p0 $0x10  }
0x173: {  	_ =	swait.ge @!p0 [sflag:s6], $0xFA0  }
0x174: {  	[sflag:s6] =	ssyncset.done @!p0 $0x0  }
0x175: {  	s18 =	simm.s32 $0x6770;
	s15 =	sor.u32 $0x180, s5;
	[sflag:s6] =	ssyncadd.s32 @!p0 $0xFFFFF060  }
0x176: {  	[tilespmem:s18], [sflag:$0x4] =	stream.indirect.gather [hbm4b:s1+s3], $0x10, s15, s3, $0xb8;
	[tilespmem:$0x17350] =	vst v63  }
0x177: {  	s24 =	simm.s32 $0x86B0  }
0x178: {  	[tilespmem:s24], [sflag:$0x8] =	stream.indirect.gather [spmem:s13], $0x10, s15, s3, $0xb8;
	[tilespmem:$0x17350] =	vst v63  }
0x179: {  	s25 =	simm.s32 $0xA5F0;
	s6 =	sadd.s32 $0x2980, s5  }
0x17a: {  	[tilespmem:s25], [sflag:$0xC] =	stream.indirect.gather [spmem:s13], $0x10, s6, s3, $0xb8;
	[tilespmem:$0x17350] =	vst v63  }
0x17b: {  	_ =	swait.ge [sflag:s29], $0x7D0  }
0x17c: {  	[sflag:s29] =	ssyncset.done $0x0  }
0x17d: {  	[sflag:s29] =	ssyncadd.s32 $0xFFFFF830  }
0x17e: {  	_ =	swait.ge [sflag:s16], $0x7D0  }
0x17f: {  	[sflag:s16] =	ssyncset.done $0x0  }
0x180: {  	[sflag:s16] =	ssyncadd.s32 $0xFFFFF830  }
0x181: {  	_ =	swait.ge [sflag:s17], $0x7D0  }
0x182: {  	[sflag:s17] =	ssyncset.done $0x0  }
0x183: {  	s26 =	simm.s32 $0x9E40;
	[sflag:s17] =	ssyncadd.s32 $0xFFFFF830  }
0x184: {  	s14 =	simm.s32 $0x7F00;
	v3 =	vld [tilespmem:s26+$0x10]  }
0x185: {  	v4 =	vld [tilespmem:s14+$0x10]  }
0x186: {  	v7 =	vld [tilespmem:s26+$0xFFFFFFE0]  }
0x187: {  	v8 =	vld [tilespmem:s26+$0xFFFFFFF0]  }
0x188: {  	v9 =	vld [tilespmem:s14+$0xFFFFFFE0]  }
0x189: {  	s18 =	simm.s32 $0x9E90;
	v5 =	vld [tilespmem:s26+$0x20]  }
0x18a: {  	v14 =	vld [tilespmem:s18+$0x10];
	v3 =	vperm.xlane v3, v1  }
0x18b: {  	v6 =	vld [tilespmem:s14+$0xFFFFFFF0];
	v7 =	vperm.xlane v7, v1  }
0x18c: {  	v3 =	vadd.f32 v3, v4;
	v4 =	vld [tilespmem:s14+$0x20]  }
0x18d: {  	v10 =	vld [tilespmem:s26+$0x0];
	v8 =	vperm.xlane v8, v1;
	v7 =	vadd.f32 v7, v9  }
0x18e: {  	v12 =	vld [tilespmem:s18+$0x20];
	v5 =	vperm.xlane v5, v1;
	v11 =	vmul.f32 $2.000000030e-01, v3  }
0x18f: {  	v15 =	vld [tilespmem:s18+$0xFFFFFFE0];
	v14 =	vperm.xlane v14, v1;
	vm1 =	vgt.f32 v3, $0.0e+00;
	v9 =	vmul.f32 $2.000000030e-01, v7  }
0x190: {  	s24 =	simm.s32 $0x7F50;
	v6 =	vadd.f32 v8, v6;
	v3 =	vsel vm1, v3, v11;
	v11 =	vld [tilespmem:s18+$0xFFFFFFF0];
	vm1 =	vgt.f32 v7, $0.0e+00  }
0x191: {  	v8 =	vld [tilespmem:s24+$0xFFFFFFE0];
	v3 =	vmul.f32 $1.442695020e+00, v3;
	v4 =	vadd.f32 v5, v4;
	v5 =	vsel vm1, v7, v9  }
0x192: {  	v7 =	vld [tilespmem:s24+$0x10];
	v9 =	vperm.xlane v10, v1;
	v5 =	vmul.f32 $1.442695020e+00, v5  }
0x193: {  	v13 =	vld [tilespmem:s24+$0xFFFFFFF0];
	(erf) = vpow2.f32 v3;
	v3 =	vmul.f32 $2.000000030e-01, v6  }
0x194: {  	vm2 =	vgt.f32 v6, $0.0e+00;
	(erf) = vpow2.f32 v5;
	v5 =	vperm.xlane v15, v1  }
0x195: {  	v3 =	vsel vm2, v6, v3;
	v6 =	vld [tilespmem:s18+$0x0];
	v10 =	vperm.xlane v11, v1;
	v11 =	vmul.f32 $2.000000030e-01, v4  }
0x196: {  	v12 =	vperm.xlane v12, v1;
	vm1 =	vgt.f32 v4, $0.0e+00;
	s18 =	simm.s32 $0x9EE0;
	v3 =	vmul.f32 $1.442695020e+00, v3  }
0x197: {  	v7 =	vadd.f32 v14, v7;
	v5 =	vadd.f32 v5, v8;
	v14 =	vld [tilespmem:s18+$0x20];
	v4 =	vsel vm1, v4, v11  }
0x198: {  	v16 =	vld [tilespmem:s18+$0xFFFFFFF0];
	v10 =	vadd.f32 v10, v13;
	v4 =	vmul.f32 $1.442695020e+00, v4;
	(erf) = vpow2.f32 v3  }
0x199: {  	v13 =	vld [tilespmem:s14+$0x0];
	v11 =	vmul.f32 $2.000000030e-01, v7;
	vm2 =	vgt.f32 v7, $0.0e+00;
	v15 =	vmul.f32 $2.000000030e-01, v5  }
0x19a: {  	s25 =	simm.s32 $0x7FA0;
	v8 =	vld [tilespmem:s24+$0x20];
	vm3 =	vgt.f32 v5, $0.0e+00;
	v6 =	vperm.xlane v6, v1;
	(erf) = vpow2.f32 v4  }
0x19b: {  	v17 =	vld [tilespmem:s25+$0xFFFFFFF0];
	v4 =	vmul.f32 $2.000000030e-01, v10;
	v7 =	vsel vm2, v7, v11;
	v5 =	vsel vm3, v5, v15  }
0x19c: {  	v18 =	vld [tilespmem:s25+$0x10];
	v7 =	vmul.f32 $1.442695020e+00, v7;
	v5 =	vmul.f32 $1.442695020e+00, v5  }
0x19d: {  	vm1 =	vgt.f32 v10, $0.0e+00;
	v11 =	vld [tilespmem:s25+$0x20];
	v16 =	vperm.xlane v16, v1;
	v14 =	vperm.xlane v14, v1;
	v3 =	vpop (erf)  }
0x19e: {  	v19 =	vld [tilespmem:s18+$0xFFFFFFE0];
	v9 =	vadd.f32 v9, v13;
	v4 =	vsel vm1, v10, v4;
	v3 =	vnsel vm0, $0x0, v3  }
0x19f: {  	v10 =	vld [tilespmem:s18+$0x10];
	v15 =	vmul.f32 $1.442695020e+00, v4;
	v4 =	vadd.f32 v12, v8;
	(erf) = vpow2.f32 v7  }
0x1a0: {  	s10 =	simm.s32 $0xCD50;
	v8 =	vpop (erf);
	v7 =	vld [tilespmem:s18+$0x0];
	v16 =	vadd.f32 v16, v17;
	v13 =	vperm.xlane v3, v2;
	v12 =	vmul.f32 $2.000000030e-01, v9  }
0x1a1: {  	s15 =	simm.s32 $0x5FC0;
	v17 =	vld [tilespmem:s25+$0xFFFFFFE0];
	vm1 =	vgt.f32 v9, $0.0e+00;
	v8 =	vnsel vm0, $0x0, v8;
	(erf) = vpow2.f32 v5;
	[tilespmem:s10+$0x20] =	vst v3  }
0x1a2: {  	[tilespmem:s10+$0xFFFFFFC0] =	vst v8;
	v14 =	vadd.f32 v14, v11;
	v11 =	vld [tilespmem:s15+$0x10];
	v9 =	vsel vm1, v9, v12;
	v12 =	vmul.f32 $2.000000030e-01, v4  }
0x1a3: {  	v8 =	vperm.xlane v8, v2;
	v22 =	vmul.f32 $2.000000030e-01, v16;
	vm1 =	vgt.f32 v4, $0.0e+00;
	v20 =	vld [tilespmem:s15+$0xFFFFFFE0]  }
0x1a4: {  	v5 =	vperm.xlane v10, v1;
	v10 =	vpop (erf);
	v9 =	vmul.f32 $1.442695020e+00, v9;
	v3 =	vsel vm1, v4, v12  }
0x1a5: {  	v4 =	vperm.xlane v7, v1;
	v10 =	vnsel vm0, $0x0, v10;
	v7 =	vmul.f32 $1.442695020e+00, v3  }
0x1a6: {  	s18 =	simm.s32 $0x7FF0;
	vm1 =	vgt.f32 v16, $0.0e+00;
	v12 =	vld [tilespmem:s24+$0x0];
	v21 =	vpop (erf);
	(erf) = vpow2.f32 v9;
	v9 =	vperm.xlane v19, v1  }
0x1a7: {  	v28 =	vld [tilespmem:s18+$0x10];
	v18 =	vadd.f32 v5, v18;
	(erf) = vpow2.f32 v15;
	v11 =	vmul.f32 v11, v13  }
0x1a8: {  	v5 =	vld [tilespmem:s25+$0x0];
	[tilespmem:s10+$0xFFFFFFE0] =	vst v10;
	v3 =	vmul.f32 v20, v8;
	v8 =	vnsel vm0, $0x0, v21;
	v9 =	vadd.f32 v9, v17  }
0x1a9: {  	s26 =	simm.s32 $0x9F30;
	v24 =	vld [tilespmem:s15+$0xFFFFFFF0];
	v17 =	vmul.f32 $2.000000030e-01, v18;
	vm2 =	vgt.f32 v18, $0.0e+00;
	(erf) = vpow2.f32 v7;
	v19 =	vpop (erf)  }
0x1aa: {  	v7 =	vld [tilespmem:s26+$0xFFFFFFF0];
	v20 =	vperm.xlane v8, v2;
	[tilespmem:s10+$0x40] =	vst v8;
	v8 =	vnsel vm0, $0x0, v19;
	v19 =	vmul.f32 $2.000000030e-01, v9  }
0x1ab: {  	v13 =	vld [tilespmem:s15+$0x20];
	v23 =	vadd.f32 v6, v12;
	v12 =	vsel vm2, v18, v17;
	v18 =	vperm.xlane v10, v2  }
0x1ac: {  	s14 =	simm.s32 $0xCDF0;
	v15 =	vld [tilespmem:s26+$0x20];
	v10 =	vsel vm1, v16, v22;
	v6 =	vperm.xlane v8, v2;
	v16 =	vmul.f32 $1.442695020e+00, v12  }
0x1ad: {  	v21 =	vld [tilespmem:s18+$0xFFFFFFF0];
	vm3 =	vgt.f32 v9, $0.0e+00;
	v12 =	vmul.f32 $1.442695020e+00, v10;
	[tilespmem:s14+$0x20] =	vst v8;
	v8 =	vmul.f32 $2.000000030e-01, v14  }
0x1ae: {  	v22 =	vld [tilespmem:s26+$0x10];
	v9 =	vsel vm3, v9, v19;
	v10 =	vmul.f32 $2.000000030e-01, v23;
	v18 =	vmul.f32 v24, v18  }
0x1af: {  	v19 =	vld [tilespmem:s18+$0x20];
	v17 =	vpop (erf);
	vm1 =	vgt.f32 v23, $0.0e+00;
	v25 =	vmul.f32 $1.442695020e+00, v9;
	(erf) = vpow2.f32 v16  }
0x1b0: {  	[tilespmem:s10+$0x10] =	vst v11;
	v27 =	vnsel vm0, $0x0, v17;
	v7 =	vperm.xlane v7, v1;
	v26 =	vpop (erf);
	v13 =	vmul.f32 v13, v20;
	v20 =	vld [tilespmem:s26+$0x0]  }
0x1b1: {  	s28 =	simm.s32 $0x6010;
	v17 =	vld [tilespmem:s26+$0xFFFFFFE0];
	v23 =	vsel vm1, v23, v10;
	vm1 =	vgt.f32 v14, $0.0e+00;
	[tilespmem:s14+$0xFFFFFFC0] =	vst v27;
	v26 =	vnsel vm0, $0x0, v26  }
0x1b2: {  	v10 =	vadd.f32 v7, v21;
	v7 =	vperm.xlane v15, v1;
	v11 =	vld [tilespmem:s28+$0xFFFFFFE0];
	(erf) = vpow2.f32 v25;
	[tilespmem:s10+$0x0] =	vst v26  }
0x1b3: {  	v15 =	vsel vm1, v14, v8;
	v14 =	vperm.xlane v27, v2;
	v63 =	vperm.xlane v22, v1;
	v21 =	vld [tilespmem:s15+$0x0]  }
0x1b4: {  	s30 =	simm.s32 $0xF;
	v9 =	vld [tilespmem:s18+$0xFFFFFFE0];
	v23 =	vmul.f32 $1.442695020e+00, v23;
	v62 =	vpop (erf);
	v16 =	vperm.xlane v26, v2;
	v7 =	vadd.f32 v7, v19  }
0x1b5: {  	s31 =	simm.s32 $0x9F80;
	s24 =	simm.s32 $0x60B0;
	[tilespmem:s10+$0x30] =	vst v13;
	v19 =	vmul.f32 $1.442695020e+00, v15;
	v15 =	vnsel vm0, $0x0, v62;
	v13 =	vperm.xlane v20, v1;
	v20 =	vld [tilespmem:s28+$0x10]  }
0x1b6: {  	s25 =	simm.s32 $0x6060;
	[tilespmem:s10+$0xFFFFFFD0] =	vst v18;
	v8 =	vld [tilespmem:s18+$0x0];
	s26 =	simm.s32 $0xCE90;
	v22 =	vpop (erf);
	vm1 =	vgt.f32 v10, $0.0e+00;
	v18 =	vadd.f32 v63, v28;
	(erf) = vpow2.f32 v23;
	s15 =	simm.s32 $0xCE90  }
.LBB2_9:
0x1b7: {  	v23 =	vld [tilespmem:s31+$0x20];
	s30 =	sadd.s32 $0x5, s30;
	v17 =	vperm.xlane v17, v1;
	s18 =	sadd.s32 $0x50, s18;
	s26 =	sadd.s32 $0xA0, s26;
	v22 =	vnsel vm0, $0x0, v22;
	[tilespmem:s10+$0xFFFFFFB0] =	vst v3;
	v3 =	vmul.f32 v11, v14  }
0x1b8: {  	v14 =	vld [tilespmem:s18+$0xFFFFFFF0];
	p0 =	slt.u32 s30, $0x78;
	(erf) = vpow2.f32 v12;
	v11 =	vpop (erf);
	[tilespmem:s14+$0xFFFFFFE0] =	vst v15;
	v12 =	vmul.f32 v21, v16  }
0x1b9: {  	v21 =	vmul.f32 $2.000000030e-01, v18;
	v16 =	vld [tilespmem:s31+$0xFFFFFFF0];
	v17 =	vadd.f32 v17, v9;
	[tilespmem:s14+$0x40] =	vst v22;
	v22 =	vperm.xlane v22, v2  }
0x1ba: {  	vm2 =	vgt.f32 v18, $0.0e+00;
	v9 =	vnsel vm0, $0x0, v11;
	v11 =	vmul.f32 v20, v6;
	v20 =	vld [tilespmem:s28+$0x20];
	[tilespmem:s10+$0xFFFFFFF0] =	vst v12;
	s10 =	smov.u32 s14;
	s14 =	smov.u32 s15;
	s15 =	smov.u32 s26  }
0x1bb: {  	vm3 =	vgt.f32 v17, $0.0e+00;
	v12 =	vmul.f32 $2.000000030e-01, v17;
	(erf) = vpow2.f32 v19;
	v19 =	vld [tilespmem:s28+$0xFFFFFFF0]  }
0x1bc: {  	v25 =	vmul.f32 $2.000000030e-01, v10;
	v26 =	vadd.f32 v4, v5;
	v6 =	vperm.xlane v9, v2;
	v24 =	vld [tilespmem:s18+$0x20];
	[tilespmem:s14+$0x20] =	vst v9;
	v27 =	vpop (erf)  }
0x1bd: {  	v15 =	vperm.xlane v15, v2;
	v9 =	vld [tilespmem:s18+$0xFFFFFFE0];
	v17 =	vsel vm3, v17, v12;
	v12 =	vsel vm2, v18, v21;
	[tilespmem:s10+$0x10] =	vst v11  }
0x1be: {  	v5 =	vmovc v8;
	v4 =	vmovc v13;
	v18 =	vld [tilespmem:s31+$0x10];
	v21 =	vmul.f32 $1.442695020e+00, v17;
	v17 =	vsel vm1, v10, v25;
	v11 =	vmul.f32 $1.442695020e+00, v12  }
0x1bf: {  	v8 =	vmul.f32 $2.000000030e-01, v26;
	vm1 =	vgt.f32 v26, $0.0e+00;
	v25 =	vld [tilespmem:s18+$0x10];
	v12 =	vmul.f32 $1.442695020e+00, v17;
	v10 =	vpop (erf)  }
0x1c0: {  	v13 =	vnsel vm0, $0x0, v27;
	v20 =	vmul.f32 v20, v22;
	v17 =	vld [tilespmem:s31+$0xFFFFFFE0];
	(erf) = vpow2.f32 v11  }
0x1c1: {  	v30 =	vperm.xlane v16, v1;
	v26 =	vsel vm1, v26, v8;
	v8 =	vnsel vm0, $0x0, v10;
	v27 =	vld [tilespmem:s31+$0x0];
	[tilespmem:s14+$0xFFFFFFC0] =	vst v13;
	v28 =	vpop (erf)  }
0x1c2: {  	v29 =	vmul.f32 $2.000000030e-01, v7;
	vm1 =	vgt.f32 v7, $0.0e+00;
	v16 =	vperm.xlane v8, v2;
	v11 =	vld [tilespmem:s25+$0xFFFFFFE0];
	[tilespmem:s10+$0x0] =	vst v8  }
.Ltmp3:
0x1c3: {  	v23 =	vperm.xlane v23, v1;
	v10 =	vadd.f32 v30, v14;
	v15 =	vmul.f32 v19, v15;
	v8 =	vld [tilespmem:s18+$0x0];
	[tilespmem:s10+$0x30] =	vst v20;
	(pc) =	sbr.rel @p0 .LBB2_9-.Ltmp3, $4  }
0x1c4: {  	v19 =	vsel vm1, v7, v29;
	v14 =	vperm.xlane v13, v2;
	(erf) = vpow2.f32 v21;
	v22 =	vpop (erf);
	v21 =	vld [tilespmem:s28+$0x0];
	s28 =	smov.u32 s25;
	s25 =	smov.u32 s24  }
0x1c5: {  	v7 =	vadd.f32 v23, v24;
	v23 =	vmul.f32 $1.442695020e+00, v26;
	v18 =	vperm.xlane v18, v1;
	v20 =	vld [tilespmem:s28+$0x10];
	[tilespmem:s10+$0xFFFFFFD0] =	vst v15  }
0x1c6: {  	v19 =	vmul.f32 $1.442695020e+00, v19;
	v15 =	vnsel vm0, $0x0, v28;
	v13 =	vperm.xlane v27, v1  }
0x1c7: {  	s31 =	sadd.s32 $0x50, s31;
	vm1 =	vgt.f32 v10, $0.0e+00;
	s24 =	sadd.s32 $0x50, s24;
	v18 =	vadd.f32 v18, v25;
	(erf) = vpow2.f32 v23  }
0x1c8: {  	v17 =	vperm.xlane v17, v1  }
0x1c9: {  	v22 =	vnsel vm0, $0x0, v22  }
0x1ca: {  	(erf) = vpow2.f32 v12;
	v12 =	vmul.f32 v21, v16;
	v9 =	vadd.f32 v17, v9  }
0x1cb: {  	v4 =	vadd.f32 v4, v5;
	v16 =	vpop (erf);
	v21 =	vperm.xlane v22, v2;
	(erf) = vpow2.f32 v19  }
0x1cc: {  	[tilespmem:s14+$0xFFFFFFE0] =	vst v15;
	vm2 =	vgt.f32 v18, $0.0e+00;
	v17 =	vmul.f32 $2.000000030e-01, v18;
	v23 =	vmul.f32 $2.000000030e-01, v9  }
0x1cd: {  	[tilespmem:s10+$0xFFFFFFB0] =	vst v3;
	v19 =	vmul.f32 $2.000000030e-01, v10;
	v3 =	vld [tilespmem:s28+$0xFFFFFFF0];
	v6 =	vmul.f32 v20, v6;
	vm3 =	vgt.f32 v9, $0.0e+00  }
0x1ce: {  	[tilespmem:s14+$0x40] =	vst v22;
	v5 =	vsel vm3, v9, v23;
	v9 =	vsel vm2, v18, v17;
	v17 =	vperm.xlane v15, v2  }
0x1cf: {  	v8 =	vadd.f32 v13, v8;
	v18 =	vmul.f32 $2.000000030e-01, v4;
	v15 =	vld [tilespmem:s28+$0x20];
	v9 =	vmul.f32 $1.442695020e+00, v9  }
0x1d0: {  	v10 =	vsel vm1, v10, v19;
	vm1 =	vgt.f32 v4, $0.0e+00;
	v19 =	vmul.f32 $2.000000030e-01, v7  }
0x1d1: {  	v10 =	vmul.f32 $1.442695020e+00, v10;
	v5 =	vmul.f32 $1.442695020e+00, v5;
	v4 =	vsel vm1, v4, v18  }
0x1d2: {  	v20 =	vpop (erf);
	vm1 =	vgt.f32 v7, $0.0e+00;
	v3 =	vmul.f32 v3, v17;
	(erf) = vpow2.f32 v9  }
0x1d3: {  	[tilespmem:s10+$0xFFFFFFF0] =	vst v12;
	v7 =	vsel vm1, v7, v19;
	v4 =	vmul.f32 $1.442695020e+00, v4;
	v9 =	vpop (erf);
	(erf) = vpow2.f32 v5  }
0x1d4: {  	[tilespmem:s14+$0x10] =	vst v6;
	v5 =	vmul.f32 $1.442695020e+00, v7;
	v6 =	vmul.f32 v15, v21;
	v9 =	vnsel vm0, $0x0, v9  }
0x1d5: {  	v16 =	vnsel vm0, $0x0, v16;
	(erf) = vpow2.f32 v4;
	v4 =	vmul.f32 $2.000000030e-01, v8;
	[tilespmem:s14+$0x0] =	vst v9  }
0x1d6: {  	[tilespmem:s15+$0x20] =	vst v16;
	vm1 =	vgt.f32 v8, $0.0e+00;
	(erf) = vpow2.f32 v10;
	v12 =	vld [tilespmem:s28+$0x0]  }
0x1d7: {  	[tilespmem:s14+$0x30] =	vst v6;
	v6 =	vld [tilespmem:s25+$0x10];
	v9 =	vperm.xlane v9, v2;
	(erf) = vpow2.f32 v5;
	v4 =	vsel vm1, v8, v4  }
0x1d8: {  	[tilespmem:s14+$0xFFFFFFD0] =	vst v3;
	v7 =	vnsel vm0, $0x0, v20;
	v5 =	vmul.f32 v11, v14;
	v8 =	vpop (erf);
	v4 =	vmul.f32 $1.442695020e+00, v4  }
0x1d9: {  	[tilespmem:s15+$0xFFFFFFC0] =	vst v7;
	v3 =	vpop (erf)  }
0x1da: {  	[tilespmem:s14+$0xFFFFFFB0] =	vst v5;
	v3 =	vnsel vm0, $0x0, v3;
	(erf) = vpow2.f32 v4;
	v4 =	vperm.xlane v16, v2  }
0x1db: {  	v8 =	vnsel vm0, $0x0, v8;
	[tilespmem:s15+$0x40] =	vst v3;
	v5 =	vmul.f32 v12, v9  }
0x1dc: {  	[tilespmem:s15+$0xFFFFFFE0] =	vst v8;
	v9 =	vpop (erf);
	v4 =	vmul.f32 v6, v4;
	v6 =	vld [tilespmem:s25+$0x20]  }
0x1dd: {  	s30 =	sadd.s32 $0xA0, s26;
	v9 =	vnsel vm0, $0x0, v9;
	[tilespmem:s14+$0xFFFFFFF0] =	vst v5  }
0x1de: {  	v11 =	vld [tilespmem:s25+$0xFFFFFFF0];
	v10 =	vpop (erf);
	[tilespmem:s30+$0x20] =	vst v9  }
0x1df: {  	v3 =	vperm.xlane v3, v2;
	v12 =	vld [tilespmem:s25+$0xFFFFFFE0];
	[tilespmem:s15+$0x10] =	vst v4;
	v10 =	vnsel vm0, $0x0, v10;
	v5 =	vpop (erf)  }
0x1e0: {  	[tilespmem:s30+$0xFFFFFFC0] =	vst v10;
	v4 =	vpop (erf);
	v5 =	vnsel vm0, $0x0, v5  }
0x1e1: {  	v3 =	vmul.f32 v6, v3;
	v6 =	vld [tilespmem:s24+$0x10];
	[tilespmem:s15+$0x0] =	vst v5;
	v4 =	vnsel vm0, $0x0, v4  }
0x1e2: {  	v7 =	vperm.xlane v7, v2;
	v8 =	vperm.xlane v8, v2;
	v13 =	vpop (erf);
	v14 =	vld [tilespmem:s25+$0x0];
	[tilespmem:s30+$0xFFFFFFE0] =	vst v4  }
0x1e3: {  	v9 =	vperm.xlane v9, v2;
	v13 =	vnsel vm0, $0x0, v13;
	v16 =	vpop (erf);
	[tilespmem:s15+$0x30] =	vst v3;
	v3 =	vld [tilespmem:s24+$0xFFFFFFF0]  }
0x1e4: {  	v8 =	vmul.f32 v11, v8;
	v7 =	vmul.f32 v12, v7;
	v12 =	vld [tilespmem:s24+$0xFFFFFFE0];
	[tilespmem:s30+$0x40] =	vst v13;
	v11 =	vnsel vm0, $0x0, v16  }
0x1e5: {  	v5 =	vperm.xlane v5, v2;
	v4 =	vperm.xlane v4, v2;
	v15 =	vld [tilespmem:s24+$0x20];
	[tilespmem:s30+$0x0] =	vst v11  }
0x1e6: {  	[tilespmem:s15+$0xFFFFFFD0] =	vst v8;
	v8 =	vperm.xlane v13, v2;
	v13 =	vld [tilespmem:s24+$0x0];
	v6 =	vmul.f32 v6, v9  }
0x1e7: {  	[tilespmem:s15+$0xFFFFFFB0] =	vst v7;
	v7 =	vperm.xlane v10, v2;
	v5 =	vmul.f32 v14, v5  }
0x1e8: {  	[tilespmem:s30+$0x10] =	vst v6;
	v3 =	vmul.f32 v3, v4  }
0x1e9: {  	v6 =	vperm.xlane v11, v2;
	v4 =	vmul.f32 v12, v7;
	[tilespmem:s15+$0xFFFFFFF0] =	vst v5  }
0x1ea: {  	v5 =	vmul.f32 v15, v8;
	[tilespmem:s30+$0xFFFFFFD0] =	vst v3  }
0x1eb: {  	v3 =	vmul.f32 v13, v6;
	[tilespmem:s30+$0xFFFFFFB0] =	vst v4  }
0x1ec: {  	[tilespmem:s30+$0x30] =	vst v5  }
0x1ed: {  	s31 =	simm.s32 $0xCD00;
	[tilespmem:s30+$0xFFFFFFF0] =	vst v3  }
0x1ee: {  	[spmem:s12] =	stream.indirect.scatter.add.f32 [tilespmem:s31], [sflag:$0xF], $0x20, s9, s3, $0xb8;
	[tilespmem:$0x17350] =	vst v63  }
0x1ef: {  	p0 =	seq.s32 s4, $0x13;
	_ =	swait.ge [sflag:s19], $0xFA0  }
0x1f0: {  	s10 =	simm.s32 @!p0 $0x7D;
	[sflag:s19] =	ssyncset.done $0x0  }
0x1f1: {  	s14 =	simm.s32 @!p0 $0x5000;
	s9 =	sadd.s32 @!p0 $0x200, s5;
	[sflag:s19] =	ssyncadd.s32 $0xFFFFF060  }
0x1f2: {  	[tilespmem:s14], [sflag:$0x1] =	stream.indirect.gather @!p0 [hbm4b:s1+s10], $0x10, s9, s10, $0xb8;
	[tilespmem:$0x17350] =	vst v63  }
0x1f3: {  	s14 =	simm.s32 @!p0 $0x6F40  }
0x1f4: {  	[tilespmem:s14], [sflag:$0x5] =	stream.indirect.gather @!p0 [spmem:s13], $0x10, s9, s10, $0xb8;
	[tilespmem:$0x17350] =	vst v63  }
0x1f5: {  	s5 =	sadd.s32 @!p0 $0x2A00, s5;
	s9 =	simm.s32 @!p0 $0x8E80  }
0x1f6: {  	[tilespmem:s9], [sflag:$0x9] =	stream.indirect.gather @!p0 [spmem:s13], $0x10, s5, s10, $0xb8;
	[tilespmem:$0x17350] =	vst v63  }
0x1f7: {  	_ =	swait.ge [sflag:s20], $0x7D0  }
0x1f8: {  	[sflag:s20] =	ssyncset.done $0x0  }
0x1f9: {  	[sflag:s20] =	ssyncadd.s32 $0xFFFFF830  }
0x1fa: {  	_ =	swait.ge [sflag:s2], $0x7D0  }
0x1fb: {  	[sflag:s2] =	ssyncset.done $0x0  }
0x1fc: {  	[sflag:s2] =	ssyncadd.s32 $0xFFFFF830  }
0x1fd: {  	_ =	swait.ge [sflag:s11], $0x7D0  }
0x1fe: {  	[sflag:s11] =	ssyncset.done $0x0  }
0x1ff: {  	s14 =	simm.s32 $0xA610;
	[sflag:s11] =	ssyncadd.s32 $0xFFFFF830  }
0x200: {  	s15 =	simm.s32 $0x86D0;
	v3 =	vld [tilespmem:s14+$0x10]  }
0x201: {  	v4 =	vld [tilespmem:s15+$0x10]  }
0x202: {  	v5 =	vld [tilespmem:s14+$0x20]  }
0x203: {  	v7 =	vld [tilespmem:s14+$0xFFFFFFE0]  }
0x204: {  	v8 =	vld [tilespmem:s14+$0xFFFFFFF0]  }
0x205: {  	s25 =	simm.s32 $0xA6B0;
	v9 =	vld [tilespmem:s15+$0xFFFFFFE0]  }
0x206: {  	s18 =	simm.s32 $0xA660;
	v16 =	vld [tilespmem:s25+$0xFFFFFFF0]  }
0x207: {  	s26 =	simm.s32 $0x8770;
	v14 =	vld [tilespmem:s18+$0x10]  }
0x208: {  	v17 =	vld [tilespmem:s26+$0xFFFFFFF0];
	v3 =	vperm.xlane v3, v1  }
0x209: {  	v12 =	vld [tilespmem:s18+$0x20]  }
0x20a: {  	v6 =	vld [tilespmem:s15+$0xFFFFFFF0];
	v7 =	vperm.xlane v7, v1;
	v3 =	vadd.f32 v3, v4  }
0x20b: {  	v8 =	vperm.xlane v8, v1;
	v16 =	vperm.xlane v16, v1;
	v4 =	vld [tilespmem:s15+$0x20]  }
0x20c: {  	s24 =	simm.s32 $0x8720;
	v10 =	vld [tilespmem:s14+$0x0];
	v5 =	vperm.xlane v5, v1;
	v7 =	vadd.f32 v7, v9;
	v11 =	vmul.f32 $2.000000030e-01, v3  }
0x20d: {  	v13 =	vld [tilespmem:s24+$0xFFFFFFF0];
	v14 =	vperm.xlane v14, v1;
	v16 =	vadd.f32 v16, v17;
	vm1 =	vgt.f32 v3, $0.0e+00  }
0x20e: {  	v12 =	vperm.xlane v12, v1;
	v9 =	vmul.f32 $2.000000030e-01, v7;
	v3 =	vsel vm1, v3, v11;
	v11 =	vld [tilespmem:s18+$0xFFFFFFF0]  }
0x20f: {  	v15 =	vld [tilespmem:s18+$0xFFFFFFE0];
	v6 =	vadd.f32 v8, v6;
	v22 =	vmul.f32 $2.000000030e-01, v16;
	vm1 =	vgt.f32 v7, $0.0e+00  }
0x210: {  	v3 =	vmul.f32 $1.442695020e+00, v3;
	v4 =	vadd.f32 v5, v4;
	v5 =	vsel vm1, v7, v9;
	v7 =	vld [tilespmem:s24+$0x10]  }
0x211: {  	v8 =	vld [tilespmem:s24+$0xFFFFFFE0];
	v9 =	vperm.xlane v10, v1;
	v5 =	vmul.f32 $1.442695020e+00, v5  }
0x212: {  	vm2 =	vgt.f32 v6, $0.0e+00;
	(erf) = vpow2.f32 v3;
	v3 =	vmul.f32 $2.000000030e-01, v6  }
0x213: {  	vm1 =	vgt.f32 v4, $0.0e+00;
	v10 =	vperm.xlane v11, v1;
	v11 =	vmul.f32 $2.000000030e-01, v4  }
0x214: {  	(erf) = vpow2.f32 v5;
	v5 =	vperm.xlane v15, v1;
	v3 =	vsel vm2, v6, v3  }
0x215: {  	v6 =	vld [tilespmem:s18+$0x0];
	v3 =	vmul.f32 $1.442695020e+00, v3;
	v7 =	vadd.f32 v14, v7;
	v4 =	vsel vm1, v4, v11  }
0x216: {  	v5 =	vadd.f32 v5, v8;
	v10 =	vadd.f32 v10, v13;
	v13 =	vld [tilespmem:s15+$0x0];
	v4 =	vmul.f32 $1.442695020e+00, v4  }
0x217: {  	v14 =	vld [tilespmem:s25+$0x20];
	(erf) = vpow2.f32 v3;
	v11 =	vmul.f32 $2.000000030e-01, v7;
	vm2 =	vgt.f32 v7, $0.0e+00  }
0x218: {  	v8 =	vld [tilespmem:s24+$0x20];
	v15 =	vmul.f32 $2.000000030e-01, v5;
	vm3 =	vgt.f32 v5, $0.0e+00;
	vm1 =	vgt.f32 v10, $0.0e+00  }
0x219: {  	v18 =	vld [tilespmem:s26+$0x10];
	(erf) = vpow2.f32 v4;
	v4 =	vmul.f32 $2.000000030e-01, v10;
	v7 =	vsel vm2, v7, v11  }
0x21a: {  	v6 =	vperm.xlane v6, v1;
	v11 =	vld [tilespmem:s26+$0x20];
	v5 =	vsel vm3, v5, v15;
	v7 =	vmul.f32 $1.442695020e+00, v7  }
0x21b: {  	v19 =	vld [tilespmem:s25+$0xFFFFFFE0];
	v5 =	vmul.f32 $1.442695020e+00, v5;
	v3 =	vpop (erf);
	v9 =	vadd.f32 v9, v13;
	v4 =	vsel vm1, v10, v4  }
0x21c: {  	v14 =	vperm.xlane v14, v1;
	v10 =	vld [tilespmem:s25+$0x10];
	v3 =	vnsel vm0, $0x0, v3;
	v15 =	vmul.f32 $1.442695020e+00, v4  }
0x21d: {  	s5 =	simm.s32 $0xDCF0;
	v4 =	vadd.f32 v12, v8;
	v8 =	vpop (erf);
	(erf) = vpow2.f32 v7;
	v7 =	vld [tilespmem:s25+$0x0];
	v12 =	vmul.f32 $2.000000030e-01, v9  }
0x21e: {  	s30 =	simm.s32 $0x6790;
	v17 =	vld [tilespmem:s26+$0xFFFFFFE0];
	v13 =	vperm.xlane v3, v2;
	vm1 =	vgt.f32 v9, $0.0e+00;
	v8 =	vnsel vm0, $0x0, v8;
	[tilespmem:s5+$0x20] =	vst v3  }
0x21f: {  	[tilespmem:s5+$0xFFFFFFC0] =	vst v8;
	v14 =	vadd.f32 v14, v11;
	v11 =	vld [tilespmem:s30+$0x10];
	v9 =	vsel vm1, v9, v12;
	v12 =	vmul.f32 $2.000000030e-01, v4  }
0x220: {  	(erf) = vpow2.f32 v5;
	v8 =	vperm.xlane v8, v2;
	vm1 =	vgt.f32 v4, $0.0e+00;
	v20 =	vld [tilespmem:s30+$0xFFFFFFE0]  }
0x221: {  	v5 =	vperm.xlane v10, v1;
	v10 =	vpop (erf);
	v9 =	vmul.f32 $1.442695020e+00, v9;
	v3 =	vsel vm1, v4, v12  }
0x222: {  	v4 =	vperm.xlane v7, v1;
	v10 =	vnsel vm0, $0x0, v10;
	v7 =	vmul.f32 $1.442695020e+00, v3  }
0x223: {  	s18 =	simm.s32 $0x87C0;
	vm1 =	vgt.f32 v16, $0.0e+00;
	v12 =	vld [tilespmem:s24+$0x0];
	v21 =	vpop (erf);
	(erf) = vpow2.f32 v9;
	v9 =	vperm.xlane v19, v1  }
0x224: {  	v28 =	vld [tilespmem:s18+$0x10];
	v18 =	vadd.f32 v5, v18;
	(erf) = vpow2.f32 v15;
	v11 =	vmul.f32 v11, v13  }
0x225: {  	v5 =	vld [tilespmem:s26+$0x0];
	[tilespmem:s5+$0xFFFFFFE0] =	vst v10;
	v3 =	vmul.f32 v20, v8;
	v8 =	vnsel vm0, $0x0, v21;
	v9 =	vadd.f32 v9, v17  }
0x226: {  	s31 =	simm.s32 $0xA700;
	v24 =	vld [tilespmem:s30+$0xFFFFFFF0];
	v17 =	vmul.f32 $2.000000030e-01, v18;
	vm2 =	vgt.f32 v18, $0.0e+00;
	(erf) = vpow2.f32 v7;
	v19 =	vpop (erf)  }
0x227: {  	v7 =	vld [tilespmem:s31+$0xFFFFFFF0];
	v20 =	vperm.xlane v8, v2;
	[tilespmem:s5+$0x40] =	vst v8;
	v8 =	vnsel vm0, $0x0, v19;
	v19 =	vmul.f32 $2.000000030e-01, v9  }
0x228: {  	v13 =	vld [tilespmem:s30+$0x20];
	v23 =	vadd.f32 v6, v12;
	v12 =	vsel vm2, v18, v17;
	v18 =	vperm.xlane v10, v2  }
0x229: {  	s9 =	simm.s32 $0xDD90;
	v15 =	vld [tilespmem:s31+$0x20];
	v10 =	vsel vm1, v16, v22;
	v6 =	vperm.xlane v8, v2;
	v16 =	vmul.f32 $1.442695020e+00, v12  }
0x22a: {  	v21 =	vld [tilespmem:s18+$0xFFFFFFF0];
	vm3 =	vgt.f32 v9, $0.0e+00;
	v12 =	vmul.f32 $1.442695020e+00, v10;
	[tilespmem:s9+$0x20] =	vst v8;
	v8 =	vmul.f32 $2.000000030e-01, v14  }
0x22b: {  	v22 =	vld [tilespmem:s31+$0x10];
	v9 =	vsel vm3, v9, v19;
	v10 =	vmul.f32 $2.000000030e-01, v23;
	v18 =	vmul.f32 v24, v18  }
0x22c: {  	v19 =	vld [tilespmem:s18+$0x20];
	v17 =	vpop (erf);
	vm1 =	vgt.f32 v23, $0.0e+00;
	v25 =	vmul.f32 $1.442695020e+00, v9;
	(erf) = vpow2.f32 v16  }
0x22d: {  	[tilespmem:s5+$0x10] =	vst v11;
	v27 =	vnsel vm0, $0x0, v17;
	v7 =	vperm.xlane v7, v1;
	v26 =	vpop (erf);
	v13 =	vmul.f32 v13, v20;
	v20 =	vld [tilespmem:s31+$0x0]  }
0x22e: {  	s25 =	simm.s32 $0x67E0;
	v17 =	vld [tilespmem:s31+$0xFFFFFFE0];
	v23 =	vsel vm1, v23, v10;
	vm1 =	vgt.f32 v14, $0.0e+00;
	[tilespmem:s9+$0xFFFFFFC0] =	vst v27;
	v26 =	vnsel vm0, $0x0, v26  }
0x22f: {  	v10 =	vadd.f32 v7, v21;
	v7 =	vperm.xlane v15, v1;
	v11 =	vld [tilespmem:s25+$0xFFFFFFE0];
	(erf) = vpow2.f32 v25;
	[tilespmem:s5+$0x0] =	vst v26  }
0x230: {  	v15 =	vsel vm1, v14, v8;
	v14 =	vperm.xlane v27, v2;
	v63 =	vperm.xlane v22, v1;
	v21 =	vld [tilespmem:s30+$0x0]  }
0x231: {  	s28 =	simm.s32 $0xA750;
	v9 =	vld [tilespmem:s18+$0xFFFFFFE0];
	v23 =	vmul.f32 $1.442695020e+00, v23;
	v62 =	vpop (erf);
	v16 =	vperm.xlane v26, v2;
	v7 =	vadd.f32 v7, v19  }
0x232: {  	s10 =	simm.s32 $0xDE30;
	s14 =	simm.s32 $0x6880;
	[tilespmem:s5+$0x30] =	vst v13;
	v19 =	vmul.f32 $1.442695020e+00, v15;
	v15 =	vnsel vm0, $0x0, v62;
	v13 =	vperm.xlane v20, v1;
	v20 =	vld [tilespmem:s25+$0x10]  }
0x233: {  	s15 =	simm.s32 $0x6830;
	s24 =	simm.s32 $0xDE30;
	s26 =	simm.s32 $0xF;
	[tilespmem:s5+$0xFFFFFFD0] =	vst v18;
	v8 =	vld [tilespmem:s18+$0x0];
	v22 =	vpop (erf);
	vm1 =	vgt.f32 v10, $0.0e+00;
	v18 =	vadd.f32 v63, v28;
	(erf) = vpow2.f32 v23  }
.LBB2_11:
0x234: {  	v23 =	vld [tilespmem:s28+$0x20];
	s26 =	sadd.s32 $0x5, s26;
	v17 =	vperm.xlane v17, v1;
	s18 =	sadd.s32 $0x50, s18;
	s24 =	sadd.s32 $0xA0, s24;
	v22 =	vnsel vm0, $0x0, v22;
	[tilespmem:s5+$0xFFFFFFB0] =	vst v3;
	v3 =	vmul.f32 v11, v14  }
0x235: {  	v14 =	vld [tilespmem:s18+$0xFFFFFFF0];
	p0 =	slt.u32 s26, $0x78;
	(erf) = vpow2.f32 v12;
	v11 =	vpop (erf);
	[tilespmem:s9+$0xFFFFFFE0] =	vst v15;
	v12 =	vmul.f32 v21, v16  }
0x236: {  	v21 =	vmul.f32 $2.000000030e-01, v18;
	v16 =	vld [tilespmem:s28+$0xFFFFFFF0];
	v17 =	vadd.f32 v17, v9;
	[tilespmem:s9+$0x40] =	vst v22;
	v22 =	vperm.xlane v22, v2  }
0x237: {  	vm2 =	vgt.f32 v18, $0.0e+00;
	v9 =	vnsel vm0, $0x0, v11;
	v11 =	vmul.f32 v20, v6;
	v20 =	vld [tilespmem:s25+$0x20];
	[tilespmem:s5+$0xFFFFFFF0] =	vst v12;
	s5 =	smov.u32 s9;
	s9 =	smov.u32 s10;
	s10 =	smov.u32 s24  }
0x238: {  	vm3 =	vgt.f32 v17, $0.0e+00;
	v12 =	vmul.f32 $2.000000030e-01, v17;
	(erf) = vpow2.f32 v19;
	v19 =	vld [tilespmem:s25+$0xFFFFFFF0]  }
0x239: {  	v25 =	vmul.f32 $2.000000030e-01, v10;
	v26 =	vadd.f32 v4, v5;
	v6 =	vperm.xlane v9, v2;
	v24 =	vld [tilespmem:s18+$0x20];
	[tilespmem:s9+$0x20] =	vst v9;
	v27 =	vpop (erf)  }
0x23a: {  	v15 =	vperm.xlane v15, v2;
	v9 =	vld [tilespmem:s18+$0xFFFFFFE0];
	v17 =	vsel vm3, v17, v12;
	v12 =	vsel vm2, v18, v21;
	[tilespmem:s5+$0x10] =	vst v11  }
0x23b: {  	v5 =	vmovc v8;
	v4 =	vmovc v13;
	v18 =	vld [tilespmem:s28+$0x10];
	v21 =	vmul.f32 $1.442695020e+00, v17;
	v17 =	vsel vm1, v10, v25;
	v11 =	vmul.f32 $1.442695020e+00, v12  }
0x23c: {  	v8 =	vmul.f32 $2.000000030e-01, v26;
	vm1 =	vgt.f32 v26, $0.0e+00;
	v25 =	vld [tilespmem:s18+$0x10];
	v12 =	vmul.f32 $1.442695020e+00, v17;
	v10 =	vpop (erf)  }
0x23d: {  	v13 =	vnsel vm0, $0x0, v27;
	v20 =	vmul.f32 v20, v22;
	v17 =	vld [tilespmem:s28+$0xFFFFFFE0];
	(erf) = vpow2.f32 v11  }
0x23e: {  	v30 =	vperm.xlane v16, v1;
	v26 =	vsel vm1, v26, v8;
	v8 =	vnsel vm0, $0x0, v10;
	v27 =	vld [tilespmem:s28+$0x0];
	[tilespmem:s9+$0xFFFFFFC0] =	vst v13;
	v28 =	vpop (erf)  }
0x23f: {  	v29 =	vmul.f32 $2.000000030e-01, v7;
	vm1 =	vgt.f32 v7, $0.0e+00;
	v16 =	vperm.xlane v8, v2;
	v11 =	vld [tilespmem:s15+$0xFFFFFFE0];
	[tilespmem:s5+$0x0] =	vst v8  }
.Ltmp4:
0x240: {  	v23 =	vperm.xlane v23, v1;
	v10 =	vadd.f32 v30, v14;
	v15 =	vmul.f32 v19, v15;
	v8 =	vld [tilespmem:s18+$0x0];
	[tilespmem:s5+$0x30] =	vst v20;
	(pc) =	sbr.rel @p0 .LBB2_11-.Ltmp4, $4  }
0x241: {  	v19 =	vsel vm1, v7, v29;
	v14 =	vperm.xlane v13, v2;
	(erf) = vpow2.f32 v21;
	v22 =	vpop (erf);
	v21 =	vld [tilespmem:s25+$0x0];
	s25 =	smov.u32 s15;
	s15 =	smov.u32 s14  }
0x242: {  	v7 =	vadd.f32 v23, v24;
	v23 =	vmul.f32 $1.442695020e+00, v26;
	v18 =	vperm.xlane v18, v1;
	v20 =	vld [tilespmem:s25+$0x10];
	[tilespmem:s5+$0xFFFFFFD0] =	vst v15  }
0x243: {  	v19 =	vmul.f32 $1.442695020e+00, v19;
	v15 =	vnsel vm0, $0x0, v28;
	v13 =	vperm.xlane v27, v1  }
0x244: {  	s28 =	sadd.s32 $0x50, s28;
	vm1 =	vgt.f32 v10, $0.0e+00;
	s14 =	sadd.s32 $0x50, s14;
	v18 =	vadd.f32 v18, v25;
	(erf) = vpow2.f32 v23  }
0x245: {  	v17 =	vperm.xlane v17, v1  }
0x246: {  	(erf) = vpow2.f32 v12;
	v28 =	vmul.f32 $2.000000030e-01, v10  }
0x247: {  	v62 =	vnsel vm0, $0x0, v22;
	v30 =	vperm.xlane v15, v2;
	[tilespmem:s9+$0xFFFFFFE0] =	vst v15;
	v33 =	vmul.f32 $2.000000030e-01, v7  }
0x248: {  	v4 =	vadd.f32 v4, v5;
	[tilespmem:s5+$0xFFFFFFB0] =	vst v3;
	v40 =	vmul.f32 v11, v14;
	v25 =	vpop (erf);
	(erf) = vpow2.f32 v19;
	v3 =	vld [tilespmem:s25+$0xFFFFFFF0]  }
0x249: {  	v24 =	vmul.f32 v21, v16;
	v26 =	vmul.f32 $2.000000030e-01, v18;
	v9 =	vadd.f32 v17, v9  }
0x24a: {  	v8 =	vadd.f32 v13, v8;
	v27 =	vperm.xlane v62, v2;
	v6 =	vmul.f32 v20, v6  }
0x24b: {  	v16 =	vnsel vm0, $0x0, v25;
	v10 =	vsel vm1, v10, v28;
	v63 =	vmul.f32 $2.000000030e-01, v9  }
0x24c: {  	v31 =	vmul.f32 $2.000000030e-01, v4;
	vm1 =	vgt.f32 v4, $0.0e+00;
	vm2 =	vgt.f32 v9, $0.0e+00  }
0x24d: {  	v9 =	vsel vm2, v9, v63;
	vm2 =	vgt.f32 v18, $0.0e+00;
	v3 =	vmul.f32 v3, v30  }
0x24e: {  	[tilespmem:s9+$0x40] =	vst v62;
	v37 =	vmul.f32 $2.000000030e-01, v8;
	v10 =	vmul.f32 $1.442695020e+00, v10;
	v34 =	vpop (erf);
	v29 =	vsel vm2, v18, v26  }
0x24f: {  	[tilespmem:s9+$0xFFFFFFB0] =	vst v40;
	v4 =	vsel vm1, v4, v31;
	vm1 =	vgt.f32 v7, $0.0e+00;
	v5 =	vmul.f32 $1.442695020e+00, v29;
	v35 =	vpop (erf)  }
0x250: {  	v32 =	vld [tilespmem:s25+$0x20];
	[tilespmem:s10+$0x20] =	vst v16;
	v43 =	vperm.xlane v16, v2;
	v7 =	vsel vm1, v7, v33;
	v9 =	vmul.f32 $1.442695020e+00, v9;
	v42 =	vpop (erf)  }
0x251: {  	v4 =	vmul.f32 $1.442695020e+00, v4;
	[tilespmem:s9+$0xFFFFFFD0] =	vst v3;
	(erf) = vpow2.f32 v5;
	v5 =	vnsel vm0, $0x0, v35;
	v3 =	vpop (erf)  }
0x252: {  	v41 =	vld [tilespmem:s15+$0x10];
	vm1 =	vgt.f32 v8, $0.0e+00;
	(erf) = vpow2.f32 v9;
	[tilespmem:s9+$0x0] =	vst v5;
	v3 =	vnsel vm0, $0x0, v3  }
0x253: {  	v7 =	vmul.f32 $1.442695020e+00, v7;
	(erf) = vpow2.f32 v4;
	v39 =	vld [tilespmem:s25+$0x0];
	v4 =	vsel vm1, v8, v37;
	[tilespmem:s10+$0x40] =	vst v3  }
0x254: {  	[tilespmem:s5+$0xFFFFFFF0] =	vst v24;
	(erf) = vpow2.f32 v10;
	v4 =	vmul.f32 $1.442695020e+00, v4;
	v46 =	vld [tilespmem:s15+$0x20]  }
0x255: {  	[tilespmem:s9+$0x10] =	vst v6;
	v36 =	vnsel vm0, $0x0, v34;
	v38 =	vmul.f32 v32, v27;
	(erf) = vpow2.f32 v7  }
0x256: {  	[tilespmem:s10+$0xFFFFFFC0] =	vst v36;
	v5 =	vperm.xlane v5, v2;
	(erf) = vpow2.f32 v4  }
0x257: {  	[tilespmem:s9+$0x30] =	vst v38;
	v8 =	vnsel vm0, $0x0, v42;
	v3 =	vperm.xlane v3, v2;
	v4 =	vmul.f32 v41, v43  }
0x258: {  	[tilespmem:s10+$0xFFFFFFE0] =	vst v8;
	v5 =	vmul.f32 v39, v5  }
0x259: {  	[tilespmem:s10+$0x10] =	vst v4;
	v3 =	vmul.f32 v46, v3  }
0x25a: {  	v44 =	vpop (erf);
	[tilespmem:s9+$0xFFFFFFF0] =	vst v5  }
0x25b: {  	s30 =	sadd.s32 $0xA0, s24;
	v50 =	vld [tilespmem:s15+$0xFFFFFFE0];
	v45 =	vpop (erf);
	v7 =	vnsel vm0, $0x0, v44;
	[tilespmem:s10+$0x30] =	vst v3  }
0x25c: {  	v48 =	vld [tilespmem:s15+$0xFFFFFFF0];
	[tilespmem:s30+$0x20] =	vst v7;
	v47 =	vpop (erf);
	v10 =	vnsel vm0, $0x0, v45  }
0x25d: {  	v49 =	vpop (erf);
	v5 =	vnsel vm0, $0x0, v47;
	[tilespmem:s30+$0xFFFFFFC0] =	vst v10;
	v53 =	vld [tilespmem:s14+$0x10]  }
0x25e: {  	v9 =	vperm.xlane v36, v2;
	[tilespmem:s10+$0x0] =	vst v5;
	v51 =	vpop (erf);
	v4 =	vnsel vm0, $0x0, v49;
	v57 =	vld [tilespmem:s14+$0xFFFFFFE0]  }
0x25f: {  	v8 =	vperm.xlane v8, v2;
	v52 =	vld [tilespmem:s15+$0x0];
	v13 =	vnsel vm0, $0x0, v51;
	[tilespmem:s30+$0xFFFFFFE0] =	vst v4;
	v55 =	vpop (erf)  }
0x260: {  	v9 =	vmul.f32 v50, v9;
	v7 =	vperm.xlane v7, v2;
	[tilespmem:s30+$0x40] =	vst v13;
	v3 =	vld [tilespmem:s14+$0xFFFFFFF0];
	v56 =	vnsel vm0, $0x0, v55  }
0x261: {  	v8 =	vmul.f32 v48, v8;
	v60 =	vperm.xlane v10, v2;
	v54 =	vld [tilespmem:s14+$0x20];
	[tilespmem:s30+$0x0] =	vst v56  }
0x262: {  	[tilespmem:s10+$0xFFFFFFB0] =	vst v9;
	v5 =	vperm.xlane v5, v2;
	v59 =	vld [tilespmem:s14+$0x0];
	v6 =	vmul.f32 v53, v7  }
0x263: {  	[tilespmem:s10+$0xFFFFFFD0] =	vst v8;
	v4 =	vperm.xlane v4, v2;
	v63 =	vmul.f32 v57, v60  }
0x264: {  	s4 =	sadd.s32 $0x1, s4;
	v58 =	vperm.xlane v13, v2;
	v5 =	vmul.f32 v52, v5;
	[tilespmem:s30+$0x10] =	vst v6  }
0x265: {  	p0 =	sne.s32 s4, $0x14;
	v62 =	vperm.xlane v56, v2;
	v3 =	vmul.f32 v3, v4;
	[tilespmem:s30+$0xFFFFFFB0] =	vst v63  }
.Ltmp5:
0x266: {  	[tilespmem:s10+$0xFFFFFFF0] =	vst v5;
	v61 =	vmul.f32 v54, v58;
	(pc) =	sbr.rel @p0 .LBB2_4-.Ltmp5, $4  }
0x267: {  	[tilespmem:s30+$0xFFFFFFD0] =	vst v3;
	v3 =	vmul.f32 v59, v62  }
0x268: {  	[tilespmem:s30+$0x30] =	vst v61  }
0x269: {  	s31 =	simm.s32 $0xDCA0;
	[tilespmem:s30+$0xFFFFFFF0] =	vst v3  }
0x26a: {  	[spmem:s12] =	stream.indirect.scatter.add.f32 [tilespmem:s31], [sflag:$0x10], $0x20, s6, s3, $0xb8;
	[tilespmem:$0x17350] =	vst v63  }
0x26b: {  	s4 =	simm.s32 $0xE  }
0x26c: {  	_ =	swait.ge [sflag:s4], $0xFA0  }
0x26d: {  	[sflag:s4] =	ssyncset.done $0x0  }
0x26e: {  	s31 =	simm.s32 $0xF;
	[sflag:s4] =	ssyncadd.s32 $0xFFFFF060  }
0x26f: {  	_ =	swait.ge [sflag:s31], $0xFA0  }
0x270: {  	[sflag:s31] =	ssyncset.done $0x0  }
0x271: {  	s5 =	simm.s32 $0x10;
	[sflag:s31] =	ssyncadd.s32 $0xFFFFF060  }
0x272: {  	_ =	swait.ge [sflag:s5], $0xFA0  }
0x273: {  	[sflag:s5] =	ssyncset.done $0x0  }
0x274: {  	[sflag:s5] =	ssyncadd.s32 $0xFFFFF060  }
0x275: {  	[bflag:$0x0] =	sbarrier.arrive $0xFFFF  }
0x276: {  	s15 =	simm.s32 $0xEC40;
	s25 =	simm.s32 $0x11;
	s18 =	rddreg [dreg:$0xf]  }
0x277: {  	[tilespmem:s15], [sflag:$0x11] =	stream.linear.gather [spmem:s18], $0x1000, $0x38;
	[tilespmem:$0x17350] =	vst v63  }
0x278: {  	_ =	swait.ge [sflag:s25], $0x1000  }
0x279: {  	[sflag:s25] =	ssyncset.done $0x0  }
0x27a: {  	s6 =	simm.s32 $0x0;
	s5 =	rddreg [dreg:$0xa];
	[sflag:s25] =	ssyncadd.s32 $0xFFFFF000  }
0x27b: {  	[hbm4b:s5+s6] =	stream.linear.scatter [tilespmem:s15], [sflag:$0x11], $0x1000, $0x38;
	[tilespmem:$0x17350] =	vst v63  }
0x27c: {  	_ =	swait.ge [sflag:s25], $0x1000  }
0x27d: {  	[sflag:s25] =	ssyncset.done $0x0  }
0x27e: {  	s24 =	rddreg [dreg:$0x10];
	[sflag:s25] =	ssyncadd.s32 $0xFFFFF000  }
0x27f: {  	[tilespmem:s15], [sflag:$0x11] =	stream.linear.gather [spmem:s24], $0x1000, $0x38;
	[tilespmem:$0x17350] =	vst v63  }
0x280: {  	_ =	swait.ge [sflag:s25], $0x1000  }
0x281: {  	[sflag:s25] =	ssyncset.done $0x0  }
0x282: {  	s10 =	rddreg [dreg:$0xb];
	[sflag:s25] =	ssyncadd.s32 $0xFFFFF000  }
0x283: {  	[hbm4b:s10+s6] =	stream.linear.scatter [tilespmem:s15], [sflag:$0x11], $0x1000, $0x38;
	[tilespmem:$0x17350] =	vst v63  }
0x284: {  	_ =	swait.ge [sflag:s25], $0x1000  }
0x285: {  	[sflag:s25] =	ssyncset.done $0x0  }
0x286: {  	s9 =	rddreg [dreg:$0x11];
	[sflag:s25] =	ssyncadd.s32 $0xFFFFF000  }
0x287: {  	[tilespmem:s15], [sflag:$0x11] =	stream.linear.gather [spmem:s9], $0x1000, $0x38;
	[tilespmem:$0x17350] =	vst v63  }
0x288: {  	_ =	swait.ge [sflag:s25], $0x1000  }
0x289: {  	[sflag:s25] =	ssyncset.done $0x0  }
0x28a: {  	s14 =	rddreg [dreg:$0xc];
	[sflag:s25] =	ssyncadd.s32 $0xFFFFF000  }
0x28b: {  	[hbm4b:s14+s6] =	stream.linear.scatter [tilespmem:s15], [sflag:$0x11], $0x1000, $0x38;
	[tilespmem:$0x17350] =	vst v63  }
0x28c: {  	_ =	swait.ge [sflag:s25], $0x1000  }
0x28d: {  	[sflag:s25] =	ssyncset.done $0x0  }
0x28e: {  	s10 =	rddreg [dreg:$0x12];
	[sflag:s25] =	ssyncadd.s32 $0xFFFFF000  }
0x28f: {  	[tilespmem:s15], [sflag:$0x11] =	stream.linear.gather [spmem:s10], $0x1000, $0x38;
	[tilespmem:$0x17350] =	vst v63  }
0x290: {  	_ =	swait.ge [sflag:s25], $0x1000  }
0x291: {  	[sflag:s25] =	ssyncset.done $0x0  }
0x292: {  	s26 =	rddreg [dreg:$0xd];
	[sflag:s25] =	ssyncadd.s32 $0xFFFFF000  }
0x293: {  	[hbm4b:s26+s6] =	stream.linear.scatter [tilespmem:s15], [sflag:$0x11], $0x1000, $0x38;
	[tilespmem:$0x17350] =	vst v63  }
0x294: {  	_ =	swait.ge [sflag:s25], $0x1000  }
0x295: {  	[sflag:s25] =	ssyncset.done $0x0  }
0x296: {  	s14 =	rddreg [dreg:$0x13];
	[sflag:s25] =	ssyncadd.s32 $0xFFFFF000  }
0x297: {  	[tilespmem:s15], [sflag:$0x11] =	stream.linear.gather [spmem:s14], $0x1000, $0x38;
	[tilespmem:$0x17350] =	vst v63  }
0x298: {  	_ =	swait.ge [sflag:s25], $0x1000  }
0x299: {  	[sflag:s25] =	ssyncset.done $0x0  }
0x29a: {  	s28 =	rddreg [dreg:$0xe];
	[sflag:s25] =	ssyncadd.s32 $0xFFFFF000  }
0x29b: {  	[hbm4b:s28+s6] =	stream.linear.scatter [tilespmem:s15], [sflag:$0x11], $0x1000, $0x38;
	[tilespmem:$0x17350] =	vst v63  }
0x29c: {  	_ =	swait.ge [sflag:s25], $0x1000  }
0x29d: {  	s30 =	rddreg [dreg:$0x1c]  }
0x29e: {  	s31 =	rddreg [dreg:$0x1b];
	s5 =	sadd.s32 $0x1, s30  }
0x29f: {  	p0 =	sne.s32 s5, s31  }
.Ltmp6:
0x2a0: {  	_ = 	snop;
	(pc) =	sbr.rel @p0 .LBB2_1-.Ltmp6, $3  }
0x2a1: {  	_ =	sdelay $0x1  }
0x2a2: {  	[sflag:s25] =	ssyncset.done $0x0  }
0x2a3: {  	[sflag:s25] =	ssyncadd.s32 $0xFFFFF000  }
0x2a4: {  	_ =	sfence.sel $0x180000  }
0x2a5: {  	[bflag:$0x0] =	sbarrier.arrive $0xFFFF  }
0x2a6: {  	_ =	strace $0x9000004A  }
0x2a7: {  	s0 =	stileid.u32;
	[bflag:$0x2] =	sbarrier.arrive $0xFFFF  }
0x2a8: {  	p0 =	sne.s32 s0, $0x0;
	s0 =	rddreg [dreg:$0x4]  }
0x2a9: {  	s0 =	sadd.s32 @!p0 $0x100000, s0  }
0x2aa: {  	[sflag:s0] =	ssyncadd.tile.s32 @!p0 $0x1;
	_ =	shalt  }
.Lfunc_end2:
_tile_overlayer_lowered:
.L_overlay_start_2:
0x2ab: {  	(tag) =	ssettag $0x2  }
0x2ac: {  	s0 =	rddreg [dreg:$0x0];
	s2 =	stileid.u32  }
0x2ad: {  	s1 =	rddreg [dreg:$0x1];
	p0 =	sne.s32 s2, $0x0  }
0x2ae: {  	s3 =	rddreg [dreg:$0x2];
	[bflag:$0x3] =	sbarrier.arrive $0xFFFF;
	s2 =	simm.s32 @!p0 $0x1C11  }
0x2af: {  	[timem:s3], [sflag:s2] =	dma.local @!p0 [hbm:s0], s1  }
0x2b0: {  	s0 =	simm.s32 @!p0 $0x11  }
0x2b1: {  	_ =	swait.ge @!p0 [sflag:s0], s1  }
0x2b2: {  	s1 =	ssub.s32 @!p0 $0x0, s1;
	[sflag:s0] =	ssyncset.done @!p0 $0x0  }
0x2b3: {  	[sflag:s0] =	ssyncadd.s32 @!p0 s1  }
0x2b4: {  	[bflag:$0x3] =	sbarrier.arrive $0xFFFF  }
0x2b5: {  	_ =	shalt  }

// kernel: kernel.7.cloned.1.call-start
scs
__scs_entry_jumppad:
0x0: {  	(pc) =	sbr.rel $0x88, $3  }
0x1: {  	(tag) =	ssettag $0x0;
	lr =	simm.s32 $0x1  }
0x2: {  	[smem:$0x3F97] =	sst lr;
	_ =	strace $0xD0000000  }
0x3: {  	_ = 	snop  }
0x4: {  	_ = 	snop  }
0x5: {  	_ = 	snop  }
0x6: {  	_ = 	snop  }
0x7: {  	_ = 	snop  }
__scs_overlays_trampoline_lowered:
0x8: {  	[smem:$0x3FA6] =	sst s0  }
0x9: {  	[smem:$0x3FA7] =	sst s1  }
0xa: {  	[smem:$0x3FA8] =	sst s2  }
0xb: {  	[smem:$0x3FA9] =	sst s3  }
0xc: {  	[smem:$0x3FAA] =	sst s4  }
0xd: {  	[smem:$0x3FAB] =	sst s5  }
0xe: {  	[smem:$0x3FAC] =	sst s6  }
0xf: {  	[smem:$0x3FAD] =	sst s7  }
0x10: {  	[smem:$0x3FAE] =	sst s8  }
0x11: {  	[smem:$0x3FAF] =	sst s9;
	s0 =	simm.s32 @!p0 $0x0  }
0x12: {  	s1 =	sld [smem:$0x3F95];
	s0 =	simm.s32 @p0 $0x1  }
0x13: {  	[smem:$0x3FB0] =	sst s0;
	s0 =	simm.s32 @!p1 $0x0  }
0x14: {  	s2 =	sld [smem:$0x3F94];
	s0 =	simm.s32 @p1 $0x1  }
0x15: {  	[smem:$0x3FB1] =	sst s0;
	s0 =	simm.s32 @!p2 $0x0  }
0x16: {  	s3 =	sld [smem:$0x3FDB];
	s0 =	simm.s32 @p2 $0x1  }
0x17: {  	s4 =	simm.s32 $0x1BF5;
	[smem:$0x3FB3] =	sst s0  }
0x18: {  	s0 =	sld [smem:$0x3F96];
	_ =	swait.ge [sflag:s4], $0x0  }
0x19: {  	s7 =	sld [smem:$0x3F97]  }
0x1a: {  	s8 =	sadd.s32 $0xFFFFE003, lr  }
0x1b: {  	s9 =	sadd.s32 $0xFFFFFEF7, lr;
	s5 =	simm.s32 $0xFFFFFFFF;
	p2 =	slt.u32 s8, $0xFFFFF086  }
0x1c: {  	p1 =	slt.u32 s9, $0xF7A;
	s5 =	simm.s32 @!p2 $0x0  }
0x1d: {  	s5 =	simm.s32 @p1 $0x1;
	p0 =	seq.s32 s7, s2  }
0x1e: {  	s7 =	smul.u32 @!p0 $0xF7A, s2;
	p2 =	seq.s32 @!p0 s5, $0x0  }
0x1f: {  	s9 =	smul.u32 $0xF7A, s1;
	s8 =	simm.s32 @!p0 $0x1BF5;
	p2 =	por !p2, p0  }
0x20: {  	[sflag:s8] =	ssyncset.s32 @!p0 $0xFFFFF086;
	s6 =	sadd.s32 @!p0 s3, s7;
	s7 =	simm.s32 @!p0 $0x108  }
0x21: {  	s3 =	sadd.s32 s3, s9;
	s6 =	sadd.s32 @!p0 $0x88, s6;
	s7 =	simm.s32 @p2 $0x1082  }
0x22: {  	[simem:s7], [sflag:s8] =	dma.local @!p0 [hbm:s6], $0xF7A  }
0x23: {  	s9 =	sor.u32 $0xD0000000, s2;
	s6 =	simm.s32 $0x108;
	_ =	swait.ge @!p0 [sflag:s8], $0x0  }
0x24: {  	s3 =	sadd.s32 $0x88, s3;
	s6 =	simm.s32 @!p1 $0x1082;
	[sflag:s4] =	ssyncset.s32 $0xFFFFF086  }
0x25: {  	[simem:s6], [sflag:s4] =	dma.local [hbm:s3], $0xF7A  }
0x26: {  	[smem:$0x3F97] =	sst s1;
	(tag) =	ssettag s2;
	_ =	strace s9  }
0x27: {  	s1 =	sld [smem:$0x3FA7]  }
0x28: {  	s2 =	sld [smem:$0x3FA8]  }
0x29: {  	s4 =	sld [smem:$0x3FAA]  }
0x2a: {  	p0 =	seq.s32 s5, $0x0;
	s5 =	sld [smem:$0x3FAB]  }
0x2b: {  	s6 =	sld [smem:$0x3FAC]  }
0x2c: {  	s7 =	sld [smem:$0x3FAD]  }
0x2d: {  	s3 =	simm.s32 $0x108;
	s8 =	sld [smem:$0x3FAE]  }
0x2e: {  	s3 =	simm.s32 @!p0 $0x1082;
	s9 =	sld [smem:$0x3FAF]  }
0x2f: {  	lr =	sadd.s32 s0, s3;
	s0 =	sld [smem:$0x3FA6]  }
0x30: {  	s3 =	sld [smem:$0x3FA9]  }
0x31: {  	[smem:$0x3FB2] =	sst s10  }
0x32: {  	s10 =	sld [smem:$0x3FB0];
	_ =	sdelay $0x3  }
0x33: {  	p0 =	seq.s32 s10, $0x1;
	s10 =	sld [smem:$0x3FB2];
	_ =	sdelay $0x3  }
0x34: {  	[smem:$0x3FB2] =	sst s10  }
0x35: {  	s10 =	sld [smem:$0x3FB1];
	_ =	sdelay $0x3  }
0x36: {  	p1 =	seq.s32 s10, $0x1;
	s10 =	sld [smem:$0x3FB2];
	_ =	sdelay $0x3  }
0x37: {  	[smem:$0x3FB2] =	sst s10  }
0x38: {  	s10 =	sld [smem:$0x3FB3]  }
0x39: {  	_ = 	snop;
	(pc) =	sbr.ind lr, $3  }
0x3a: {  	_ = 	snop  }
0x3b: {  	_ = 	snop  }
0x3c: {  	p2 =	seq.s32 s10, $0x1;
	s10 =	sld [smem:$0x3FB2]  }
0x3d: {  	_ =	shalt  }
0x3e: {  	_ =	shalt  }
0x3f: {  	_ =	shalt  }
0x40: {  	_ =	shalt  }
0x41: {  	_ =	shalt  }
0x42: {  	_ =	shalt  }
0x43: {  	_ =	shalt  }
0x44: {  	_ =	shalt  }
0x45: {  	_ =	shalt  }
0x46: {  	_ =	shalt  }
0x47: {  	_ =	shalt  }
0x48: {  	_ =	shalt  }
0x49: {  	_ =	shalt  }
0x4a: {  	_ =	shalt  }
0x4b: {  	_ =	shalt  }
0x4c: {  	_ =	shalt  }
0x4d: {  	_ =	shalt  }
0x4e: {  	_ =	shalt  }
0x4f: {  	_ =	shalt  }
0x50: {  	_ =	shalt  }
0x51: {  	_ =	shalt  }
0x52: {  	_ =	shalt  }
0x53: {  	_ =	shalt  }
0x54: {  	_ =	shalt  }
0x55: {  	_ =	shalt  }
0x56: {  	_ =	shalt  }
0x57: {  	_ =	shalt  }
0x58: {  	_ =	shalt  }
0x59: {  	_ =	shalt  }
0x5a: {  	_ =	shalt  }
0x5b: {  	_ =	shalt  }
0x5c: {  	_ =	shalt  }
0x5d: {  	_ =	shalt  }
0x5e: {  	_ =	shalt  }
0x5f: {  	_ =	shalt  }
0x60: {  	_ =	shalt  }
0x61: {  	_ =	shalt  }
0x62: {  	_ =	shalt  }
0x63: {  	_ =	shalt  }
0x64: {  	_ =	shalt  }
0x65: {  	_ =	shalt  }
0x66: {  	_ =	shalt  }
0x67: {  	_ =	shalt  }
0x68: {  	_ =	shalt  }
0x69: {  	_ =	shalt  }
0x6a: {  	_ =	shalt  }
0x6b: {  	_ =	shalt  }
0x6c: {  	_ =	shalt  }
0x6d: {  	_ =	shalt  }
0x6e: {  	_ =	shalt  }
0x6f: {  	_ =	shalt  }
0x70: {  	_ =	shalt  }
0x71: {  	_ =	shalt  }
0x72: {  	_ =	shalt  }
0x73: {  	_ =	shalt  }
0x74: {  	_ =	shalt  }
0x75: {  	_ =	shalt  }
0x76: {  	_ =	shalt  }
0x77: {  	_ =	shalt  }
0x78: {  	_ =	shalt  }
0x79: {  	_ =	shalt  }
0x7a: {  	_ =	shalt  }
0x7b: {  	_ =	shalt  }
0x7c: {  	_ =	shalt  }
0x7d: {  	_ =	shalt  }
0x7e: {  	_ =	shalt  }
0x7f: {  	_ =	shalt  }
0x80: {  	_ =	shalt  }
0x81: {  	_ =	shalt  }
0x82: {  	_ =	shalt  }
0x83: {  	_ =	shalt  }
0x84: {  	_ =	shalt  }
0x85: {  	_ =	shalt  }
0x86: {  	_ =	shalt  }
0x87: {  	_ =	shalt  }
.Lfunc_end0:
.L_simem_size_0:
called_computation_lowered:
.L_overlay_start_0:
0x88: {  	s2 =	sld [smem:$0x3FD9]  }
0x89: {  	s3 =	sld [smem:$0x3FFE];
	_ =	sdelay $0x1  }
0x8a: {  	s1 =	srdreg.scid  }
0x8b: {  	s0 =	sand.u32 $0x1, s1  }
0x8c: {  	s17 =	sshll.u32 s0, $0xA;
	s2 =	sadd.s32 s3, s2  }
0x8d: {  	s2 =	sadd.s32 s2, s17  }
0x8e: {  	[smem:$0x3FBE] =	sst s2  }
0x8f: {  	_ = 	snop  }
0x90: {  	s2 =	sld [smem:$0x3FD0];
	(tm) =	ssettm $0x1  }
0x91: {  	s18 =	sld [smem:$0x3FFB];
	_ =	sdelay $0x3  }
0x92: {  	_ =	strace s18  }
0x93: {  	s3 =	sld [smem:$0x3FFC];
	_ =	sdelay $0x3  }
0x94: {  	_ =	strace s3  }
0x95: {  	s3 =	sld [smem:$0x3FFD];
	_ =	sdelay $0x3  }
0x96: {  	_ =	strace s3  }
0x97: {  	_ =	strace $0x8FFFFFFF  }
0x98: {  	s19 =	sld [smem:$0x3FDB];
	_ =	sdelay $0x1  }
0x99: {  	s4 =	simm.s32 $_scs_section_size  }
0x9a: {  	s5 =	simm.s32 $_size__tile_overlayer_lowered;
	s6 =	simm.s32 $_tile_overlayer_lowered  }
0x9b: {  	s22 =	simm.s32 $0x1BFF;
	s21 =	sshll.u32 s6, $0x1;
	s3 =	sadd.s32 s4, s19  }
0x9c: {  	s7 =	simm.s32 $0x0;
	s20 =	sshll.u32 s5, $0x1;
	s5 =	sadd.s32 s21, s3  }
0x9d: {  	[timem:s7], [sflag:s22] =	dma.local [hbm:s5], s20  }
0x9e: {  	_ =	swait.ge [sflag:s22], s20  }
0x9f: {  	s4 =	ssub.s32 $0x0, s20;
	[sflag:s22] =	ssyncset.done $0x0  }
0xa0: {  	[sflag:s22] =	ssyncadd.s32 s4;
	_ =	sdelay $0x1  }
0xa1: {  	s23 =	simm.s32 $0x1B8B  }
0xa2: {  	_ =	swait.ge [sflag:s23], $0x1  }
0xa3: {  	[sflag:s23] =	ssyncset.done $0x0  }
0xa4: {  	s25 =	simm.s32 $0x1B8E;
	s24 =	sld [smem:$0x3FFE];
	[sflag:s23] =	ssyncadd.s32 $0xFFFFFFFF  }
0xa5: {  	s26 =	simm.s32 $execute0_lowered;
	[smem:$0x3FD2] =	sst s25  }
0xa6: {  	s5 =	sshll.u32 s26, $0x1;
	_ =	strace $0x80000046;
	[dreg:$0x1] =	wrdreg $0xFFFFFFFF  }
0xa7: {  	s28 =	simm.s32 $_size_execute0_lowered;
	s3 =	sadd.s32 s3, s5;
	[dreg:$0x0] =	wrdreg $0x0  }
0xa8: {  	s5 =	sshll.u32 s28, $0x1;
	[dreg:$0x2] =	wrdreg s3  }
0xa9: {  	[dreg:$0x3] =	wrdreg s5  }
0xaa: {  	[dreg:$0x4] =	wrdreg $0xC0  }
0xab: {  	_ =	task [dreg:s7], $0x5FFFF  }
0xac: {  	[dreg:$0x1] =	wrdreg $0xFFFFFFFF  }
0xad: {  	[dreg:$0x0] =	wrdreg $0x60  }
0xae: {  	[dreg:$0x2] =	wrdreg s24  }
0xaf: {  	[dreg:$0x3] =	wrdreg s2  }
0xb0: {  	[dreg:$0x4] =	wrdreg $0x133800  }
0xb1: {  	[dreg:$0x5] =	wrdreg $0x9  }
0xb2: {  	_ =	task.clear_ibuf [dreg:s7], $0x6FFFF;
	_ =	strace $0x90000046  }
0xb3: {  	s29 =	simm.s32 $0x9;
	_ =	strace $0x80000048  }
0xb4: {  	_ =	swait.ge [sflag:s29], $0x1  }
0xb5: {  	[sflag:s29] =	ssyncadd.s32 $0xFFFFFFFF  }
0xb6: {  	_ =	strace $0x90000048  }
0xb7: {  	_ =	sfence  }
0xb8: {  	s30 =	sld [smem:$0x0];
	_ =	sdelay $0x2  }
0xb9: {  	s31 =	sshll.u32 s1, $0xD;
	s1 =	sshrl.u32 s1, $0x2  }
0xba: {  	s3 =	sand.u32 $0x4000, s31;
	s1 =	sadd.s32 s1, s30  }
0xbb: {  	s0 =	sor.u32 s3, s0;
	s1 =	sshll.u32 s1, $0x11  }
0xbc: {  	s0 =	sor.u32 s1, s0  }
0xbd: {  	s0 =	sadd.s32 $0x8F2B, s0  }
0xbe: {  	[sflag:s0] =	ssyncadd.remote.s32 $0x1  }
0xbf: {  	_ =	sfence.sel $0xFFFF  }
0xc0: {  	[dreg:$0x0] =	wrdreg $0xFFFFFFFF;
	(pc) =	sbr.abs _section_cstart, $3  }
0xc1: {  	[dreg:$0x1] =	wrdreg $0xFFFFFFFF  }
0xc2: {  	_ =	task.clear_ibuf [dreg:s7], $0x2FFFF;
	_ =	strace $0x9FFFFFFF  }
0xc3: {  	(tm) =	ssettm $0x7FFFFFFF  }
tec
execute0_lowered:
.L_overlay_start_1:
0x0: {  	(tag) =	ssettag $0x1  }
0x1: {  	s0 =	rddreg [dreg:$0x0]  }
0x2: {  	s1 =	srdreg.scid;
	s2 =	rddreg [dreg:$0x1]  }
0x3: {  	s3 =	rddreg [dreg:$0x2];
	s5 =	stileid.u32  }
0x4: {  	s6 =	simm.s32 $0x0;
	s28 =	simm.s32 $0x1;
	s29 =	simm.s32 $0x5  }
0x5: {  	s30 =	simm.s32 $0x9E20;
	s31 =	simm.s32 $0xFBE0;
	s13 =	simm.s32 $0x9  }
0x6: {  	s1 =	sand.u32 $0x1, s1;
	[smem:$0x7FF] =	sst s6;
	s7 =	smul.u32 $0xC800, s5  }
0x7: {  	s4 =	sshll.u32 s1, $0x4;
	_ =	strace $0x80000047;
	s14 =	ssub.s32 $0x2, s1  }
0x8: {  	s1 =	smul.u32 $0xC8000, s1;
	s4 =	sor.u32 s5, s4;
	s5 =	sadd.s32 $0x15800, s0  }
0x9: {  	s8 =	sshrl.u32 s14, $0x1;
	s16 =	sadd.s32 s7, s3;
	s15 =	sadd.s32 $0x2800, s7  }
0xa: {  	s9 =	sadd.s32 $0x5000, s7;
	s10 =	sadd.s32 $0x7800, s7;
	s11 =	sadd.s32 $0xA000, s7  }
0xb: {  	s4 =	smul.u32 $0x500, s4;
	s6 =	ssub.s32 s14, s8;
	s17 =	sadd.s32 s15, s3  }
0xc: {  	s18 =	sadd.s32 s9, s3;
	s12 =	sadd.s32 s10, s3;
	s19 =	sadd.s32 s11, s3  }
0xd: {  	s7 =	sadd.s32 s7, s1;
	s8 =	sadd.s32 s1, s15;
	s23 =	sadd.s32 s1, s9  }
0xe: {  	s24 =	sadd.s32 s1, s10;
	s1 =	sadd.s32 s1, s11;
	[dreg:$0x4] =	wrdreg s16  }
0xf: {  	s11 =	simm.s32 $0x3;
	s14 =	simm.s32 $0x4;
	[dreg:$0x7] =	wrdreg s12  }
0x10: {  	s15 =	simm.s32 $0x8;
	[dreg:$0x8] =	wrdreg s19;
	s7 =	sshrl.u32 s7, $0x3  }
0x11: {  	s22 =	sshrl.u32 s8, $0x3;
	s1 =	sshrl.u32 s1, $0x3;
	s26 =	smax.u32 s6, $0x1  }
0x12: {  	s19 =	simm.s32 $0x10B80;
	s12 =	simm.s32 $0x7;
	[dreg:$0x5] =	wrdreg s17  }
0x13: {  	s6 =	simm.s32 $0x0;
	[dreg:$0x6] =	wrdreg s18;
	s4 =	sadd.s32 s4, s0  }
0x14: {  	s0 =	sadd.s32 $0x2E000, s0;
	[dreg:$0x10] =	wrdreg s26;
	s20 =	sadd.s32 $0xB800, s4  }
0x15: {  	s26 =	simm.s32 $0xF410;
	s4 =	sadd.s32 $0x1800, s4;
	[dreg:$0x9] =	wrdreg s20  }
0x16: {  	s21 =	sadd.s32 s0, s7;
	s7 =	sshrl.u32 s24, $0x3;
	[dreg:$0xa] =	wrdreg s4  }
0x17: {  	s24 =	simm.s32 $0xC530;
	[dreg:$0xb] =	wrdreg s21;
	s4 =	sadd.s32 s0, s22  }
0x18: {  	s25 =	sadd.s32 s0, s7;
	s20 =	simm.s32 $0xD;
	s22 =	simm.s32 $0x7D  }
0x19: {  	s21 =	simm.s32 $0x103B0;
	[dreg:$0xc] =	wrdreg s4;
	s4 =	sshrl.u32 s23, $0x3  }
0x1a: {  	v1 =	vlaneseq.u32;
	[dreg:$0xe] =	wrdreg s25;
	s23 =	simm.s32 $0x5000;
	s4 =	sadd.s32 s0, s4  }
0x1b: {  	v0 =	vimm.f32 $0.0e+00;
	vm0 =	vmmov $0xff;
	v1 =	vshrl.u32 v1, $0x3;
	s25 =	simm.s32 $0x7710;
	s0 =	sadd.s32 s0, s1;
	[dreg:$0xd] =	wrdreg s4  }
0x1c: {  	v2 =	vor.u32 $0x2, v1;
	v3 =	vor.u32 $0x4, v1;
	v4 =	vor.u32 $0x6, v1;
	s1 =	simm.s32 $0x6;
	[dreg:$0xf] =	wrdreg s0;
	s0 =	simm.s32 $0x2  }
.LBB2_1:
0x1d: {  	[dreg:$0x11] =	wrdreg s6;
	s6 =	simm.s32 $0x140;
	s4 =	simm.s32 $0x0  }
.LBB2_2:
0x1e: {  	p0 =	sne.s32 s6, $0x9EC0;
	[tilespmem:s4+$0x10BC0] =	vst v0;
	s7 =	smov.u32 s6;
	s6 =	sadd.s32 $0x140, s6  }
.Ltmp0:
0x1f: {  	[tilespmem:s4+$0x10BB0] =	vst v0;
	(pc) =	sbr.rel @p0 .LBB2_2-.Ltmp0, $4  }
0x20: {  	[tilespmem:s4+$0x10BA0] =	vst v0  }
0x21: {  	[tilespmem:s4+$0x10B80] =	vst v0  }
0x22: {  	[tilespmem:s4+$0x10B90] =	vst v0  }
0x23: {  	s4 =	sshra.s32 s7, $0x2  }
0x24: {  	[tilespmem:s4+$0x10BC0] =	vst v0  }
0x25: {  	[tilespmem:s4+$0x10BB0] =	vst v0  }
0x26: {  	[tilespmem:s4+$0x10BA0] =	vst v0  }
0x27: {  	[tilespmem:s4+$0x10B80] =	vst v0  }
0x28: {  	[tilespmem:s4+$0x10B90] =	vst v0  }
0x29: {  	[spmem:s16] =	stream.linear.scatter [tilespmem:s19], [sflag:$0xD], $0x2800, $0x38;
	[tilespmem:$0x1FB80] =	vst v63  }
0x2a: {  	_ =	swait.ge [sflag:s20], $0x2800  }
0x2b: {  	[sflag:s20] =	ssyncset.done $0x0  }
0x2c: {  	[sflag:s20] =	ssyncadd.s32 $0xFFFFD800  }
0x2d: {  	[spmem:s17] =	stream.linear.scatter [tilespmem:s19], [sflag:$0xD], $0x2800, $0x38;
	[tilespmem:$0x1FB80] =	vst v63  }
0x2e: {  	_ =	swait.ge [sflag:s20], $0x2800  }
0x2f: {  	[sflag:s20] =	ssyncset.done $0x0  }
0x30: {  	[sflag:s20] =	ssyncadd.s32 $0xFFFFD800  }
0x31: {  	[spmem:s18] =	stream.linear.scatter [tilespmem:s19], [sflag:$0xD], $0x2800, $0x38;
	[tilespmem:$0x1FB80] =	vst v63  }
0x32: {  	_ =	swait.ge [sflag:s20], $0x2800  }
0x33: {  	[sflag:s20] =	ssyncset.done $0x0  }
0x34: {  	s8 =	rddreg [dreg:$0x7];
	[sflag:s20] =	ssyncadd.s32 $0xFFFFD800  }
0x35: {  	[spmem:s8] =	stream.linear.scatter [tilespmem:s19], [sflag:$0xD], $0x2800, $0x38;
	[tilespmem:$0x1FB80] =	vst v63  }
0x36: {  	_ =	swait.ge [sflag:s20], $0x2800  }
0x37: {  	[sflag:s20] =	ssyncset.done $0x0  }
0x38: {  	s9 =	rddreg [dreg:$0x8];
	[sflag:s20] =	ssyncadd.s32 $0xFFFFD800  }
0x39: {  	[spmem:s9] =	stream.linear.scatter [tilespmem:s19], [sflag:$0xD], $0x2800, $0x38;
	[tilespmem:$0x1FB80] =	vst v63  }
0x3a: {  	_ =	swait.ge [sflag:s20], $0x2800  }
0x3b: {  	[sflag:s20] =	ssyncset.done $0x0  }
0x3c: {  	[sflag:s20] =	ssyncadd.s32 $0xFFFFD800  }
0x3d: {  	[bflag:$0x0] =	sbarrier.arrive $0xFFFF  }
0x3e: {  	s17 =	simm.s32 $0x0;
	s10 =	rddreg [dreg:$0x9]  }
0x3f: {  	[tilespmem:s17], [sflag:$0xD] =	stream.linear.gather [hbm4b:s10+s17], $0x2800, $0x38;
	[tilespmem:$0x1FB80] =	vst v63  }
0x40: {  	_ =	swait.ge [sflag:s20], $0x2800  }
0x41: {  	[sflag:s20] =	ssyncset.done $0x0  }
0x42: {  	s6 =	simm.s32 $0x2800;
	s16 =	rddreg [dreg:$0xa];
	[sflag:s20] =	ssyncadd.s32 $0xFFFFD800  }
0x43: {  	[tilespmem:s6], [sflag:$0xD] =	stream.linear.gather [hbm4b:s16+s17], $0x2800, $0x38;
	[tilespmem:$0x1FB80] =	vst v63  }
0x44: {  	_ =	swait.ge [sflag:s20], $0x2800  }
0x45: {  	[sflag:s20] =	ssyncset.done $0x0  }
0x46: {  	[sflag:s20] =	ssyncadd.s32 $0xFFFFD800  }
0x47: {  	[tilespmem:s23], [sflag:$0x1] =	stream.indirect.gather [hbm4b:s5+s22], $0x50, s17, s22, $0xb8;
	[tilespmem:$0x1FB80] =	vst v63  }
0x48: {  	s18 =	simm.s32 $0xEC40  }
0x49: {  	[tilespmem:s18], [sflag:$0x5] =	stream.indirect.gather [hbm4b:s2+s22], $0x10, s6, s22, $0xb8;
	[tilespmem:$0x1FB80] =	vst v63  }
.LBB2_4:
0x4a: {  	p0 =	seq.s32 s17, $0x0  }
0x4b: {  	s4 =	simm.s32 @!p0 $0xA  }
0x4c: {  	_ =	swait.ge @!p0 [sflag:s4], $0x2710  }
0x4d: {  	s18 =	sshll.u32 s17, $0x9;
	[sflag:s4] =	ssyncset.done @!p0 $0x0  }
0x4e: {  	s10 =	sor.u32 $0x80, s18;
	[sflag:s4] =	ssyncadd.s32 @!p0 $0xFFFFD8F0  }
0x4f: {  	[tilespmem:s25], [sflag:$0x2] =	stream.indirect.gather [hbm4b:s5+s22], $0x50, s10, s22, $0xb8;
	[tilespmem:$0x1FB80] =	vst v63  }
0x50: {  	s6 =	sadd.s32 $0x2880, s18  }
0x51: {  	[tilespmem:s26], [sflag:$0x6] =	stream.indirect.gather [hbm4b:s2+s22], $0x10, s6, s22, $0xb8;
	[tilespmem:$0x1FB80] =	vst v63  }
0x52: {  	_ =	swait.ge [sflag:s28], $0x2710  }
0x53: {  	[sflag:s28] =	ssyncset.done $0x0  }
0x54: {  	[sflag:s28] =	ssyncadd.s32 $0xFFFFD8F0  }
0x55: {  	_ =	swait.ge [sflag:s29], $0x7D0  }
0x56: {  	[sflag:s29] =	ssyncset.done $0x0  }
0x57: {  	s7 =	simm.s32 $0x50C0;
	[sflag:s29] =	ssyncadd.s32 $0xFFFFF830  }
0x58: {  	s16 =	simm.s32 $0xEC60;
	v5 =	vld [tilespmem:s7+$0xC0]  }
0x59: {  	v6 =	vld [tilespmem:s16+$0x20]  }
0x5a: {  	v7 =	vld [tilespmem:s16+$0xFFFFFFE0]  }
0x5b: {  	v8 =	vld [tilespmem:s7+$0xFFFFFFD0]  }
0x5c: {  	v9 =	vld [tilespmem:s16+$0xFFFFFFF0]  }
0x5d: {  	v10 =	vld [tilespmem:s7+$0x20]  }
0x5e: {  	v11 =	vld [tilespmem:s16+$0x0]  }
0x5f: {  	v12 =	vld [tilespmem:s16+$0x10]  }
0x60: {  	v14 =	vld [tilespmem:s7+$0xFFFFFF80];
	v5 =	vadd.f32 v6, v5  }
0x61: {  	v15 =	vld [tilespmem:s7+$0xFFFFFF60]  }
0x62: {  	v16 =	vld [tilespmem:s7+$0xFFFFFF70];
	v13 =	vmul.f32 $2.000000030e-01, v5  }
0x63: {  	v6 =	vld [tilespmem:s7+$0x70];
	vm1 =	vgt.f32 v5, $0.0e+00  }
0x64: {  	v18 =	vld [tilespmem:s7+$0xFFFFFFC0];
	v8 =	vadd.f32 v9, v8;
	v5 =	vsel vm1, v5, v13  }
0x65: {  	v27 =	vld [tilespmem:s7+$0x0];
	v5 =	vmul.f32 $1.442695020e+00, v5  }
0x66: {  	v30 =	vld [tilespmem:s7+$0x10];
	v10 =	vadd.f32 v11, v10;
	v11 =	vmul.f32 $2.000000030e-01, v8  }
0x67: {  	v31 =	vld [tilespmem:s7+$0x30];
	vm1 =	vgt.f32 v8, $0.0e+00;
	(erf) = vpow2.f32 v5;
	v5 =	vadd.f32 v7, v14  }
0x68: {  	v32 =	vld [tilespmem:s7+$0x40];
	v17 =	vmul.f32 $2.000000030e-01, v10;
	v6 =	vadd.f32 v12, v6;
	v8 =	vsel vm1, v8, v11  }
0x69: {  	v33 =	vld [tilespmem:s7+$0x50];
	vm2 =	vgt.f32 v10, $0.0e+00;
	v8 =	vmul.f32 $1.442695020e+00, v8;
	v14 =	vmul.f32 $2.000000030e-01, v5  }
0x6a: {  	s8 =	simm.s32 $0x5250;
	v20 =	vld [tilespmem:s7+$0x80];
	v10 =	vsel vm2, v10, v17;
	v12 =	vmul.f32 $2.000000030e-01, v6;
	vm2 =	vgt.f32 v5, $0.0e+00  }
0x6b: {  	s9 =	simm.s32 $0xECB0;
	v22 =	vld [tilespmem:s8+$0xC0];
	vm1 =	vgt.f32 v6, $0.0e+00;
	(erf) = vpow2.f32 v8;
	v5 =	vsel vm2, v5, v14  }
0x6c: {  	v37 =	vld [tilespmem:s9+$0x20];
	v10 =	vmul.f32 $1.442695020e+00, v10;
	v6 =	vsel vm1, v6, v12;
	v5 =	vmul.f32 $1.442695020e+00, v5  }
0x6d: {  	v25 =	vld [tilespmem:s7+$0x90];
	v6 =	vmul.f32 $1.442695020e+00, v6  }
0x6e: {  	v34 =	vld [tilespmem:s7+$0x60];
	(erf) = vpow2.f32 v10  }
0x6f: {  	(erf) = vpow2.f32 v6;
	v6 =	vld [tilespmem:s7+$0xB0]  }
0x70: {  	v43 =	vld [tilespmem:s8+$0xFFFFFFD0];
	(erf) = vpow2.f32 v5;
	v5 =	vpop (erf)  }
0x71: {  	v46 =	vld [tilespmem:s9+$0xFFFFFFF0];
	v22 =	vadd.f32 v37, v22;
	v8 =	vnsel vm0, $0x0, v5  }
0x72: {  	v11 =	vld [tilespmem:s7+$0xFFFFFFA0];
	v5 =	vperm.xlane v8, v4  }
0x73: {  	v56 =	vmul.f32 $2.000000030e-01, v22;
	v7 =	vld [tilespmem:s7+$0xFFFFFF90]  }
0x74: {  	v17 =	vld [tilespmem:s7+$0xFFFFFFB0];
	v23 =	vperm.xlane v8, v1;
	v5 =	vmul.f32 v6, v5;
	v6 =	vpop (erf)  }
0x75: {  	v29 =	vld [tilespmem:s7+$0xA0];
	v26 =	vperm.xlane v8, v2;
	v28 =	vperm.xlane v8, v3;
	v6 =	vnsel vm0, $0x0, v6  }
0x76: {  	v40 =	vld [tilespmem:s9+$0xFFFFFFE0];
	v10 =	vperm.xlane v6, v1;
	v21 =	vperm.xlane v6, v2  }
0x77: {  	v49 =	vld [tilespmem:s8+$0x20];
	v43 =	vadd.f32 v46, v43;
	v24 =	vperm.xlane v6, v3;
	v36 =	vperm.xlane v6, v4  }
0x78: {  	v54 =	vld [tilespmem:s8+$0x70];
	[tilespmem:s7+$0xB0] =	vst v5;
	v5 =	vpop (erf);
	v7 =	vmul.f32 v7, v10;
	v11 =	vmul.f32 v11, v21  }
0x79: {  	v55 =	vld [tilespmem:s9+$0x10];
	v21 =	vmul.f32 $2.000000030e-01, v43;
	v24 =	vmul.f32 v17, v24;
	v5 =	vnsel vm0, $0x0, v5  }
0x7a: {  	v9 =	vld [tilespmem:s7+$0xFFFFFF40];
	v18 =	vmul.f32 v18, v36;
	v19 =	vpop (erf);
	v38 =	vperm.xlane v5, v1  }
0x7b: {  	v12 =	vld [tilespmem:s7+$0xFFFFFFE0];
	v39 =	vperm.xlane v5, v2;
	v45 =	vnsel vm0, $0x0, v19;
	v47 =	vperm.xlane v5, v3  }
0x7c: {  	v13 =	vld [tilespmem:s7+$0xFFFFFF50];
	[tilespmem:s7+$0xC0] =	vst v8;
	v35 =	vpop (erf);
	v48 =	vperm.xlane v5, v4;
	v50 =	vperm.xlane v45, v1  }
0x7d: {  	v52 =	vld [tilespmem:s9+$0x0];
	[tilespmem:s7+$0xFFFFFFD0] =	vst v6;
	v35 =	vnsel vm0, $0x0, v35;
	v51 =	vperm.xlane v45, v2;
	v53 =	vperm.xlane v45, v3  }
0x7e: {  	v57 =	vld [tilespmem:s8+$0xFFFFFF80];
	[tilespmem:s7+$0x20] =	vst v5;
	v41 =	vperm.xlane v35, v1;
	v42 =	vperm.xlane v35, v2  }
0x7f: {  	vm1 =	vgt.f32 v22, $0.0e+00;
	v14 =	vld [tilespmem:s7+$0xFFFFFFF0];
	[tilespmem:s7+$0xFFFFFF90] =	vst v7;
	v44 =	vperm.xlane v35, v3;
	v19 =	vperm.xlane v35, v4  }
0x80: {  	v8 =	vld [tilespmem:s8+$0xFFFFFF60];
	[tilespmem:s7+$0xFFFFFF80] =	vst v35;
	v35 =	vadd.f32 v55, v54;
	v12 =	vmul.f32 v12, v38;
	v9 =	vmul.f32 v9, v41  }
0x81: {  	v6 =	vld [tilespmem:s8+$0xFFFFFF50];
	[tilespmem:s7+$0xFFFFFFA0] =	vst v11;
	v13 =	vmul.f32 v13, v42;
	v19 =	vmul.f32 v16, v19;
	v16 =	vsel vm1, v22, v56  }
0x82: {  	v10 =	vld [tilespmem:s8+$0xFFFFFF70];
	[tilespmem:s7+$0xFFFFFFC0] =	vst v18;
	v22 =	vadd.f32 v52, v49;
	vm1 =	vgt.f32 v43, $0.0e+00;
	v16 =	vmul.f32 $1.442695020e+00, v16  }
0x83: {  	v17 =	vld [tilespmem:s8+$0xFFFFFFA0];
	v18 =	vmul.f32 v30, v48;
	v15 =	vmul.f32 v15, v44;
	v21 =	vsel vm1, v43, v21;
	[tilespmem:s7+$0xFFFFFF40] =	vst v9  }
0x84: {  	v5 =	vld [tilespmem:s8+$0xFFFFFF40];
	v9 =	vmul.f32 $2.000000030e-01, v22;
	[tilespmem:s7+$0xFFFFFF50] =	vst v13;
	v13 =	vadd.f32 v40, v57;
	(erf) = vpow2.f32 v16  }
0x85: {  	v7 =	vld [tilespmem:s8+$0xFFFFFFE0];
	vm1 =	vgt.f32 v22, $0.0e+00;
	[tilespmem:s7+$0xFFFFFF60] =	vst v15;
	v15 =	vmul.f32 $2.000000030e-01, v35;
	v21 =	vmul.f32 $1.442695020e+00, v21  }
0x86: {  	[tilespmem:s7+$0xFFFFFFB0] =	vst v24;
	v24 =	vld [tilespmem:s8+$0x0];
	v9 =	vsel vm1, v22, v9;
	vm1 =	vgt.f32 v35, $0.0e+00;
	v58 =	vmul.f32 $2.000000030e-01, v13  }
0x87: {  	[tilespmem:s7+$0xFFFFFFE0] =	vst v12;
	v12 =	vld [tilespmem:s8+$0x30];
	vm2 =	vgt.f32 v13, $0.0e+00;
	v9 =	vmul.f32 $1.442695020e+00, v9;
	v15 =	vsel vm1, v35, v15  }
0x88: {  	[tilespmem:s7+$0x10] =	vst v18;
	v18 =	vld [tilespmem:s8+$0x50];
	(erf) = vpow2.f32 v21;
	v11 =	vsel vm2, v13, v58;
	v13 =	vmul.f32 $1.442695020e+00, v15  }
0x89: {  	[tilespmem:s7+$0xFFFFFF70] =	vst v19;
	v19 =	vld [tilespmem:s8+$0xFFFFFFB0];
	v11 =	vmul.f32 $1.442695020e+00, v11;
	(erf) = vpow2.f32 v9  }
0x8a: {  	v59 =	vperm.xlane v45, v4;
	v16 =	vld [tilespmem:s8+$0xFFFFFF90];
	(erf) = vpow2.f32 v13  }
0x8b: {  	v30 =	vmul.f32 v31, v50;
	v22 =	vld [tilespmem:s8+$0xFFFFFFC0];
	(erf) = vpow2.f32 v11  }
0x8c: {  	[tilespmem:s7+$0x70] =	vst v45;
	v31 =	vmul.f32 v32, v51;
	v13 =	vmul.f32 v14, v39;
	v14 =	vld [tilespmem:s8+$0xB0]  }
0x8d: {  	v60 =	vmul.f32 v33, v53;
	v63 =	vmul.f32 v34, v59;
	[tilespmem:s7+$0x30] =	vst v30;
	v21 =	vld [tilespmem:s8+$0xFFFFFFF0];
	v11 =	vpop (erf)  }
0x8e: {  	[tilespmem:s7+$0x40] =	vst v31;
	v35 =	vmul.f32 v20, v23;
	v20 =	vld [tilespmem:s8+$0x90];
	v15 =	vmul.f32 v27, v47;
	v27 =	vnsel vm0, $0x0, v11  }
0x8f: {  	[tilespmem:s7+$0x50] =	vst v60;
	v23 =	vld [tilespmem:s8+$0x60];
	v61 =	vperm.xlane v27, v4  }
0x90: {  	v33 =	vmul.f32 v25, v26;
	v34 =	vmul.f32 v29, v28;
	[tilespmem:s7+$0x60] =	vst v63;
	v9 =	vld [tilespmem:s8+$0x10]  }
0x91: {  	[tilespmem:s7+$0xFFFFFFF0] =	vst v13;
	v13 =	vld [tilespmem:s8+$0x40];
	v31 =	vpop (erf);
	v11 =	vperm.xlane v27, v1;
	v62 =	vmul.f32 v14, v61  }
0x92: {  	[tilespmem:s7+$0x0] =	vst v15;
	v15 =	vperm.xlane v27, v2;
	v30 =	vperm.xlane v27, v3;
	v32 =	vnsel vm0, $0x0, v31;
	v14 =	vld [tilespmem:s8+$0x80];
	v25 =	vpop (erf)  }
0x93: {  	s4 =	simm.s32 $0x53E0;
	s10 =	simm.s32 $0x5;
	v29 =	vperm.xlane v32, v1;
	v28 =	vperm.xlane v32, v2;
	v31 =	vnsel vm0, $0x0, v25;
	v25 =	vld [tilespmem:s8+$0xA0];
	v26 =	vpop (erf);
	[tilespmem:s8+$0xB0] =	vst v62  }
.LBB2_5:
0x94: {  	v36 =	vld [tilespmem:s4+$0xC0];
	v37 =	vperm.xlane v32, v3;
	v38 =	vperm.xlane v32, v4;
	v39 =	vnsel vm0, $0x0, v26;
	s9 =	sadd.s32 $0x50, s9;
	v26 =	vpop (erf);
	[tilespmem:s7+$0x80] =	vst v35  }
0x95: {  	s10 =	sadd.s32 $0x5, s10;
	v41 =	vperm.xlane v31, v1;
	v42 =	vperm.xlane v31, v2;
	v35 =	vld [tilespmem:s9+$0x20];
	v40 =	vnsel vm0, $0x0, v26;
	[tilespmem:s7+$0x90] =	vst v33;
	v26 =	vmovc v30  }
0x96: {  	p1 =	slt.u32 s10, $0x78;
	v30 =	vld [tilespmem:s9+$0xFFFFFFE0];
	v33 =	vperm.xlane v40, v1;
	v43 =	vperm.xlane v40, v2;
	[tilespmem:s7+$0xA0] =	vst v34;
	s7 =	smov.u32 s8;
	s8 =	smov.u32 s4  }
0x97: {  	v44 =	vperm.xlane v40, v3;
	v34 =	vld [tilespmem:s4+$0xFFFFFFD0];
	[tilespmem:s7+$0xFFFFFF80] =	vst v40;
	v40 =	vperm.xlane v40, v4  }
0x98: {  	v46 =	vperm.xlane v31, v4;
	v45 =	vld [tilespmem:s9+$0xFFFFFFF0];
	[tilespmem:s7+$0xFFFFFFD0] =	vst v32;
	v32 =	vperm.xlane v31, v3  }
0x99: {  	v48 =	vperm.xlane v39, v2;
	v47 =	vld [tilespmem:s4+$0x20];
	[tilespmem:s7+$0x20] =	vst v31;
	v31 =	vperm.xlane v39, v1  }
0x9a: {  	v49 =	vld [tilespmem:s9+$0x0];
	v35 =	vadd.f32 v35, v36;
	[tilespmem:s7+$0x70] =	vst v39;
	v36 =	vperm.xlane v39, v3;
	v39 =	vperm.xlane v39, v4  }
0x9b: {  	v5 =	vmul.f32 v5, v33;
	v6 =	vmul.f32 v6, v43;
	v50 =	vld [tilespmem:s4+$0x70];
	[tilespmem:s7+$0xC0] =	vst v27  }
0x9c: {  	v8 =	vmul.f32 v8, v44;
	v27 =	vld [tilespmem:s9+$0x10];
	v33 =	vmul.f32 $2.000000030e-01, v35  }
0x9d: {  	v10 =	vmul.f32 v10, v40;
	vm1 =	vgt.f32 v35, $0.0e+00;
	v43 =	vld [tilespmem:s4+$0xFFFFFF80];
	v34 =	vadd.f32 v45, v34;
	[tilespmem:s7+$0xFFFFFF40] =	vst v5  }
0x9e: {  	v16 =	vmul.f32 v16, v29;
	v17 =	vmul.f32 v17, v28;
	v5 =	vld [tilespmem:s4+$0xFFFFFF40];
	v33 =	vsel vm1, v35, v33;
	[tilespmem:s7+$0xFFFFFF50] =	vst v6  }
0x9f: {  	v6 =	vld [tilespmem:s4+$0xFFFFFF50];
	v28 =	vmul.f32 $2.000000030e-01, v34;
	v29 =	vadd.f32 v49, v47;
	v33 =	vmul.f32 $1.442695020e+00, v33;
	[tilespmem:s7+$0xFFFFFF60] =	vst v8  }
0xa0: {  	v19 =	vmul.f32 v19, v37;
	v22 =	vmul.f32 v22, v38;
	vm1 =	vgt.f32 v34, $0.0e+00;
	v8 =	vld [tilespmem:s4+$0xFFFFFF60];
	[tilespmem:s7+$0xFFFFFF70] =	vst v10  }
0xa1: {  	v10 =	vld [tilespmem:s4+$0xFFFFFF70];
	v35 =	vmul.f32 $2.000000030e-01, v29;
	v27 =	vadd.f32 v27, v50;
	(erf) = vpow2.f32 v33;
	[tilespmem:s7+$0xFFFFFF90] =	vst v16  }
0xa2: {  	v28 =	vsel vm1, v34, v28;
	vm1 =	vgt.f32 v29, $0.0e+00;
	v30 =	vadd.f32 v30, v43;
	v16 =	vld [tilespmem:s4+$0xFFFFFF90];
	[tilespmem:s7+$0xFFFFFFA0] =	vst v17  }
0xa3: {  	v17 =	vld [tilespmem:s4+$0xFFFFFFA0];
	v29 =	vsel vm1, v29, v35;
	vm1 =	vgt.f32 v27, $0.0e+00;
	v33 =	vmul.f32 $2.000000030e-01, v27;
	[tilespmem:s7+$0xFFFFFFB0] =	vst v19  }
0xa4: {  	v28 =	vmul.f32 $1.442695020e+00, v28;
	vm2 =	vgt.f32 v30, $0.0e+00;
	v34 =	vmul.f32 $2.000000030e-01, v30;
	v19 =	vld [tilespmem:s4+$0xFFFFFFB0];
	[tilespmem:s7+$0xFFFFFFC0] =	vst v22  }
0xa5: {  	v29 =	vmul.f32 $1.442695020e+00, v29;
	v22 =	vld [tilespmem:s4+$0xFFFFFFC0];
	v27 =	vsel vm1, v27, v33;
	v33 =	vmul.f32 v7, v41  }
0xa6: {  	v30 =	vsel vm2, v30, v34;
	v7 =	vld [tilespmem:s4+$0xFFFFFFE0];
	v27 =	vmul.f32 $1.442695020e+00, v27;
	(erf) = vpow2.f32 v28  }
0xa7: {  	v28 =	vmul.f32 $1.442695020e+00, v30;
	v30 =	vld [tilespmem:s4+$0xFFFFFFF0];
	(erf) = vpow2.f32 v29;
	[tilespmem:s7+$0xFFFFFFE0] =	vst v33  }
0xa8: {  	v21 =	vmul.f32 v21, v42;
	v29 =	vld [tilespmem:s4+$0x0];
	(erf) = vpow2.f32 v27  }
0xa9: {  	v24 =	vmul.f32 v24, v32;
	v33 =	vld [tilespmem:s4+$0xB0];
	(erf) = vpow2.f32 v28  }
0xaa: {  	v37 =	vmul.f32 v9, v46;
	v28 =	vmul.f32 v12, v31;
	v27 =	vpop (erf);
	[tilespmem:s7+$0xFFFFFFF0] =	vst v21;
	v9 =	vld [tilespmem:s4+$0x10]  }
0xab: {  	v32 =	vmul.f32 v18, v36;
	v31 =	vmul.f32 v13, v48;
	v12 =	vld [tilespmem:s4+$0x30];
	v27 =	vnsel vm0, $0x0, v27;
	[tilespmem:s7+$0x0] =	vst v24  }
0xac: {  	v13 =	vld [tilespmem:s4+$0x40];
	v34 =	vperm.xlane v27, v1;
	v35 =	vperm.xlane v27, v4;
	[tilespmem:s7+$0x10] =	vst v37;
	v21 =	vmov v30  }
.Ltmp1:
0xad: {  	v36 =	vperm.xlane v27, v2;
	v30 =	vperm.xlane v27, v3;
	v18 =	vld [tilespmem:s4+$0x50];
	[tilespmem:s7+$0x30] =	vst v28;
	v24 =	vmov v29;
	(pc) =	sbr.rel @p1 .LBB2_5-.Ltmp1, $4  }
0xae: {  	v37 =	vmul.f32 v23, v39;
	v28 =	vmul.f32 v33, v35;
	[tilespmem:s7+$0x40] =	vst v31;
	v23 =	vld [tilespmem:s4+$0x60]  }
0xaf: {  	v35 =	vmul.f32 v14, v11;
	v33 =	vmul.f32 v20, v15;
	v11 =	vmov v34;
	v29 =	vpop (erf);
	[tilespmem:s7+$0x50] =	vst v32;
	v14 =	vld [tilespmem:s4+$0x80]  }
0xb0: {  	v34 =	vmul.f32 v25, v26;
	v15 =	vmov v36;
	v32 =	vnsel vm0, $0x0, v29;
	v20 =	vld [tilespmem:s4+$0x90];
	[tilespmem:s4+$0xB0] =	vst v28;
	v31 =	vpop (erf)  }
0xb1: {  	s4 =	sadd.s32 $0x190, s4;
	v29 =	vperm.xlane v32, v1;
	v28 =	vperm.xlane v32, v2;
	v31 =	vnsel vm0, $0x0, v31;
	v25 =	vld [tilespmem:s8+$0xA0];
	v26 =	vpop (erf);
	[tilespmem:s7+$0x60] =	vst v37  }
0xb2: {  	[tilespmem:s7+$0x80] =	vst v35  }
0xb3: {  	[tilespmem:s7+$0x90] =	vst v33  }
0xb4: {  	v57 =	vpop (erf);
	[tilespmem:s7+$0xA0] =	vst v34  }
0xb5: {  	[tilespmem:s8+$0xFFFFFFD0] =	vst v32;
	v58 =	vnsel vm0, $0x0, v57  }
0xb6: {  	[tilespmem:s8+$0x20] =	vst v31;
	v59 =	vperm.xlane v58, v1  }
0xb7: {  	v26 =	vnsel vm0, $0x0, v26;
	[tilespmem:s8+$0xC0] =	vst v27;
	v35 =	vperm.xlane v58, v2  }
0xb8: {  	[tilespmem:s8+$0x70] =	vst v26;
	v36 =	vperm.xlane v58, v3;
	v5 =	vmul.f32 v5, v59  }
0xb9: {  	[tilespmem:s8+$0xFFFFFF80] =	vst v58;
	v33 =	vperm.xlane v58, v4;
	v6 =	vmul.f32 v6, v35  }
0xba: {  	v8 =	vmul.f32 v8, v36;
	[tilespmem:s8+$0xFFFFFF40] =	vst v5  }
0xbb: {  	v5 =	vmul.f32 v10, v33;
	[tilespmem:s8+$0xFFFFFF50] =	vst v6  }
0xbc: {  	v6 =	vperm.xlane v32, v3;
	v10 =	vmul.f32 v16, v29;
	[tilespmem:s8+$0xFFFFFF60] =	vst v8  }
0xbd: {  	v8 =	vperm.xlane v32, v4;
	v16 =	vmul.f32 v17, v28;
	[tilespmem:s8+$0xFFFFFF70] =	vst v5  }
0xbe: {  	v5 =	vperm.xlane v31, v1;
	v6 =	vmul.f32 v19, v6;
	[tilespmem:s8+$0xFFFFFF90] =	vst v10  }
0xbf: {  	v10 =	vperm.xlane v31, v2;
	v8 =	vmul.f32 v22, v8;
	[tilespmem:s8+$0xFFFFFFA0] =	vst v16  }
0xc0: {  	v16 =	vperm.xlane v31, v3;
	[tilespmem:s8+$0xFFFFFFB0] =	vst v6;
	v5 =	vmul.f32 v7, v5  }
0xc1: {  	v6 =	vperm.xlane v31, v4;
	[tilespmem:s8+$0xFFFFFFC0] =	vst v8;
	v7 =	vmul.f32 v21, v10  }
0xc2: {  	v8 =	vperm.xlane v26, v1;
	[tilespmem:s8+$0xFFFFFFE0] =	vst v5;
	v5 =	vmul.f32 v24, v16  }
0xc3: {  	v10 =	vperm.xlane v26, v2;
	[tilespmem:s8+$0xFFFFFFF0] =	vst v7;
	v6 =	vmul.f32 v9, v6  }
0xc4: {  	v7 =	vperm.xlane v26, v3;
	v8 =	vmul.f32 v12, v8;
	[tilespmem:s8+$0x0] =	vst v5  }
0xc5: {  	v9 =	vmul.f32 v13, v10;
	[tilespmem:s8+$0x10] =	vst v6  }
0xc6: {  	v5 =	vperm.xlane v26, v4;
	v6 =	vmul.f32 v18, v7;
	[tilespmem:s8+$0x30] =	vst v8  }
0xc7: {  	[tilespmem:s8+$0x40] =	vst v9;
	v7 =	vmul.f32 v20, v15  }
0xc8: {  	v5 =	vmul.f32 v23, v5;
	[tilespmem:s8+$0x50] =	vst v6  }
0xc9: {  	v6 =	vmul.f32 v14, v11;
	[tilespmem:s8+$0x90] =	vst v7  }
0xca: {  	[tilespmem:s8+$0x60] =	vst v5;
	v5 =	vmul.f32 v25, v30  }
0xcb: {  	s4 =	sand.u32 $0x3FFFFE00, s18;
	[tilespmem:s8+$0x80] =	vst v6  }
0xcc: {  	s4 =	sadd.s32 $0x2800, s4;
	[tilespmem:s8+$0xA0] =	vst v5  }
0xcd: {  	[spmem:s3] =	stream.indirect.scatter.add.f32 [tilespmem:s23], [sflag:$0x9], $0x50, s4, s22, $0xb8;
	[tilespmem:$0x1FB80] =	vst v63  }
0xce: {  	s4 =	simm.s32 @!p0 $0xB  }
0xcf: {  	_ =	swait.ge @!p0 [sflag:s4], $0x2710  }
0xd0: {  	[sflag:s4] =	ssyncset.done @!p0 $0x0  }
0xd1: {  	s10 =	sor.u32 $0x100, s18;
	[sflag:s4] =	ssyncadd.s32 @!p0 $0xFFFFD8F0  }
0xd2: {  	[tilespmem:s30], [sflag:$0x3] =	stream.indirect.gather [hbm4b:s5+s22], $0x50, s10, s22, $0xb8;
	[tilespmem:$0x1FB80] =	vst v63  }
0xd3: {  	s7 =	sadd.s32 $0x2900, s18  }
0xd4: {  	[tilespmem:s31], [sflag:$0x7] =	stream.indirect.gather [hbm4b:s2+s22], $0x10, s7, s22, $0xb8;
	[tilespmem:$0x1FB80] =	vst v63  }
0xd5: {  	_ =	swait.ge [sflag:s0], $0x2710  }
0xd6: {  	[sflag:s0] =	ssyncset.done $0x0  }
0xd7: {  	[sflag:s0] =	ssyncadd.s32 $0xFFFFD8F0  }
0xd8: {  	_ =	swait.ge [sflag:s1], $0x7D0  }
0xd9: {  	[sflag:s1] =	ssyncset.done $0x0  }
0xda: {  	s8 =	simm.s32 $0x77D0;
	[sflag:s1] =	ssyncadd.s32 $0xFFFFF830  }
0xdb: {  	s16 =	simm.s32 $0xF430;
	v5 =	vld [tilespmem:s8+$0xC0]  }
0xdc: {  	v6 =	vld [tilespmem:s16+$0x20]  }
0xdd: {  	v7 =	vld [tilespmem:s16+$0xFFFFFFE0]  }
0xde: {  	v8 =	vld [tilespmem:s8+$0xFFFFFFD0]  }
0xdf: {  	v9 =	vld [tilespmem:s16+$0xFFFFFFF0]  }
0xe0: {  	v10 =	vld [tilespmem:s8+$0x20]  }
0xe1: {  	v11 =	vld [tilespmem:s16+$0x0]  }
0xe2: {  	v12 =	vld [tilespmem:s16+$0x10]  }
0xe3: {  	v14 =	vld [tilespmem:s8+$0xFFFFFF80];
	v5 =	vadd.f32 v6, v5  }
0xe4: {  	v15 =	vld [tilespmem:s8+$0xFFFFFF60]  }
0xe5: {  	v16 =	vld [tilespmem:s8+$0xFFFFFF70];
	v13 =	vmul.f32 $2.000000030e-01, v5  }
0xe6: {  	v6 =	vld [tilespmem:s8+$0x70];
	vm1 =	vgt.f32 v5, $0.0e+00  }
0xe7: {  	v18 =	vld [tilespmem:s8+$0xFFFFFFC0];
	v8 =	vadd.f32 v9, v8;
	v5 =	vsel vm1, v5, v13  }
0xe8: {  	v27 =	vld [tilespmem:s8+$0x0];
	v5 =	vmul.f32 $1.442695020e+00, v5  }
0xe9: {  	v30 =	vld [tilespmem:s8+$0x10];
	v10 =	vadd.f32 v11, v10;
	v11 =	vmul.f32 $2.000000030e-01, v8  }
0xea: {  	v31 =	vld [tilespmem:s8+$0x30];
	vm1 =	vgt.f32 v8, $0.0e+00;
	(erf) = vpow2.f32 v5;
	v5 =	vadd.f32 v7, v14  }
0xeb: {  	v60 =	vld [tilespmem:s8+$0x40];
	v17 =	vmul.f32 $2.000000030e-01, v10;
	v6 =	vadd.f32 v12, v6;
	v8 =	vsel vm1, v8, v11  }
0xec: {  	v61 =	vld [tilespmem:s8+$0x50];
	vm2 =	vgt.f32 v10, $0.0e+00;
	v8 =	vmul.f32 $1.442695020e+00, v8;
	v14 =	vmul.f32 $2.000000030e-01, v5  }
0xed: {  	s9 =	simm.s32 $0x7960;
	v20 =	vld [tilespmem:s8+$0x80];
	v10 =	vsel vm2, v10, v17;
	v12 =	vmul.f32 $2.000000030e-01, v6;
	vm2 =	vgt.f32 v5, $0.0e+00  }
0xee: {  	s10 =	simm.s32 $0xF480;
	v22 =	vld [tilespmem:s9+$0xC0];
	vm1 =	vgt.f32 v6, $0.0e+00;
	(erf) = vpow2.f32 v8;
	v5 =	vsel vm2, v5, v14  }
0xef: {  	v37 =	vld [tilespmem:s10+$0x20];
	v10 =	vmul.f32 $1.442695020e+00, v10;
	v6 =	vsel vm1, v6, v12;
	v5 =	vmul.f32 $1.442695020e+00, v5  }
0xf0: {  	v25 =	vld [tilespmem:s8+$0x90];
	v6 =	vmul.f32 $1.442695020e+00, v6  }
0xf1: {  	v34 =	vld [tilespmem:s8+$0x60];
	(erf) = vpow2.f32 v10  }
0xf2: {  	(erf) = vpow2.f32 v6;
	v6 =	vld [tilespmem:s8+$0xB0]  }
0xf3: {  	v43 =	vld [tilespmem:s9+$0xFFFFFFD0];
	(erf) = vpow2.f32 v5;
	v5 =	vpop (erf)  }
0xf4: {  	v46 =	vld [tilespmem:s10+$0xFFFFFFF0];
	v22 =	vadd.f32 v37, v22;
	v8 =	vnsel vm0, $0x0, v5  }
0xf5: {  	v11 =	vld [tilespmem:s8+$0xFFFFFFA0];
	v5 =	vperm.xlane v8, v4  }
0xf6: {  	v56 =	vmul.f32 $2.000000030e-01, v22;
	v7 =	vld [tilespmem:s8+$0xFFFFFF90]  }
0xf7: {  	v17 =	vld [tilespmem:s8+$0xFFFFFFB0];
	v23 =	vperm.xlane v8, v1;
	v5 =	vmul.f32 v6, v5;
	v6 =	vpop (erf)  }
0xf8: {  	v29 =	vld [tilespmem:s8+$0xA0];
	v26 =	vperm.xlane v8, v2;
	v28 =	vperm.xlane v8, v3;
	v6 =	vnsel vm0, $0x0, v6  }
0xf9: {  	v40 =	vld [tilespmem:s10+$0xFFFFFFE0];
	v10 =	vperm.xlane v6, v1;
	v21 =	vperm.xlane v6, v2  }
0xfa: {  	v49 =	vld [tilespmem:s9+$0x20];
	v43 =	vadd.f32 v46, v43;
	v24 =	vperm.xlane v6, v3;
	v63 =	vperm.xlane v6, v4  }
0xfb: {  	v54 =	vld [tilespmem:s9+$0x70];
	[tilespmem:s8+$0xB0] =	vst v5;
	v5 =	vpop (erf);
	v7 =	vmul.f32 v7, v10;
	v11 =	vmul.f32 v11, v21  }
0xfc: {  	v55 =	vld [tilespmem:s10+$0x10];
	v21 =	vmul.f32 $2.000000030e-01, v43;
	v24 =	vmul.f32 v17, v24;
	v5 =	vnsel vm0, $0x0, v5  }
0xfd: {  	v9 =	vld [tilespmem:s8+$0xFFFFFF40];
	v18 =	vmul.f32 v18, v63;
	v19 =	vpop (erf);
	v38 =	vperm.xlane v5, v1  }
0xfe: {  	v12 =	vld [tilespmem:s8+$0xFFFFFFE0];
	v39 =	vperm.xlane v5, v2;
	v45 =	vnsel vm0, $0x0, v19;
	v47 =	vperm.xlane v5, v3  }
0xff: {  	v13 =	vld [tilespmem:s8+$0xFFFFFF50];
	[tilespmem:s8+$0xC0] =	vst v8;
	v62 =	vpop (erf);
	v48 =	vperm.xlane v5, v4;
	v50 =	vperm.xlane v45, v1  }
0x100: {  	v52 =	vld [tilespmem:s10+$0x0];
	[tilespmem:s8+$0xFFFFFFD0] =	vst v6;
	v35 =	vnsel vm0, $0x0, v62;
	v51 =	vperm.xlane v45, v2;
	v53 =	vperm.xlane v45, v3  }
0x101: {  	v57 =	vld [tilespmem:s9+$0xFFFFFF80];
	[tilespmem:s8+$0x20] =	vst v5;
	v41 =	vperm.xlane v35, v1;
	v42 =	vperm.xlane v35, v2  }
0x102: {  	vm1 =	vgt.f32 v22, $0.0e+00;
	v14 =	vld [tilespmem:s8+$0xFFFFFFF0];
	[tilespmem:s8+$0xFFFFFF90] =	vst v7;
	v44 =	vperm.xlane v35, v3;
	v19 =	vperm.xlane v35, v4  }
0x103: {  	v8 =	vld [tilespmem:s9+$0xFFFFFF60];
	[tilespmem:s8+$0xFFFFFF80] =	vst v35;
	v35 =	vadd.f32 v55, v54;
	v12 =	vmul.f32 v12, v38;
	v9 =	vmul.f32 v9, v41  }
0x104: {  	v6 =	vld [tilespmem:s9+$0xFFFFFF50];
	[tilespmem:s8+$0xFFFFFFA0] =	vst v11;
	v13 =	vmul.f32 v13, v42;
	v19 =	vmul.f32 v16, v19;
	v16 =	vsel vm1, v22, v56  }
0x105: {  	v10 =	vld [tilespmem:s9+$0xFFFFFF70];
	[tilespmem:s8+$0xFFFFFFC0] =	vst v18;
	v22 =	vadd.f32 v52, v49;
	vm1 =	vgt.f32 v43, $0.0e+00;
	v16 =	vmul.f32 $1.442695020e+00, v16  }
0x106: {  	v17 =	vld [tilespmem:s9+$0xFFFFFFA0];
	v18 =	vmul.f32 v30, v48;
	v15 =	vmul.f32 v15, v44;
	v21 =	vsel vm1, v43, v21;
	[tilespmem:s8+$0xFFFFFF40] =	vst v9  }
0x107: {  	v5 =	vld [tilespmem:s9+$0xFFFFFF40];
	v9 =	vmul.f32 $2.000000030e-01, v22;
	[tilespmem:s8+$0xFFFFFF50] =	vst v13;
	v13 =	vadd.f32 v40, v57;
	(erf) = vpow2.f32 v16  }
0x108: {  	v7 =	vld [tilespmem:s9+$0xFFFFFFE0];
	vm1 =	vgt.f32 v22, $0.0e+00;
	[tilespmem:s8+$0xFFFFFF60] =	vst v15;
	v15 =	vmul.f32 $2.000000030e-01, v35;
	v21 =	vmul.f32 $1.442695020e+00, v21  }
0x109: {  	[tilespmem:s8+$0xFFFFFFB0] =	vst v24;
	v24 =	vld [tilespmem:s9+$0x0];
	v9 =	vsel vm1, v22, v9;
	vm1 =	vgt.f32 v35, $0.0e+00;
	v58 =	vmul.f32 $2.000000030e-01, v13  }
0x10a: {  	[tilespmem:s8+$0xFFFFFFE0] =	vst v12;
	v12 =	vld [tilespmem:s9+$0x30];
	vm2 =	vgt.f32 v13, $0.0e+00;
	v9 =	vmul.f32 $1.442695020e+00, v9;
	v15 =	vsel vm1, v35, v15  }
0x10b: {  	[tilespmem:s8+$0x10] =	vst v18;
	v18 =	vld [tilespmem:s9+$0x50];
	(erf) = vpow2.f32 v21;
	v11 =	vsel vm2, v13, v58;
	v13 =	vmul.f32 $1.442695020e+00, v15  }
0x10c: {  	[tilespmem:s8+$0xFFFFFF70] =	vst v19;
	v19 =	vld [tilespmem:s9+$0xFFFFFFB0];
	v11 =	vmul.f32 $1.442695020e+00, v11;
	(erf) = vpow2.f32 v9  }
0x10d: {  	v59 =	vperm.xlane v45, v4;
	v16 =	vld [tilespmem:s9+$0xFFFFFF90];
	(erf) = vpow2.f32 v13  }
0x10e: {  	v30 =	vmul.f32 v31, v50;
	v22 =	vld [tilespmem:s9+$0xFFFFFFC0];
	(erf) = vpow2.f32 v11  }
0x10f: {  	[tilespmem:s8+$0x70] =	vst v45;
	v31 =	vmul.f32 v60, v51;
	v13 =	vmul.f32 v14, v39;
	v14 =	vld [tilespmem:s9+$0xB0]  }
0x110: {  	v60 =	vmul.f32 v61, v53;
	v63 =	vmul.f32 v34, v59;
	[tilespmem:s8+$0x30] =	vst v30;
	v21 =	vld [tilespmem:s9+$0xFFFFFFF0];
	v11 =	vpop (erf)  }
0x111: {  	[tilespmem:s8+$0x40] =	vst v31;
	v35 =	vmul.f32 v20, v23;
	v20 =	vld [tilespmem:s9+$0x90];
	v15 =	vmul.f32 v27, v47;
	v27 =	vnsel vm0, $0x0, v11  }
0x112: {  	[tilespmem:s8+$0x50] =	vst v60;
	v23 =	vld [tilespmem:s9+$0x60];
	v61 =	vperm.xlane v27, v4  }
0x113: {  	v33 =	vmul.f32 v25, v26;
	v34 =	vmul.f32 v29, v28;
	[tilespmem:s8+$0x60] =	vst v63;
	v9 =	vld [tilespmem:s9+$0x10]  }
0x114: {  	[tilespmem:s8+$0xFFFFFFF0] =	vst v13;
	v13 =	vld [tilespmem:s9+$0x40];
	v31 =	vpop (erf);
	v11 =	vperm.xlane v27, v1;
	v62 =	vmul.f32 v14, v61  }
0x115: {  	[tilespmem:s8+$0x0] =	vst v15;
	v15 =	vperm.xlane v27, v2;
	v30 =	vperm.xlane v27, v3;
	v32 =	vnsel vm0, $0x0, v31;
	v14 =	vld [tilespmem:s9+$0x80];
	v25 =	vpop (erf)  }
0x116: {  	s4 =	simm.s32 $0x5;
	s16 =	simm.s32 $0x7AF0;
	v29 =	vperm.xlane v32, v1;
	v28 =	vperm.xlane v32, v2;
	v31 =	vnsel vm0, $0x0, v25;
	v25 =	vld [tilespmem:s9+$0xA0];
	v26 =	vpop (erf);
	[tilespmem:s9+$0xB0] =	vst v62  }
.LBB2_7:
0x117: {  	v36 =	vld [tilespmem:s16+$0xC0];
	v37 =	vperm.xlane v32, v3;
	v38 =	vperm.xlane v32, v4;
	v39 =	vnsel vm0, $0x0, v26;
	s10 =	sadd.s32 $0x50, s10;
	v26 =	vpop (erf);
	[tilespmem:s8+$0x80] =	vst v35  }
0x118: {  	s4 =	sadd.s32 $0x5, s4;
	v41 =	vperm.xlane v31, v1;
	v42 =	vperm.xlane v31, v2;
	v35 =	vld [tilespmem:s10+$0x20];
	v40 =	vnsel vm0, $0x0, v26;
	[tilespmem:s8+$0x90] =	vst v33;
	v26 =	vmovc v30  }
0x119: {  	p1 =	slt.u32 s4, $0x78;
	v30 =	vld [tilespmem:s10+$0xFFFFFFE0];
	v33 =	vperm.xlane v40, v1;
	v43 =	vperm.xlane v40, v2;
	[tilespmem:s8+$0xA0] =	vst v34;
	s8 =	smov.u32 s9;
	s9 =	smov.u32 s16  }
0x11a: {  	v44 =	vperm.xlane v40, v3;
	v34 =	vld [tilespmem:s16+$0xFFFFFFD0];
	[tilespmem:s8+$0xFFFFFF80] =	vst v40;
	v40 =	vperm.xlane v40, v4  }
0x11b: {  	v46 =	vperm.xlane v31, v4;
	v45 =	vld [tilespmem:s10+$0xFFFFFFF0];
	[tilespmem:s8+$0xFFFFFFD0] =	vst v32;
	v32 =	vperm.xlane v31, v3  }
0x11c: {  	v48 =	vperm.xlane v39, v2;
	v47 =	vld [tilespmem:s16+$0x20];
	[tilespmem:s8+$0x20] =	vst v31;
	v31 =	vperm.xlane v39, v1  }
0x11d: {  	v49 =	vld [tilespmem:s10+$0x0];
	v35 =	vadd.f32 v35, v36;
	[tilespmem:s8+$0x70] =	vst v39;
	v36 =	vperm.xlane v39, v3;
	v39 =	vperm.xlane v39, v4  }
0x11e: {  	v5 =	vmul.f32 v5, v33;
	v6 =	vmul.f32 v6, v43;
	v50 =	vld [tilespmem:s16+$0x70];
	[tilespmem:s8+$0xC0] =	vst v27  }
0x11f: {  	v8 =	vmul.f32 v8, v44;
	v27 =	vld [tilespmem:s10+$0x10];
	v33 =	vmul.f32 $2.000000030e-01, v35  }
0x120: {  	v10 =	vmul.f32 v10, v40;
	vm1 =	vgt.f32 v35, $0.0e+00;
	v43 =	vld [tilespmem:s16+$0xFFFFFF80];
	v34 =	vadd.f32 v45, v34;
	[tilespmem:s8+$0xFFFFFF40] =	vst v5  }
0x121: {  	v16 =	vmul.f32 v16, v29;
	v17 =	vmul.f32 v17, v28;
	v5 =	vld [tilespmem:s16+$0xFFFFFF40];
	v33 =	vsel vm1, v35, v33;
	[tilespmem:s8+$0xFFFFFF50] =	vst v6  }
0x122: {  	v6 =	vld [tilespmem:s16+$0xFFFFFF50];
	v28 =	vmul.f32 $2.000000030e-01, v34;
	v29 =	vadd.f32 v49, v47;
	v33 =	vmul.f32 $1.442695020e+00, v33;
	[tilespmem:s8+$0xFFFFFF60] =	vst v8  }
0x123: {  	v19 =	vmul.f32 v19, v37;
	v22 =	vmul.f32 v22, v38;
	vm1 =	vgt.f32 v34, $0.0e+00;
	v8 =	vld [tilespmem:s16+$0xFFFFFF60];
	[tilespmem:s8+$0xFFFFFF70] =	vst v10  }
0x124: {  	v10 =	vld [tilespmem:s16+$0xFFFFFF70];
	v35 =	vmul.f32 $2.000000030e-01, v29;
	v27 =	vadd.f32 v27, v50;
	(erf) = vpow2.f32 v33;
	[tilespmem:s8+$0xFFFFFF90] =	vst v16  }
0x125: {  	v28 =	vsel vm1, v34, v28;
	vm1 =	vgt.f32 v29, $0.0e+00;
	v30 =	vadd.f32 v30, v43;
	v16 =	vld [tilespmem:s16+$0xFFFFFF90];
	[tilespmem:s8+$0xFFFFFFA0] =	vst v17  }
0x126: {  	v17 =	vld [tilespmem:s16+$0xFFFFFFA0];
	v29 =	vsel vm1, v29, v35;
	vm1 =	vgt.f32 v27, $0.0e+00;
	v33 =	vmul.f32 $2.000000030e-01, v27;
	[tilespmem:s8+$0xFFFFFFB0] =	vst v19  }
0x127: {  	v28 =	vmul.f32 $1.442695020e+00, v28;
	vm2 =	vgt.f32 v30, $0.0e+00;
	v34 =	vmul.f32 $2.000000030e-01, v30;
	v19 =	vld [tilespmem:s16+$0xFFFFFFB0];
	[tilespmem:s8+$0xFFFFFFC0] =	vst v22  }
0x128: {  	v29 =	vmul.f32 $1.442695020e+00, v29;
	v22 =	vld [tilespmem:s16+$0xFFFFFFC0];
	v27 =	vsel vm1, v27, v33;
	v33 =	vmul.f32 v7, v41  }
0x129: {  	v30 =	vsel vm2, v30, v34;
	v7 =	vld [tilespmem:s16+$0xFFFFFFE0];
	v27 =	vmul.f32 $1.442695020e+00, v27;
	(erf) = vpow2.f32 v28  }
0x12a: {  	v28 =	vmul.f32 $1.442695020e+00, v30;
	v30 =	vld [tilespmem:s16+$0xFFFFFFF0];
	(erf) = vpow2.f32 v29;
	[tilespmem:s8+$0xFFFFFFE0] =	vst v33  }
0x12b: {  	v21 =	vmul.f32 v21, v42;
	v29 =	vld [tilespmem:s16+$0x0];
	(erf) = vpow2.f32 v27  }
0x12c: {  	v24 =	vmul.f32 v24, v32;
	v33 =	vld [tilespmem:s16+$0xB0];
	(erf) = vpow2.f32 v28  }
0x12d: {  	v37 =	vmul.f32 v9, v46;
	v28 =	vmul.f32 v12, v31;
	v27 =	vpop (erf);
	[tilespmem:s8+$0xFFFFFFF0] =	vst v21;
	v9 =	vld [tilespmem:s16+$0x10]  }
0x12e: {  	v32 =	vmul.f32 v18, v36;
	v31 =	vmul.f32 v13, v48;
	v12 =	vld [tilespmem:s16+$0x30];
	v27 =	vnsel vm0, $0x0, v27;
	[tilespmem:s8+$0x0] =	vst v24  }
0x12f: {  	v13 =	vld [tilespmem:s16+$0x40];
	v34 =	vperm.xlane v27, v1;
	v35 =	vperm.xlane v27, v4;
	[tilespmem:s8+$0x10] =	vst v37;
	v21 =	vmov v30  }
.Ltmp2:
0x130: {  	v36 =	vperm.xlane v27, v2;
	v30 =	vperm.xlane v27, v3;
	v18 =	vld [tilespmem:s16+$0x50];
	[tilespmem:s8+$0x30] =	vst v28;
	v24 =	vmov v29;
	(pc) =	sbr.rel @p1 .LBB2_7-.Ltmp2, $4  }
0x131: {  	v37 =	vmul.f32 v23, v39;
	v28 =	vmul.f32 v33, v35;
	[tilespmem:s8+$0x40] =	vst v31;
	v23 =	vld [tilespmem:s16+$0x60]  }
0x132: {  	v35 =	vmul.f32 v14, v11;
	v33 =	vmul.f32 v20, v15;
	v11 =	vmov v34;
	v29 =	vpop (erf);
	[tilespmem:s8+$0x50] =	vst v32;
	v14 =	vld [tilespmem:s16+$0x80]  }
0x133: {  	v34 =	vmul.f32 v25, v26;
	v15 =	vmov v36;
	v32 =	vnsel vm0, $0x0, v29;
	v20 =	vld [tilespmem:s16+$0x90];
	[tilespmem:s16+$0xB0] =	vst v28;
	v31 =	vpop (erf)  }
0x134: {  	s16 =	sadd.s32 $0x190, s16;
	v29 =	vperm.xlane v32, v1;
	v28 =	vperm.xlane v32, v2;
	v31 =	vnsel vm0, $0x0, v31;
	v25 =	vld [tilespmem:s9+$0xA0];
	v26 =	vpop (erf);
	[tilespmem:s8+$0x60] =	vst v37  }
0x135: {  	[tilespmem:s8+$0x80] =	vst v35  }
0x136: {  	[tilespmem:s8+$0x90] =	vst v33  }
0x137: {  	v57 =	vpop (erf);
	[tilespmem:s8+$0xA0] =	vst v34  }
0x138: {  	[tilespmem:s9+$0xFFFFFFD0] =	vst v32;
	v58 =	vnsel vm0, $0x0, v57  }
0x139: {  	[tilespmem:s9+$0x20] =	vst v31;
	v59 =	vperm.xlane v58, v1  }
0x13a: {  	v26 =	vnsel vm0, $0x0, v26;
	[tilespmem:s9+$0xC0] =	vst v27;
	v35 =	vperm.xlane v58, v2  }
0x13b: {  	[tilespmem:s9+$0x70] =	vst v26;
	v36 =	vperm.xlane v58, v3;
	v5 =	vmul.f32 v5, v59  }
0x13c: {  	[tilespmem:s9+$0xFFFFFF80] =	vst v58;
	v33 =	vperm.xlane v58, v4;
	v6 =	vmul.f32 v6, v35  }
0x13d: {  	v8 =	vmul.f32 v8, v36;
	[tilespmem:s9+$0xFFFFFF40] =	vst v5  }
0x13e: {  	v5 =	vmul.f32 v10, v33;
	[tilespmem:s9+$0xFFFFFF50] =	vst v6  }
0x13f: {  	v6 =	vperm.xlane v32, v3;
	v10 =	vmul.f32 v16, v29;
	[tilespmem:s9+$0xFFFFFF60] =	vst v8  }
0x140: {  	v8 =	vperm.xlane v32, v4;
	v16 =	vmul.f32 v17, v28;
	[tilespmem:s9+$0xFFFFFF70] =	vst v5  }
0x141: {  	v5 =	vperm.xlane v31, v1;
	v6 =	vmul.f32 v19, v6;
	[tilespmem:s9+$0xFFFFFF90] =	vst v10  }
0x142: {  	v10 =	vperm.xlane v31, v2;
	v8 =	vmul.f32 v22, v8;
	[tilespmem:s9+$0xFFFFFFA0] =	vst v16  }
0x143: {  	v16 =	vperm.xlane v31, v3;
	[tilespmem:s9+$0xFFFFFFB0] =	vst v6;
	v5 =	vmul.f32 v7, v5  }
0x144: {  	v6 =	vperm.xlane v31, v4;
	[tilespmem:s9+$0xFFFFFFC0] =	vst v8;
	v7 =	vmul.f32 v21, v10  }
0x145: {  	v8 =	vperm.xlane v26, v1;
	[tilespmem:s9+$0xFFFFFFE0] =	vst v5;
	v5 =	vmul.f32 v24, v16  }
0x146: {  	v10 =	vperm.xlane v26, v2;
	[tilespmem:s9+$0xFFFFFFF0] =	vst v7;
	v6 =	vmul.f32 v9, v6  }
0x147: {  	v7 =	vperm.xlane v26, v3;
	v8 =	vmul.f32 v12, v8;
	[tilespmem:s9+$0x0] =	vst v5  }
0x148: {  	v9 =	vmul.f32 v13, v10;
	[tilespmem:s9+$0x10] =	vst v6  }
0x149: {  	v5 =	vperm.xlane v26, v4;
	v6 =	vmul.f32 v18, v7;
	[tilespmem:s9+$0x30] =	vst v8  }
0x14a: {  	[tilespmem:s9+$0x40] =	vst v9;
	v7 =	vmul.f32 v20, v15  }
0x14b: {  	v5 =	vmul.f32 v23, v5;
	[tilespmem:s9+$0x50] =	vst v6  }
0x14c: {  	v6 =	vmul.f32 v14, v11;
	[tilespmem:s9+$0x90] =	vst v7  }
0x14d: {  	[tilespmem:s9+$0x60] =	vst v5;
	v5 =	vmul.f32 v25, v30  }
0x14e: {  	[tilespmem:s9+$0x80] =	vst v6  }
0x14f: {  	s4 =	simm.s32 @!p0 $0xC;
	[tilespmem:s9+$0xA0] =	vst v5  }
0x150: {  	[spmem:s3] =	stream.indirect.scatter.add.f32 [tilespmem:s25], [sflag:$0xA], $0x50, s6, s22, $0xb8;
	[tilespmem:$0x1FB80] =	vst v63  }
0x151: {  	_ =	swait.ge @!p0 [sflag:s4], $0x2710  }
0x152: {  	[sflag:s4] =	ssyncset.done @!p0 $0x0  }
0x153: {  	s10 =	sor.u32 $0x180, s18;
	[sflag:s4] =	ssyncadd.s32 @!p0 $0xFFFFD8F0  }
0x154: {  	[tilespmem:s24], [sflag:$0x4] =	stream.indirect.gather [hbm4b:s5+s22], $0x50, s10, s22, $0xb8;
	[tilespmem:$0x1FB80] =	vst v63  }
0x155: {  	s6 =	sadd.s32 $0x2980, s18  }
0x156: {  	[tilespmem:s21], [sflag:$0x8] =	stream.indirect.gather [hbm4b:s2+s22], $0x10, s6, s22, $0xb8;
	[tilespmem:$0x1FB80] =	vst v63  }
0x157: {  	_ =	swait.ge [sflag:s11], $0x2710  }
0x158: {  	[sflag:s11] =	ssyncset.done $0x0  }
0x159: {  	[sflag:s11] =	ssyncadd.s32 $0xFFFFD8F0  }
0x15a: {  	_ =	swait.ge [sflag:s12], $0x7D0  }
0x15b: {  	[sflag:s12] =	ssyncset.done $0x0  }
0x15c: {  	s8 =	simm.s32 $0x9EE0;
	[sflag:s12] =	ssyncadd.s32 $0xFFFFF830  }
0x15d: {  	s16 =	simm.s32 $0xFC00;
	v5 =	vld [tilespmem:s8+$0xC0]  }
0x15e: {  	v6 =	vld [tilespmem:s16+$0x20]  }
0x15f: {  	v7 =	vld [tilespmem:s16+$0xFFFFFFE0]  }
0x160: {  	v8 =	vld [tilespmem:s8+$0xFFFFFFD0]  }
0x161: {  	v9 =	vld [tilespmem:s16+$0xFFFFFFF0]  }
0x162: {  	v10 =	vld [tilespmem:s8+$0x20]  }
0x163: {  	v11 =	vld [tilespmem:s16+$0x0]  }
0x164: {  	v12 =	vld [tilespmem:s16+$0x10]  }
0x165: {  	v14 =	vld [tilespmem:s8+$0xFFFFFF80];
	v5 =	vadd.f32 v6, v5  }
0x166: {  	v15 =	vld [tilespmem:s8+$0xFFFFFF60]  }
0x167: {  	v16 =	vld [tilespmem:s8+$0xFFFFFF70];
	v13 =	vmul.f32 $2.000000030e-01, v5  }
0x168: {  	v6 =	vld [tilespmem:s8+$0x70];
	vm1 =	vgt.f32 v5, $0.0e+00  }
0x169: {  	v18 =	vld [tilespmem:s8+$0xFFFFFFC0];
	v8 =	vadd.f32 v9, v8;
	v5 =	vsel vm1, v5, v13  }
0x16a: {  	v27 =	vld [tilespmem:s8+$0x0];
	v5 =	vmul.f32 $1.442695020e+00, v5  }
0x16b: {  	v30 =	vld [tilespmem:s8+$0x10];
	v10 =	vadd.f32 v11, v10;
	v11 =	vmul.f32 $2.000000030e-01, v8  }
0x16c: {  	v31 =	vld [tilespmem:s8+$0x30];
	vm1 =	vgt.f32 v8, $0.0e+00;
	(erf) = vpow2.f32 v5;
	v5 =	vadd.f32 v7, v14  }
0x16d: {  	v60 =	vld [tilespmem:s8+$0x40];
	v17 =	vmul.f32 $2.000000030e-01, v10;
	v6 =	vadd.f32 v12, v6;
	v8 =	vsel vm1, v8, v11  }
0x16e: {  	v61 =	vld [tilespmem:s8+$0x50];
	vm2 =	vgt.f32 v10, $0.0e+00;
	v8 =	vmul.f32 $1.442695020e+00, v8;
	v14 =	vmul.f32 $2.000000030e-01, v5  }
0x16f: {  	s9 =	simm.s32 $0xA070;
	v20 =	vld [tilespmem:s8+$0x80];
	v10 =	vsel vm2, v10, v17;
	v12 =	vmul.f32 $2.000000030e-01, v6;
	vm2 =	vgt.f32 v5, $0.0e+00  }
0x170: {  	s10 =	simm.s32 $0xFC50;
	v22 =	vld [tilespmem:s9+$0xC0];
	vm1 =	vgt.f32 v6, $0.0e+00;
	(erf) = vpow2.f32 v8;
	v5 =	vsel vm2, v5, v14  }
0x171: {  	v37 =	vld [tilespmem:s10+$0x20];
	v10 =	vmul.f32 $1.442695020e+00, v10;
	v6 =	vsel vm1, v6, v12;
	v5 =	vmul.f32 $1.442695020e+00, v5  }
0x172: {  	v25 =	vld [tilespmem:s8+$0x90];
	v6 =	vmul.f32 $1.442695020e+00, v6  }
0x173: {  	v34 =	vld [tilespmem:s8+$0x60];
	(erf) = vpow2.f32 v10  }
0x174: {  	(erf) = vpow2.f32 v6;
	v6 =	vld [tilespmem:s8+$0xB0]  }
0x175: {  	v43 =	vld [tilespmem:s9+$0xFFFFFFD0];
	(erf) = vpow2.f32 v5;
	v5 =	vpop (erf)  }
0x176: {  	v46 =	vld [tilespmem:s10+$0xFFFFFFF0];
	v22 =	vadd.f32 v37, v22;
	v8 =	vnsel vm0, $0x0, v5  }
0x177: {  	v11 =	vld [tilespmem:s8+$0xFFFFFFA0];
	v5 =	vperm.xlane v8, v4  }
0x178: {  	v56 =	vmul.f32 $2.000000030e-01, v22;
	v7 =	vld [tilespmem:s8+$0xFFFFFF90]  }
0x179: {  	v17 =	vld [tilespmem:s8+$0xFFFFFFB0];
	v23 =	vperm.xlane v8, v1;
	v5 =	vmul.f32 v6, v5;
	v6 =	vpop (erf)  }
0x17a: {  	v29 =	vld [tilespmem:s8+$0xA0];
	v26 =	vperm.xlane v8, v2;
	v28 =	vperm.xlane v8, v3;
	v6 =	vnsel vm0, $0x0, v6  }
0x17b: {  	v40 =	vld [tilespmem:s10+$0xFFFFFFE0];
	v10 =	vperm.xlane v6, v1;
	v21 =	vperm.xlane v6, v2  }
0x17c: {  	v49 =	vld [tilespmem:s9+$0x20];
	v43 =	vadd.f32 v46, v43;
	v24 =	vperm.xlane v6, v3;
	v63 =	vperm.xlane v6, v4  }
0x17d: {  	v54 =	vld [tilespmem:s9+$0x70];
	[tilespmem:s8+$0xB0] =	vst v5;
	v5 =	vpop (erf);
	v7 =	vmul.f32 v7, v10;
	v11 =	vmul.f32 v11, v21  }
0x17e: {  	v55 =	vld [tilespmem:s10+$0x10];
	v21 =	vmul.f32 $2.000000030e-01, v43;
	v24 =	vmul.f32 v17, v24;
	v5 =	vnsel vm0, $0x0, v5  }
0x17f: {  	v9 =	vld [tilespmem:s8+$0xFFFFFF40];
	v18 =	vmul.f32 v18, v63;
	v19 =	vpop (erf);
	v38 =	vperm.xlane v5, v1  }
0x180: {  	v12 =	vld [tilespmem:s8+$0xFFFFFFE0];
	v39 =	vperm.xlane v5, v2;
	v45 =	vnsel vm0, $0x0, v19;
	v47 =	vperm.xlane v5, v3  }
0x181: {  	v13 =	vld [tilespmem:s8+$0xFFFFFF50];
	[tilespmem:s8+$0xC0] =	vst v8;
	v62 =	vpop (erf);
	v48 =	vperm.xlane v5, v4;
	v50 =	vperm.xlane v45, v1  }
0x182: {  	v52 =	vld [tilespmem:s10+$0x0];
	[tilespmem:s8+$0xFFFFFFD0] =	vst v6;
	v35 =	vnsel vm0, $0x0, v62;
	v51 =	vperm.xlane v45, v2;
	v53 =	vperm.xlane v45, v3  }
0x183: {  	v57 =	vld [tilespmem:s9+$0xFFFFFF80];
	[tilespmem:s8+$0x20] =	vst v5;
	v41 =	vperm.xlane v35, v1;
	v42 =	vperm.xlane v35, v2  }
0x184: {  	vm1 =	vgt.f32 v22, $0.0e+00;
	v14 =	vld [tilespmem:s8+$0xFFFFFFF0];
	[tilespmem:s8+$0xFFFFFF90] =	vst v7;
	v44 =	vperm.xlane v35, v3;
	v19 =	vperm.xlane v35, v4  }
0x185: {  	v8 =	vld [tilespmem:s9+$0xFFFFFF60];
	[tilespmem:s8+$0xFFFFFF80] =	vst v35;
	v35 =	vadd.f32 v55, v54;
	v12 =	vmul.f32 v12, v38;
	v9 =	vmul.f32 v9, v41  }
0x186: {  	v6 =	vld [tilespmem:s9+$0xFFFFFF50];
	[tilespmem:s8+$0xFFFFFFA0] =	vst v11;
	v13 =	vmul.f32 v13, v42;
	v19 =	vmul.f32 v16, v19;
	v16 =	vsel vm1, v22, v56  }
0x187: {  	v10 =	vld [tilespmem:s9+$0xFFFFFF70];
	[tilespmem:s8+$0xFFFFFFC0] =	vst v18;
	v22 =	vadd.f32 v52, v49;
	vm1 =	vgt.f32 v43, $0.0e+00;
	v16 =	vmul.f32 $1.442695020e+00, v16  }
0x188: {  	v17 =	vld [tilespmem:s9+$0xFFFFFFA0];
	v18 =	vmul.f32 v30, v48;
	v15 =	vmul.f32 v15, v44;
	v21 =	vsel vm1, v43, v21;
	[tilespmem:s8+$0xFFFFFF40] =	vst v9  }
0x189: {  	v5 =	vld [tilespmem:s9+$0xFFFFFF40];
	v9 =	vmul.f32 $2.000000030e-01, v22;
	[tilespmem:s8+$0xFFFFFF50] =	vst v13;
	v13 =	vadd.f32 v40, v57;
	(erf) = vpow2.f32 v16  }
0x18a: {  	v7 =	vld [tilespmem:s9+$0xFFFFFFE0];
	vm1 =	vgt.f32 v22, $0.0e+00;
	[tilespmem:s8+$0xFFFFFF60] =	vst v15;
	v15 =	vmul.f32 $2.000000030e-01, v35;
	v21 =	vmul.f32 $1.442695020e+00, v21  }
0x18b: {  	[tilespmem:s8+$0xFFFFFFB0] =	vst v24;
	v24 =	vld [tilespmem:s9+$0x0];
	v9 =	vsel vm1, v22, v9;
	vm1 =	vgt.f32 v35, $0.0e+00;
	v58 =	vmul.f32 $2.000000030e-01, v13  }
0x18c: {  	[tilespmem:s8+$0xFFFFFFE0] =	vst v12;
	v12 =	vld [tilespmem:s9+$0x30];
	vm2 =	vgt.f32 v13, $0.0e+00;
	v9 =	vmul.f32 $1.442695020e+00, v9;
	v15 =	vsel vm1, v35, v15  }
0x18d: {  	[tilespmem:s8+$0x10] =	vst v18;
	v18 =	vld [tilespmem:s9+$0x50];
	(erf) = vpow2.f32 v21;
	v11 =	vsel vm2, v13, v58;
	v13 =	vmul.f32 $1.442695020e+00, v15  }
0x18e: {  	[tilespmem:s8+$0xFFFFFF70] =	vst v19;
	v19 =	vld [tilespmem:s9+$0xFFFFFFB0];
	v11 =	vmul.f32 $1.442695020e+00, v11;
	(erf) = vpow2.f32 v9  }
0x18f: {  	v59 =	vperm.xlane v45, v4;
	v16 =	vld [tilespmem:s9+$0xFFFFFF90];
	(erf) = vpow2.f32 v13  }
0x190: {  	v30 =	vmul.f32 v31, v50;
	v22 =	vld [tilespmem:s9+$0xFFFFFFC0];
	(erf) = vpow2.f32 v11  }
0x191: {  	[tilespmem:s8+$0x70] =	vst v45;
	v31 =	vmul.f32 v60, v51;
	v13 =	vmul.f32 v14, v39;
	v14 =	vld [tilespmem:s9+$0xB0]  }
0x192: {  	v60 =	vmul.f32 v61, v53;
	v63 =	vmul.f32 v34, v59;
	[tilespmem:s8+$0x30] =	vst v30;
	v21 =	vld [tilespmem:s9+$0xFFFFFFF0];
	v11 =	vpop (erf)  }
0x193: {  	[tilespmem:s8+$0x40] =	vst v31;
	v35 =	vmul.f32 v20, v23;
	v20 =	vld [tilespmem:s9+$0x90];
	v15 =	vmul.f32 v27, v47;
	v27 =	vnsel vm0, $0x0, v11  }
0x194: {  	[tilespmem:s8+$0x50] =	vst v60;
	v23 =	vld [tilespmem:s9+$0x60];
	v61 =	vperm.xlane v27, v4  }
0x195: {  	v33 =	vmul.f32 v25, v26;
	v34 =	vmul.f32 v29, v28;
	[tilespmem:s8+$0x60] =	vst v63;
	v9 =	vld [tilespmem:s9+$0x10]  }
0x196: {  	[tilespmem:s8+$0xFFFFFFF0] =	vst v13;
	v13 =	vld [tilespmem:s9+$0x40];
	v31 =	vpop (erf);
	v11 =	vperm.xlane v27, v1;
	v62 =	vmul.f32 v14, v61  }
0x197: {  	[tilespmem:s8+$0x0] =	vst v15;
	v15 =	vperm.xlane v27, v2;
	v30 =	vperm.xlane v27, v3;
	v32 =	vnsel vm0, $0x0, v31;
	v14 =	vld [tilespmem:s9+$0x80];
	v25 =	vpop (erf)  }
0x198: {  	s4 =	simm.s32 $0x5;
	s16 =	simm.s32 $0xA200;
	v29 =	vperm.xlane v32, v1;
	v28 =	vperm.xlane v32, v2;
	v31 =	vnsel vm0, $0x0, v25;
	v25 =	vld [tilespmem:s9+$0xA0];
	v26 =	vpop (erf);
	[tilespmem:s9+$0xB0] =	vst v62  }
.LBB2_9:
0x199: {  	v36 =	vld [tilespmem:s16+$0xC0];
	v37 =	vperm.xlane v32, v3;
	v38 =	vperm.xlane v32, v4;
	v39 =	vnsel vm0, $0x0, v26;
	s10 =	sadd.s32 $0x50, s10;
	v26 =	vpop (erf);
	[tilespmem:s8+$0x80] =	vst v35  }
0x19a: {  	s4 =	sadd.s32 $0x5, s4;
	v41 =	vperm.xlane v31, v1;
	v42 =	vperm.xlane v31, v2;
	v35 =	vld [tilespmem:s10+$0x20];
	v40 =	vnsel vm0, $0x0, v26;
	[tilespmem:s8+$0x90] =	vst v33;
	v26 =	vmovc v30  }
0x19b: {  	p0 =	slt.u32 s4, $0x78;
	v30 =	vld [tilespmem:s10+$0xFFFFFFE0];
	v33 =	vperm.xlane v40, v1;
	v43 =	vperm.xlane v40, v2;
	[tilespmem:s8+$0xA0] =	vst v34;
	s8 =	smov.u32 s9;
	s9 =	smov.u32 s16  }
0x19c: {  	v44 =	vperm.xlane v40, v3;
	v34 =	vld [tilespmem:s16+$0xFFFFFFD0];
	[tilespmem:s8+$0xFFFFFF80] =	vst v40;
	v40 =	vperm.xlane v40, v4  }
0x19d: {  	v46 =	vperm.xlane v31, v4;
	v45 =	vld [tilespmem:s10+$0xFFFFFFF0];
	[tilespmem:s8+$0xFFFFFFD0] =	vst v32;
	v32 =	vperm.xlane v31, v3  }
0x19e: {  	v48 =	vperm.xlane v39, v2;
	v47 =	vld [tilespmem:s16+$0x20];
	[tilespmem:s8+$0x20] =	vst v31;
	v31 =	vperm.xlane v39, v1  }
0x19f: {  	v49 =	vld [tilespmem:s10+$0x0];
	v35 =	vadd.f32 v35, v36;
	[tilespmem:s8+$0x70] =	vst v39;
	v36 =	vperm.xlane v39, v3;
	v39 =	vperm.xlane v39, v4  }
0x1a0: {  	v5 =	vmul.f32 v5, v33;
	v6 =	vmul.f32 v6, v43;
	v50 =	vld [tilespmem:s16+$0x70];
	[tilespmem:s8+$0xC0] =	vst v27  }
0x1a1: {  	v8 =	vmul.f32 v8, v44;
	v27 =	vld [tilespmem:s10+$0x10];
	v33 =	vmul.f32 $2.000000030e-01, v35  }
0x1a2: {  	v10 =	vmul.f32 v10, v40;
	vm1 =	vgt.f32 v35, $0.0e+00;
	v43 =	vld [tilespmem:s16+$0xFFFFFF80];
	v34 =	vadd.f32 v45, v34;
	[tilespmem:s8+$0xFFFFFF40] =	vst v5  }
0x1a3: {  	v16 =	vmul.f32 v16, v29;
	v17 =	vmul.f32 v17, v28;
	v5 =	vld [tilespmem:s16+$0xFFFFFF40];
	v33 =	vsel vm1, v35, v33;
	[tilespmem:s8+$0xFFFFFF50] =	vst v6  }
0x1a4: {  	v6 =	vld [tilespmem:s16+$0xFFFFFF50];
	v28 =	vmul.f32 $2.000000030e-01, v34;
	v29 =	vadd.f32 v49, v47;
	v33 =	vmul.f32 $1.442695020e+00, v33;
	[tilespmem:s8+$0xFFFFFF60] =	vst v8  }
0x1a5: {  	v19 =	vmul.f32 v19, v37;
	v22 =	vmul.f32 v22, v38;
	vm1 =	vgt.f32 v34, $0.0e+00;
	v8 =	vld [tilespmem:s16+$0xFFFFFF60];
	[tilespmem:s8+$0xFFFFFF70] =	vst v10  }
0x1a6: {  	v10 =	vld [tilespmem:s16+$0xFFFFFF70];
	v35 =	vmul.f32 $2.000000030e-01, v29;
	v27 =	vadd.f32 v27, v50;
	(erf) = vpow2.f32 v33;
	[tilespmem:s8+$0xFFFFFF90] =	vst v16  }
0x1a7: {  	v28 =	vsel vm1, v34, v28;
	vm1 =	vgt.f32 v29, $0.0e+00;
	v30 =	vadd.f32 v30, v43;
	v16 =	vld [tilespmem:s16+$0xFFFFFF90];
	[tilespmem:s8+$0xFFFFFFA0] =	vst v17  }
0x1a8: {  	v17 =	vld [tilespmem:s16+$0xFFFFFFA0];
	v29 =	vsel vm1, v29, v35;
	vm1 =	vgt.f32 v27, $0.0e+00;
	v33 =	vmul.f32 $2.000000030e-01, v27;
	[tilespmem:s8+$0xFFFFFFB0] =	vst v19  }
0x1a9: {  	v28 =	vmul.f32 $1.442695020e+00, v28;
	vm2 =	vgt.f32 v30, $0.0e+00;
	v34 =	vmul.f32 $2.000000030e-01, v30;
	v19 =	vld [tilespmem:s16+$0xFFFFFFB0];
	[tilespmem:s8+$0xFFFFFFC0] =	vst v22  }
0x1aa: {  	v29 =	vmul.f32 $1.442695020e+00, v29;
	v22 =	vld [tilespmem:s16+$0xFFFFFFC0];
	v27 =	vsel vm1, v27, v33;
	v33 =	vmul.f32 v7, v41  }
0x1ab: {  	v30 =	vsel vm2, v30, v34;
	v7 =	vld [tilespmem:s16+$0xFFFFFFE0];
	v27 =	vmul.f32 $1.442695020e+00, v27;
	(erf) = vpow2.f32 v28  }
0x1ac: {  	v28 =	vmul.f32 $1.442695020e+00, v30;
	v30 =	vld [tilespmem:s16+$0xFFFFFFF0];
	(erf) = vpow2.f32 v29;
	[tilespmem:s8+$0xFFFFFFE0] =	vst v33  }
0x1ad: {  	v21 =	vmul.f32 v21, v42;
	v29 =	vld [tilespmem:s16+$0x0];
	(erf) = vpow2.f32 v27  }
0x1ae: {  	v24 =	vmul.f32 v24, v32;
	v33 =	vld [tilespmem:s16+$0xB0];
	(erf) = vpow2.f32 v28  }
0x1af: {  	v37 =	vmul.f32 v9, v46;
	v28 =	vmul.f32 v12, v31;
	v27 =	vpop (erf);
	[tilespmem:s8+$0xFFFFFFF0] =	vst v21;
	v9 =	vld [tilespmem:s16+$0x10]  }
0x1b0: {  	v32 =	vmul.f32 v18, v36;
	v31 =	vmul.f32 v13, v48;
	v12 =	vld [tilespmem:s16+$0x30];
	v27 =	vnsel vm0, $0x0, v27;
	[tilespmem:s8+$0x0] =	vst v24  }
0x1b1: {  	v13 =	vld [tilespmem:s16+$0x40];
	v34 =	vperm.xlane v27, v1;
	v35 =	vperm.xlane v27, v4;
	[tilespmem:s8+$0x10] =	vst v37;
	v21 =	vmov v30  }
.Ltmp3:
0x1b2: {  	v36 =	vperm.xlane v27, v2;
	v30 =	vperm.xlane v27, v3;
	v18 =	vld [tilespmem:s16+$0x50];
	[tilespmem:s8+$0x30] =	vst v28;
	v24 =	vmov v29;
	(pc) =	sbr.rel @p0 .LBB2_9-.Ltmp3, $4  }
0x1b3: {  	v37 =	vmul.f32 v23, v39;
	v28 =	vmul.f32 v33, v35;
	[tilespmem:s8+$0x40] =	vst v31;
	v23 =	vld [tilespmem:s16+$0x60]  }
0x1b4: {  	v35 =	vmul.f32 v14, v11;
	v33 =	vmul.f32 v20, v15;
	v11 =	vmov v34;
	v29 =	vpop (erf);
	[tilespmem:s8+$0x50] =	vst v32;
	v14 =	vld [tilespmem:s16+$0x80]  }
0x1b5: {  	v34 =	vmul.f32 v25, v26;
	v15 =	vmov v36;
	v32 =	vnsel vm0, $0x0, v29;
	v20 =	vld [tilespmem:s16+$0x90];
	[tilespmem:s16+$0xB0] =	vst v28;
	v31 =	vpop (erf)  }
0x1b6: {  	s16 =	sadd.s32 $0x190, s16;
	v29 =	vperm.xlane v32, v1;
	v28 =	vperm.xlane v32, v2;
	v31 =	vnsel vm0, $0x0, v31;
	v25 =	vld [tilespmem:s9+$0xA0];
	v26 =	vpop (erf);
	[tilespmem:s8+$0x60] =	vst v37  }
0x1b7: {  	[tilespmem:s8+$0x80] =	vst v35  }
0x1b8: {  	[tilespmem:s8+$0x90] =	vst v33  }
0x1b9: {  	v57 =	vpop (erf);
	[tilespmem:s8+$0xA0] =	vst v34  }
0x1ba: {  	[tilespmem:s9+$0xFFFFFFD0] =	vst v32;
	v58 =	vnsel vm0, $0x0, v57  }
0x1bb: {  	[tilespmem:s9+$0x20] =	vst v31;
	v59 =	vperm.xlane v58, v1  }
0x1bc: {  	v26 =	vnsel vm0, $0x0, v26;
	[tilespmem:s9+$0xC0] =	vst v27;
	v35 =	vperm.xlane v58, v2  }
0x1bd: {  	[tilespmem:s9+$0x70] =	vst v26;
	v36 =	vperm.xlane v58, v3;
	v5 =	vmul.f32 v5, v59  }
0x1be: {  	[tilespmem:s9+$0xFFFFFF80] =	vst v58;
	v33 =	vperm.xlane v58, v4;
	v6 =	vmul.f32 v6, v35  }
0x1bf: {  	v8 =	vmul.f32 v8, v36;
	[tilespmem:s9+$0xFFFFFF40] =	vst v5  }
0x1c0: {  	v5 =	vmul.f32 v10, v33;
	[tilespmem:s9+$0xFFFFFF50] =	vst v6  }
0x1c1: {  	v6 =	vperm.xlane v32, v3;
	v10 =	vmul.f32 v16, v29;
	[tilespmem:s9+$0xFFFFFF60] =	vst v8  }
0x1c2: {  	v8 =	vperm.xlane v32, v4;
	v16 =	vmul.f32 v17, v28;
	[tilespmem:s9+$0xFFFFFF70] =	vst v5  }
0x1c3: {  	v5 =	vperm.xlane v31, v1;
	v6 =	vmul.f32 v19, v6;
	[tilespmem:s9+$0xFFFFFF90] =	vst v10  }
0x1c4: {  	v10 =	vperm.xlane v31, v2;
	v8 =	vmul.f32 v22, v8;
	[tilespmem:s9+$0xFFFFFFA0] =	vst v16  }
0x1c5: {  	v16 =	vperm.xlane v31, v3;
	[tilespmem:s9+$0xFFFFFFB0] =	vst v6;
	v5 =	vmul.f32 v7, v5  }
0x1c6: {  	v6 =	vperm.xlane v31, v4;
	[tilespmem:s9+$0xFFFFFFC0] =	vst v8;
	v7 =	vmul.f32 v21, v10  }
0x1c7: {  	v8 =	vperm.xlane v26, v1;
	[tilespmem:s9+$0xFFFFFFE0] =	vst v5;
	v5 =	vmul.f32 v24, v16  }
0x1c8: {  	v10 =	vperm.xlane v26, v2;
	[tilespmem:s9+$0xFFFFFFF0] =	vst v7;
	v6 =	vmul.f32 v9, v6  }
0x1c9: {  	v7 =	vperm.xlane v26, v3;
	v8 =	vmul.f32 v12, v8;
	[tilespmem:s9+$0x0] =	vst v5  }
0x1ca: {  	v9 =	vmul.f32 v13, v10;
	[tilespmem:s9+$0x10] =	vst v6  }
0x1cb: {  	v5 =	vperm.xlane v26, v4;
	v6 =	vmul.f32 v18, v7;
	[tilespmem:s9+$0x30] =	vst v8  }
0x1cc: {  	[tilespmem:s9+$0x40] =	vst v9;
	v7 =	vmul.f32 v20, v15  }
0x1cd: {  	v5 =	vmul.f32 v23, v5;
	[tilespmem:s9+$0x50] =	vst v6  }
0x1ce: {  	v6 =	vmul.f32 v14, v11;
	[tilespmem:s9+$0x90] =	vst v7  }
0x1cf: {  	[tilespmem:s9+$0x60] =	vst v5;
	v5 =	vmul.f32 v25, v30  }
0x1d0: {  	[tilespmem:s9+$0x80] =	vst v6  }
0x1d1: {  	[tilespmem:s9+$0xA0] =	vst v5  }
0x1d2: {  	[spmem:s3] =	stream.indirect.scatter.add.f32 [tilespmem:s30], [sflag:$0xB], $0x50, s7, s22, $0xb8;
	[tilespmem:$0x1FB80] =	vst v63  }
0x1d3: {  	p0 =	seq.s32 s17, $0x13;
	_ =	swait.ge [sflag:s13], $0x2710  }
0x1d4: {  	s4 =	sadd.s32 @!p0 $0x200, s18;
	[sflag:s13] =	ssyncset.done $0x0  }
0x1d5: {  	s8 =	simm.s32 @!p0 $0x5000;
	s7 =	simm.s32 @!p0 $0x7D;
	[sflag:s13] =	ssyncadd.s32 $0xFFFFD8F0  }
0x1d6: {  	[tilespmem:s8], [sflag:$0x1] =	stream.indirect.gather @!p0 [hbm4b:s5+s7], $0x50, s4, s7, $0xb8;
	[tilespmem:$0x1FB80] =	vst v63  }
0x1d7: {  	s4 =	sadd.s32 @!p0 $0x2A00, s18;
	s8 =	simm.s32 @!p0 $0xEC40  }
0x1d8: {  	[tilespmem:s8], [sflag:$0x5] =	stream.indirect.gather @!p0 [hbm4b:s2+s7], $0x10, s4, s7, $0xb8;
	[tilespmem:$0x1FB80] =	vst v63  }
0x1d9: {  	_ =	swait.ge [sflag:s14], $0x2710  }
0x1da: {  	[sflag:s14] =	ssyncset.done $0x0  }
0x1db: {  	[sflag:s14] =	ssyncadd.s32 $0xFFFFD8F0  }
0x1dc: {  	_ =	swait.ge [sflag:s15], $0x7D0  }
0x1dd: {  	[sflag:s15] =	ssyncset.done $0x0  }
0x1de: {  	s7 =	simm.s32 $0xC5F0;
	[sflag:s15] =	ssyncadd.s32 $0xFFFFF830  }
0x1df: {  	s18 =	simm.s32 $0x103D0;
	v5 =	vld [tilespmem:s7+$0xC0]  }
0x1e0: {  	v6 =	vld [tilespmem:s18+$0x20]  }
0x1e1: {  	v7 =	vld [tilespmem:s18+$0xFFFFFFE0]  }
0x1e2: {  	v8 =	vld [tilespmem:s7+$0xFFFFFFD0]  }
0x1e3: {  	v9 =	vld [tilespmem:s18+$0xFFFFFFF0]  }
0x1e4: {  	v10 =	vld [tilespmem:s7+$0x20]  }
0x1e5: {  	v11 =	vld [tilespmem:s18+$0x0]  }
0x1e6: {  	v12 =	vld [tilespmem:s18+$0x10]  }
0x1e7: {  	v14 =	vld [tilespmem:s7+$0xFFFFFF80];
	v5 =	vadd.f32 v6, v5  }
0x1e8: {  	v15 =	vld [tilespmem:s7+$0xFFFFFF60]  }
0x1e9: {  	v16 =	vld [tilespmem:s7+$0xFFFFFF70];
	v13 =	vmul.f32 $2.000000030e-01, v5  }
0x1ea: {  	v6 =	vld [tilespmem:s7+$0x70];
	vm1 =	vgt.f32 v5, $0.0e+00  }
0x1eb: {  	v18 =	vld [tilespmem:s7+$0xFFFFFFC0];
	v8 =	vadd.f32 v9, v8;
	v5 =	vsel vm1, v5, v13  }
0x1ec: {  	v27 =	vld [tilespmem:s7+$0x0];
	v5 =	vmul.f32 $1.442695020e+00, v5  }
0x1ed: {  	v30 =	vld [tilespmem:s7+$0x10];
	v10 =	vadd.f32 v11, v10;
	v11 =	vmul.f32 $2.000000030e-01, v8  }
0x1ee: {  	v31 =	vld [tilespmem:s7+$0x30];
	vm1 =	vgt.f32 v8, $0.0e+00;
	(erf) = vpow2.f32 v5;
	v5 =	vadd.f32 v7, v14  }
0x1ef: {  	v60 =	vld [tilespmem:s7+$0x40];
	v17 =	vmul.f32 $2.000000030e-01, v10;
	v6 =	vadd.f32 v12, v6;
	v8 =	vsel vm1, v8, v11  }
0x1f0: {  	v61 =	vld [tilespmem:s7+$0x50];
	vm2 =	vgt.f32 v10, $0.0e+00;
	v8 =	vmul.f32 $1.442695020e+00, v8;
	v14 =	vmul.f32 $2.000000030e-01, v5  }
0x1f1: {  	s8 =	simm.s32 $0xC780;
	v20 =	vld [tilespmem:s7+$0x80];
	v10 =	vsel vm2, v10, v17;
	v12 =	vmul.f32 $2.000000030e-01, v6;
	vm2 =	vgt.f32 v5, $0.0e+00  }
0x1f2: {  	s9 =	simm.s32 $0x10420;
	v22 =	vld [tilespmem:s8+$0xC0];
	vm1 =	vgt.f32 v6, $0.0e+00;
	(erf) = vpow2.f32 v8;
	v5 =	vsel vm2, v5, v14  }
0x1f3: {  	v37 =	vld [tilespmem:s9+$0x20];
	v10 =	vmul.f32 $1.442695020e+00, v10;
	v6 =	vsel vm1, v6, v12;
	v5 =	vmul.f32 $1.442695020e+00, v5  }
0x1f4: {  	v25 =	vld [tilespmem:s7+$0x90];
	v6 =	vmul.f32 $1.442695020e+00, v6  }
0x1f5: {  	v34 =	vld [tilespmem:s7+$0x60];
	(erf) = vpow2.f32 v10  }
0x1f6: {  	(erf) = vpow2.f32 v6;
	v6 =	vld [tilespmem:s7+$0xB0]  }
0x1f7: {  	v43 =	vld [tilespmem:s8+$0xFFFFFFD0];
	(erf) = vpow2.f32 v5;
	v5 =	vpop (erf)  }
0x1f8: {  	v46 =	vld [tilespmem:s9+$0xFFFFFFF0];
	v22 =	vadd.f32 v37, v22;
	v8 =	vnsel vm0, $0x0, v5  }
0x1f9: {  	v11 =	vld [tilespmem:s7+$0xFFFFFFA0];
	v5 =	vperm.xlane v8, v4  }
0x1fa: {  	v56 =	vmul.f32 $2.000000030e-01, v22;
	v7 =	vld [tilespmem:s7+$0xFFFFFF90]  }
0x1fb: {  	v17 =	vld [tilespmem:s7+$0xFFFFFFB0];
	v23 =	vperm.xlane v8, v1;
	v5 =	vmul.f32 v6, v5;
	v6 =	vpop (erf)  }
0x1fc: {  	v29 =	vld [tilespmem:s7+$0xA0];
	v26 =	vperm.xlane v8, v2;
	v28 =	vperm.xlane v8, v3;
	v6 =	vnsel vm0, $0x0, v6  }
0x1fd: {  	v40 =	vld [tilespmem:s9+$0xFFFFFFE0];
	v10 =	vperm.xlane v6, v1;
	v21 =	vperm.xlane v6, v2  }
0x1fe: {  	v49 =	vld [tilespmem:s8+$0x20];
	v43 =	vadd.f32 v46, v43;
	v24 =	vperm.xlane v6, v3;
	v63 =	vperm.xlane v6, v4  }
0x1ff: {  	v54 =	vld [tilespmem:s8+$0x70];
	[tilespmem:s7+$0xB0] =	vst v5;
	v5 =	vpop (erf);
	v7 =	vmul.f32 v7, v10;
	v11 =	vmul.f32 v11, v21  }
0x200: {  	v55 =	vld [tilespmem:s9+$0x10];
	v21 =	vmul.f32 $2.000000030e-01, v43;
	v24 =	vmul.f32 v17, v24;
	v5 =	vnsel vm0, $0x0, v5  }
0x201: {  	v9 =	vld [tilespmem:s7+$0xFFFFFF40];
	v18 =	vmul.f32 v18, v63;
	v19 =	vpop (erf);
	v38 =	vperm.xlane v5, v1  }
0x202: {  	v12 =	vld [tilespmem:s7+$0xFFFFFFE0];
	v39 =	vperm.xlane v5, v2;
	v45 =	vnsel vm0, $0x0, v19;
	v47 =	vperm.xlane v5, v3  }
0x203: {  	v13 =	vld [tilespmem:s7+$0xFFFFFF50];
	[tilespmem:s7+$0xC0] =	vst v8;
	v62 =	vpop (erf);
	v48 =	vperm.xlane v5, v4;
	v50 =	vperm.xlane v45, v1  }
0x204: {  	v52 =	vld [tilespmem:s9+$0x0];
	[tilespmem:s7+$0xFFFFFFD0] =	vst v6;
	v35 =	vnsel vm0, $0x0, v62;
	v51 =	vperm.xlane v45, v2;
	v53 =	vperm.xlane v45, v3  }
0x205: {  	v57 =	vld [tilespmem:s8+$0xFFFFFF80];
	[tilespmem:s7+$0x20] =	vst v5;
	v41 =	vperm.xlane v35, v1;
	v42 =	vperm.xlane v35, v2  }
0x206: {  	vm1 =	vgt.f32 v22, $0.0e+00;
	v14 =	vld [tilespmem:s7+$0xFFFFFFF0];
	[tilespmem:s7+$0xFFFFFF90] =	vst v7;
	v44 =	vperm.xlane v35, v3;
	v19 =	vperm.xlane v35, v4  }
0x207: {  	v8 =	vld [tilespmem:s8+$0xFFFFFF60];
	[tilespmem:s7+$0xFFFFFF80] =	vst v35;
	v35 =	vadd.f32 v55, v54;
	v12 =	vmul.f32 v12, v38;
	v9 =	vmul.f32 v9, v41  }
0x208: {  	v6 =	vld [tilespmem:s8+$0xFFFFFF50];
	[tilespmem:s7+$0xFFFFFFA0] =	vst v11;
	v13 =	vmul.f32 v13, v42;
	v19 =	vmul.f32 v16, v19;
	v16 =	vsel vm1, v22, v56  }
0x209: {  	v10 =	vld [tilespmem:s8+$0xFFFFFF70];
	[tilespmem:s7+$0xFFFFFFC0] =	vst v18;
	v22 =	vadd.f32 v52, v49;
	vm1 =	vgt.f32 v43, $0.0e+00;
	v16 =	vmul.f32 $1.442695020e+00, v16  }
0x20a: {  	v17 =	vld [tilespmem:s8+$0xFFFFFFA0];
	v18 =	vmul.f32 v30, v48;
	v15 =	vmul.f32 v15, v44;
	v21 =	vsel vm1, v43, v21;
	[tilespmem:s7+$0xFFFFFF40] =	vst v9  }
0x20b: {  	v5 =	vld [tilespmem:s8+$0xFFFFFF40];
	v9 =	vmul.f32 $2.000000030e-01, v22;
	[tilespmem:s7+$0xFFFFFF50] =	vst v13;
	v13 =	vadd.f32 v40, v57;
	(erf) = vpow2.f32 v16  }
0x20c: {  	v7 =	vld [tilespmem:s8+$0xFFFFFFE0];
	vm1 =	vgt.f32 v22, $0.0e+00;
	[tilespmem:s7+$0xFFFFFF60] =	vst v15;
	v15 =	vmul.f32 $2.000000030e-01, v35;
	v21 =	vmul.f32 $1.442695020e+00, v21  }
0x20d: {  	[tilespmem:s7+$0xFFFFFFB0] =	vst v24;
	v24 =	vld [tilespmem:s8+$0x0];
	v9 =	vsel vm1, v22, v9;
	vm1 =	vgt.f32 v35, $0.0e+00;
	v58 =	vmul.f32 $2.000000030e-01, v13  }
0x20e: {  	[tilespmem:s7+$0xFFFFFFE0] =	vst v12;
	v12 =	vld [tilespmem:s8+$0x30];
	vm2 =	vgt.f32 v13, $0.0e+00;
	v9 =	vmul.f32 $1.442695020e+00, v9;
	v15 =	vsel vm1, v35, v15  }
0x20f: {  	[tilespmem:s7+$0x10] =	vst v18;
	v18 =	vld [tilespmem:s8+$0x50];
	(erf) = vpow2.f32 v21;
	v11 =	vsel vm2, v13, v58;
	v13 =	vmul.f32 $1.442695020e+00, v15  }
0x210: {  	[tilespmem:s7+$0xFFFFFF70] =	vst v19;
	v19 =	vld [tilespmem:s8+$0xFFFFFFB0];
	v11 =	vmul.f32 $1.442695020e+00, v11;
	(erf) = vpow2.f32 v9  }
0x211: {  	v59 =	vperm.xlane v45, v4;
	v16 =	vld [tilespmem:s8+$0xFFFFFF90];
	(erf) = vpow2.f32 v13  }
0x212: {  	v30 =	vmul.f32 v31, v50;
	v22 =	vld [tilespmem:s8+$0xFFFFFFC0];
	(erf) = vpow2.f32 v11  }
0x213: {  	[tilespmem:s7+$0x70] =	vst v45;
	v31 =	vmul.f32 v60, v51;
	v13 =	vmul.f32 v14, v39;
	v14 =	vld [tilespmem:s8+$0xB0]  }
0x214: {  	v60 =	vmul.f32 v61, v53;
	v63 =	vmul.f32 v34, v59;
	[tilespmem:s7+$0x30] =	vst v30;
	v21 =	vld [tilespmem:s8+$0xFFFFFFF0];
	v11 =	vpop (erf)  }
0x215: {  	[tilespmem:s7+$0x40] =	vst v31;
	v35 =	vmul.f32 v20, v23;
	v20 =	vld [tilespmem:s8+$0x90];
	v15 =	vmul.f32 v27, v47;
	v27 =	vnsel vm0, $0x0, v11  }
0x216: {  	[tilespmem:s7+$0x50] =	vst v60;
	v23 =	vld [tilespmem:s8+$0x60];
	v61 =	vperm.xlane v27, v4  }
0x217: {  	v33 =	vmul.f32 v25, v26;
	v34 =	vmul.f32 v29, v28;
	[tilespmem:s7+$0x60] =	vst v63;
	v9 =	vld [tilespmem:s8+$0x10]  }
0x218: {  	[tilespmem:s7+$0xFFFFFFF0] =	vst v13;
	v13 =	vld [tilespmem:s8+$0x40];
	v31 =	vpop (erf);
	v11 =	vperm.xlane v27, v1;
	v62 =	vmul.f32 v14, v61  }
0x219: {  	[tilespmem:s7+$0x0] =	vst v15;
	v15 =	vperm.xlane v27, v2;
	v30 =	vperm.xlane v27, v3;
	v32 =	vnsel vm0, $0x0, v31;
	v14 =	vld [tilespmem:s8+$0x80];
	v25 =	vpop (erf)  }
0x21a: {  	s10 =	simm.s32 $0xC910;
	s4 =	simm.s32 $0x5;
	v29 =	vperm.xlane v32, v1;
	v28 =	vperm.xlane v32, v2;
	v31 =	vnsel vm0, $0x0, v25;
	v25 =	vld [tilespmem:s8+$0xA0];
	v26 =	vpop (erf);
	[tilespmem:s8+$0xB0] =	vst v62  }
.LBB2_11:
0x21b: {  	v36 =	vld [tilespmem:s10+$0xC0];
	v37 =	vperm.xlane v32, v3;
	v38 =	vperm.xlane v32, v4;
	v39 =	vnsel vm0, $0x0, v26;
	s9 =	sadd.s32 $0x50, s9;
	v26 =	vpop (erf);
	[tilespmem:s7+$0x80] =	vst v35  }
0x21c: {  	s4 =	sadd.s32 $0x5, s4;
	v41 =	vperm.xlane v31, v1;
	v42 =	vperm.xlane v31, v2;
	v35 =	vld [tilespmem:s9+$0x20];
	v40 =	vnsel vm0, $0x0, v26;
	[tilespmem:s7+$0x90] =	vst v33;
	v26 =	vmovc v30  }
0x21d: {  	p0 =	slt.u32 s4, $0x78;
	v30 =	vld [tilespmem:s9+$0xFFFFFFE0];
	v33 =	vperm.xlane v40, v1;
	v43 =	vperm.xlane v40, v2;
	[tilespmem:s7+$0xA0] =	vst v34;
	s7 =	smov.u32 s8;
	s8 =	smov.u32 s10  }
0x21e: {  	v44 =	vperm.xlane v40, v3;
	v34 =	vld [tilespmem:s10+$0xFFFFFFD0];
	[tilespmem:s7+$0xFFFFFF80] =	vst v40;
	v40 =	vperm.xlane v40, v4  }
0x21f: {  	v46 =	vperm.xlane v31, v4;
	v45 =	vld [tilespmem:s9+$0xFFFFFFF0];
	[tilespmem:s7+$0xFFFFFFD0] =	vst v32;
	v32 =	vperm.xlane v31, v3  }
0x220: {  	v48 =	vperm.xlane v39, v2;
	v47 =	vld [tilespmem:s10+$0x20];
	[tilespmem:s7+$0x20] =	vst v31;
	v31 =	vperm.xlane v39, v1  }
0x221: {  	v49 =	vld [tilespmem:s9+$0x0];
	v35 =	vadd.f32 v35, v36;
	[tilespmem:s7+$0x70] =	vst v39;
	v36 =	vperm.xlane v39, v3;
	v39 =	vperm.xlane v39, v4  }
0x222: {  	v5 =	vmul.f32 v5, v33;
	v6 =	vmul.f32 v6, v43;
	v50 =	vld [tilespmem:s10+$0x70];
	[tilespmem:s7+$0xC0] =	vst v27  }
0x223: {  	v8 =	vmul.f32 v8, v44;
	v27 =	vld [tilespmem:s9+$0x10];
	v33 =	vmul.f32 $2.000000030e-01, v35  }
0x224: {  	v10 =	vmul.f32 v10, v40;
	vm1 =	vgt.f32 v35, $0.0e+00;
	v43 =	vld [tilespmem:s10+$0xFFFFFF80];
	v34 =	vadd.f32 v45, v34;
	[tilespmem:s7+$0xFFFFFF40] =	vst v5  }
0x225: {  	v16 =	vmul.f32 v16, v29;
	v17 =	vmul.f32 v17, v28;
	v5 =	vld [tilespmem:s10+$0xFFFFFF40];
	v33 =	vsel vm1, v35, v33;
	[tilespmem:s7+$0xFFFFFF50] =	vst v6  }
0x226: {  	v6 =	vld [tilespmem:s10+$0xFFFFFF50];
	v28 =	vmul.f32 $2.000000030e-01, v34;
	v29 =	vadd.f32 v49, v47;
	v33 =	vmul.f32 $1.442695020e+00, v33;
	[tilespmem:s7+$0xFFFFFF60] =	vst v8  }
0x227: {  	v19 =	vmul.f32 v19, v37;
	v22 =	vmul.f32 v22, v38;
	vm1 =	vgt.f32 v34, $0.0e+00;
	v8 =	vld [tilespmem:s10+$0xFFFFFF60];
	[tilespmem:s7+$0xFFFFFF70] =	vst v10  }
0x228: {  	v10 =	vld [tilespmem:s10+$0xFFFFFF70];
	v35 =	vmul.f32 $2.000000030e-01, v29;
	v27 =	vadd.f32 v27, v50;
	(erf) = vpow2.f32 v33;
	[tilespmem:s7+$0xFFFFFF90] =	vst v16  }
0x229: {  	v28 =	vsel vm1, v34, v28;
	vm1 =	vgt.f32 v29, $0.0e+00;
	v30 =	vadd.f32 v30, v43;
	v16 =	vld [tilespmem:s10+$0xFFFFFF90];
	[tilespmem:s7+$0xFFFFFFA0] =	vst v17  }
0x22a: {  	v17 =	vld [tilespmem:s10+$0xFFFFFFA0];
	v29 =	vsel vm1, v29, v35;
	vm1 =	vgt.f32 v27, $0.0e+00;
	v33 =	vmul.f32 $2.000000030e-01, v27;
	[tilespmem:s7+$0xFFFFFFB0] =	vst v19  }
0x22b: {  	v28 =	vmul.f32 $1.442695020e+00, v28;
	vm2 =	vgt.f32 v30, $0.0e+00;
	v34 =	vmul.f32 $2.000000030e-01, v30;
	v19 =	vld [tilespmem:s10+$0xFFFFFFB0];
	[tilespmem:s7+$0xFFFFFFC0] =	vst v22  }
0x22c: {  	v29 =	vmul.f32 $1.442695020e+00, v29;
	v22 =	vld [tilespmem:s10+$0xFFFFFFC0];
	v27 =	vsel vm1, v27, v33;
	v33 =	vmul.f32 v7, v41  }
0x22d: {  	v30 =	vsel vm2, v30, v34;
	v7 =	vld [tilespmem:s10+$0xFFFFFFE0];
	v27 =	vmul.f32 $1.442695020e+00, v27;
	(erf) = vpow2.f32 v28  }
0x22e: {  	v28 =	vmul.f32 $1.442695020e+00, v30;
	v30 =	vld [tilespmem:s10+$0xFFFFFFF0];
	(erf) = vpow2.f32 v29;
	[tilespmem:s7+$0xFFFFFFE0] =	vst v33  }
0x22f: {  	v21 =	vmul.f32 v21, v42;
	v29 =	vld [tilespmem:s10+$0x0];
	(erf) = vpow2.f32 v27  }
0x230: {  	v24 =	vmul.f32 v24, v32;
	v33 =	vld [tilespmem:s10+$0xB0];
	(erf) = vpow2.f32 v28  }
0x231: {  	v37 =	vmul.f32 v9, v46;
	v28 =	vmul.f32 v12, v31;
	v27 =	vpop (erf);
	[tilespmem:s7+$0xFFFFFFF0] =	vst v21;
	v9 =	vld [tilespmem:s10+$0x10]  }
0x232: {  	v32 =	vmul.f32 v18, v36;
	v31 =	vmul.f32 v13, v48;
	v12 =	vld [tilespmem:s10+$0x30];
	v27 =	vnsel vm0, $0x0, v27;
	[tilespmem:s7+$0x0] =	vst v24  }
0x233: {  	v13 =	vld [tilespmem:s10+$0x40];
	v34 =	vperm.xlane v27, v1;
	v35 =	vperm.xlane v27, v4;
	[tilespmem:s7+$0x10] =	vst v37;
	v21 =	vmov v30  }
.Ltmp4:
0x234: {  	v36 =	vperm.xlane v27, v2;
	v30 =	vperm.xlane v27, v3;
	v18 =	vld [tilespmem:s10+$0x50];
	[tilespmem:s7+$0x30] =	vst v28;
	v24 =	vmov v29;
	(pc) =	sbr.rel @p0 .LBB2_11-.Ltmp4, $4  }
0x235: {  	v37 =	vmul.f32 v23, v39;
	v28 =	vmul.f32 v33, v35;
	[tilespmem:s7+$0x40] =	vst v31;
	v23 =	vld [tilespmem:s10+$0x60]  }
0x236: {  	v35 =	vmul.f32 v14, v11;
	v33 =	vmul.f32 v20, v15;
	v11 =	vmov v34;
	v29 =	vpop (erf);
	[tilespmem:s7+$0x50] =	vst v32;
	v14 =	vld [tilespmem:s10+$0x80]  }
0x237: {  	v34 =	vmul.f32 v25, v26;
	v15 =	vmov v36;
	v32 =	vnsel vm0, $0x0, v29;
	v20 =	vld [tilespmem:s10+$0x90];
	[tilespmem:s10+$0xB0] =	vst v28;
	v31 =	vpop (erf)  }
0x238: {  	s10 =	sadd.s32 $0x190, s10;
	v29 =	vperm.xlane v32, v1;
	v28 =	vperm.xlane v32, v2;
	v31 =	vnsel vm0, $0x0, v31;
	v25 =	vld [tilespmem:s8+$0xA0];
	v26 =	vpop (erf);
	[tilespmem:s7+$0x60] =	vst v37  }
0x239: {  	[tilespmem:s7+$0x80] =	vst v35  }
0x23a: {  	[tilespmem:s7+$0x90] =	vst v33  }
0x23b: {  	[tilespmem:s7+$0xA0] =	vst v34  }
0x23c: {  	[tilespmem:s8+$0xFFFFFFD0] =	vst v32  }
0x23d: {  	v53 =	vpop (erf);
	[tilespmem:s8+$0x20] =	vst v31  }
0x23e: {  	v26 =	vnsel vm0, $0x0, v26;
	[tilespmem:s8+$0xC0] =	vst v27;
	v54 =	vnsel vm0, $0x0, v53  }
0x23f: {  	[tilespmem:s8+$0x70] =	vst v26;
	v56 =	vmul.f32 v16, v29;
	v55 =	vperm.xlane v54, v1  }
0x240: {  	v58 =	vmul.f32 v17, v28;
	[tilespmem:s8+$0xFFFFFF80] =	vst v54;
	v35 =	vperm.xlane v54, v2  }
0x241: {  	v36 =	vperm.xlane v54, v3;
	[tilespmem:s8+$0xFFFFFF90] =	vst v56;
	v5 =	vmul.f32 v5, v55  }
0x242: {  	v33 =	vperm.xlane v54, v4;
	[tilespmem:s8+$0xFFFFFFA0] =	vst v58;
	v6 =	vmul.f32 v6, v35  }
0x243: {  	v62 =	vperm.xlane v26, v2;
	v8 =	vmul.f32 v8, v36;
	[tilespmem:s8+$0xFFFFFF40] =	vst v5  }
0x244: {  	v57 =	vperm.xlane v32, v4;
	v5 =	vmul.f32 v10, v33;
	[tilespmem:s8+$0xFFFFFF50] =	vst v6  }
0x245: {  	v63 =	vmul.f32 v13, v62;
	v6 =	vperm.xlane v32, v3;
	[tilespmem:s8+$0xFFFFFF60] =	vst v8  }
0x246: {  	v8 =	vmul.f32 v22, v57;
	[tilespmem:s8+$0xFFFFFF70] =	vst v5;
	v5 =	vperm.xlane v31, v1  }
0x247: {  	v59 =	vperm.xlane v31, v2;
	[tilespmem:s8+$0x40] =	vst v63;
	v6 =	vmul.f32 v19, v6  }
0x248: {  	v60 =	vperm.xlane v31, v3;
	[tilespmem:s8+$0xFFFFFFC0] =	vst v8;
	v5 =	vmul.f32 v7, v5  }
0x249: {  	[tilespmem:s8+$0xFFFFFFB0] =	vst v6;
	v6 =	vperm.xlane v31, v4;
	v7 =	vmul.f32 v21, v59  }
0x24a: {  	v61 =	vperm.xlane v26, v1;
	[tilespmem:s8+$0xFFFFFFE0] =	vst v5;
	v5 =	vmul.f32 v24, v60  }
0x24b: {  	[tilespmem:s8+$0xFFFFFFF0] =	vst v7;
	v6 =	vmul.f32 v9, v6;
	v7 =	vperm.xlane v26, v3  }
0x24c: {  	v8 =	vmul.f32 v12, v61;
	[tilespmem:s8+$0x0] =	vst v5  }
0x24d: {  	v5 =	vperm.xlane v26, v4;
	[tilespmem:s8+$0x10] =	vst v6;
	v6 =	vmul.f32 v18, v7  }
0x24e: {  	s17 =	sadd.s32 $0x1, s17;
	[tilespmem:s8+$0x30] =	vst v8;
	v7 =	vmul.f32 v20, v15  }
0x24f: {  	p0 =	sne.s32 s17, $0x14;
	v5 =	vmul.f32 v23, v5;
	[tilespmem:s8+$0x50] =	vst v6  }
.Ltmp5:
0x250: {  	v6 =	vmul.f32 v14, v11;
	[tilespmem:s8+$0x90] =	vst v7;
	(pc) =	sbr.rel @p0 .LBB2_4-.Ltmp5, $4  }
0x251: {  	[tilespmem:s8+$0x60] =	vst v5;
	v5 =	vmul.f32 v25, v30  }
0x252: {  	[tilespmem:s8+$0x80] =	vst v6  }
0x253: {  	[tilespmem:s8+$0xA0] =	vst v5  }
0x254: {  	[spmem:s3] =	stream.indirect.scatter.add.f32 [tilespmem:s24], [sflag:$0xC], $0x50, s6, s22, $0xb8;
	[tilespmem:$0x1FB80] =	vst v63  }
0x255: {  	s4 =	simm.s32 $0xA  }
0x256: {  	_ =	swait.ge [sflag:s4], $0x2710  }
0x257: {  	[sflag:s4] =	ssyncset.done $0x0  }
0x258: {  	s18 =	simm.s32 $0xB;
	[sflag:s4] =	ssyncadd.s32 $0xFFFFD8F0  }
0x259: {  	_ =	swait.ge [sflag:s18], $0x2710  }
0x25a: {  	[sflag:s18] =	ssyncset.done $0x0  }
0x25b: {  	s6 =	simm.s32 $0xC;
	[sflag:s18] =	ssyncadd.s32 $0xFFFFD8F0  }
0x25c: {  	_ =	swait.ge [sflag:s6], $0x2710  }
0x25d: {  	[sflag:s6] =	ssyncset.done $0x0  }
0x25e: {  	[sflag:s6] =	ssyncadd.s32 $0xFFFFD8F0  }
0x25f: {  	[bflag:$0x0] =	sbarrier.arrive $0xFFFF  }
0x260: {  	s16 =	rddreg [dreg:$0x4]  }
0x261: {  	[tilespmem:s19], [sflag:$0xD] =	stream.linear.gather [spmem:s16], $0x2800, $0x38;
	[tilespmem:$0x1FB80] =	vst v63  }
0x262: {  	_ =	swait.ge [sflag:s20], $0x2800  }
0x263: {  	[sflag:s20] =	ssyncset.done $0x0  }
0x264: {  	s4 =	simm.s32 $0x0;
	s6 =	rddreg [dreg:$0xb];
	[sflag:s20] =	ssyncadd.s32 $0xFFFFD800  }
0x265: {  	[hbm4b:s6+s4] =	stream.linear.scatter [tilespmem:s19], [sflag:$0xD], $0x2800, $0x38;
	[tilespmem:$0x1FB80] =	vst v63  }
0x266: {  	_ =	swait.ge [sflag:s20], $0x2800  }
0x267: {  	[sflag:s20] =	ssyncset.done $0x0  }
0x268: {  	s17 =	rddreg [dreg:$0x5];
	[sflag:s20] =	ssyncadd.s32 $0xFFFFD800  }
0x269: {  	[tilespmem:s19], [sflag:$0xD] =	stream.linear.gather [spmem:s17], $0x2800, $0x38;
	[tilespmem:$0x1FB80] =	vst v63  }
0x26a: {  	_ =	swait.ge [sflag:s20], $0x2800  }
0x26b: {  	[sflag:s20] =	ssyncset.done $0x0  }
0x26c: {  	s7 =	rddreg [dreg:$0xc];
	[sflag:s20] =	ssyncadd.s32 $0xFFFFD800  }
0x26d: {  	[hbm4b:s7+s4] =	stream.linear.scatter [tilespmem:s19], [sflag:$0xD], $0x2800, $0x38;
	[tilespmem:$0x1FB80] =	vst v63  }
0x26e: {  	_ =	swait.ge [sflag:s20], $0x2800  }
0x26f: {  	[sflag:s20] =	ssyncset.done $0x0  }
0x270: {  	s18 =	rddreg [dreg:$0x6];
	[sflag:s20] =	ssyncadd.s32 $0xFFFFD800  }
0x271: {  	[tilespmem:s19], [sflag:$0xD] =	stream.linear.gather [spmem:s18], $0x2800, $0x38;
	[tilespmem:$0x1FB80] =	vst v63  }
0x272: {  	_ =	swait.ge [sflag:s20], $0x2800  }
0x273: {  	[sflag:s20] =	ssyncset.done $0x0  }
0x274: {  	s8 =	rddreg [dreg:$0xd];
	[sflag:s20] =	ssyncadd.s32 $0xFFFFD800  }
0x275: {  	[hbm4b:s8+s4] =	stream.linear.scatter [tilespmem:s19], [sflag:$0xD], $0x2800, $0x38;
	[tilespmem:$0x1FB80] =	vst v63  }
0x276: {  	_ =	swait.ge [sflag:s20], $0x2800  }
0x277: {  	[sflag:s20] =	ssyncset.done $0x0  }
0x278: {  	s9 =	rddreg [dreg:$0x7];
	[sflag:s20] =	ssyncadd.s32 $0xFFFFD800  }
0x279: {  	[tilespmem:s19], [sflag:$0xD] =	stream.linear.gather [spmem:s9], $0x2800, $0x38;
	[tilespmem:$0x1FB80] =	vst v63  }
0x27a: {  	_ =	swait.ge [sflag:s20], $0x2800  }
0x27b: {  	[sflag:s20] =	ssyncset.done $0x0  }
0x27c: {  	s10 =	rddreg [dreg:$0xe];
	[sflag:s20] =	ssyncadd.s32 $0xFFFFD800  }
0x27d: {  	[hbm4b:s10+s4] =	stream.linear.scatter [tilespmem:s19], [sflag:$0xD], $0x2800, $0x38;
	[tilespmem:$0x1FB80] =	vst v63  }
0x27e: {  	_ =	swait.ge [sflag:s20], $0x2800  }
0x27f: {  	[sflag:s20] =	ssyncset.done $0x0  }
0x280: {  	s7 =	rddreg [dreg:$0x8];
	[sflag:s20] =	ssyncadd.s32 $0xFFFFD800  }
0x281: {  	[tilespmem:s19], [sflag:$0xD] =	stream.linear.gather [spmem:s7], $0x2800, $0x38;
	[tilespmem:$0x1FB80] =	vst v63  }
0x282: {  	_ =	swait.ge [sflag:s20], $0x2800  }
0x283: {  	[sflag:s20] =	ssyncset.done $0x0  }
0x284: {  	s8 =	rddreg [dreg:$0xf];
	[sflag:s20] =	ssyncadd.s32 $0xFFFFD800  }
0x285: {  	[hbm4b:s8+s4] =	stream.linear.scatter [tilespmem:s19], [sflag:$0xD], $0x2800, $0x38;
	[tilespmem:$0x1FB80] =	vst v63  }
0x286: {  	_ =	swait.ge [sflag:s20], $0x2800  }
0x287: {  	s9 =	rddreg [dreg:$0x11]  }
0x288: {  	s10 =	rddreg [dreg:$0x10];
	s6 =	sadd.s32 $0x1, s9  }
0x289: {  	p0 =	sne.s32 s6, s10  }
.Ltmp6:
0x28a: {  	_ = 	snop;
	(pc) =	sbr.rel @p0 .LBB2_1-.Ltmp6, $3  }
0x28b: {  	_ =	sdelay $0x1  }
0x28c: {  	[sflag:s20] =	ssyncset.done $0x0  }
0x28d: {  	[sflag:s20] =	ssyncadd.s32 $0xFFFFD800  }
0x28e: {  	_ =	sfence.sel $0x180000  }
0x28f: {  	[bflag:$0x0] =	sbarrier.arrive $0xFFFF  }
0x290: {  	_ =	strace $0x90000047  }
0x291: {  	s0 =	stileid.u32;
	[bflag:$0x2] =	sbarrier.arrive $0xFFFF  }
0x292: {  	p0 =	sne.s32 s0, $0x0;
	s0 =	rddreg [dreg:$0x3]  }
0x293: {  	s0 =	sadd.s32 @!p0 $0x100000, s0  }
0x294: {  	[sflag:s0] =	ssyncadd.tile.s32 @!p0 $0x1;
	_ =	shalt  }
.Lfunc_end2:
_tile_overlayer_lowered:
.L_overlay_start_2:
0x295: {  	(tag) =	ssettag $0x2  }
0x296: {  	s0 =	rddreg [dreg:$0x0];
	s2 =	stileid.u32  }
0x297: {  	s1 =	rddreg [dreg:$0x1];
	p0 =	sne.s32 s2, $0x0  }
0x298: {  	s3 =	rddreg [dreg:$0x2];
	[bflag:$0x3] =	sbarrier.arrive $0xFFFF;
	s2 =	simm.s32 @!p0 $0x1C0D  }
0x299: {  	[timem:s3], [sflag:s2] =	dma.local @!p0 [hbm:s0], s1  }
0x29a: {  	s0 =	simm.s32 @!p0 $0xD  }
0x29b: {  	_ =	swait.ge @!p0 [sflag:s0], s1  }
0x29c: {  	s1 =	ssub.s32 @!p0 $0x0, s1;
	[sflag:s0] =	ssyncset.done @!p0 $0x0  }
0x29d: {  	[sflag:s0] =	ssyncadd.s32 @!p0 s1  }
0x29e: {  	[bflag:$0x3] =	sbarrier.arrive $0xFFFF  }
0x29f: {  	_ =	shalt  }

</sc_bundles>
